<compile_context>
chip_gen: v7x
topology: tpu7x:2x2x1
jax: 0.10.2.dev20260603
libtpu: 0.0.44.dev20260713+nightly
codegen_flags: <defaults>
</compile_context>

<pallas_src>
import functools

import jax
import jax.numpy as jnp
from jax import lax
from jax.experimental import pallas as pl
from jax.experimental.pallas import tpu as pltpu
from jax.experimental.pallas import tpu_sc as plsc

F = 128
G_POOL = 64
N_LAYER = 3
EPS_BN = 1e-5

NC = 2
NS = 16
NW = NC * NS
CHUNK = 128



def _sc_aggregate(h, src_t, dst_t, zeros, *, n, n_chunks, agg_rows):
    stripe = agg_rows // NS
    last_out = n - (NS - 1) * stripe
    ring = 40
    mesh = plsc.VectorSubcoreMesh(core_axis_name="c", subcore_axis_name="s")

    @functools.partial(
        pl.kernel,
        out_type=jax.ShapeDtypeStruct((NC, n, F), jnp.float32),
        mesh=mesh,
        scratch_types=[
            pltpu.VMEM((ring, CHUNK), jnp.int32),
            pltpu.VMEM((ring, CHUNK), jnp.int32),
            pltpu.VMEM((CHUNK, F), jnp.float32),
            pltpu.VMEM((CHUNK, F), jnp.float32),
            pltpu.VMEM_SHARED((agg_rows, F), jnp.float32),
            pltpu.SemaphoreType.DMA,
            pltpu.SemaphoreType.DMA,
        ],
    )
    def sc_agg(h_hbm, src_hbm, dst_hbm, zeros_hbm, out_hbm,
               src_v, dst_v, rows_a, rows_b, agg_sh, sem_g, sem_s):
        cid = lax.axis_index("c")
        sid = lax.axis_index("s")
        wid = sid * NC + cid

        @pl.when((cid == 0) & (sid < NS - 1))
        def _():
            pltpu.sync_copy(h_hbm.at[pl.ds(sid * stripe, stripe)],
                            agg_sh.at[pl.ds(sid * stripe, stripe)])

        @pl.when((cid == 0) & (sid == NS - 1))
        def _():
            pltpu.sync_copy(h_hbm.at[pl.ds((NS - 1) * stripe, last_out)],
                            agg_sh.at[pl.ds((NS - 1) * stripe, last_out)])
            pltpu.sync_copy(zeros_hbm.at[pl.ds(0, stripe - last_out)],
                            agg_sh.at[pl.ds((NS - 1) * stripe + last_out,
                                            stripe - last_out)])

        @pl.when(cid == 1)
        def _():
            pltpu.sync_copy(zeros_hbm.at[pl.ds(sid * stripe, stripe)],
                            agg_sh.at[pl.ds(sid * stripe, stripe)])

        plsc.subcore_barrier()

        def block(b, _):
            base = b * ring
            pltpu.sync_copy(src_hbm.at[wid, pl.ds(base, ring)], src_v)
            pltpu.sync_copy(dst_hbm.at[wid, pl.ds(base, ring)], dst_v)
            pltpu.async_copy(h_hbm.at[src_v.at[0]], rows_a, sem_g).wait()

            def pair(jj, _):
                j = jj * 2
                s0 = pltpu.async_copy(rows_a, agg_sh.at[dst_v.at[j]],
                                      sem_s, add=True)
                g1 = pltpu.async_copy(h_hbm.at[src_v.at[j + 1]], rows_b, sem_g)
                s0.wait()
                g1.wait()
                s1 = pltpu.async_copy(rows_b, agg_sh.at[dst_v.at[j + 1]],
                                      sem_s, add=True)

                @pl.when(jj < ring // 2 - 1)
                def _():
                    pltpu.async_copy(h_hbm.at[src_v.at[j + 2]],
                                     rows_a, sem_g).wait()

                s1.wait()
                return ()

            lax.fori_loop(0, ring // 2, pair, (), unroll=5)
            return ()

        lax.fori_loop(0, n_chunks // ring, block, (), unroll=False)
        plsc.subcore_barrier()

        @pl.when(sid < NS - 1)
        def _():
            pltpu.sync_copy(agg_sh.at[pl.ds(sid * stripe, stripe)],
                            out_hbm.at[cid, pl.ds(sid * stripe, stripe)])

        @pl.when(sid == NS - 1)
        def _():
            pltpu.sync_copy(agg_sh.at[pl.ds((NS - 1) * stripe, last_out)],
                            out_hbm.at[cid, pl.ds((NS - 1) * stripe, last_out)])

    return sc_agg(h, src_t, dst_t, zeros)



def _bn_pool(h, g, be, p01, acc):
    mu = jnp.mean(h, axis=0, keepdims=True)
    var = jnp.mean((h - mu) ** 2, axis=0, keepdims=True)
    hbn = (h - mu) * lax.rsqrt(var + EPS_BN) * g + be
    cnt = jnp.maximum(jnp.sum(p01, axis=1, keepdims=True), 1.0)
    pooled = jnp.dot(p01, hbn, preferred_element_type=jnp.float32) / cnt
    return hbn, acc + pooled


def _tc_transform(x, w0, b0, g0, be0, p01):
    n = x.shape[0]

    def body(x_ref, w_ref, b_ref, g_ref, be_ref, p_ref, h_ref, pool_ref):
        h = jnp.dot(x_ref[...], w_ref[...],
                    preferred_element_type=jnp.float32) + b_ref[...]
        hbn, pooled = _bn_pool(h, g_ref[...], be_ref[...], p_ref[...],
                               jnp.zeros((G_POOL, F), jnp.float32))
        h_ref[...] = hbn
        pool_ref[...] = pooled

    return pl.pallas_call(
        body,
        out_shape=(jax.ShapeDtypeStruct((n, F), jnp.float32),
                   jax.ShapeDtypeStruct((G_POOL, F), jnp.float32)),
    )(x, w0, b0, g0, be0, p01)


def _tc_layer(agg0, agg1, w1, b1, w2, b2, g, be, p01, acc):
    n = agg0.shape[0]

    def body(a0_ref, a1_ref, w1_ref, b1_ref, w2_ref, b2_ref,
             g_ref, be_ref, p_ref, acc_ref, h_out_ref, pool_ref):
        m = a0_ref[...] + a1_ref[...]
        t = jnp.maximum(jnp.dot(m, w1_ref[...],
                                preferred_element_type=jnp.float32)
                        + b1_ref[...], 0.0)
        m2 = jnp.dot(t, w2_ref[...],
                     preferred_element_type=jnp.float32) + b2_ref[...]
        hn = jnp.maximum(m2, 0.0)
        hbn, pooled = _bn_pool(hn, g_ref[...], be_ref[...], p_ref[...],
                               acc_ref[...])
        h_out_ref[...] = hbn
        pool_ref[...] = pooled

    return pl.pallas_call(
        body,
        out_shape=(jax.ShapeDtypeStruct((n, F), jnp.float32),
                   jax.ShapeDtypeStruct((G_POOL, F), jnp.float32)),
    )(agg0, agg1, w1, b1, w2, b2, g, be, p01, acc)



def kernel(x, edge_index, batch, W0, b0, g0, be0,
           conv_W1, conv_b1, conv_W2, conv_b2, bn_g, bn_b):
    n = x.shape[0]
    e = edge_index.shape[1]

    per_w = -(-e // (NW * CHUNK))
    n_chunks = -(-per_w // 40) * 40
    e_pad = NW * n_chunks * CHUNK
    agg_rows = NS * (-(-(-(-n // NS)) // 8) * 8)

    pad = e_pad - e
    pad_idx = jnp.arange(pad, dtype=jnp.int32)
    pad_src = (pad_idx * 131) % n
    pad_dst = n + (pad_idx % (agg_rows - n))
    src_t = jnp.concatenate([edge_index[0], pad_src]).reshape(NW, n_chunks, CHUNK)
    dst_t = jnp.concatenate([edge_index[1], pad_dst]).reshape(NW, n_chunks, CHUNK)
    zeros = jnp.zeros((agg_rows, F), jnp.float32)

    p01 = (batch[None, :] == jnp.arange(G_POOL, dtype=batch.dtype)[:, None])
    p01 = p01.astype(jnp.float32)

    b0r, g0r, be0r = (v.reshape(1, F) for v in (b0, g0, be0))

    h, acc = _tc_transform(x, W0, b0r, g0r, be0r, p01)
    for l in range(N_LAYER):
        parts = _sc_aggregate(h, src_t, dst_t, zeros,
                              n=n, n_chunks=n_chunks, agg_rows=agg_rows)
        h, acc = _tc_layer(parts[0], parts[1],
                           conv_W1[l], conv_b1[l].reshape(1, F),
                           conv_W2[l], conv_b2[l].reshape(1, F),
                           bn_g[l].reshape(1, F), bn_b[l].reshape(1, F),
                           p01, acc)
    return acc

# --- scband reference (transcript-rebuilt; emitter-appended) ---
"""Pipeline reference for scband-gin-encoder-56599079026907 (READ-ONLY COPY).

The authoritative reference and input builder live on the scoring server;
editing this copy changes nothing except your own understanding.
"""

import jax, jax.numpy as jnp
import numpy as np

N = 10000
E = 320000
NFEAT = 128
NHID = 128
NLAYER = 3
G = 64
EPS_BN = 1e-5


def setup_inputs(seed: int = 0) -> dict:
    key = jax.random.key(seed)
    ks = jax.random.split(key, 16)
    x = jax.random.normal(ks[0], (N, NFEAT), dtype=jnp.float32)
    edge_index = jax.random.randint(ks[1], (2, E), 0, N, dtype=jnp.int32)
    batch = jnp.sort(jax.random.randint(ks[2], (N,), 0, G, dtype=jnp.int32))
    s = 0.05
    W0 = jax.random.normal(ks[3], (NFEAT, NHID), dtype=jnp.float32) * s
    b0 = jnp.zeros((NHID,), dtype=jnp.float32)
    g0 = jnp.ones((NHID,), dtype=jnp.float32)
    be0 = jnp.zeros((NHID,), dtype=jnp.float32)
    conv_W1 = jax.random.normal(ks[4], (NLAYER, NHID, NHID), dtype=jnp.float32) * s
    conv_b1 = jnp.zeros((NLAYER, NHID), dtype=jnp.float32)
    conv_W2 = jax.random.normal(ks[5], (NLAYER, NHID, NHID), dtype=jnp.float32) * s
    conv_b2 = jnp.zeros((NLAYER, NHID), dtype=jnp.float32)
    bn_g = jnp.ones((NLAYER, NHID), dtype=jnp.float32)
    bn_b = jnp.zeros((NLAYER, NHID), dtype=jnp.float32)
    return {"x": x, "edge_index": edge_index, "batch": batch,
            "W0": W0, "b0": b0, "g0": g0, "be0": be0,
            "conv_W1": conv_W1, "conv_b1": conv_b1,
            "conv_W2": conv_W2, "conv_b2": conv_b2,
            "bn_g": bn_g, "bn_b": bn_b}


def _batchnorm(h, g, b):
    mu = jnp.mean(h, axis=0)
    var = jnp.var(h, axis=0)
    return (h - mu) / jnp.sqrt(var + EPS_BN) * g + b


def _mean_pool(h, batch):
    sums = jax.ops.segment_sum(h, batch, num_segments=G)
    cnt = jax.ops.segment_sum(jnp.ones((h.shape[0],), dtype=h.dtype), batch, num_segments=G)
    cnt = jnp.maximum(cnt, 1.0)
    return sums / cnt[:, None]


def reference(x, edge_index, batch, W0, b0, g0, be0, conv_W1, conv_b1, conv_W2, conv_b2, bn_g, bn_b):
    src = edge_index[0]
    dst = edge_index[1]
    # transform: Linear + BatchNorm1d (no activation)
    h = x @ W0 + b0
    h = _batchnorm(h, g0, be0)
    embeds = [_mean_pool(h, batch)]
    for l in range(NLAYER):
        # GINConv: mlp((1 + eps) * x + sum_{j in N(i)} x_j), eps = 0 (train_eps=False)
        agg = jax.ops.segment_sum(h[src], dst, num_segments=N)
        m = h + agg
        m = jax.nn.relu(m @ conv_W1[l] + conv_b1[l]) @ conv_W2[l] + conv_b2[l]
        h = jax.nn.relu(m)
        h = _batchnorm(h, bn_g[l], bn_b[l])
        embeds.append(_mean_pool(h, batch))
    return jnp.stack(embeds).sum(axis=0)

if __name__ == "__main__":
    import jax
    _d = setup_inputs()
    print(jax.jit(kernel)(*tuple(_d.values())))

</pallas_src>

<mosaic_0001>
#map = affine_map<(d0, d1) -> (0, 0)>
#map1 = affine_map<(d0, d1) -> (0, 0, 0)>
module attributes {stable_mosaic.version = 14 : i64} {
  func.func @sc_agg(%arg0: i32, %arg1: i32, %arg2: memref<10000x128xf32, #tpu.memory_space<hbm>>, %arg3: memref<32x80x128xi32, #tpu.memory_space<hbm>>, %arg4: memref<32x80x128xi32, #tpu.memory_space<hbm>>, %arg5: memref<10112x128xf32, #tpu.memory_space<hbm>>, %arg6: memref<2x10000x128xf32, #tpu.memory_space<hbm>>, %arg7: memref<40x128xi32, #tpu.memory_space<vmem>>, %arg8: memref<40x128xi32, #tpu.memory_space<vmem>>, %arg9: memref<128x128xf32, #tpu.memory_space<vmem>>, %arg10: memref<128x128xf32, #tpu.memory_space<vmem>>, %arg11: memref<10112x128xf32, #tpu.memory_space<vmem_shared>>, %arg12: memref<!tpu.dma_semaphore, #tpu.memory_space<semaphore_mem>>, %arg13: memref<!tpu.dma_semaphore, #tpu.memory_space<semaphore_mem>>) attributes {dimension_semantics = [#tpu.dimension_semantics<core_parallel>, #tpu.dimension_semantics<subcore_parallel>], iteration_bounds = array<i64: 2, 16>, scalar_prefetch = 0 : i64, scratch_operands = 7 : i64, tpu.core_type = #tpu.core_type<sc_vector_subcore>, window_params = [{transform_indices = #map}, {transform_indices = #map1}, {transform_indices = #map1}, {transform_indices = #map}, {transform_indices = #map1}]} {
    %mul3A = arith.constant 2 : i32
    %mul3A_0 = arith.muli %arg1, %mul3A : i32
    %add3A = arith.addi %mul3A_0, %arg0 : i32
    %eq3A = arith.constant 0 : i32
    %eq3A_1 = arith.cmpi eq, %arg0, %eq3A : i32
    %lt3A = arith.constant 15 : i32
    %lt3A_2 = arith.cmpi slt, %arg1, %lt3A : i32
    %and3A = arith.andi %eq3A_1, %lt3A_2 : i1
    %convert_element_type3A = arith.extui %and3A : i1 to i32
    %cond3A = arith.constant 0 : i32
    %cond3A_3 = arith.cmpi ne, %convert_element_type3A, %cond3A : i32
    scf.if %cond3A_3 {
      %mul3A_32 = arith.constant 632 : i32
      %mul3A_33 = arith.muli %arg1, %mul3A_32 : i32
      %mul3A_34 = arith.constant 632 : i32
      %mul3A_35 = arith.muli %arg1, %mul3A_34 : i32
      "tpu.region"() ({
        %run_scoped3A = tpu.sem_alloc : memref<!tpu.dma_semaphore, #tpu.memory_space<semaphore_mem>>
        %dma_start3A = arith.constant 0 : i32
        %dma_start3A_36 = tpu.memref_slice %arg11[%mul3A_35, %dma_start3A] : memref<10112x128xf32, #tpu.memory_space<vmem_shared>> -> memref<632x128xf32, #tpu.memory_space<vmem_shared>>
        %dma_start3A_37 = arith.constant 0 : i32
        %dma_start3A_38 = tpu.memref_slice %arg2[%mul3A_33, %dma_start3A_37] : memref<10000x128xf32, #tpu.memory_space<hbm>> -> memref<632x128xf32, #tpu.memory_space<hbm>>
        tpu.enqueue_dma source(%dma_start3A_38 : memref<632x128xf32, #tpu.memory_space<hbm>>) target(%dma_start3A_36 : memref<632x128xf32, #tpu.memory_space<vmem_shared>>) target_semaphore(%run_scoped3A : memref<!tpu.dma_semaphore, #tpu.memory_space<semaphore_mem>>)
        %dma_wait3A = arith.constant 0 : i32
        %dma_wait3A_39 = tpu.memref_slice %arg11[%mul3A_35, %dma_wait3A] : memref<10112x128xf32, #tpu.memory_space<vmem_shared>> -> memref<632x128xf32, #tpu.memory_space<vmem_shared>>
        %dma_wait3A_40 = arith.constant 0 : i32
        %dma_wait3A_41 = tpu.memref_slice %arg2[%mul3A_33, %dma_wait3A_40] : memref<10000x128xf32, #tpu.memory_space<hbm>> -> memref<632x128xf32, #tpu.memory_space<hbm>>
        tpu.wait_dma2 semaphore(%run_scoped3A : memref<!tpu.dma_semaphore, #tpu.memory_space<semaphore_mem>>) src(%dma_wait3A_41 : memref<632x128xf32, #tpu.memory_space<hbm>>) dst(%dma_wait3A_39 : memref<632x128xf32, #tpu.memory_space<vmem_shared>>)
        tpu.yield
      }) : () -> ()
    } else {
    }
    %eq3A_4 = arith.constant 0 : i32
    %eq3A_5 = arith.cmpi eq, %arg0, %eq3A_4 : i32
    %eq3A_6 = arith.constant 15 : i32
    %eq3A_7 = arith.cmpi eq, %arg1, %eq3A_6 : i32
    %and3A_8 = arith.andi %eq3A_5, %eq3A_7 : i1
    %convert_element_type3A_9 = arith.extui %and3A_8 : i1 to i32
    %cond3A_10 = arith.constant 0 : i32
    %cond3A_11 = arith.cmpi ne, %convert_element_type3A_9, %cond3A_10 : i32
    scf.if %cond3A_11 {
      "tpu.region"() ({
        %run_scoped3A = tpu.sem_alloc : memref<!tpu.dma_semaphore, #tpu.memory_space<semaphore_mem>>
        %dma_start3A = arith.constant 9480 : i32
        %dma_start3A_32 = arith.constant 0 : i32
        %dma_start3A_33 = tpu.memref_slice %arg11[%dma_start3A, %dma_start3A_32] : memref<10112x128xf32, #tpu.memory_space<vmem_shared>> -> memref<520x128xf32, #tpu.memory_space<vmem_shared>>
        %dma_start3A_34 = arith.constant 9480 : i32
        %dma_start3A_35 = arith.constant 0 : i32
        %dma_start3A_36 = tpu.memref_slice %arg2[%dma_start3A_34, %dma_start3A_35] : memref<10000x128xf32, #tpu.memory_space<hbm>> -> memref<520x128xf32, #tpu.memory_space<hbm>>
        tpu.enqueue_dma source(%dma_start3A_36 : memref<520x128xf32, #tpu.memory_space<hbm>>) target(%dma_start3A_33 : memref<520x128xf32, #tpu.memory_space<vmem_shared>>) target_semaphore(%run_scoped3A : memref<!tpu.dma_semaphore, #tpu.memory_space<semaphore_mem>>)
        %dma_wait3A = arith.constant 9480 : i32
        %dma_wait3A_37 = arith.constant 0 : i32
        %dma_wait3A_38 = tpu.memref_slice %arg11[%dma_wait3A, %dma_wait3A_37] : memref<10112x128xf32, #tpu.memory_space<vmem_shared>> -> memref<520x128xf32, #tpu.memory_space<vmem_shared>>
        %dma_wait3A_39 = arith.constant 9480 : i32
        %dma_wait3A_40 = arith.constant 0 : i32
        %dma_wait3A_41 = tpu.memref_slice %arg2[%dma_wait3A_39, %dma_wait3A_40] : memref<10000x128xf32, #tpu.memory_space<hbm>> -> memref<520x128xf32, #tpu.memory_space<hbm>>
        tpu.wait_dma2 semaphore(%run_scoped3A : memref<!tpu.dma_semaphore, #tpu.memory_space<semaphore_mem>>) src(%dma_wait3A_41 : memref<520x128xf32, #tpu.memory_space<hbm>>) dst(%dma_wait3A_38 : memref<520x128xf32, #tpu.memory_space<vmem_shared>>)
        tpu.yield
      }) : () -> ()
      "tpu.region"() ({
        %run_scoped3A = tpu.sem_alloc : memref<!tpu.dma_semaphore, #tpu.memory_space<semaphore_mem>>
        %dma_start3A = arith.constant 10000 : i32
        %dma_start3A_32 = arith.constant 0 : i32
        %dma_start3A_33 = tpu.memref_slice %arg11[%dma_start3A, %dma_start3A_32] : memref<10112x128xf32, #tpu.memory_space<vmem_shared>> -> memref<112x128xf32, #tpu.memory_space<vmem_shared>>
        %dma_start3A_34 = arith.constant 0 : i32
        %dma_start3A_35 = arith.constant 0 : i32
        %dma_start3A_36 = tpu.memref_slice %arg5[%dma_start3A_34, %dma_start3A_35] : memref<10112x128xf32, #tpu.memory_space<hbm>> -> memref<112x128xf32, #tpu.memory_space<hbm>>
        tpu.enqueue_dma source(%dma_start3A_36 : memref<112x128xf32, #tpu.memory_space<hbm>>) target(%dma_start3A_33 : memref<112x128xf32, #tpu.memory_space<vmem_shared>>) target_semaphore(%run_scoped3A : memref<!tpu.dma_semaphore, #tpu.memory_space<semaphore_mem>>)
        %dma_wait3A = arith.constant 10000 : i32
        %dma_wait3A_37 = arith.constant 0 : i32
        %dma_wait3A_38 = tpu.memref_slice %arg11[%dma_wait3A, %dma_wait3A_37] : memref<10112x128xf32, #tpu.memory_space<vmem_shared>> -> memref<112x128xf32, #tpu.memory_space<vmem_shared>>
        %dma_wait3A_39 = arith.constant 0 : i32
        %dma_wait3A_40 = arith.constant 0 : i32
        %dma_wait3A_41 = tpu.memref_slice %arg5[%dma_wait3A_39, %dma_wait3A_40] : memref<10112x128xf32, #tpu.memory_space<hbm>> -> memref<112x128xf32, #tpu.memory_space<hbm>>
        tpu.wait_dma2 semaphore(%run_scoped3A : memref<!tpu.dma_semaphore, #tpu.memory_space<semaphore_mem>>) src(%dma_wait3A_41 : memref<112x128xf32, #tpu.memory_space<hbm>>) dst(%dma_wait3A_38 : memref<112x128xf32, #tpu.memory_space<vmem_shared>>)
        tpu.yield
      }) : () -> ()
    } else {
    }
    %eq3A_12 = arith.constant 1 : i32
    %eq3A_13 = arith.cmpi eq, %arg0, %eq3A_12 : i32
    %convert_element_type3A_14 = arith.extui %eq3A_13 : i1 to i32
    %cond3A_15 = arith.constant 0 : i32
    %cond3A_16 = arith.cmpi ne, %convert_element_type3A_14, %cond3A_15 : i32
    scf.if %cond3A_16 {
      %mul3A_32 = arith.constant 632 : i32
      %mul3A_33 = arith.muli %arg1, %mul3A_32 : i32
      %mul3A_34 = arith.constant 632 : i32
      %mul3A_35 = arith.muli %arg1, %mul3A_34 : i32
      "tpu.region"() ({
        %run_scoped3A = tpu.sem_alloc : memref<!tpu.dma_semaphore, #tpu.memory_space<semaphore_mem>>
        %dma_start3A = arith.constant 0 : i32
        %dma_start3A_36 = tpu.memref_slice %arg11[%mul3A_35, %dma_start3A] : memref<10112x128xf32, #tpu.memory_space<vmem_shared>> -> memref<632x128xf32, #tpu.memory_space<vmem_shared>>
        %dma_start3A_37 = arith.constant 0 : i32
        %dma_start3A_38 = tpu.memref_slice %arg5[%mul3A_33, %dma_start3A_37] : memref<10112x128xf32, #tpu.memory_space<hbm>> -> memref<632x128xf32, #tpu.memory_space<hbm>>
        tpu.enqueue_dma source(%dma_start3A_38 : memref<632x128xf32, #tpu.memory_space<hbm>>) target(%dma_start3A_36 : memref<632x128xf32, #tpu.memory_space<vmem_shared>>) target_semaphore(%run_scoped3A : memref<!tpu.dma_semaphore, #tpu.memory_space<semaphore_mem>>)
        %dma_wait3A = arith.constant 0 : i32
        %dma_wait3A_39 = tpu.memref_slice %arg11[%mul3A_35, %dma_wait3A] : memref<10112x128xf32, #tpu.memory_space<vmem_shared>> -> memref<632x128xf32, #tpu.memory_space<vmem_shared>>
        %dma_wait3A_40 = arith.constant 0 : i32
        %dma_wait3A_41 = tpu.memref_slice %arg5[%mul3A_33, %dma_wait3A_40] : memref<10112x128xf32, #tpu.memory_space<hbm>> -> memref<632x128xf32, #tpu.memory_space<hbm>>
        tpu.wait_dma2 semaphore(%run_scoped3A : memref<!tpu.dma_semaphore, #tpu.memory_space<semaphore_mem>>) src(%dma_wait3A_41 : memref<632x128xf32, #tpu.memory_space<hbm>>) dst(%dma_wait3A_39 : memref<632x128xf32, #tpu.memory_space<vmem_shared>>)
        tpu.yield
      }) : () -> ()
    } else {
    }
    %barrier3A = arith.constant 0 : index
    tpu.barrier barrier_id(%barrier3A)
    %scan3A = arith.constant 0 : i32
    %scan3A_17 = arith.constant 2 : i32
    %scan3A_18 = arith.addi %scan3A, %scan3A_17 : i32
    %scan3A_19 = arith.constant 1 : i32
    scf.for %scan3A_32 = %scan3A to %scan3A_18 step %scan3A_19  : i32 {
      %mul3A_33 = arith.constant 40 : i32
      %mul3A_34 = arith.muli %scan3A_32, %mul3A_33 : i32
      "tpu.region"() ({
        %run_scoped3A = tpu.sem_alloc : memref<!tpu.dma_semaphore, #tpu.memory_space<semaphore_mem>>
        %dma_start3A_52 = arith.constant 0 : i32
        %dma_start3A_53 = tpu.memref_slice %arg3[%add3A, %mul3A_34, %dma_start3A_52] : memref<32x80x128xi32, #tpu.memory_space<hbm>> -> memref<1x40x128xi32, #tpu.memory_space<hbm>>
        %dma_start3A_54 = tpu.memref_squeeze %dma_start3A_53 : memref<1x40x128xi32, #tpu.memory_space<hbm>> -> memref<40x128xi32, #tpu.memory_space<hbm>>
        %dma_start3A_55 = arith.constant 0 : i32
        %dma_start3A_56 = tpu.memref_slice %arg3[%add3A, %mul3A_34, %dma_start3A_55] : memref<32x80x128xi32, #tpu.memory_space<hbm>> -> memref<1x40x128xi32, #tpu.memory_space<hbm>>
        %dma_start3A_57 = tpu.memref_squeeze %dma_start3A_56 : memref<1x40x128xi32, #tpu.memory_space<hbm>> -> memref<40x128xi32, #tpu.memory_space<hbm>>
        tpu.enqueue_dma source(%dma_start3A_57 : memref<40x128xi32, #tpu.memory_space<hbm>>) target(%arg7 : memref<40x128xi32, #tpu.memory_space<vmem>>) target_semaphore(%run_scoped3A : memref<!tpu.dma_semaphore, #tpu.memory_space<semaphore_mem>>)
        %dma_wait3A_58 = arith.constant 0 : i32
        %dma_wait3A_59 = tpu.memref_slice %arg3[%add3A, %mul3A_34, %dma_wait3A_58] : memref<32x80x128xi32, #tpu.memory_space<hbm>> -> memref<1x40x128xi32, #tpu.memory_space<hbm>>
        %dma_wait3A_60 = tpu.memref_squeeze %dma_wait3A_59 : memref<1x40x128xi32, #tpu.memory_space<hbm>> -> memref<40x128xi32, #tpu.memory_space<hbm>>
        %dma_wait3A_61 = arith.constant 0 : i32
        %dma_wait3A_62 = tpu.memref_slice %arg3[%add3A, %mul3A_34, %dma_wait3A_61] : memref<32x80x128xi32, #tpu.memory_space<hbm>> -> memref<1x40x128xi32, #tpu.memory_space<hbm>>
        %dma_wait3A_63 = tpu.memref_squeeze %dma_wait3A_62 : memref<1x40x128xi32, #tpu.memory_space<hbm>> -> memref<40x128xi32, #tpu.memory_space<hbm>>
        tpu.wait_dma2 semaphore(%run_scoped3A : memref<!tpu.dma_semaphore, #tpu.memory_space<semaphore_mem>>) src(%dma_wait3A_63 : memref<40x128xi32, #tpu.memory_space<hbm>>) dst(%arg7 : memref<40x128xi32, #tpu.memory_space<vmem>>)
        tpu.yield
      }) : () -> ()
      "tpu.region"() ({
        %run_scoped3A = tpu.sem_alloc : memref<!tpu.dma_semaphore, #tpu.memory_space<semaphore_mem>>
        %dma_start3A_52 = arith.constant 0 : i32
        %dma_start3A_53 = tpu.memref_slice %arg4[%add3A, %mul3A_34, %dma_start3A_52] : memref<32x80x128xi32, #tpu.memory_space<hbm>> -> memref<1x40x128xi32, #tpu.memory_space<hbm>>
        %dma_start3A_54 = tpu.memref_squeeze %dma_start3A_53 : memref<1x40x128xi32, #tpu.memory_space<hbm>> -> memref<40x128xi32, #tpu.memory_space<hbm>>
        %dma_start3A_55 = arith.constant 0 : i32
        %dma_start3A_56 = tpu.memref_slice %arg4[%add3A, %mul3A_34, %dma_start3A_55] : memref<32x80x128xi32, #tpu.memory_space<hbm>> -> memref<1x40x128xi32, #tpu.memory_space<hbm>>
        %dma_start3A_57 = tpu.memref_squeeze %dma_start3A_56 : memref<1x40x128xi32, #tpu.memory_space<hbm>> -> memref<40x128xi32, #tpu.memory_space<hbm>>
        tpu.enqueue_dma source(%dma_start3A_57 : memref<40x128xi32, #tpu.memory_space<hbm>>) target(%arg8 : memref<40x128xi32, #tpu.memory_space<vmem>>) target_semaphore(%run_scoped3A : memref<!tpu.dma_semaphore, #tpu.memory_space<semaphore_mem>>)
        %dma_wait3A_58 = arith.constant 0 : i32
        %dma_wait3A_59 = tpu.memref_slice %arg4[%add3A, %mul3A_34, %dma_wait3A_58] : memref<32x80x128xi32, #tpu.memory_space<hbm>> -> memref<1x40x128xi32, #tpu.memory_space<hbm>>
        %dma_wait3A_60 = tpu.memref_squeeze %dma_wait3A_59 : memref<1x40x128xi32, #tpu.memory_space<hbm>> -> memref<40x128xi32, #tpu.memory_space<hbm>>
        %dma_wait3A_61 = arith.constant 0 : i32
        %dma_wait3A_62 = tpu.memref_slice %arg4[%add3A, %mul3A_34, %dma_wait3A_61] : memref<32x80x128xi32, #tpu.memory_space<hbm>> -> memref<1x40x128xi32, #tpu.memory_space<hbm>>
        %dma_wait3A_63 = tpu.memref_squeeze %dma_wait3A_62 : memref<1x40x128xi32, #tpu.memory_space<hbm>> -> memref<40x128xi32, #tpu.memory_space<hbm>>
        tpu.wait_dma2 semaphore(%run_scoped3A : memref<!tpu.dma_semaphore, #tpu.memory_space<semaphore_mem>>) src(%dma_wait3A_63 : memref<40x128xi32, #tpu.memory_space<hbm>>) dst(%arg8 : memref<40x128xi32, #tpu.memory_space<vmem>>)
        tpu.yield
      }) : () -> ()
      %dma_start3A = arith.constant 0 : i32
      %dma_start3A_35 = arith.constant 0 : i32
      %dma_start3A_36 = tpu.memref_slice %arg7[%dma_start3A, %dma_start3A_35] : memref<40x128xi32, #tpu.memory_space<vmem>> -> memref<1x128xi32, #tpu.memory_space<vmem>>
      %dma_start3A_37 = tpu.memref_squeeze %dma_start3A_36 : memref<1x128xi32, #tpu.memory_space<vmem>> -> memref<128xi32, #tpu.memory_space<vmem>>
      %dma_start3A_38 = arith.constant 0 : i32
      %dma_start3A_39 = arith.constant 0 : i32
      %dma_start3A_40 = tpu.memref_slice %arg2[%dma_start3A_38, %dma_start3A_39] : memref<10000x128xf32, #tpu.memory_space<hbm>> -> memref<10000x128xf32, #tpu.memory_space<hbm>>
      tpu.enqueue_indirect_dma source(%dma_start3A_40 : memref<10000x128xf32, #tpu.memory_space<hbm>>) target(%arg9 : memref<128x128xf32, #tpu.memory_space<vmem>>) offsets(%dma_start3A_37 : memref<128xi32, #tpu.memory_space<vmem>>) semaphore(%arg12 : memref<!tpu.dma_semaphore, #tpu.memory_space<semaphore_mem>>)
      %dma_wait3A = arith.constant 0 : i32
      %dma_wait3A_41 = arith.constant 0 : i32
      %dma_wait3A_42 = tpu.memref_slice %arg7[%dma_wait3A, %dma_wait3A_41] : memref<40x128xi32, #tpu.memory_space<vmem>> -> memref<1x128xi32, #tpu.memory_space<vmem>>
      %dma_wait3A_43 = tpu.memref_squeeze %dma_wait3A_42 : memref<1x128xi32, #tpu.memory_space<vmem>> -> memref<128xi32, #tpu.memory_space<vmem>>
      %dma_wait3A_44 = arith.constant 0 : i32
      %dma_wait3A_45 = arith.constant 0 : i32
      %dma_wait3A_46 = tpu.memref_slice %arg2[%dma_wait3A_44, %dma_wait3A_45] : memref<10000x128xf32, #tpu.memory_space<hbm>> -> memref<10000x128xf32, #tpu.memory_space<hbm>>
      tpu.wait_indirect_dma semaphore(%arg12 : memref<!tpu.dma_semaphore, #tpu.memory_space<semaphore_mem>>) src(%dma_wait3A_46 : memref<10000x128xf32, #tpu.memory_space<hbm>>) dst(%arg9 : memref<128x128xf32, #tpu.memory_space<vmem>>)
      %scan3A_47 = arith.constant 0 : i32
      %scan3A_48 = arith.constant 20 : i32
      %scan3A_49 = arith.addi %scan3A_47, %scan3A_48 : i32
      %scan3A_50 = arith.constant 5 : i32
      scf.for %scan3A_52 = %scan3A_47 to %scan3A_49 step %scan3A_50  : i32 {
        %mul3A_53 = arith.constant 2 : i32
        %mul3A_54 = arith.muli %scan3A_52, %mul3A_53 : i32
        %dma_start3A_55 = arith.constant 0 : i32
        %dma_start3A_56 = tpu.memref_slice %arg8[%mul3A_54, %dma_start3A_55] : memref<40x128xi32, #tpu.memory_space<vmem>> -> memref<1x128xi32, #tpu.memory_space<vmem>>
        %dma_start3A_57 = tpu.memref_squeeze %dma_start3A_56 : memref<1x128xi32, #tpu.memory_space<vmem>> -> memref<128xi32, #tpu.memory_space<vmem>>
        %dma_start3A_58 = arith.constant 0 : i32
        %dma_start3A_59 = arith.constant 0 : i32
        %dma_start3A_60 = tpu.memref_slice %arg11[%dma_start3A_58, %dma_start3A_59] : memref<10112x128xf32, #tpu.memory_space<vmem_shared>> -> memref<10112x128xf32, #tpu.memory_space<vmem_shared>>
        tpu.enqueue_indirect_dma source(%arg9 : memref<128x128xf32, #tpu.memory_space<vmem>>) target(%dma_start3A_60 : memref<10112x128xf32, #tpu.memory_space<vmem_shared>>) offsets(%dma_start3A_57 : memref<128xi32, #tpu.memory_space<vmem>>) semaphore(%arg13 : memref<!tpu.dma_semaphore, #tpu.memory_space<semaphore_mem>>) {add = true}
        %add3A_61 = arith.constant 1 : i32
        %add3A_62 = arith.addi %mul3A_54, %add3A_61 : i32
        %dma_start3A_63 = arith.constant 0 : i32
        %dma_start3A_64 = tpu.memref_slice %arg7[%add3A_62, %dma_start3A_63] : memref<40x128xi32, #tpu.memory_space<vmem>> -> memref<1x128xi32, #tpu.memory_space<vmem>>
        %dma_start3A_65 = tpu.memref_squeeze %dma_start3A_64 : memref<1x128xi32, #tpu.memory_space<vmem>> -> memref<128xi32, #tpu.memory_space<vmem>>
        %dma_start3A_66 = arith.constant 0 : i32
        %dma_start3A_67 = arith.constant 0 : i32
        %dma_start3A_68 = tpu.memref_slice %arg2[%dma_start3A_66, %dma_start3A_67] : memref<10000x128xf32, #tpu.memory_space<hbm>> -> memref<10000x128xf32, #tpu.memory_space<hbm>>
        tpu.enqueue_indirect_dma source(%dma_start3A_68 : memref<10000x128xf32, #tpu.memory_space<hbm>>) target(%arg10 : memref<128x128xf32, #tpu.memory_space<vmem>>) offsets(%dma_start3A_65 : memref<128xi32, #tpu.memory_space<vmem>>) semaphore(%arg12 : memref<!tpu.dma_semaphore, #tpu.memory_space<semaphore_mem>>)
        %dma_wait3A_69 = arith.constant 0 : i32
        %dma_wait3A_70 = tpu.memref_slice %arg8[%mul3A_54, %dma_wait3A_69] : memref<40x128xi32, #tpu.memory_space<vmem>> -> memref<1x128xi32, #tpu.memory_space<vmem>>
        %dma_wait3A_71 = tpu.memref_squeeze %dma_wait3A_70 : memref<1x128xi32, #tpu.memory_space<vmem>> -> memref<128xi32, #tpu.memory_space<vmem>>
        %dma_wait3A_72 = arith.constant 0 : i32
        %dma_wait3A_73 = arith.constant 0 : i32
        %dma_wait3A_74 = tpu.memref_slice %arg11[%dma_wait3A_72, %dma_wait3A_73] : memref<10112x128xf32, #tpu.memory_space<vmem_shared>> -> memref<10112x128xf32, #tpu.memory_space<vmem_shared>>
        tpu.wait_indirect_dma semaphore(%arg13 : memref<!tpu.dma_semaphore, #tpu.memory_space<semaphore_mem>>) src(%arg9 : memref<128x128xf32, #tpu.memory_space<vmem>>) dst(%dma_wait3A_74 : memref<10112x128xf32, #tpu.memory_space<vmem_shared>>)
        %dma_wait3A_75 = arith.constant 0 : i32
        %dma_wait3A_76 = tpu.memref_slice %arg7[%add3A_62, %dma_wait3A_75] : memref<40x128xi32, #tpu.memory_space<vmem>> -> memref<1x128xi32, #tpu.memory_space<vmem>>
        %dma_wait3A_77 = tpu.memref_squeeze %dma_wait3A_76 : memref<1x128xi32, #tpu.memory_space<vmem>> -> memref<128xi32, #tpu.memory_space<vmem>>
        %dma_wait3A_78 = arith.constant 0 : i32
        %dma_wait3A_79 = arith.constant 0 : i32
        %dma_wait3A_80 = tpu.memref_slice %arg2[%dma_wait3A_78, %dma_wait3A_79] : memref<10000x128xf32, #tpu.memory_space<hbm>> -> memref<10000x128xf32, #tpu.memory_space<hbm>>
        tpu.wait_indirect_dma semaphore(%arg12 : memref<!tpu.dma_semaphore, #tpu.memory_space<semaphore_mem>>) src(%dma_wait3A_80 : memref<10000x128xf32, #tpu.memory_space<hbm>>) dst(%arg10 : memref<128x128xf32, #tpu.memory_space<vmem>>)
        %add3A_81 = arith.constant 1 : i32
        %add3A_82 = arith.addi %mul3A_54, %add3A_81 : i32
        %dma_start3A_83 = arith.constant 0 : i32
        %dma_start3A_84 = tpu.memref_slice %arg8[%add3A_82, %dma_start3A_83] : memref<40x128xi32, #tpu.memory_space<vmem>> -> memref<1x128xi32, #tpu.memory_space<vmem>>
        %dma_start3A_85 = tpu.memref_squeeze %dma_start3A_84 : memref<1x128xi32, #tpu.memory_space<vmem>> -> memref<128xi32, #tpu.memory_space<vmem>>
        %dma_start3A_86 = arith.constant 0 : i32
        %dma_start3A_87 = arith.constant 0 : i32
        %dma_start3A_88 = tpu.memref_slice %arg11[%dma_start3A_86, %dma_start3A_87] : memref<10112x128xf32, #tpu.memory_space<vmem_shared>> -> memref<10112x128xf32, #tpu.memory_space<vmem_shared>>
        tpu.enqueue_indirect_dma source(%arg10 : memref<128x128xf32, #tpu.memory_space<vmem>>) target(%dma_start3A_88 : memref<10112x128xf32, #tpu.memory_space<vmem_shared>>) offsets(%dma_start3A_85 : memref<128xi32, #tpu.memory_space<vmem>>) semaphore(%arg13 : memref<!tpu.dma_semaphore, #tpu.memory_space<semaphore_mem>>) {add = true}
        %lt3A_89 = arith.constant 19 : i32
        %lt3A_90 = arith.cmpi slt, %scan3A_52, %lt3A_89 : i32
        %convert_element_type3A_91 = arith.extui %lt3A_90 : i1 to i32
        %cond3A_92 = arith.constant 0 : i32
        %cond3A_93 = arith.cmpi ne, %convert_element_type3A_91, %cond3A_92 : i32
        scf.if %cond3A_93 {
          %add3A_296 = arith.constant 2 : i32
          %add3A_297 = arith.addi %mul3A_54, %add3A_296 : i32
          %dma_start3A_298 = arith.constant 0 : i32
          %dma_start3A_299 = tpu.memref_slice %arg7[%add3A_297, %dma_start3A_298] : memref<40x128xi32, #tpu.memory_space<vmem>> -> memref<1x128xi32, #tpu.memory_space<vmem>>
          %dma_start3A_300 = tpu.memref_squeeze %dma_start3A_299 : memref<1x128xi32, #tpu.memory_space<vmem>> -> memref<128xi32, #tpu.memory_space<vmem>>
          %dma_start3A_301 = arith.constant 0 : i32
          %dma_start3A_302 = arith.constant 0 : i32
          %dma_start3A_303 = tpu.memref_slice %arg2[%dma_start3A_301, %dma_start3A_302] : memref<10000x128xf32, #tpu.memory_space<hbm>> -> memref<10000x128xf32, #tpu.memory_space<hbm>>
          tpu.enqueue_indirect_dma source(%dma_start3A_303 : memref<10000x128xf32, #tpu.memory_space<hbm>>) target(%arg9 : memref<128x128xf32, #tpu.memory_space<vmem>>) offsets(%dma_start3A_300 : memref<128xi32, #tpu.memory_space<vmem>>) semaphore(%arg12 : memref<!tpu.dma_semaphore, #tpu.memory_space<semaphore_mem>>)
          %dma_wait3A_304 = arith.constant 0 : i32
          %dma_wait3A_305 = tpu.memref_slice %arg7[%add3A_297, %dma_wait3A_304] : memref<40x128xi32, #tpu.memory_space<vmem>> -> memref<1x128xi32, #tpu.memory_space<vmem>>
          %dma_wait3A_306 = tpu.memref_squeeze %dma_wait3A_305 : memref<1x128xi32, #tpu.memory_space<vmem>> -> memref<128xi32, #tpu.memory_space<vmem>>
          %dma_wait3A_307 = arith.constant 0 : i32
          %dma_wait3A_308 = arith.constant 0 : i32
          %dma_wait3A_309 = tpu.memref_slice %arg2[%dma_wait3A_307, %dma_wait3A_308] : memref<10000x128xf32, #tpu.memory_space<hbm>> -> memref<10000x128xf32, #tpu.memory_space<hbm>>
          tpu.wait_indirect_dma semaphore(%arg12 : memref<!tpu.dma_semaphore, #tpu.memory_space<semaphore_mem>>) src(%dma_wait3A_309 : memref<10000x128xf32, #tpu.memory_space<hbm>>) dst(%arg9 : memref<128x128xf32, #tpu.memory_space<vmem>>)
        } else {
        }
        %dma_wait3A_94 = arith.constant 0 : i32
        %dma_wait3A_95 = tpu.memref_slice %arg8[%add3A_82, %dma_wait3A_94] : memref<40x128xi32, #tpu.memory_space<vmem>> -> memref<1x128xi32, #tpu.memory_space<vmem>>
        %dma_wait3A_96 = tpu.memref_squeeze %dma_wait3A_95 : memref<1x128xi32, #tpu.memory_space<vmem>> -> memref<128xi32, #tpu.memory_space<vmem>>
        %dma_wait3A_97 = arith.constant 0 : i32
        %dma_wait3A_98 = arith.constant 0 : i32
        %dma_wait3A_99 = tpu.memref_slice %arg11[%dma_wait3A_97, %dma_wait3A_98] : memref<10112x128xf32, #tpu.memory_space<vmem_shared>> -> memref<10112x128xf32, #tpu.memory_space<vmem_shared>>
        tpu.wait_indirect_dma semaphore(%arg13 : memref<!tpu.dma_semaphore, #tpu.memory_space<semaphore_mem>>) src(%arg10 : memref<128x128xf32, #tpu.memory_space<vmem>>) dst(%dma_wait3A_99 : memref<10112x128xf32, #tpu.memory_space<vmem_shared>>)
        %scan3A_100 = arith.constant 1 : i32
        %scan3A_101 = arith.addi %scan3A_52, %scan3A_100 : i32
        %mul3A_102 = arith.constant 2 : i32
        %mul3A_103 = arith.muli %scan3A_101, %mul3A_102 : i32
        %dma_start3A_104 = arith.constant 0 : i32
        %dma_start3A_105 = tpu.memref_slice %arg8[%mul3A_103, %dma_start3A_104] : memref<40x128xi32, #tpu.memory_space<vmem>> -> memref<1x128xi32, #tpu.memory_space<vmem>>
        %dma_start3A_106 = tpu.memref_squeeze %dma_start3A_105 : memref<1x128xi32, #tpu.memory_space<vmem>> -> memref<128xi32, #tpu.memory_space<vmem>>
        %dma_start3A_107 = arith.constant 0 : i32
        %dma_start3A_108 = arith.constant 0 : i32
        %dma_start3A_109 = tpu.memref_slice %arg11[%dma_start3A_107, %dma_start3A_108] : memref<10112x128xf32, #tpu.memory_space<vmem_shared>> -> memref<10112x128xf32, #tpu.memory_space<vmem_shared>>
        tpu.enqueue_indirect_dma source(%arg9 : memref<128x128xf32, #tpu.memory_space<vmem>>) target(%dma_start3A_109 : memref<10112x128xf32, #tpu.memory_space<vmem_shared>>) offsets(%dma_start3A_106 : memref<128xi32, #tpu.memory_space<vmem>>) semaphore(%arg13 : memref<!tpu.dma_semaphore, #tpu.memory_space<semaphore_mem>>) {add = true}
        %add3A_110 = arith.constant 1 : i32
        %add3A_111 = arith.addi %mul3A_103, %add3A_110 : i32
        %dma_start3A_112 = arith.constant 0 : i32
        %dma_start3A_113 = tpu.memref_slice %arg7[%add3A_111, %dma_start3A_112] : memref<40x128xi32, #tpu.memory_space<vmem>> -> memref<1x128xi32, #tpu.memory_space<vmem>>
        %dma_start3A_114 = tpu.memref_squeeze %dma_start3A_113 : memref<1x128xi32, #tpu.memory_space<vmem>> -> memref<128xi32, #tpu.memory_space<vmem>>
        %dma_start3A_115 = arith.constant 0 : i32
        %dma_start3A_116 = arith.constant 0 : i32
        %dma_start3A_117 = tpu.memref_slice %arg2[%dma_start3A_115, %dma_start3A_116] : memref<10000x128xf32, #tpu.memory_space<hbm>> -> memref<10000x128xf32, #tpu.memory_space<hbm>>
        tpu.enqueue_indirect_dma source(%dma_start3A_117 : memref<10000x128xf32, #tpu.memory_space<hbm>>) target(%arg10 : memref<128x128xf32, #tpu.memory_space<vmem>>) offsets(%dma_start3A_114 : memref<128xi32, #tpu.memory_space<vmem>>) semaphore(%arg12 : memref<!tpu.dma_semaphore, #tpu.memory_space<semaphore_mem>>)
        %dma_wait3A_118 = arith.constant 0 : i32
        %dma_wait3A_119 = tpu.memref_slice %arg8[%mul3A_103, %dma_wait3A_118] : memref<40x128xi32, #tpu.memory_space<vmem>> -> memref<1x128xi32, #tpu.memory_space<vmem>>
        %dma_wait3A_120 = tpu.memref_squeeze %dma_wait3A_119 : memref<1x128xi32, #tpu.memory_space<vmem>> -> memref<128xi32, #tpu.memory_space<vmem>>
        %dma_wait3A_121 = arith.constant 0 : i32
        %dma_wait3A_122 = arith.constant 0 : i32
        %dma_wait3A_123 = tpu.memref_slice %arg11[%dma_wait3A_121, %dma_wait3A_122] : memref<10112x128xf32, #tpu.memory_space<vmem_shared>> -> memref<10112x128xf32, #tpu.memory_space<vmem_shared>>
        tpu.wait_indirect_dma semaphore(%arg13 : memref<!tpu.dma_semaphore, #tpu.memory_space<semaphore_mem>>) src(%arg9 : memref<128x128xf32, #tpu.memory_space<vmem>>) dst(%dma_wait3A_123 : memref<10112x128xf32, #tpu.memory_space<vmem_shared>>)
        %dma_wait3A_124 = arith.constant 0 : i32
        %dma_wait3A_125 = tpu.memref_slice %arg7[%add3A_111, %dma_wait3A_124] : memref<40x128xi32, #tpu.memory_space<vmem>> -> memref<1x128xi32, #tpu.memory_space<vmem>>
        %dma_wait3A_126 = tpu.memref_squeeze %dma_wait3A_125 : memref<1x128xi32, #tpu.memory_space<vmem>> -> memref<128xi32, #tpu.memory_space<vmem>>
        %dma_wait3A_127 = arith.constant 0 : i32
        %dma_wait3A_128 = arith.constant 0 : i32
        %dma_wait3A_129 = tpu.memref_slice %arg2[%dma_wait3A_127, %dma_wait3A_128] : memref<10000x128xf32, #tpu.memory_space<hbm>> -> memref<10000x128xf32, #tpu.memory_space<hbm>>
        tpu.wait_indirect_dma semaphore(%arg12 : memref<!tpu.dma_semaphore, #tpu.memory_space<semaphore_mem>>) src(%dma_wait3A_129 : memref<10000x128xf32, #tpu.memory_space<hbm>>) dst(%arg10 : memref<128x128xf32, #tpu.memory_space<vmem>>)
        %add3A_130 = arith.constant 1 : i32
        %add3A_131 = arith.addi %mul3A_103, %add3A_130 : i32
        %dma_start3A_132 = arith.constant 0 : i32
        %dma_start3A_133 = tpu.memref_slice %arg8[%add3A_131, %dma_start3A_132] : memref<40x128xi32, #tpu.memory_space<vmem>> -> memref<1x128xi32, #tpu.memory_space<vmem>>
        %dma_start3A_134 = tpu.memref_squeeze %dma_start3A_133 : memref<1x128xi32, #tpu.memory_space<vmem>> -> memref<128xi32, #tpu.memory_space<vmem>>
        %dma_start3A_135 = arith.constant 0 : i32
        %dma_start3A_136 = arith.constant 0 : i32
        %dma_start3A_137 = tpu.memref_slice %arg11[%dma_start3A_135, %dma_start3A_136] : memref<10112x128xf32, #tpu.memory_space<vmem_shared>> -> memref<10112x128xf32, #tpu.memory_space<vmem_shared>>
        tpu.enqueue_indirect_dma source(%arg10 : memref<128x128xf32, #tpu.memory_space<vmem>>) target(%dma_start3A_137 : memref<10112x128xf32, #tpu.memory_space<vmem_shared>>) offsets(%dma_start3A_134 : memref<128xi32, #tpu.memory_space<vmem>>) semaphore(%arg13 : memref<!tpu.dma_semaphore, #tpu.memory_space<semaphore_mem>>) {add = true}
        %lt3A_138 = arith.constant 19 : i32
        %lt3A_139 = arith.cmpi slt, %scan3A_101, %lt3A_138 : i32
        %convert_element_type3A_140 = arith.extui %lt3A_139 : i1 to i32
        %cond3A_141 = arith.constant 0 : i32
        %cond3A_142 = arith.cmpi ne, %convert_element_type3A_140, %cond3A_141 : i32
        scf.if %cond3A_142 {
          %add3A_296 = arith.constant 2 : i32
          %add3A_297 = arith.addi %mul3A_103, %add3A_296 : i32
          %dma_start3A_298 = arith.constant 0 : i32
          %dma_start3A_299 = tpu.memref_slice %arg7[%add3A_297, %dma_start3A_298] : memref<40x128xi32, #tpu.memory_space<vmem>> -> memref<1x128xi32, #tpu.memory_space<vmem>>
          %dma_start3A_300 = tpu.memref_squeeze %dma_start3A_299 : memref<1x128xi32, #tpu.memory_space<vmem>> -> memref<128xi32, #tpu.memory_space<vmem>>
          %dma_start3A_301 = arith.constant 0 : i32
          %dma_start3A_302 = arith.constant 0 : i32
          %dma_start3A_303 = tpu.memref_slice %arg2[%dma_start3A_301, %dma_start3A_302] : memref<10000x128xf32, #tpu.memory_space<hbm>> -> memref<10000x128xf32, #tpu.memory_space<hbm>>
          tpu.enqueue_indirect_dma source(%dma_start3A_303 : memref<10000x128xf32, #tpu.memory_space<hbm>>) target(%arg9 : memref<128x128xf32, #tpu.memory_space<vmem>>) offsets(%dma_start3A_300 : memref<128xi32, #tpu.memory_space<vmem>>) semaphore(%arg12 : memref<!tpu.dma_semaphore, #tpu.memory_space<semaphore_mem>>)
          %dma_wait3A_304 = arith.constant 0 : i32
          %dma_wait3A_305 = tpu.memref_slice %arg7[%add3A_297, %dma_wait3A_304] : memref<40x128xi32, #tpu.memory_space<vmem>> -> memref<1x128xi32, #tpu.memory_space<vmem>>
          %dma_wait3A_306 = tpu.memref_squeeze %dma_wait3A_305 : memref<1x128xi32, #tpu.memory_space<vmem>> -> memref<128xi32, #tpu.memory_space<vmem>>
          %dma_wait3A_307 = arith.constant 0 : i32
          %dma_wait3A_308 = arith.constant 0 : i32
          %dma_wait3A_309 = tpu.memref_slice %arg2[%dma_wait3A_307, %dma_wait3A_308] : memref<10000x128xf32, #tpu.memory_space<hbm>> -> memref<10000x128xf32, #tpu.memory_space<hbm>>
          tpu.wait_indirect_dma semaphore(%arg12 : memref<!tpu.dma_semaphore, #tpu.memory_space<semaphore_mem>>) src(%dma_wait3A_309 : memref<10000x128xf32, #tpu.memory_space<hbm>>) dst(%arg9 : memref<128x128xf32, #tpu.memory_space<vmem>>)
        } else {
        }
        %dma_wait3A_143 = arith.constant 0 : i32
        %dma_wait3A_144 = tpu.memref_slice %arg8[%add3A_131, %dma_wait3A_143] : memref<40x128xi32, #tpu.memory_space<vmem>> -> memref<1x128xi32, #tpu.memory_space<vmem>>
        %dma_wait3A_145 = tpu.memref_squeeze %dma_wait3A_144 : memref<1x128xi32, #tpu.memory_space<vmem>> -> memref<128xi32, #tpu.memory_space<vmem>>
        %dma_wait3A_146 = arith.constant 0 : i32
        %dma_wait3A_147 = arith.constant 0 : i32
        %dma_wait3A_148 = tpu.memref_slice %arg11[%dma_wait3A_146, %dma_wait3A_147] : memref<10112x128xf32, #tpu.memory_space<vmem_shared>> -> memref<10112x128xf32, #tpu.memory_space<vmem_shared>>
        tpu.wait_indirect_dma semaphore(%arg13 : memref<!tpu.dma_semaphore, #tpu.memory_space<semaphore_mem>>) src(%arg10 : memref<128x128xf32, #tpu.memory_space<vmem>>) dst(%dma_wait3A_148 : memref<10112x128xf32, #tpu.memory_space<vmem_shared>>)
        %scan3A_149 = arith.constant 2 : i32
        %scan3A_150 = arith.addi %scan3A_52, %scan3A_149 : i32
        %mul3A_151 = arith.constant 2 : i32
        %mul3A_152 = arith.muli %scan3A_150, %mul3A_151 : i32
        %dma_start3A_153 = arith.constant 0 : i32
        %dma_start3A_154 = tpu.memref_slice %arg8[%mul3A_152, %dma_start3A_153] : memref<40x128xi32, #tpu.memory_space<vmem>> -> memref<1x128xi32, #tpu.memory_space<vmem>>
        %dma_start3A_155 = tpu.memref_squeeze %dma_start3A_154 : memref<1x128xi32, #tpu.memory_space<vmem>> -> memref<128xi32, #tpu.memory_space<vmem>>
        %dma_start3A_156 = arith.constant 0 : i32
        %dma_start3A_157 = arith.constant 0 : i32
        %dma_start3A_158 = tpu.memref_slice %arg11[%dma_start3A_156, %dma_start3A_157] : memref<10112x128xf32, #tpu.memory_space<vmem_shared>> -> memref<10112x128xf32, #tpu.memory_space<vmem_shared>>
        tpu.enqueue_indirect_dma source(%arg9 : memref<128x128xf32, #tpu.memory_space<vmem>>) target(%dma_start3A_158 : memref<10112x128xf32, #tpu.memory_space<vmem_shared>>) offsets(%dma_start3A_155 : memref<128xi32, #tpu.memory_space<vmem>>) semaphore(%arg13 : memref<!tpu.dma_semaphore, #tpu.memory_space<semaphore_mem>>) {add = true}
        %add3A_159 = arith.constant 1 : i32
        %add3A_160 = arith.addi %mul3A_152, %add3A_159 : i32
        %dma_start3A_161 = arith.constant 0 : i32
        %dma_start3A_162 = tpu.memref_slice %arg7[%add3A_160, %dma_start3A_161] : memref<40x128xi32, #tpu.memory_space<vmem>> -> memref<1x128xi32, #tpu.memory_space<vmem>>
        %dma_start3A_163 = tpu.memref_squeeze %dma_start3A_162 : memref<1x128xi32, #tpu.memory_space<vmem>> -> memref<128xi32, #tpu.memory_space<vmem>>
        %dma_start3A_164 = arith.constant 0 : i32
        %dma_start3A_165 = arith.constant 0 : i32
        %dma_start3A_166 = tpu.memref_slice %arg2[%dma_start3A_164, %dma_start3A_165] : memref<10000x128xf32, #tpu.memory_space<hbm>> -> memref<10000x128xf32, #tpu.memory_space<hbm>>
        tpu.enqueue_indirect_dma source(%dma_start3A_166 : memref<10000x128xf32, #tpu.memory_space<hbm>>) target(%arg10 : memref<128x128xf32, #tpu.memory_space<vmem>>) offsets(%dma_start3A_163 : memref<128xi32, #tpu.memory_space<vmem>>) semaphore(%arg12 : memref<!tpu.dma_semaphore, #tpu.memory_space<semaphore_mem>>)
        %dma_wait3A_167 = arith.constant 0 : i32
        %dma_wait3A_168 = tpu.memref_slice %arg8[%mul3A_152, %dma_wait3A_167] : memref<40x128xi32, #tpu.memory_space<vmem>> -> memref<1x128xi32, #tpu.memory_space<vmem>>
        %dma_wait3A_169 = tpu.memref_squeeze %dma_wait3A_168 : memref<1x128xi32, #tpu.memory_space<vmem>> -> memref<128xi32, #tpu.memory_space<vmem>>
        %dma_wait3A_170 = arith.constant 0 : i32
        %dma_wait3A_171 = arith.constant 0 : i32
        %dma_wait3A_172 = tpu.memref_slice %arg11[%dma_wait3A_170, %dma_wait3A_171] : memref<10112x128xf32, #tpu.memory_space<vmem_shared>> -> memref<10112x128xf32, #tpu.memory_space<vmem_shared>>
        tpu.wait_indirect_dma semaphore(%arg13 : memref<!tpu.dma_semaphore, #tpu.memory_space<semaphore_mem>>) src(%arg9 : memref<128x128xf32, #tpu.memory_space<vmem>>) dst(%dma_wait3A_172 : memref<10112x128xf32, #tpu.memory_space<vmem_shared>>)
        %dma_wait3A_173 = arith.constant 0 : i32
        %dma_wait3A_174 = tpu.memref_slice %arg7[%add3A_160, %dma_wait3A_173] : memref<40x128xi32, #tpu.memory_space<vmem>> -> memref<1x128xi32, #tpu.memory_space<vmem>>
        %dma_wait3A_175 = tpu.memref_squeeze %dma_wait3A_174 : memref<1x128xi32, #tpu.memory_space<vmem>> -> memref<128xi32, #tpu.memory_space<vmem>>
        %dma_wait3A_176 = arith.constant 0 : i32
        %dma_wait3A_177 = arith.constant 0 : i32
        %dma_wait3A_178 = tpu.memref_slice %arg2[%dma_wait3A_176, %dma_wait3A_177] : memref<10000x128xf32, #tpu.memory_space<hbm>> -> memref<10000x128xf32, #tpu.memory_space<hbm>>
        tpu.wait_indirect_dma semaphore(%arg12 : memref<!tpu.dma_semaphore, #tpu.memory_space<semaphore_mem>>) src(%dma_wait3A_178 : memref<10000x128xf32, #tpu.memory_space<hbm>>) dst(%arg10 : memref<128x128xf32, #tpu.memory_space<vmem>>)
        %add3A_179 = arith.constant 1 : i32
        %add3A_180 = arith.addi %mul3A_152, %add3A_179 : i32
        %dma_start3A_181 = arith.constant 0 : i32
        %dma_start3A_182 = tpu.memref_slice %arg8[%add3A_180, %dma_start3A_181] : memref<40x128xi32, #tpu.memory_space<vmem>> -> memref<1x128xi32, #tpu.memory_space<vmem>>
        %dma_start3A_183 = tpu.memref_squeeze %dma_start3A_182 : memref<1x128xi32, #tpu.memory_space<vmem>> -> memref<128xi32, #tpu.memory_space<vmem>>
        %dma_start3A_184 = arith.constant 0 : i32
        %dma_start3A_185 = arith.constant 0 : i32
        %dma_start3A_186 = tpu.memref_slice %arg11[%dma_start3A_184, %dma_start3A_185] : memref<10112x128xf32, #tpu.memory_space<vmem_shared>> -> memref<10112x128xf32, #tpu.memory_space<vmem_shared>>
        tpu.enqueue_indirect_dma source(%arg10 : memref<128x128xf32, #tpu.memory_space<vmem>>) target(%dma_start3A_186 : memref<10112x128xf32, #tpu.memory_space<vmem_shared>>) offsets(%dma_start3A_183 : memref<128xi32, #tpu.memory_space<vmem>>) semaphore(%arg13 : memref<!tpu.dma_semaphore, #tpu.memory_space<semaphore_mem>>) {add = true}
        %lt3A_187 = arith.constant 19 : i32
        %lt3A_188 = arith.cmpi slt, %scan3A_150, %lt3A_187 : i32
        %convert_element_type3A_189 = arith.extui %lt3A_188 : i1 to i32
        %cond3A_190 = arith.constant 0 : i32
        %cond3A_191 = arith.cmpi ne, %convert_element_type3A_189, %cond3A_190 : i32
        scf.if %cond3A_191 {
          %add3A_296 = arith.constant 2 : i32
          %add3A_297 = arith.addi %mul3A_152, %add3A_296 : i32
          %dma_start3A_298 = arith.constant 0 : i32
          %dma_start3A_299 = tpu.memref_slice %arg7[%add3A_297, %dma_start3A_298] : memref<40x128xi32, #tpu.memory_space<vmem>> -> memref<1x128xi32, #tpu.memory_space<vmem>>
          %dma_start3A_300 = tpu.memref_squeeze %dma_start3A_299 : memref<1x128xi32, #tpu.memory_space<vmem>> -> memref<128xi32, #tpu.memory_space<vmem>>
          %dma_start3A_301 = arith.constant 0 : i32
          %dma_start3A_302 = arith.constant 0 : i32
          %dma_start3A_303 = tpu.memref_slice %arg2[%dma_start3A_301, %dma_start3A_302] : memref<10000x128xf32, #tpu.memory_space<hbm>> -> memref<10000x128xf32, #tpu.memory_space<hbm>>
          tpu.enqueue_indirect_dma source(%dma_start3A_303 : memref<10000x128xf32, #tpu.memory_space<hbm>>) target(%arg9 : memref<128x128xf32, #tpu.memory_space<vmem>>) offsets(%dma_start3A_300 : memref<128xi32, #tpu.memory_space<vmem>>) semaphore(%arg12 : memref<!tpu.dma_semaphore, #tpu.memory_space<semaphore_mem>>)
          %dma_wait3A_304 = arith.constant 0 : i32
          %dma_wait3A_305 = tpu.memref_slice %arg7[%add3A_297, %dma_wait3A_304] : memref<40x128xi32, #tpu.memory_space<vmem>> -> memref<1x128xi32, #tpu.memory_space<vmem>>
          %dma_wait3A_306 = tpu.memref_squeeze %dma_wait3A_305 : memref<1x128xi32, #tpu.memory_space<vmem>> -> memref<128xi32, #tpu.memory_space<vmem>>
          %dma_wait3A_307 = arith.constant 0 : i32
          %dma_wait3A_308 = arith.constant 0 : i32
          %dma_wait3A_309 = tpu.memref_slice %arg2[%dma_wait3A_307, %dma_wait3A_308] : memref<10000x128xf32, #tpu.memory_space<hbm>> -> memref<10000x128xf32, #tpu.memory_space<hbm>>
          tpu.wait_indirect_dma semaphore(%arg12 : memref<!tpu.dma_semaphore, #tpu.memory_space<semaphore_mem>>) src(%dma_wait3A_309 : memref<10000x128xf32, #tpu.memory_space<hbm>>) dst(%arg9 : memref<128x128xf32, #tpu.memory_space<vmem>>)
        } else {
        }
        %dma_wait3A_192 = arith.constant 0 : i32
        %dma_wait3A_193 = tpu.memref_slice %arg8[%add3A_180, %dma_wait3A_192] : memref<40x128xi32, #tpu.memory_space<vmem>> -> memref<1x128xi32, #tpu.memory_space<vmem>>
        %dma_wait3A_194 = tpu.memref_squeeze %dma_wait3A_193 : memref<1x128xi32, #tpu.memory_space<vmem>> -> memref<128xi32, #tpu.memory_space<vmem>>
        %dma_wait3A_195 = arith.constant 0 : i32
        %dma_wait3A_196 = arith.constant 0 : i32
        %dma_wait3A_197 = tpu.memref_slice %arg11[%dma_wait3A_195, %dma_wait3A_196] : memref<10112x128xf32, #tpu.memory_space<vmem_shared>> -> memref<10112x128xf32, #tpu.memory_space<vmem_shared>>
        tpu.wait_indirect_dma semaphore(%arg13 : memref<!tpu.dma_semaphore, #tpu.memory_space<semaphore_mem>>) src(%arg10 : memref<128x128xf32, #tpu.memory_space<vmem>>) dst(%dma_wait3A_197 : memref<10112x128xf32, #tpu.memory_space<vmem_shared>>)
        %scan3A_198 = arith.constant 3 : i32
        %scan3A_199 = arith.addi %scan3A_52, %scan3A_198 : i32
        %mul3A_200 = arith.constant 2 : i32
        %mul3A_201 = arith.muli %scan3A_199, %mul3A_200 : i32
        %dma_start3A_202 = arith.constant 0 : i32
        %dma_start3A_203 = tpu.memref_slice %arg8[%mul3A_201, %dma_start3A_202] : memref<40x128xi32, #tpu.memory_space<vmem>> -> memref<1x128xi32, #tpu.memory_space<vmem>>
        %dma_start3A_204 = tpu.memref_squeeze %dma_start3A_203 : memref<1x128xi32, #tpu.memory_space<vmem>> -> memref<128xi32, #tpu.memory_space<vmem>>
        %dma_start3A_205 = arith.constant 0 : i32
        %dma_start3A_206 = arith.constant 0 : i32
        %dma_start3A_207 = tpu.memref_slice %arg11[%dma_start3A_205, %dma_start3A_206] : memref<10112x128xf32, #tpu.memory_space<vmem_shared>> -> memref<10112x128xf32, #tpu.memory_space<vmem_shared>>
        tpu.enqueue_indirect_dma source(%arg9 : memref<128x128xf32, #tpu.memory_space<vmem>>) target(%dma_start3A_207 : memref<10112x128xf32, #tpu.memory_space<vmem_shared>>) offsets(%dma_start3A_204 : memref<128xi32, #tpu.memory_space<vmem>>) semaphore(%arg13 : memref<!tpu.dma_semaphore, #tpu.memory_space<semaphore_mem>>) {add = true}
        %add3A_208 = arith.constant 1 : i32
        %add3A_209 = arith.addi %mul3A_201, %add3A_208 : i32
        %dma_start3A_210 = arith.constant 0 : i32
        %dma_start3A_211 = tpu.memref_slice %arg7[%add3A_209, %dma_start3A_210] : memref<40x128xi32, #tpu.memory_space<vmem>> -> memref<1x128xi32, #tpu.memory_space<vmem>>
        %dma_start3A_212 = tpu.memref_squeeze %dma_start3A_211 : memref<1x128xi32, #tpu.memory_space<vmem>> -> memref<128xi32, #tpu.memory_space<vmem>>
        %dma_start3A_213 = arith.constant 0 : i32
        %dma_start3A_214 = arith.constant 0 : i32
        %dma_start3A_215 = tpu.memref_slice %arg2[%dma_start3A_213, %dma_start3A_214] : memref<10000x128xf32, #tpu.memory_space<hbm>> -> memref<10000x128xf32, #tpu.memory_space<hbm>>
        tpu.enqueue_indirect_dma source(%dma_start3A_215 : memref<10000x128xf32, #tpu.memory_space<hbm>>) target(%arg10 : memref<128x128xf32, #tpu.memory_space<vmem>>) offsets(%dma_start3A_212 : memref<128xi32, #tpu.memory_space<vmem>>) semaphore(%arg12 : memref<!tpu.dma_semaphore, #tpu.memory_space<semaphore_mem>>)
        %dma_wait3A_216 = arith.constant 0 : i32
        %dma_wait3A_217 = tpu.memref_slice %arg8[%mul3A_201, %dma_wait3A_216] : memref<40x128xi32, #tpu.memory_space<vmem>> -> memref<1x128xi32, #tpu.memory_space<vmem>>
        %dma_wait3A_218 = tpu.memref_squeeze %dma_wait3A_217 : memref<1x128xi32, #tpu.memory_space<vmem>> -> memref<128xi32, #tpu.memory_space<vmem>>
        %dma_wait3A_219 = arith.constant 0 : i32
        %dma_wait3A_220 = arith.constant 0 : i32
        %dma_wait3A_221 = tpu.memref_slice %arg11[%dma_wait3A_219, %dma_wait3A_220] : memref<10112x128xf32, #tpu.memory_space<vmem_shared>> -> memref<10112x128xf32, #tpu.memory_space<vmem_shared>>
        tpu.wait_indirect_dma semaphore(%arg13 : memref<!tpu.dma_semaphore, #tpu.memory_space<semaphore_mem>>) src(%arg9 : memref<128x128xf32, #tpu.memory_space<vmem>>) dst(%dma_wait3A_221 : memref<10112x128xf32, #tpu.memory_space<vmem_shared>>)
        %dma_wait3A_222 = arith.constant 0 : i32
        %dma_wait3A_223 = tpu.memref_slice %arg7[%add3A_209, %dma_wait3A_222] : memref<40x128xi32, #tpu.memory_space<vmem>> -> memref<1x128xi32, #tpu.memory_space<vmem>>
        %dma_wait3A_224 = tpu.memref_squeeze %dma_wait3A_223 : memref<1x128xi32, #tpu.memory_space<vmem>> -> memref<128xi32, #tpu.memory_space<vmem>>
        %dma_wait3A_225 = arith.constant 0 : i32
        %dma_wait3A_226 = arith.constant 0 : i32
        %dma_wait3A_227 = tpu.memref_slice %arg2[%dma_wait3A_225, %dma_wait3A_226] : memref<10000x128xf32, #tpu.memory_space<hbm>> -> memref<10000x128xf32, #tpu.memory_space<hbm>>
        tpu.wait_indirect_dma semaphore(%arg12 : memref<!tpu.dma_semaphore, #tpu.memory_space<semaphore_mem>>) src(%dma_wait3A_227 : memref<10000x128xf32, #tpu.memory_space<hbm>>) dst(%arg10 : memref<128x128xf32, #tpu.memory_space<vmem>>)
        %add3A_228 = arith.constant 1 : i32
        %add3A_229 = arith.addi %mul3A_201, %add3A_228 : i32
        %dma_start3A_230 = arith.constant 0 : i32
        %dma_start3A_231 = tpu.memref_slice %arg8[%add3A_229, %dma_start3A_230] : memref<40x128xi32, #tpu.memory_space<vmem>> -> memref<1x128xi32, #tpu.memory_space<vmem>>
        %dma_start3A_232 = tpu.memref_squeeze %dma_start3A_231 : memref<1x128xi32, #tpu.memory_space<vmem>> -> memref<128xi32, #tpu.memory_space<vmem>>
        %dma_start3A_233 = arith.constant 0 : i32
        %dma_start3A_234 = arith.constant 0 : i32
        %dma_start3A_235 = tpu.memref_slice %arg11[%dma_start3A_233, %dma_start3A_234] : memref<10112x128xf32, #tpu.memory_space<vmem_shared>> -> memref<10112x128xf32, #tpu.memory_space<vmem_shared>>
        tpu.enqueue_indirect_dma source(%arg10 : memref<128x128xf32, #tpu.memory_space<vmem>>) target(%dma_start3A_235 : memref<10112x128xf32, #tpu.memory_space<vmem_shared>>) offsets(%dma_start3A_232 : memref<128xi32, #tpu.memory_space<vmem>>) semaphore(%arg13 : memref<!tpu.dma_semaphore, #tpu.memory_space<semaphore_mem>>) {add = true}
        %lt3A_236 = arith.constant 19 : i32
        %lt3A_237 = arith.cmpi slt, %scan3A_199, %lt3A_236 : i32
        %convert_element_type3A_238 = arith.extui %lt3A_237 : i1 to i32
        %cond3A_239 = arith.constant 0 : i32
        %cond3A_240 = arith.cmpi ne, %convert_element_type3A_238, %cond3A_239 : i32
        scf.if %cond3A_240 {
          %add3A_296 = arith.constant 2 : i32
          %add3A_297 = arith.addi %mul3A_201, %add3A_296 : i32
          %dma_start3A_298 = arith.constant 0 : i32
          %dma_start3A_299 = tpu.memref_slice %arg7[%add3A_297, %dma_start3A_298] : memref<40x128xi32, #tpu.memory_space<vmem>> -> memref<1x128xi32, #tpu.memory_space<vmem>>
          %dma_start3A_300 = tpu.memref_squeeze %dma_start3A_299 : memref<1x128xi32, #tpu.memory_space<vmem>> -> memref<128xi32, #tpu.memory_space<vmem>>
          %dma_start3A_301 = arith.constant 0 : i32
          %dma_start3A_302 = arith.constant 0 : i32
          %dma_start3A_303 = tpu.memref_slice %arg2[%dma_start3A_301, %dma_start3A_302] : memref<10000x128xf32, #tpu.memory_space<hbm>> -> memref<10000x128xf32, #tpu.memory_space<hbm>>
          tpu.enqueue_indirect_dma source(%dma_start3A_303 : memref<10000x128xf32, #tpu.memory_space<hbm>>) target(%arg9 : memref<128x128xf32, #tpu.memory_space<vmem>>) offsets(%dma_start3A_300 : memref<128xi32, #tpu.memory_space<vmem>>) semaphore(%arg12 : memref<!tpu.dma_semaphore, #tpu.memory_space<semaphore_mem>>)
          %dma_wait3A_304 = arith.constant 0 : i32
          %dma_wait3A_305 = tpu.memref_slice %arg7[%add3A_297, %dma_wait3A_304] : memref<40x128xi32, #tpu.memory_space<vmem>> -> memref<1x128xi32, #tpu.memory_space<vmem>>
          %dma_wait3A_306 = tpu.memref_squeeze %dma_wait3A_305 : memref<1x128xi32, #tpu.memory_space<vmem>> -> memref<128xi32, #tpu.memory_space<vmem>>
          %dma_wait3A_307 = arith.constant 0 : i32
          %dma_wait3A_308 = arith.constant 0 : i32
          %dma_wait3A_309 = tpu.memref_slice %arg2[%dma_wait3A_307, %dma_wait3A_308] : memref<10000x128xf32, #tpu.memory_space<hbm>> -> memref<10000x128xf32, #tpu.memory_space<hbm>>
          tpu.wait_indirect_dma semaphore(%arg12 : memref<!tpu.dma_semaphore, #tpu.memory_space<semaphore_mem>>) src(%dma_wait3A_309 : memref<10000x128xf32, #tpu.memory_space<hbm>>) dst(%arg9 : memref<128x128xf32, #tpu.memory_space<vmem>>)
        } else {
        }
        %dma_wait3A_241 = arith.constant 0 : i32
        %dma_wait3A_242 = tpu.memref_slice %arg8[%add3A_229, %dma_wait3A_241] : memref<40x128xi32, #tpu.memory_space<vmem>> -> memref<1x128xi32, #tpu.memory_space<vmem>>
        %dma_wait3A_243 = tpu.memref_squeeze %dma_wait3A_242 : memref<1x128xi32, #tpu.memory_space<vmem>> -> memref<128xi32, #tpu.memory_space<vmem>>
        %dma_wait3A_244 = arith.constant 0 : i32
        %dma_wait3A_245 = arith.constant 0 : i32
        %dma_wait3A_246 = tpu.memref_slice %arg11[%dma_wait3A_244, %dma_wait3A_245] : memref<10112x128xf32, #tpu.memory_space<vmem_shared>> -> memref<10112x128xf32, #tpu.memory_space<vmem_shared>>
        tpu.wait_indirect_dma semaphore(%arg13 : memref<!tpu.dma_semaphore, #tpu.memory_space<semaphore_mem>>) src(%arg10 : memref<128x128xf32, #tpu.memory_space<vmem>>) dst(%dma_wait3A_246 : memref<10112x128xf32, #tpu.memory_space<vmem_shared>>)
        %scan3A_247 = arith.constant 4 : i32
        %scan3A_248 = arith.addi %scan3A_52, %scan3A_247 : i32
        %mul3A_249 = arith.constant 2 : i32
        %mul3A_250 = arith.muli %scan3A_248, %mul3A_249 : i32
        %dma_start3A_251 = arith.constant 0 : i32
        %dma_start3A_252 = tpu.memref_slice %arg8[%mul3A_250, %dma_start3A_251] : memref<40x128xi32, #tpu.memory_space<vmem>> -> memref<1x128xi32, #tpu.memory_space<vmem>>
        %dma_start3A_253 = tpu.memref_squeeze %dma_start3A_252 : memref<1x128xi32, #tpu.memory_space<vmem>> -> memref<128xi32, #tpu.memory_space<vmem>>
        %dma_start3A_254 = arith.constant 0 : i32
        %dma_start3A_255 = arith.constant 0 : i32
        %dma_start3A_256 = tpu.memref_slice %arg11[%dma_start3A_254, %dma_start3A_255] : memref<10112x128xf32, #tpu.memory_space<vmem_shared>> -> memref<10112x128xf32, #tpu.memory_space<vmem_shared>>
        tpu.enqueue_indirect_dma source(%arg9 : memref<128x128xf32, #tpu.memory_space<vmem>>) target(%dma_start3A_256 : memref<10112x128xf32, #tpu.memory_space<vmem_shared>>) offsets(%dma_start3A_253 : memref<128xi32, #tpu.memory_space<vmem>>) semaphore(%arg13 : memref<!tpu.dma_semaphore, #tpu.memory_space<semaphore_mem>>) {add = true}
        %add3A_257 = arith.constant 1 : i32
        %add3A_258 = arith.addi %mul3A_250, %add3A_257 : i32
        %dma_start3A_259 = arith.constant 0 : i32
        %dma_start3A_260 = tpu.memref_slice %arg7[%add3A_258, %dma_start3A_259] : memref<40x128xi32, #tpu.memory_space<vmem>> -> memref<1x128xi32, #tpu.memory_space<vmem>>
        %dma_start3A_261 = tpu.memref_squeeze %dma_start3A_260 : memref<1x128xi32, #tpu.memory_space<vmem>> -> memref<128xi32, #tpu.memory_space<vmem>>
        %dma_start3A_262 = arith.constant 0 : i32
        %dma_start3A_263 = arith.constant 0 : i32
        %dma_start3A_264 = tpu.memref_slice %arg2[%dma_start3A_262, %dma_start3A_263] : memref<10000x128xf32, #tpu.memory_space<hbm>> -> memref<10000x128xf32, #tpu.memory_space<hbm>>
        tpu.enqueue_indirect_dma source(%dma_start3A_264 : memref<10000x128xf32, #tpu.memory_space<hbm>>) target(%arg10 : memref<128x128xf32, #tpu.memory_space<vmem>>) offsets(%dma_start3A_261 : memref<128xi32, #tpu.memory_space<vmem>>) semaphore(%arg12 : memref<!tpu.dma_semaphore, #tpu.memory_space<semaphore_mem>>)
        %dma_wait3A_265 = arith.constant 0 : i32
        %dma_wait3A_266 = tpu.memref_slice %arg8[%mul3A_250, %dma_wait3A_265] : memref<40x128xi32, #tpu.memory_space<vmem>> -> memref<1x128xi32, #tpu.memory_space<vmem>>
        %dma_wait3A_267 = tpu.memref_squeeze %dma_wait3A_266 : memref<1x128xi32, #tpu.memory_space<vmem>> -> memref<128xi32, #tpu.memory_space<vmem>>
        %dma_wait3A_268 = arith.constant 0 : i32
        %dma_wait3A_269 = arith.constant 0 : i32
        %dma_wait3A_270 = tpu.memref_slice %arg11[%dma_wait3A_268, %dma_wait3A_269] : memref<10112x128xf32, #tpu.memory_space<vmem_shared>> -> memref<10112x128xf32, #tpu.memory_space<vmem_shared>>
        tpu.wait_indirect_dma semaphore(%arg13 : memref<!tpu.dma_semaphore, #tpu.memory_space<semaphore_mem>>) src(%arg9 : memref<128x128xf32, #tpu.memory_space<vmem>>) dst(%dma_wait3A_270 : memref<10112x128xf32, #tpu.memory_space<vmem_shared>>)
        %dma_wait3A_271 = arith.constant 0 : i32
        %dma_wait3A_272 = tpu.memref_slice %arg7[%add3A_258, %dma_wait3A_271] : memref<40x128xi32, #tpu.memory_space<vmem>> -> memref<1x128xi32, #tpu.memory_space<vmem>>
        %dma_wait3A_273 = tpu.memref_squeeze %dma_wait3A_272 : memref<1x128xi32, #tpu.memory_space<vmem>> -> memref<128xi32, #tpu.memory_space<vmem>>
        %dma_wait3A_274 = arith.constant 0 : i32
        %dma_wait3A_275 = arith.constant 0 : i32
        %dma_wait3A_276 = tpu.memref_slice %arg2[%dma_wait3A_274, %dma_wait3A_275] : memref<10000x128xf32, #tpu.memory_space<hbm>> -> memref<10000x128xf32, #tpu.memory_space<hbm>>
        tpu.wait_indirect_dma semaphore(%arg12 : memref<!tpu.dma_semaphore, #tpu.memory_space<semaphore_mem>>) src(%dma_wait3A_276 : memref<10000x128xf32, #tpu.memory_space<hbm>>) dst(%arg10 : memref<128x128xf32, #tpu.memory_space<vmem>>)
        %add3A_277 = arith.constant 1 : i32
        %add3A_278 = arith.addi %mul3A_250, %add3A_277 : i32
        %dma_start3A_279 = arith.constant 0 : i32
        %dma_start3A_280 = tpu.memref_slice %arg8[%add3A_278, %dma_start3A_279] : memref<40x128xi32, #tpu.memory_space<vmem>> -> memref<1x128xi32, #tpu.memory_space<vmem>>
        %dma_start3A_281 = tpu.memref_squeeze %dma_start3A_280 : memref<1x128xi32, #tpu.memory_space<vmem>> -> memref<128xi32, #tpu.memory_space<vmem>>
        %dma_start3A_282 = arith.constant 0 : i32
        %dma_start3A_283 = arith.constant 0 : i32
        %dma_start3A_284 = tpu.memref_slice %arg11[%dma_start3A_282, %dma_start3A_283] : memref<10112x128xf32, #tpu.memory_space<vmem_shared>> -> memref<10112x128xf32, #tpu.memory_space<vmem_shared>>
        tpu.enqueue_indirect_dma source(%arg10 : memref<128x128xf32, #tpu.memory_space<vmem>>) target(%dma_start3A_284 : memref<10112x128xf32, #tpu.memory_space<vmem_shared>>) offsets(%dma_start3A_281 : memref<128xi32, #tpu.memory_space<vmem>>) semaphore(%arg13 : memref<!tpu.dma_semaphore, #tpu.memory_space<semaphore_mem>>) {add = true}
        %lt3A_285 = arith.constant 19 : i32
        %lt3A_286 = arith.cmpi slt, %scan3A_248, %lt3A_285 : i32
        %convert_element_type3A_287 = arith.extui %lt3A_286 : i1 to i32
        %cond3A_288 = arith.constant 0 : i32
        %cond3A_289 = arith.cmpi ne, %convert_element_type3A_287, %cond3A_288 : i32
        scf.if %cond3A_289 {
          %add3A_296 = arith.constant 2 : i32
          %add3A_297 = arith.addi %mul3A_250, %add3A_296 : i32
          %dma_start3A_298 = arith.constant 0 : i32
          %dma_start3A_299 = tpu.memref_slice %arg7[%add3A_297, %dma_start3A_298] : memref<40x128xi32, #tpu.memory_space<vmem>> -> memref<1x128xi32, #tpu.memory_space<vmem>>
          %dma_start3A_300 = tpu.memref_squeeze %dma_start3A_299 : memref<1x128xi32, #tpu.memory_space<vmem>> -> memref<128xi32, #tpu.memory_space<vmem>>
          %dma_start3A_301 = arith.constant 0 : i32
          %dma_start3A_302 = arith.constant 0 : i32
          %dma_start3A_303 = tpu.memref_slice %arg2[%dma_start3A_301, %dma_start3A_302] : memref<10000x128xf32, #tpu.memory_space<hbm>> -> memref<10000x128xf32, #tpu.memory_space<hbm>>
          tpu.enqueue_indirect_dma source(%dma_start3A_303 : memref<10000x128xf32, #tpu.memory_space<hbm>>) target(%arg9 : memref<128x128xf32, #tpu.memory_space<vmem>>) offsets(%dma_start3A_300 : memref<128xi32, #tpu.memory_space<vmem>>) semaphore(%arg12 : memref<!tpu.dma_semaphore, #tpu.memory_space<semaphore_mem>>)
          %dma_wait3A_304 = arith.constant 0 : i32
          %dma_wait3A_305 = tpu.memref_slice %arg7[%add3A_297, %dma_wait3A_304] : memref<40x128xi32, #tpu.memory_space<vmem>> -> memref<1x128xi32, #tpu.memory_space<vmem>>
          %dma_wait3A_306 = tpu.memref_squeeze %dma_wait3A_305 : memref<1x128xi32, #tpu.memory_space<vmem>> -> memref<128xi32, #tpu.memory_space<vmem>>
          %dma_wait3A_307 = arith.constant 0 : i32
          %dma_wait3A_308 = arith.constant 0 : i32
          %dma_wait3A_309 = tpu.memref_slice %arg2[%dma_wait3A_307, %dma_wait3A_308] : memref<10000x128xf32, #tpu.memory_space<hbm>> -> memref<10000x128xf32, #tpu.memory_space<hbm>>
          tpu.wait_indirect_dma semaphore(%arg12 : memref<!tpu.dma_semaphore, #tpu.memory_space<semaphore_mem>>) src(%dma_wait3A_309 : memref<10000x128xf32, #tpu.memory_space<hbm>>) dst(%arg9 : memref<128x128xf32, #tpu.memory_space<vmem>>)
        } else {
        }
        %dma_wait3A_290 = arith.constant 0 : i32
        %dma_wait3A_291 = tpu.memref_slice %arg8[%add3A_278, %dma_wait3A_290] : memref<40x128xi32, #tpu.memory_space<vmem>> -> memref<1x128xi32, #tpu.memory_space<vmem>>
        %dma_wait3A_292 = tpu.memref_squeeze %dma_wait3A_291 : memref<1x128xi32, #tpu.memory_space<vmem>> -> memref<128xi32, #tpu.memory_space<vmem>>
        %dma_wait3A_293 = arith.constant 0 : i32
        %dma_wait3A_294 = arith.constant 0 : i32
        %dma_wait3A_295 = tpu.memref_slice %arg11[%dma_wait3A_293, %dma_wait3A_294] : memref<10112x128xf32, #tpu.memory_space<vmem_shared>> -> memref<10112x128xf32, #tpu.memory_space<vmem_shared>>
        tpu.wait_indirect_dma semaphore(%arg13 : memref<!tpu.dma_semaphore, #tpu.memory_space<semaphore_mem>>) src(%arg10 : memref<128x128xf32, #tpu.memory_space<vmem>>) dst(%dma_wait3A_295 : memref<10112x128xf32, #tpu.memory_space<vmem_shared>>)
      }
      %scan3A_51 = arith.constant 20 : i32
    }
    %scan3A_20 = arith.constant 2 : i32
    %barrier3A_21 = arith.constant 0 : index
    tpu.barrier barrier_id(%barrier3A_21)
    %lt3A_22 = arith.constant 15 : i32
    %lt3A_23 = arith.cmpi slt, %arg1, %lt3A_22 : i32
    %convert_element_type3A_24 = arith.extui %lt3A_23 : i1 to i32
    %cond3A_25 = arith.constant 0 : i32
    %cond3A_26 = arith.cmpi ne, %convert_element_type3A_24, %cond3A_25 : i32
    scf.if %cond3A_26 {
      %mul3A_32 = arith.constant 632 : i32
      %mul3A_33 = arith.muli %arg1, %mul3A_32 : i32
      %mul3A_34 = arith.constant 632 : i32
      %mul3A_35 = arith.muli %arg1, %mul3A_34 : i32
      "tpu.region"() ({
        %run_scoped3A = tpu.sem_alloc : memref<!tpu.dma_semaphore, #tpu.memory_space<semaphore_mem>>
        %dma_start3A = arith.constant 0 : i32
        %dma_start3A_36 = tpu.memref_slice %arg6[%arg0, %mul3A_35, %dma_start3A] : memref<2x10000x128xf32, #tpu.memory_space<hbm>> -> memref<1x632x128xf32, #tpu.memory_space<hbm>>
        %dma_start3A_37 = tpu.memref_squeeze %dma_start3A_36 : memref<1x632x128xf32, #tpu.memory_space<hbm>> -> memref<632x128xf32, #tpu.memory_space<hbm>>
        %dma_start3A_38 = arith.constant 0 : i32
        %dma_start3A_39 = tpu.memref_slice %arg11[%mul3A_33, %dma_start3A_38] : memref<10112x128xf32, #tpu.memory_space<vmem_shared>> -> memref<632x128xf32, #tpu.memory_space<vmem_shared>>
        tpu.enqueue_dma source(%dma_start3A_39 : memref<632x128xf32, #tpu.memory_space<vmem_shared>>) target(%dma_start3A_37 : memref<632x128xf32, #tpu.memory_space<hbm>>) target_semaphore(%run_scoped3A : memref<!tpu.dma_semaphore, #tpu.memory_space<semaphore_mem>>)
        %dma_wait3A = arith.constant 0 : i32
        %dma_wait3A_40 = tpu.memref_slice %arg6[%arg0, %mul3A_35, %dma_wait3A] : memref<2x10000x128xf32, #tpu.memory_space<hbm>> -> memref<1x632x128xf32, #tpu.memory_space<hbm>>
        %dma_wait3A_41 = tpu.memref_squeeze %dma_wait3A_40 : memref<1x632x128xf32, #tpu.memory_space<hbm>> -> memref<632x128xf32, #tpu.memory_space<hbm>>
        %dma_wait3A_42 = arith.constant 0 : i32
        %dma_wait3A_43 = tpu.memref_slice %arg11[%mul3A_33, %dma_wait3A_42] : memref<10112x128xf32, #tpu.memory_space<vmem_shared>> -> memref<632x128xf32, #tpu.memory_space<vmem_shared>>
        tpu.wait_dma2 semaphore(%run_scoped3A : memref<!tpu.dma_semaphore, #tpu.memory_space<semaphore_mem>>) src(%dma_wait3A_43 : memref<632x128xf32, #tpu.memory_space<vmem_shared>>) dst(%dma_wait3A_41 : memref<632x128xf32, #tpu.memory_space<hbm>>)
        tpu.yield
      }) : () -> ()
    } else {
    }
    %eq3A_27 = arith.constant 15 : i32
    %eq3A_28 = arith.cmpi eq, %arg1, %eq3A_27 : i32
    %convert_element_type3A_29 = arith.extui %eq3A_28 : i1 to i32
    %cond3A_30 = arith.constant 0 : i32
    %cond3A_31 = arith.cmpi ne, %convert_element_type3A_29, %cond3A_30 : i32
    scf.if %cond3A_31 {
      "tpu.region"() ({
        %run_scoped3A = tpu.sem_alloc : memref<!tpu.dma_semaphore, #tpu.memory_space<semaphore_mem>>
        %dma_start3A = arith.constant 9480 : i32
        %dma_start3A_32 = arith.constant 0 : i32
        %dma_start3A_33 = tpu.memref_slice %arg6[%arg0, %dma_start3A, %dma_start3A_32] : memref<2x10000x128xf32, #tpu.memory_space<hbm>> -> memref<1x520x128xf32, #tpu.memory_space<hbm>>
        %dma_start3A_34 = tpu.memref_squeeze %dma_start3A_33 : memref<1x520x128xf32, #tpu.memory_space<hbm>> -> memref<520x128xf32, #tpu.memory_space<hbm>>
        %dma_start3A_35 = arith.constant 9480 : i32
        %dma_start3A_36 = arith.constant 0 : i32
        %dma_start3A_37 = tpu.memref_slice %arg11[%dma_start3A_35, %dma_start3A_36] : memref<10112x128xf32, #tpu.memory_space<vmem_shared>> -> memref<520x128xf32, #tpu.memory_space<vmem_shared>>
        tpu.enqueue_dma source(%dma_start3A_37 : memref<520x128xf32, #tpu.memory_space<vmem_shared>>) target(%dma_start3A_34 : memref<520x128xf32, #tpu.memory_space<hbm>>) target_semaphore(%run_scoped3A : memref<!tpu.dma_semaphore, #tpu.memory_space<semaphore_mem>>)
        %dma_wait3A = arith.constant 9480 : i32
        %dma_wait3A_38 = arith.constant 0 : i32
        %dma_wait3A_39 = tpu.memref_slice %arg6[%arg0, %dma_wait3A, %dma_wait3A_38] : memref<2x10000x128xf32, #tpu.memory_space<hbm>> -> memref<1x520x128xf32, #tpu.memory_space<hbm>>
        %dma_wait3A_40 = tpu.memref_squeeze %dma_wait3A_39 : memref<1x520x128xf32, #tpu.memory_space<hbm>> -> memref<520x128xf32, #tpu.memory_space<hbm>>
        %dma_wait3A_41 = arith.constant 9480 : i32
        %dma_wait3A_42 = arith.constant 0 : i32
        %dma_wait3A_43 = tpu.memref_slice %arg11[%dma_wait3A_41, %dma_wait3A_42] : memref<10112x128xf32, #tpu.memory_space<vmem_shared>> -> memref<520x128xf32, #tpu.memory_space<vmem_shared>>
        tpu.wait_dma2 semaphore(%run_scoped3A : memref<!tpu.dma_semaphore, #tpu.memory_space<semaphore_mem>>) src(%dma_wait3A_43 : memref<520x128xf32, #tpu.memory_space<vmem_shared>>) dst(%dma_wait3A_40 : memref<520x128xf32, #tpu.memory_space<hbm>>)
        tpu.yield
      }) : () -> ()
    } else {
    }
    return
  }
}

#map = affine_map<(d0, d1) -> (0, 0)>
#map1 = affine_map<(d0, d1) -> (0, 0, 0)>
module attributes {stable_mosaic.version = 14 : i64} {
  func.func @sc_agg(%arg0: i32, %arg1: i32, %arg2: memref<10000x128xf32, #tpu.memory_space<hbm>>, %arg3: memref<32x80x128xi32, #tpu.memory_space<hbm>>, %arg4: memref<32x80x128xi32, #tpu.memory_space<hbm>>, %arg5: memref<10112x128xf32, #tpu.memory_space<hbm>>, %arg6: memref<2x10000x128xf32, #tpu.memory_space<hbm>>, %arg7: memref<40x128xi32, #tpu.memory_space<vmem>>, %arg8: memref<40x128xi32, #tpu.memory_space<vmem>>, %arg9: memref<128x128xf32, #tpu.memory_space<vmem>>, %arg10: memref<128x128xf32, #tpu.memory_space<vmem>>, %arg11: memref<10112x128xf32, #tpu.memory_space<vmem_shared>>, %arg12: memref<!tpu.dma_semaphore, #tpu.memory_space<semaphore_mem>>, %arg13: memref<!tpu.dma_semaphore, #tpu.memory_space<semaphore_mem>>) attributes {dimension_semantics = [#tpu.dimension_semantics<core_parallel>, #tpu.dimension_semantics<subcore_parallel>], iteration_bounds = array<i64: 2, 16>, scalar_prefetch = 0 : i64, scratch_operands = 7 : i64, tpu.core_type = #tpu.core_type<sc_vector_subcore>, window_params = [{transform_indices = #map}, {transform_indices = #map1}, {transform_indices = #map1}, {transform_indices = #map}, {transform_indices = #map1}]} {
    %mul3A = arith.constant 2 : i32
    %mul3A_0 = arith.muli %arg1, %mul3A : i32
    %add3A = arith.addi %mul3A_0, %arg0 : i32
    %eq3A = arith.constant 0 : i32
    %eq3A_1 = arith.cmpi eq, %arg0, %eq3A : i32
    %lt3A = arith.constant 15 : i32
    %lt3A_2 = arith.cmpi slt, %arg1, %lt3A : i32
    %and3A = arith.andi %eq3A_1, %lt3A_2 : i1
    %convert_element_type3A = arith.extui %and3A : i1 to i32
    %cond3A = arith.constant 0 : i32
    %cond3A_3 = arith.cmpi ne, %convert_element_type3A, %cond3A : i32
    scf.if %cond3A_3 {
      %mul3A_32 = arith.constant 632 : i32
      %mul3A_33 = arith.muli %arg1, %mul3A_32 : i32
      %mul3A_34 = arith.constant 632 : i32
      %mul3A_35 = arith.muli %arg1, %mul3A_34 : i32
      "tpu.region"() ({
        %run_scoped3A = tpu.sem_alloc : memref<!tpu.dma_semaphore, #tpu.memory_space<semaphore_mem>>
        %dma_start3A = arith.constant 0 : i32
        %dma_start3A_36 = tpu.memref_slice %arg11[%mul3A_35, %dma_start3A] : memref<10112x128xf32, #tpu.memory_space<vmem_shared>> -> memref<632x128xf32, #tpu.memory_space<vmem_shared>>
        %dma_start3A_37 = arith.constant 0 : i32
        %dma_start3A_38 = tpu.memref_slice %arg2[%mul3A_33, %dma_start3A_37] : memref<10000x128xf32, #tpu.memory_space<hbm>> -> memref<632x128xf32, #tpu.memory_space<hbm>>
        tpu.enqueue_dma source(%dma_start3A_38 : memref<632x128xf32, #tpu.memory_space<hbm>>) target(%dma_start3A_36 : memref<632x128xf32, #tpu.memory_space<vmem_shared>>) target_semaphore(%run_scoped3A : memref<!tpu.dma_semaphore, #tpu.memory_space<semaphore_mem>>)
        %dma_wait3A = arith.constant 0 : i32
        %dma_wait3A_39 = tpu.memref_slice %arg11[%mul3A_35, %dma_wait3A] : memref<10112x128xf32, #tpu.memory_space<vmem_shared>> -> memref<632x128xf32, #tpu.memory_space<vmem_shared>>
        %dma_wait3A_40 = arith.constant 0 : i32
        %dma_wait3A_41 = tpu.memref_slice %arg2[%mul3A_33, %dma_wait3A_40] : memref<10000x128xf32, #tpu.memory_space<hbm>> -> memref<632x128xf32, #tpu.memory_space<hbm>>
        tpu.wait_dma2 semaphore(%run_scoped3A : memref<!tpu.dma_semaphore, #tpu.memory_space<semaphore_mem>>) src(%dma_wait3A_41 : memref<632x128xf32, #tpu.memory_space<hbm>>) dst(%dma_wait3A_39 : memref<632x128xf32, #tpu.memory_space<vmem_shared>>)
        tpu.yield
      }) : () -> ()
    } else {
    }
    %eq3A_4 = arith.constant 0 : i32
    %eq3A_5 = arith.cmpi eq, %arg0, %eq3A_4 : i32
    %eq3A_6 = arith.constant 15 : i32
    %eq3A_7 = arith.cmpi eq, %arg1, %eq3A_6 : i32
    %and3A_8 = arith.andi %eq3A_5, %eq3A_7 : i1
    %convert_element_type3A_9 = arith.extui %and3A_8 : i1 to i32
    %cond3A_10 = arith.constant 0 : i32
    %cond3A_11 = arith.cmpi ne, %convert_element_type3A_9, %cond3A_10 : i32
    scf.if %cond3A_11 {
      "tpu.region"() ({
        %run_scoped3A = tpu.sem_alloc : memref<!tpu.dma_semaphore, #tpu.memory_space<semaphore_mem>>
        %dma_start3A = arith.constant 9480 : i32
        %dma_start3A_32 = arith.constant 0 : i32
        %dma_start3A_33 = tpu.memref_slice %arg11[%dma_start3A, %dma_start3A_32] : memref<10112x128xf32, #tpu.memory_space<vmem_shared>> -> memref<520x128xf32, #tpu.memory_space<vmem_shared>>
        %dma_start3A_34 = arith.constant 9480 : i32
        %dma_start3A_35 = arith.constant 0 : i32
        %dma_start3A_36 = tpu.memref_slice %arg2[%dma_start3A_34, %dma_start3A_35] : memref<10000x128xf32, #tpu.memory_space<hbm>> -> memref<520x128xf32, #tpu.memory_space<hbm>>
        tpu.enqueue_dma source(%dma_start3A_36 : memref<520x128xf32, #tpu.memory_space<hbm>>) target(%dma_start3A_33 : memref<520x128xf32, #tpu.memory_space<vmem_shared>>) target_semaphore(%run_scoped3A : memref<!tpu.dma_semaphore, #tpu.memory_space<semaphore_mem>>)
        %dma_wait3A = arith.constant 9480 : i32
        %dma_wait3A_37 = arith.constant 0 : i32
        %dma_wait3A_38 = tpu.memref_slice %arg11[%dma_wait3A, %dma_wait3A_37] : memref<10112x128xf32, #tpu.memory_space<vmem_shared>> -> memref<520x128xf32, #tpu.memory_space<vmem_shared>>
        %dma_wait3A_39 = arith.constant 9480 : i32
        %dma_wait3A_40 = arith.constant 0 : i32
        %dma_wait3A_41 = tpu.memref_slice %arg2[%dma_wait3A_39, %dma_wait3A_40] : memref<10000x128xf32, #tpu.memory_space<hbm>> -> memref<520x128xf32, #tpu.memory_space<hbm>>
        tpu.wait_dma2 semaphore(%run_scoped3A : memref<!tpu.dma_semaphore, #tpu.memory_space<semaphore_mem>>) src(%dma_wait3A_41 : memref<520x128xf32, #tpu.memory_space<hbm>>) dst(%dma_wait3A_38 : memref<520x128xf32, #tpu.memory_space<vmem_shared>>)
        tpu.yield
      }) : () -> ()
      "tpu.region"() ({
        %run_scoped3A = tpu.sem_alloc : memref<!tpu.dma_semaphore, #tpu.memory_space<semaphore_mem>>
        %dma_start3A = arith.constant 10000 : i32
        %dma_start3A_32 = arith.constant 0 : i32
        %dma_start3A_33 = tpu.memref_slice %arg11[%dma_start3A, %dma_start3A_32] : memref<10112x128xf32, #tpu.memory_space<vmem_shared>> -> memref<112x128xf32, #tpu.memory_space<vmem_shared>>
        %dma_start3A_34 = arith.constant 0 : i32
        %dma_start3A_35 = arith.constant 0 : i32
        %dma_start3A_36 = tpu.memref_slice %arg5[%dma_start3A_34, %dma_start3A_35] : memref<10112x128xf32, #tpu.memory_space<hbm>> -> memref<112x128xf32, #tpu.memory_space<hbm>>
        tpu.enqueue_dma source(%dma_start3A_36 : memref<112x128xf32, #tpu.memory_space<hbm>>) target(%dma_start3A_33 : memref<112x128xf32, #tpu.memory_space<vmem_shared>>) target_semaphore(%run_scoped3A : memref<!tpu.dma_semaphore, #tpu.memory_space<semaphore_mem>>)
        %dma_wait3A = arith.constant 10000 : i32
        %dma_wait3A_37 = arith.constant 0 : i32
        %dma_wait3A_38 = tpu.memref_slice %arg11[%dma_wait3A, %dma_wait3A_37] : memref<10112x128xf32, #tpu.memory_space<vmem_shared>> -> memref<112x128xf32, #tpu.memory_space<vmem_shared>>
        %dma_wait3A_39 = arith.constant 0 : i32
        %dma_wait3A_40 = arith.constant 0 : i32
        %dma_wait3A_41 = tpu.memref_slice %arg5[%dma_wait3A_39, %dma_wait3A_40] : memref<10112x128xf32, #tpu.memory_space<hbm>> -> memref<112x128xf32, #tpu.memory_space<hbm>>
        tpu.wait_dma2 semaphore(%run_scoped3A : memref<!tpu.dma_semaphore, #tpu.memory_space<semaphore_mem>>) src(%dma_wait3A_41 : memref<112x128xf32, #tpu.memory_space<hbm>>) dst(%dma_wait3A_38 : memref<112x128xf32, #tpu.memory_space<vmem_shared>>)
        tpu.yield
      }) : () -> ()
    } else {
    }
    %eq3A_12 = arith.constant 1 : i32
    %eq3A_13 = arith.cmpi eq, %arg0, %eq3A_12 : i32
    %convert_element_type3A_14 = arith.extui %eq3A_13 : i1 to i32
    %cond3A_15 = arith.constant 0 : i32
    %cond3A_16 = arith.cmpi ne, %convert_element_type3A_14, %cond3A_15 : i32
    scf.if %cond3A_16 {
      %mul3A_32 = arith.constant 632 : i32
      %mul3A_33 = arith.muli %arg1, %mul3A_32 : i32
      %mul3A_34 = arith.constant 632 : i32
      %mul3A_35 = arith.muli %arg1, %mul3A_34 : i32
      "tpu.region"() ({
        %run_scoped3A = tpu.sem_alloc : memref<!tpu.dma_semaphore, #tpu.memory_space<semaphore_mem>>
        %dma_start3A = arith.constant 0 : i32
        %dma_start3A_36 = tpu.memref_slice %arg11[%mul3A_35, %dma_start3A] : memref<10112x128xf32, #tpu.memory_space<vmem_shared>> -> memref<632x128xf32, #tpu.memory_space<vmem_shared>>
        %dma_start3A_37 = arith.constant 0 : i32
        %dma_start3A_38 = tpu.memref_slice %arg5[%mul3A_33, %dma_start3A_37] : memref<10112x128xf32, #tpu.memory_space<hbm>> -> memref<632x128xf32, #tpu.memory_space<hbm>>
        tpu.enqueue_dma source(%dma_start3A_38 : memref<632x128xf32, #tpu.memory_space<hbm>>) target(%dma_start3A_36 : memref<632x128xf32, #tpu.memory_space<vmem_shared>>) target_semaphore(%run_scoped3A : memref<!tpu.dma_semaphore, #tpu.memory_space<semaphore_mem>>)
        %dma_wait3A = arith.constant 0 : i32
        %dma_wait3A_39 = tpu.memref_slice %arg11[%mul3A_35, %dma_wait3A] : memref<10112x128xf32, #tpu.memory_space<vmem_shared>> -> memref<632x128xf32, #tpu.memory_space<vmem_shared>>
        %dma_wait3A_40 = arith.constant 0 : i32
        %dma_wait3A_41 = tpu.memref_slice %arg5[%mul3A_33, %dma_wait3A_40] : memref<10112x128xf32, #tpu.memory_space<hbm>> -> memref<632x128xf32, #tpu.memory_space<hbm>>
        tpu.wait_dma2 semaphore(%run_scoped3A : memref<!tpu.dma_semaphore, #tpu.memory_space<semaphore_mem>>) src(%dma_wait3A_41 : memref<632x128xf32, #tpu.memory_space<hbm>>) dst(%dma_wait3A_39 : memref<632x128xf32, #tpu.memory_space<vmem_shared>>)
        tpu.yield
      }) : () -> ()
    } else {
    }
    %barrier3A = arith.constant 0 : index
    tpu.barrier barrier_id(%barrier3A)
    %scan3A = arith.constant 0 : i32
    %scan3A_17 = arith.constant 2 : i32
    %scan3A_18 = arith.addi %scan3A, %scan3A_17 : i32
    %scan3A_19 = arith.constant 1 : i32
    scf.for %scan3A_32 = %scan3A to %scan3A_18 step %scan3A_19  : i32 {
      %mul3A_33 = arith.constant 40 : i32
      %mul3A_34 = arith.muli %scan3A_32, %mul3A_33 : i32
      "tpu.region"() ({
        %run_scoped3A = tpu.sem_alloc : memref<!tpu.dma_semaphore, #tpu.memory_space<semaphore_mem>>
        %dma_start3A_52 = arith.constant 0 : i32
        %dma_start3A_53 = tpu.memref_slice %arg3[%add3A, %mul3A_34, %dma_start3A_52] : memref<32x80x128xi32, #tpu.memory_space<hbm>> -> memref<1x40x128xi32, #tpu.memory_space<hbm>>
        %dma_start3A_54 = tpu.memref_squeeze %dma_start3A_53 : memref<1x40x128xi32, #tpu.memory_space<hbm>> -> memref<40x128xi32, #tpu.memory_space<hbm>>
        %dma_start3A_55 = arith.constant 0 : i32
        %dma_start3A_56 = tpu.memref_slice %arg3[%add3A, %mul3A_34, %dma_start3A_55] : memref<32x80x128xi32, #tpu.memory_space<hbm>> -> memref<1x40x128xi32, #tpu.memory_space<hbm>>
        %dma_start3A_57 = tpu.memref_squeeze %dma_start3A_56 : memref<1x40x128xi32, #tpu.memory_space<hbm>> -> memref<40x128xi32, #tpu.memory_space<hbm>>
        tpu.enqueue_dma source(%dma_start3A_57 : memref<40x128xi32, #tpu.memory_space<hbm>>) target(%arg7 : memref<40x128xi32, #tpu.memory_space<vmem>>) target_semaphore(%run_scoped3A : memref<!tpu.dma_semaphore, #tpu.memory_space<semaphore_mem>>)
        %dma_wait3A_58 = arith.constant 0 : i32
        %dma_wait3A_59 = tpu.memref_slice %arg3[%add3A, %mul3A_34, %dma_wait3A_58] : memref<32x80x128xi32, #tpu.memory_space<hbm>> -> memref<1x40x128xi32, #tpu.memory_space<hbm>>
        %dma_wait3A_60 = tpu.memref_squeeze %dma_wait3A_59 : memref<1x40x128xi32, #tpu.memory_space<hbm>> -> memref<40x128xi32, #tpu.memory_space<hbm>>
        %dma_wait3A_61 = arith.constant 0 : i32
        %dma_wait3A_62 = tpu.memref_slice %arg3[%add3A, %mul3A_34, %dma_wait3A_61] : memref<32x80x128xi32, #tpu.memory_space<hbm>> -> memref<1x40x128xi32, #tpu.memory_space<hbm>>
        %dma_wait3A_63 = tpu.memref_squeeze %dma_wait3A_62 : memref<1x40x128xi32, #tpu.memory_space<hbm>> -> memref<40x128xi32, #tpu.memory_space<hbm>>
        tpu.wait_dma2 semaphore(%run_scoped3A : memref<!tpu.dma_semaphore, #tpu.memory_space<semaphore_mem>>) src(%dma_wait3A_63 : memref<40x128xi32, #tpu.memory_space<hbm>>) dst(%arg7 : memref<40x128xi32, #tpu.memory_space<vmem>>)
        tpu.yield
      }) : () -> ()
      "tpu.region"() ({
        %run_scoped3A = tpu.sem_alloc : memref<!tpu.dma_semaphore, #tpu.memory_space<semaphore_mem>>
        %dma_start3A_52 = arith.constant 0 : i32
        %dma_start3A_53 = tpu.memref_slice %arg4[%add3A, %mul3A_34, %dma_start3A_52] : memref<32x80x128xi32, #tpu.memory_space<hbm>> -> memref<1x40x128xi32, #tpu.memory_space<hbm>>
        %dma_start3A_54 = tpu.memref_squeeze %dma_start3A_53 : memref<1x40x128xi32, #tpu.memory_space<hbm>> -> memref<40x128xi32, #tpu.memory_space<hbm>>
        %dma_start3A_55 = arith.constant 0 : i32
        %dma_start3A_56 = tpu.memref_slice %arg4[%add3A, %mul3A_34, %dma_start3A_55] : memref<32x80x128xi32, #tpu.memory_space<hbm>> -> memref<1x40x128xi32, #tpu.memory_space<hbm>>
        %dma_start3A_57 = tpu.memref_squeeze %dma_start3A_56 : memref<1x40x128xi32, #tpu.memory_space<hbm>> -> memref<40x128xi32, #tpu.memory_space<hbm>>
        tpu.enqueue_dma source(%dma_start3A_57 : memref<40x128xi32, #tpu.memory_space<hbm>>) target(%arg8 : memref<40x128xi32, #tpu.memory_space<vmem>>) target_semaphore(%run_scoped3A : memref<!tpu.dma_semaphore, #tpu.memory_space<semaphore_mem>>)
        %dma_wait3A_58 = arith.constant 0 : i32
        %dma_wait3A_59 = tpu.memref_slice %arg4[%add3A, %mul3A_34, %dma_wait3A_58] : memref<32x80x128xi32, #tpu.memory_space<hbm>> -> memref<1x40x128xi32, #tpu.memory_space<hbm>>
        %dma_wait3A_60 = tpu.memref_squeeze %dma_wait3A_59 : memref<1x40x128xi32, #tpu.memory_space<hbm>> -> memref<40x128xi32, #tpu.memory_space<hbm>>
        %dma_wait3A_61 = arith.constant 0 : i32
        %dma_wait3A_62 = tpu.memref_slice %arg4[%add3A, %mul3A_34, %dma_wait3A_61] : memref<32x80x128xi32, #tpu.memory_space<hbm>> -> memref<1x40x128xi32, #tpu.memory_space<hbm>>
        %dma_wait3A_63 = tpu.memref_squeeze %dma_wait3A_62 : memref<1x40x128xi32, #tpu.memory_space<hbm>> -> memref<40x128xi32, #tpu.memory_space<hbm>>
        tpu.wait_dma2 semaphore(%run_scoped3A : memref<!tpu.dma_semaphore, #tpu.memory_space<semaphore_mem>>) src(%dma_wait3A_63 : memref<40x128xi32, #tpu.memory_space<hbm>>) dst(%arg8 : memref<40x128xi32, #tpu.memory_space<vmem>>)
        tpu.yield
      }) : () -> ()
      %dma_start3A = arith.constant 0 : i32
      %dma_start3A_35 = arith.constant 0 : i32
      %dma_start3A_36 = tpu.memref_slice %arg7[%dma_start3A, %dma_start3A_35] : memref<40x128xi32, #tpu.memory_space<vmem>> -> memref<1x128xi32, #tpu.memory_space<vmem>>
      %dma_start3A_37 = tpu.memref_squeeze %dma_start3A_36 : memref<1x128xi32, #tpu.memory_space<vmem>> -> memref<128xi32, #tpu.memory_space<vmem>>
      %dma_start3A_38 = arith.constant 0 : i32
      %dma_start3A_39 = arith.constant 0 : i32
      %dma_start3A_40 = tpu.memref_slice %arg2[%dma_start3A_38, %dma_start3A_39] : memref<10000x128xf32, #tpu.memory_space<hbm>> -> memref<10000x128xf32, #tpu.memory_space<hbm>>
      tpu.enqueue_indirect_dma source(%dma_start3A_40 : memref<10000x128xf32, #tpu.memory_space<hbm>>) target(%arg9 : memref<128x128xf32, #tpu.memory_space<vmem>>) offsets(%dma_start3A_37 : memref<128xi32, #tpu.memory_space<vmem>>) semaphore(%arg12 : memref<!tpu.dma_semaphore, #tpu.memory_space<semaphore_mem>>)
      %dma_wait3A = arith.constant 0 : i32
      %dma_wait3A_41 = arith.constant 0 : i32
      %dma_wait3A_42 = tpu.memref_slice %arg7[%dma_wait3A, %dma_wait3A_41] : memref<40x128xi32, #tpu.memory_space<vmem>> -> memref<1x128xi32, #tpu.memory_space<vmem>>
      %dma_wait3A_43 = tpu.memref_squeeze %dma_wait3A_42 : memref<1x128xi32, #tpu.memory_space<vmem>> -> memref<128xi32, #tpu.memory_space<vmem>>
      %dma_wait3A_44 = arith.constant 0 : i32
      %dma_wait3A_45 = arith.constant 0 : i32
      %dma_wait3A_46 = tpu.memref_slice %arg2[%dma_wait3A_44, %dma_wait3A_45] : memref<10000x128xf32, #tpu.memory_space<hbm>> -> memref<10000x128xf32, #tpu.memory_space<hbm>>
      tpu.wait_indirect_dma semaphore(%arg12 : memref<!tpu.dma_semaphore, #tpu.memory_space<semaphore_mem>>) src(%dma_wait3A_46 : memref<10000x128xf32, #tpu.memory_space<hbm>>) dst(%arg9 : memref<128x128xf32, #tpu.memory_space<vmem>>)
      %scan3A_47 = arith.constant 0 : i32
      %scan3A_48 = arith.constant 20 : i32
      %scan3A_49 = arith.addi %scan3A_47, %scan3A_48 : i32
      %scan3A_50 = arith.constant 5 : i32
      scf.for %scan3A_52 = %scan3A_47 to %scan3A_49 step %scan3A_50  : i32 {
        %mul3A_53 = arith.constant 2 : i32
        %mul3A_54 = arith.muli %scan3A_52, %mul3A_53 : i32
        %dma_start3A_55 = arith.constant 0 : i32
        %dma_start3A_56 = tpu.memref_slice %arg8[%mul3A_54, %dma_start3A_55] : memref<40x128xi32, #tpu.memory_space<vmem>> -> memref<1x128xi32, #tpu.memory_space<vmem>>
        %dma_start3A_57 = tpu.memref_squeeze %dma_start3A_56 : memref<1x128xi32, #tpu.memory_space<vmem>> -> memref<128xi32, #tpu.memory_space<vmem>>
        %dma_start3A_58 = arith.constant 0 : i32
        %dma_start3A_59 = arith.constant 0 : i32
        %dma_start3A_60 = tpu.memref_slice %arg11[%dma_start3A_58, %dma_start3A_59] : memref<10112x128xf32, #tpu.memory_space<vmem_shared>> -> memref<10112x128xf32, #tpu.memory_space<vmem_shared>>
        tpu.enqueue_indirect_dma source(%arg9 : memref<128x128xf32, #tpu.memory_space<vmem>>) target(%dma_start3A_60 : memref<10112x128xf32, #tpu.memory_space<vmem_shared>>) offsets(%dma_start3A_57 : memref<128xi32, #tpu.memory_space<vmem>>) semaphore(%arg13 : memref<!tpu.dma_semaphore, #tpu.memory_space<semaphore_mem>>) {add = true}
        %add3A_61 = arith.constant 1 : i32
        %add3A_62 = arith.addi %mul3A_54, %add3A_61 : i32
        %dma_start3A_63 = arith.constant 0 : i32
        %dma_start3A_64 = tpu.memref_slice %arg7[%add3A_62, %dma_start3A_63] : memref<40x128xi32, #tpu.memory_space<vmem>> -> memref<1x128xi32, #tpu.memory_space<vmem>>
        %dma_start3A_65 = tpu.memref_squeeze %dma_start3A_64 : memref<1x128xi32, #tpu.memory_space<vmem>> -> memref<128xi32, #tpu.memory_space<vmem>>
        %dma_start3A_66 = arith.constant 0 : i32
        %dma_start3A_67 = arith.constant 0 : i32
        %dma_start3A_68 = tpu.memref_slice %arg2[%dma_start3A_66, %dma_start3A_67] : memref<10000x128xf32, #tpu.memory_space<hbm>> -> memref<10000x128xf32, #tpu.memory_space<hbm>>
        tpu.enqueue_indirect_dma source(%dma_start3A_68 : memref<10000x128xf32, #tpu.memory_space<hbm>>) target(%arg10 : memref<128x128xf32, #tpu.memory_space<vmem>>) offsets(%dma_start3A_65 : memref<128xi32, #tpu.memory_space<vmem>>) semaphore(%arg12 : memref<!tpu.dma_semaphore, #tpu.memory_space<semaphore_mem>>)
        %dma_wait3A_69 = arith.constant 0 : i32
        %dma_wait3A_70 = tpu.memref_slice %arg8[%mul3A_54, %dma_wait3A_69] : memref<40x128xi32, #tpu.memory_space<vmem>> -> memref<1x128xi32, #tpu.memory_space<vmem>>
        %dma_wait3A_71 = tpu.memref_squeeze %dma_wait3A_70 : memref<1x128xi32, #tpu.memory_space<vmem>> -> memref<128xi32, #tpu.memory_space<vmem>>
        %dma_wait3A_72 = arith.constant 0 : i32
        %dma_wait3A_73 = arith.constant 0 : i32
        %dma_wait3A_74 = tpu.memref_slice %arg11[%dma_wait3A_72, %dma_wait3A_73] : memref<10112x128xf32, #tpu.memory_space<vmem_shared>> -> memref<10112x128xf32, #tpu.memory_space<vmem_shared>>
        tpu.wait_indirect_dma semaphore(%arg13 : memref<!tpu.dma_semaphore, #tpu.memory_space<semaphore_mem>>) src(%arg9 : memref<128x128xf32, #tpu.memory_space<vmem>>) dst(%dma_wait3A_74 : memref<10112x128xf32, #tpu.memory_space<vmem_shared>>)
        %dma_wait3A_75 = arith.constant 0 : i32
        %dma_wait3A_76 = tpu.memref_slice %arg7[%add3A_62, %dma_wait3A_75] : memref<40x128xi32, #tpu.memory_space<vmem>> -> memref<1x128xi32, #tpu.memory_space<vmem>>
        %dma_wait3A_77 = tpu.memref_squeeze %dma_wait3A_76 : memref<1x128xi32, #tpu.memory_space<vmem>> -> memref<128xi32, #tpu.memory_space<vmem>>
        %dma_wait3A_78 = arith.constant 0 : i32
        %dma_wait3A_79 = arith.constant 0 : i32
        %dma_wait3A_80 = tpu.memref_slice %arg2[%dma_wait3A_78, %dma_wait3A_79] : memref<10000x128xf32, #tpu.memory_space<hbm>> -> memref<10000x128xf32, #tpu.memory_space<hbm>>
        tpu.wait_indirect_dma semaphore(%arg12 : memref<!tpu.dma_semaphore, #tpu.memory_space<semaphore_mem>>) src(%dma_wait3A_80 : memref<10000x128xf32, #tpu.memory_space<hbm>>) dst(%arg10 : memref<128x128xf32, #tpu.memory_space<vmem>>)
        %add3A_81 = arith.constant 1 : i32
        %add3A_82 = arith.addi %mul3A_54, %add3A_81 : i32
        %dma_start3A_83 = arith.constant 0 : i32
        %dma_start3A_84 = tpu.memref_slice %arg8[%add3A_82, %dma_start3A_83] : memref<40x128xi32, #tpu.memory_space<vmem>> -> memref<1x128xi32, #tpu.memory_space<vmem>>
        %dma_start3A_85 = tpu.memref_squeeze %dma_start3A_84 : memref<1x128xi32, #tpu.memory_space<vmem>> -> memref<128xi32, #tpu.memory_space<vmem>>
        %dma_start3A_86 = arith.constant 0 : i32
        %dma_start3A_87 = arith.constant 0 : i32
        %dma_start3A_88 = tpu.memref_slice %arg11[%dma_start3A_86, %dma_start3A_87] : memref<10112x128xf32, #tpu.memory_space<vmem_shared>> -> memref<10112x128xf32, #tpu.memory_space<vmem_shared>>
        tpu.enqueue_indirect_dma source(%arg10 : memref<128x128xf32, #tpu.memory_space<vmem>>) target(%dma_start3A_88 : memref<10112x128xf32, #tpu.memory_space<vmem_shared>>) offsets(%dma_start3A_85 : memref<128xi32, #tpu.memory_space<vmem>>) semaphore(%arg13 : memref<!tpu.dma_semaphore, #tpu.memory_space<semaphore_mem>>) {add = true}
        %lt3A_89 = arith.constant 19 : i32
        %lt3A_90 = arith.cmpi slt, %scan3A_52, %lt3A_89 : i32
        %convert_element_type3A_91 = arith.extui %lt3A_90 : i1 to i32
        %cond3A_92 = arith.constant 0 : i32
        %cond3A_93 = arith.cmpi ne, %convert_element_type3A_91, %cond3A_92 : i32
        scf.if %cond3A_93 {
          %add3A_296 = arith.constant 2 : i32
          %add3A_297 = arith.addi %mul3A_54, %add3A_296 : i32
          %dma_start3A_298 = arith.constant 0 : i32
          %dma_start3A_299 = tpu.memref_slice %arg7[%add3A_297, %dma_start3A_298] : memref<40x128xi32, #tpu.memory_space<vmem>> -> memref<1x128xi32, #tpu.memory_space<vmem>>
          %dma_start3A_300 = tpu.memref_squeeze %dma_start3A_299 : memref<1x128xi32, #tpu.memory_space<vmem>> -> memref<128xi32, #tpu.memory_space<vmem>>
          %dma_start3A_301 = arith.constant 0 : i32
          %dma_start3A_302 = arith.constant 0 : i32
          %dma_start3A_303 = tpu.memref_slice %arg2[%dma_start3A_301, %dma_start3A_302] : memref<10000x128xf32, #tpu.memory_space<hbm>> -> memref<10000x128xf32, #tpu.memory_space<hbm>>
          tpu.enqueue_indirect_dma source(%dma_start3A_303 : memref<10000x128xf32, #tpu.memory_space<hbm>>) target(%arg9 : memref<128x128xf32, #tpu.memory_space<vmem>>) offsets(%dma_start3A_300 : memref<128xi32, #tpu.memory_space<vmem>>) semaphore(%arg12 : memref<!tpu.dma_semaphore, #tpu.memory_space<semaphore_mem>>)
          %dma_wait3A_304 = arith.constant 0 : i32
          %dma_wait3A_305 = tpu.memref_slice %arg7[%add3A_297, %dma_wait3A_304] : memref<40x128xi32, #tpu.memory_space<vmem>> -> memref<1x128xi32, #tpu.memory_space<vmem>>
          %dma_wait3A_306 = tpu.memref_squeeze %dma_wait3A_305 : memref<1x128xi32, #tpu.memory_space<vmem>> -> memref<128xi32, #tpu.memory_space<vmem>>
          %dma_wait3A_307 = arith.constant 0 : i32
          %dma_wait3A_308 = arith.constant 0 : i32
          %dma_wait3A_309 = tpu.memref_slice %arg2[%dma_wait3A_307, %dma_wait3A_308] : memref<10000x128xf32, #tpu.memory_space<hbm>> -> memref<10000x128xf32, #tpu.memory_space<hbm>>
          tpu.wait_indirect_dma semaphore(%arg12 : memref<!tpu.dma_semaphore, #tpu.memory_space<semaphore_mem>>) src(%dma_wait3A_309 : memref<10000x128xf32, #tpu.memory_space<hbm>>) dst(%arg9 : memref<128x128xf32, #tpu.memory_space<vmem>>)
        } else {
        }
        %dma_wait3A_94 = arith.constant 0 : i32
        %dma_wait3A_95 = tpu.memref_slice %arg8[%add3A_82, %dma_wait3A_94] : memref<40x128xi32, #tpu.memory_space<vmem>> -> memref<1x128xi32, #tpu.memory_space<vmem>>
        %dma_wait3A_96 = tpu.memref_squeeze %dma_wait3A_95 : memref<1x128xi32, #tpu.memory_space<vmem>> -> memref<128xi32, #tpu.memory_space<vmem>>
        %dma_wait3A_97 = arith.constant 0 : i32
        %dma_wait3A_98 = arith.constant 0 : i32
        %dma_wait3A_99 = tpu.memref_slice %arg11[%dma_wait3A_97, %dma_wait3A_98] : memref<10112x128xf32, #tpu.memory_space<vmem_shared>> -> memref<10112x128xf32, #tpu.memory_space<vmem_shared>>
        tpu.wait_indirect_dma semaphore(%arg13 : memref<!tpu.dma_semaphore, #tpu.memory_space<semaphore_mem>>) src(%arg10 : memref<128x128xf32, #tpu.memory_space<vmem>>) dst(%dma_wait3A_99 : memref<10112x128xf32, #tpu.memory_space<vmem_shared>>)
        %scan3A_100 = arith.constant 1 : i32
        %scan3A_101 = arith.addi %scan3A_52, %scan3A_100 : i32
        %mul3A_102 = arith.constant 2 : i32
        %mul3A_103 = arith.muli %scan3A_101, %mul3A_102 : i32
        %dma_start3A_104 = arith.constant 0 : i32
        %dma_start3A_105 = tpu.memref_slice %arg8[%mul3A_103, %dma_start3A_104] : memref<40x128xi32, #tpu.memory_space<vmem>> -> memref<1x128xi32, #tpu.memory_space<vmem>>
        %dma_start3A_106 = tpu.memref_squeeze %dma_start3A_105 : memref<1x128xi32, #tpu.memory_space<vmem>> -> memref<128xi32, #tpu.memory_space<vmem>>
        %dma_start3A_107 = arith.constant 0 : i32
        %dma_start3A_108 = arith.constant 0 : i32
        %dma_start3A_109 = tpu.memref_slice %arg11[%dma_start3A_107, %dma_start3A_108] : memref<10112x128xf32, #tpu.memory_space<vmem_shared>> -> memref<10112x128xf32, #tpu.memory_space<vmem_shared>>
        tpu.enqueue_indirect_dma source(%arg9 : memref<128x128xf32, #tpu.memory_space<vmem>>) target(%dma_start3A_109 : memref<10112x128xf32, #tpu.memory_space<vmem_shared>>) offsets(%dma_start3A_106 : memref<128xi32, #tpu.memory_space<vmem>>) semaphore(%arg13 : memref<!tpu.dma_semaphore, #tpu.memory_space<semaphore_mem>>) {add = true}
        %add3A_110 = arith.constant 1 : i32
        %add3A_111 = arith.addi %mul3A_103, %add3A_110 : i32
        %dma_start3A_112 = arith.constant 0 : i32
        %dma_start3A_113 = tpu.memref_slice %arg7[%add3A_111, %dma_start3A_112] : memref<40x128xi32, #tpu.memory_space<vmem>> -> memref<1x128xi32, #tpu.memory_space<vmem>>
        %dma_start3A_114 = tpu.memref_squeeze %dma_start3A_113 : memref<1x128xi32, #tpu.memory_space<vmem>> -> memref<128xi32, #tpu.memory_space<vmem>>
        %dma_start3A_115 = arith.constant 0 : i32
        %dma_start3A_116 = arith.constant 0 : i32
        %dma_start3A_117 = tpu.memref_slice %arg2[%dma_start3A_115, %dma_start3A_116] : memref<10000x128xf32, #tpu.memory_space<hbm>> -> memref<10000x128xf32, #tpu.memory_space<hbm>>
        tpu.enqueue_indirect_dma source(%dma_start3A_117 : memref<10000x128xf32, #tpu.memory_space<hbm>>) target(%arg10 : memref<128x128xf32, #tpu.memory_space<vmem>>) offsets(%dma_start3A_114 : memref<128xi32, #tpu.memory_space<vmem>>) semaphore(%arg12 : memref<!tpu.dma_semaphore, #tpu.memory_space<semaphore_mem>>)
        %dma_wait3A_118 = arith.constant 0 : i32
        %dma_wait3A_119 = tpu.memref_slice %arg8[%mul3A_103, %dma_wait3A_118] : memref<40x128xi32, #tpu.memory_space<vmem>> -> memref<1x128xi32, #tpu.memory_space<vmem>>
        %dma_wait3A_120 = tpu.memref_squeeze %dma_wait3A_119 : memref<1x128xi32, #tpu.memory_space<vmem>> -> memref<128xi32, #tpu.memory_space<vmem>>
        %dma_wait3A_121 = arith.constant 0 : i32
        %dma_wait3A_122 = arith.constant 0 : i32
        %dma_wait3A_123 = tpu.memref_slice %arg11[%dma_wait3A_121, %dma_wait3A_122] : memref<10112x128xf32, #tpu.memory_space<vmem_shared>> -> memref<10112x128xf32, #tpu.memory_space<vmem_shared>>
        tpu.wait_indirect_dma semaphore(%arg13 : memref<!tpu.dma_semaphore, #tpu.memory_space<semaphore_mem>>) src(%arg9 : memref<128x128xf32, #tpu.memory_space<vmem>>) dst(%dma_wait3A_123 : memref<10112x128xf32, #tpu.memory_space<vmem_shared>>)
        %dma_wait3A_124 = arith.constant 0 : i32
        %dma_wait3A_125 = tpu.memref_slice %arg7[%add3A_111, %dma_wait3A_124] : memref<40x128xi32, #tpu.memory_space<vmem>> -> memref<1x128xi32, #tpu.memory_space<vmem>>
        %dma_wait3A_126 = tpu.memref_squeeze %dma_wait3A_125 : memref<1x128xi32, #tpu.memory_space<vmem>> -> memref<128xi32, #tpu.memory_space<vmem>>
        %dma_wait3A_127 = arith.constant 0 : i32
        %dma_wait3A_128 = arith.constant 0 : i32
        %dma_wait3A_129 = tpu.memref_slice %arg2[%dma_wait3A_127, %dma_wait3A_128] : memref<10000x128xf32, #tpu.memory_space<hbm>> -> memref<10000x128xf32, #tpu.memory_space<hbm>>
        tpu.wait_indirect_dma semaphore(%arg12 : memref<!tpu.dma_semaphore, #tpu.memory_space<semaphore_mem>>) src(%dma_wait3A_129 : memref<10000x128xf32, #tpu.memory_space<hbm>>) dst(%arg10 : memref<128x128xf32, #tpu.memory_space<vmem>>)
        %add3A_130 = arith.constant 1 : i32
        %add3A_131 = arith.addi %mul3A_103, %add3A_130 : i32
        %dma_start3A_132 = arith.constant 0 : i32
        %dma_start3A_133 = tpu.memref_slice %arg8[%add3A_131, %dma_start3A_132] : memref<40x128xi32, #tpu.memory_space<vmem>> -> memref<1x128xi32, #tpu.memory_space<vmem>>
        %dma_start3A_134 = tpu.memref_squeeze %dma_start3A_133 : memref<1x128xi32, #tpu.memory_space<vmem>> -> memref<128xi32, #tpu.memory_space<vmem>>
        %dma_start3A_135 = arith.constant 0 : i32
        %dma_start3A_136 = arith.constant 0 : i32
        %dma_start3A_137 = tpu.memref_slice %arg11[%dma_start3A_135, %dma_start3A_136] : memref<10112x128xf32, #tpu.memory_space<vmem_shared>> -> memref<10112x128xf32, #tpu.memory_space<vmem_shared>>
        tpu.enqueue_indirect_dma source(%arg10 : memref<128x128xf32, #tpu.memory_space<vmem>>) target(%dma_start3A_137 : memref<10112x128xf32, #tpu.memory_space<vmem_shared>>) offsets(%dma_start3A_134 : memref<128xi32, #tpu.memory_space<vmem>>) semaphore(%arg13 : memref<!tpu.dma_semaphore, #tpu.memory_space<semaphore_mem>>) {add = true}
        %lt3A_138 = arith.constant 19 : i32
        %lt3A_139 = arith.cmpi slt, %scan3A_101, %lt3A_138 : i32
        %convert_element_type3A_140 = arith.extui %lt3A_139 : i1 to i32
        %cond3A_141 = arith.constant 0 : i32
        %cond3A_142 = arith.cmpi ne, %convert_element_type3A_140, %cond3A_141 : i32
        scf.if %cond3A_142 {
          %add3A_296 = arith.constant 2 : i32
          %add3A_297 = arith.addi %mul3A_103, %add3A_296 : i32
          %dma_start3A_298 = arith.constant 0 : i32
          %dma_start3A_299 = tpu.memref_slice %arg7[%add3A_297, %dma_start3A_298] : memref<40x128xi32, #tpu.memory_space<vmem>> -> memref<1x128xi32, #tpu.memory_space<vmem>>
          %dma_start3A_300 = tpu.memref_squeeze %dma_start3A_299 : memref<1x128xi32, #tpu.memory_space<vmem>> -> memref<128xi32, #tpu.memory_space<vmem>>
          %dma_start3A_301 = arith.constant 0 : i32
          %dma_start3A_302 = arith.constant 0 : i32
          %dma_start3A_303 = tpu.memref_slice %arg2[%dma_start3A_301, %dma_start3A_302] : memref<10000x128xf32, #tpu.memory_space<hbm>> -> memref<10000x128xf32, #tpu.memory_space<hbm>>
          tpu.enqueue_indirect_dma source(%dma_start3A_303 : memref<10000x128xf32, #tpu.memory_space<hbm>>) target(%arg9 : memref<128x128xf32, #tpu.memory_space<vmem>>) offsets(%dma_start3A_300 : memref<128xi32, #tpu.memory_space<vmem>>) semaphore(%arg12 : memref<!tpu.dma_semaphore, #tpu.memory_space<semaphore_mem>>)
          %dma_wait3A_304 = arith.constant 0 : i32
          %dma_wait3A_305 = tpu.memref_slice %arg7[%add3A_297, %dma_wait3A_304] : memref<40x128xi32, #tpu.memory_space<vmem>> -> memref<1x128xi32, #tpu.memory_space<vmem>>
          %dma_wait3A_306 = tpu.memref_squeeze %dma_wait3A_305 : memref<1x128xi32, #tpu.memory_space<vmem>> -> memref<128xi32, #tpu.memory_space<vmem>>
          %dma_wait3A_307 = arith.constant 0 : i32
          %dma_wait3A_308 = arith.constant 0 : i32
          %dma_wait3A_309 = tpu.memref_slice %arg2[%dma_wait3A_307, %dma_wait3A_308] : memref<10000x128xf32, #tpu.memory_space<hbm>> -> memref<10000x128xf32, #tpu.memory_space<hbm>>
          tpu.wait_indirect_dma semaphore(%arg12 : memref<!tpu.dma_semaphore, #tpu.memory_space<semaphore_mem>>) src(%dma_wait3A_309 : memref<10000x128xf32, #tpu.memory_space<hbm>>) dst(%arg9 : memref<128x128xf32, #tpu.memory_space<vmem>>)
        } else {
        }
        %dma_wait3A_143 = arith.constant 0 : i32
        %dma_wait3A_144 = tpu.memref_slice %arg8[%add3A_131, %dma_wait3A_143] : memref<40x128xi32, #tpu.memory_space<vmem>> -> memref<1x128xi32, #tpu.memory_space<vmem>>
        %dma_wait3A_145 = tpu.memref_squeeze %dma_wait3A_144 : memref<1x128xi32, #tpu.memory_space<vmem>> -> memref<128xi32, #tpu.memory_space<vmem>>
        %dma_wait3A_146 = arith.constant 0 : i32
        %dma_wait3A_147 = arith.constant 0 : i32
        %dma_wait3A_148 = tpu.memref_slice %arg11[%dma_wait3A_146, %dma_wait3A_147] : memref<10112x128xf32, #tpu.memory_space<vmem_shared>> -> memref<10112x128xf32, #tpu.memory_space<vmem_shared>>
        tpu.wait_indirect_dma semaphore(%arg13 : memref<!tpu.dma_semaphore, #tpu.memory_space<semaphore_mem>>) src(%arg10 : memref<128x128xf32, #tpu.memory_space<vmem>>) dst(%dma_wait3A_148 : memref<10112x128xf32, #tpu.memory_space<vmem_shared>>)
        %scan3A_149 = arith.constant 2 : i32
        %scan3A_150 = arith.addi %scan3A_52, %scan3A_149 : i32
        %mul3A_151 = arith.constant 2 : i32
        %mul3A_152 = arith.muli %scan3A_150, %mul3A_151 : i32
        %dma_start3A_153 = arith.constant 0 : i32
        %dma_start3A_154 = tpu.memref_slice %arg8[%mul3A_152, %dma_start3A_153] : memref<40x128xi32, #tpu.memory_space<vmem>> -> memref<1x128xi32, #tpu.memory_space<vmem>>
        %dma_start3A_155 = tpu.memref_squeeze %dma_start3A_154 : memref<1x128xi32, #tpu.memory_space<vmem>> -> memref<128xi32, #tpu.memory_space<vmem>>
        %dma_start3A_156 = arith.constant 0 : i32
        %dma_start3A_157 = arith.constant 0 : i32
        %dma_start3A_158 = tpu.memref_slice %arg11[%dma_start3A_156, %dma_start3A_157] : memref<10112x128xf32, #tpu.memory_space<vmem_shared>> -> memref<10112x128xf32, #tpu.memory_space<vmem_shared>>
        tpu.enqueue_indirect_dma source(%arg9 : memref<128x128xf32, #tpu.memory_space<vmem>>) target(%dma_start3A_158 : memref<10112x128xf32, #tpu.memory_space<vmem_shared>>) offsets(%dma_start3A_155 : memref<128xi32, #tpu.memory_space<vmem>>) semaphore(%arg13 : memref<!tpu.dma_semaphore, #tpu.memory_space<semaphore_mem>>) {add = true}
        %add3A_159 = arith.constant 1 : i32
        %add3A_160 = arith.addi %mul3A_152, %add3A_159 : i32
        %dma_start3A_161 = arith.constant 0 : i32
        %dma_start3A_162 = tpu.memref_slice %arg7[%add3A_160, %dma_start3A_161] : memref<40x128xi32, #tpu.memory_space<vmem>> -> memref<1x128xi32, #tpu.memory_space<vmem>>
        %dma_start3A_163 = tpu.memref_squeeze %dma_start3A_162 : memref<1x128xi32, #tpu.memory_space<vmem>> -> memref<128xi32, #tpu.memory_space<vmem>>
        %dma_start3A_164 = arith.constant 0 : i32
        %dma_start3A_165 = arith.constant 0 : i32
        %dma_start3A_166 = tpu.memref_slice %arg2[%dma_start3A_164, %dma_start3A_165] : memref<10000x128xf32, #tpu.memory_space<hbm>> -> memref<10000x128xf32, #tpu.memory_space<hbm>>
        tpu.enqueue_indirect_dma source(%dma_start3A_166 : memref<10000x128xf32, #tpu.memory_space<hbm>>) target(%arg10 : memref<128x128xf32, #tpu.memory_space<vmem>>) offsets(%dma_start3A_163 : memref<128xi32, #tpu.memory_space<vmem>>) semaphore(%arg12 : memref<!tpu.dma_semaphore, #tpu.memory_space<semaphore_mem>>)
        %dma_wait3A_167 = arith.constant 0 : i32
        %dma_wait3A_168 = tpu.memref_slice %arg8[%mul3A_152, %dma_wait3A_167] : memref<40x128xi32, #tpu.memory_space<vmem>> -> memref<1x128xi32, #tpu.memory_space<vmem>>
        %dma_wait3A_169 = tpu.memref_squeeze %dma_wait3A_168 : memref<1x128xi32, #tpu.memory_space<vmem>> -> memref<128xi32, #tpu.memory_space<vmem>>
        %dma_wait3A_170 = arith.constant 0 : i32
        %dma_wait3A_171 = arith.constant 0 : i32
        %dma_wait3A_172 = tpu.memref_slice %arg11[%dma_wait3A_170, %dma_wait3A_171] : memref<10112x128xf32, #tpu.memory_space<vmem_shared>> -> memref<10112x128xf32, #tpu.memory_space<vmem_shared>>
        tpu.wait_indirect_dma semaphore(%arg13 : memref<!tpu.dma_semaphore, #tpu.memory_space<semaphore_mem>>) src(%arg9 : memref<128x128xf32, #tpu.memory_space<vmem>>) dst(%dma_wait3A_172 : memref<10112x128xf32, #tpu.memory_space<vmem_shared>>)
        %dma_wait3A_173 = arith.constant 0 : i32
        %dma_wait3A_174 = tpu.memref_slice %arg7[%add3A_160, %dma_wait3A_173] : memref<40x128xi32, #tpu.memory_space<vmem>> -> memref<1x128xi32, #tpu.memory_space<vmem>>
        %dma_wait3A_175 = tpu.memref_squeeze %dma_wait3A_174 : memref<1x128xi32, #tpu.memory_space<vmem>> -> memref<128xi32, #tpu.memory_space<vmem>>
        %dma_wait3A_176 = arith.constant 0 : i32
        %dma_wait3A_177 = arith.constant 0 : i32
        %dma_wait3A_178 = tpu.memref_slice %arg2[%dma_wait3A_176, %dma_wait3A_177] : memref<10000x128xf32, #tpu.memory_space<hbm>> -> memref<10000x128xf32, #tpu.memory_space<hbm>>
        tpu.wait_indirect_dma semaphore(%arg12 : memref<!tpu.dma_semaphore, #tpu.memory_space<semaphore_mem>>) src(%dma_wait3A_178 : memref<10000x128xf32, #tpu.memory_space<hbm>>) dst(%arg10 : memref<128x128xf32, #tpu.memory_space<vmem>>)
        %add3A_179 = arith.constant 1 : i32
        %add3A_180 = arith.addi %mul3A_152, %add3A_179 : i32
        %dma_start3A_181 = arith.constant 0 : i32
        %dma_start3A_182 = tpu.memref_slice %arg8[%add3A_180, %dma_start3A_181] : memref<40x128xi32, #tpu.memory_space<vmem>> -> memref<1x128xi32, #tpu.memory_space<vmem>>
        %dma_start3A_183 = tpu.memref_squeeze %dma_start3A_182 : memref<1x128xi32, #tpu.memory_space<vmem>> -> memref<128xi32, #tpu.memory_space<vmem>>
        %dma_start3A_184 = arith.constant 0 : i32
        %dma_start3A_185 = arith.constant 0 : i32
        %dma_start3A_186 = tpu.memref_slice %arg11[%dma_start3A_184, %dma_start3A_185] : memref<10112x128xf32, #tpu.memory_space<vmem_shared>> -> memref<10112x128xf32, #tpu.memory_space<vmem_shared>>
        tpu.enqueue_indirect_dma source(%arg10 : memref<128x128xf32, #tpu.memory_space<vmem>>) target(%dma_start3A_186 : memref<10112x128xf32, #tpu.memory_space<vmem_shared>>) offsets(%dma_start3A_183 : memref<128xi32, #tpu.memory_space<vmem>>) semaphore(%arg13 : memref<!tpu.dma_semaphore, #tpu.memory_space<semaphore_mem>>) {add = true}
        %lt3A_187 = arith.constant 19 : i32
        %lt3A_188 = arith.cmpi slt, %scan3A_150, %lt3A_187 : i32
        %convert_element_type3A_189 = arith.extui %lt3A_188 : i1 to i32
        %cond3A_190 = arith.constant 0 : i32
        %cond3A_191 = arith.cmpi ne, %convert_element_type3A_189, %cond3A_190 : i32
        scf.if %cond3A_191 {
          %add3A_296 = arith.constant 2 : i32
          %add3A_297 = arith.addi %mul3A_152, %add3A_296 : i32
          %dma_start3A_298 = arith.constant 0 : i32
          %dma_start3A_299 = tpu.memref_slice %arg7[%add3A_297, %dma_start3A_298] : memref<40x128xi32, #tpu.memory_space<vmem>> -> memref<1x128xi32, #tpu.memory_space<vmem>>
          %dma_start3A_300 = tpu.memref_squeeze %dma_start3A_299 : memref<1x128xi32, #tpu.memory_space<vmem>> -> memref<128xi32, #tpu.memory_space<vmem>>
          %dma_start3A_301 = arith.constant 0 : i32
          %dma_start3A_302 = arith.constant 0 : i32
          %dma_start3A_303 = tpu.memref_slice %arg2[%dma_start3A_301, %dma_start3A_302] : memref<10000x128xf32, #tpu.memory_space<hbm>> -> memref<10000x128xf32, #tpu.memory_space<hbm>>
          tpu.enqueue_indirect_dma source(%dma_start3A_303 : memref<10000x128xf32, #tpu.memory_space<hbm>>) target(%arg9 : memref<128x128xf32, #tpu.memory_space<vmem>>) offsets(%dma_start3A_300 : memref<128xi32, #tpu.memory_space<vmem>>) semaphore(%arg12 : memref<!tpu.dma_semaphore, #tpu.memory_space<semaphore_mem>>)
          %dma_wait3A_304 = arith.constant 0 : i32
          %dma_wait3A_305 = tpu.memref_slice %arg7[%add3A_297, %dma_wait3A_304] : memref<40x128xi32, #tpu.memory_space<vmem>> -> memref<1x128xi32, #tpu.memory_space<vmem>>
          %dma_wait3A_306 = tpu.memref_squeeze %dma_wait3A_305 : memref<1x128xi32, #tpu.memory_space<vmem>> -> memref<128xi32, #tpu.memory_space<vmem>>
          %dma_wait3A_307 = arith.constant 0 : i32
          %dma_wait3A_308 = arith.constant 0 : i32
          %dma_wait3A_309 = tpu.memref_slice %arg2[%dma_wait3A_307, %dma_wait3A_308] : memref<10000x128xf32, #tpu.memory_space<hbm>> -> memref<10000x128xf32, #tpu.memory_space<hbm>>
          tpu.wait_indirect_dma semaphore(%arg12 : memref<!tpu.dma_semaphore, #tpu.memory_space<semaphore_mem>>) src(%dma_wait3A_309 : memref<10000x128xf32, #tpu.memory_space<hbm>>) dst(%arg9 : memref<128x128xf32, #tpu.memory_space<vmem>>)
        } else {
        }
        %dma_wait3A_192 = arith.constant 0 : i32
        %dma_wait3A_193 = tpu.memref_slice %arg8[%add3A_180, %dma_wait3A_192] : memref<40x128xi32, #tpu.memory_space<vmem>> -> memref<1x128xi32, #tpu.memory_space<vmem>>
        %dma_wait3A_194 = tpu.memref_squeeze %dma_wait3A_193 : memref<1x128xi32, #tpu.memory_space<vmem>> -> memref<128xi32, #tpu.memory_space<vmem>>
        %dma_wait3A_195 = arith.constant 0 : i32
        %dma_wait3A_196 = arith.constant 0 : i32
        %dma_wait3A_197 = tpu.memref_slice %arg11[%dma_wait3A_195, %dma_wait3A_196] : memref<10112x128xf32, #tpu.memory_space<vmem_shared>> -> memref<10112x128xf32, #tpu.memory_space<vmem_shared>>
        tpu.wait_indirect_dma semaphore(%arg13 : memref<!tpu.dma_semaphore, #tpu.memory_space<semaphore_mem>>) src(%arg10 : memref<128x128xf32, #tpu.memory_space<vmem>>) dst(%dma_wait3A_197 : memref<10112x128xf32, #tpu.memory_space<vmem_shared>>)
        %scan3A_198 = arith.constant 3 : i32
        %scan3A_199 = arith.addi %scan3A_52, %scan3A_198 : i32
        %mul3A_200 = arith.constant 2 : i32
        %mul3A_201 = arith.muli %scan3A_199, %mul3A_200 : i32
        %dma_start3A_202 = arith.constant 0 : i32
        %dma_start3A_203 = tpu.memref_slice %arg8[%mul3A_201, %dma_start3A_202] : memref<40x128xi32, #tpu.memory_space<vmem>> -> memref<1x128xi32, #tpu.memory_space<vmem>>
        %dma_start3A_204 = tpu.memref_squeeze %dma_start3A_203 : memref<1x128xi32, #tpu.memory_space<vmem>> -> memref<128xi32, #tpu.memory_space<vmem>>
        %dma_start3A_205 = arith.constant 0 : i32
        %dma_start3A_206 = arith.constant 0 : i32
        %dma_start3A_207 = tpu.memref_slice %arg11[%dma_start3A_205, %dma_start3A_206] : memref<10112x128xf32, #tpu.memory_space<vmem_shared>> -> memref<10112x128xf32, #tpu.memory_space<vmem_shared>>
        tpu.enqueue_indirect_dma source(%arg9 : memref<128x128xf32, #tpu.memory_space<vmem>>) target(%dma_start3A_207 : memref<10112x128xf32, #tpu.memory_space<vmem_shared>>) offsets(%dma_start3A_204 : memref<128xi32, #tpu.memory_space<vmem>>) semaphore(%arg13 : memref<!tpu.dma_semaphore, #tpu.memory_space<semaphore_mem>>) {add = true}
        %add3A_208 = arith.constant 1 : i32
        %add3A_209 = arith.addi %mul3A_201, %add3A_208 : i32
        %dma_start3A_210 = arith.constant 0 : i32
        %dma_start3A_211 = tpu.memref_slice %arg7[%add3A_209, %dma_start3A_210] : memref<40x128xi32, #tpu.memory_space<vmem>> -> memref<1x128xi32, #tpu.memory_space<vmem>>
        %dma_start3A_212 = tpu.memref_squeeze %dma_start3A_211 : memref<1x128xi32, #tpu.memory_space<vmem>> -> memref<128xi32, #tpu.memory_space<vmem>>
        %dma_start3A_213 = arith.constant 0 : i32
        %dma_start3A_214 = arith.constant 0 : i32
        %dma_start3A_215 = tpu.memref_slice %arg2[%dma_start3A_213, %dma_start3A_214] : memref<10000x128xf32, #tpu.memory_space<hbm>> -> memref<10000x128xf32, #tpu.memory_space<hbm>>
        tpu.enqueue_indirect_dma source(%dma_start3A_215 : memref<10000x128xf32, #tpu.memory_space<hbm>>) target(%arg10 : memref<128x128xf32, #tpu.memory_space<vmem>>) offsets(%dma_start3A_212 : memref<128xi32, #tpu.memory_space<vmem>>) semaphore(%arg12 : memref<!tpu.dma_semaphore, #tpu.memory_space<semaphore_mem>>)
        %dma_wait3A_216 = arith.constant 0 : i32
        %dma_wait3A_217 = tpu.memref_slice %arg8[%mul3A_201, %dma_wait3A_216] : memref<40x128xi32, #tpu.memory_space<vmem>> -> memref<1x128xi32, #tpu.memory_space<vmem>>
        %dma_wait3A_218 = tpu.memref_squeeze %dma_wait3A_217 : memref<1x128xi32, #tpu.memory_space<vmem>> -> memref<128xi32, #tpu.memory_space<vmem>>
        %dma_wait3A_219 = arith.constant 0 : i32
        %dma_wait3A_220 = arith.constant 0 : i32
        %dma_wait3A_221 = tpu.memref_slice %arg11[%dma_wait3A_219, %dma_wait3A_220] : memref<10112x128xf32, #tpu.memory_space<vmem_shared>> -> memref<10112x128xf32, #tpu.memory_space<vmem_shared>>
        tpu.wait_indirect_dma semaphore(%arg13 : memref<!tpu.dma_semaphore, #tpu.memory_space<semaphore_mem>>) src(%arg9 : memref<128x128xf32, #tpu.memory_space<vmem>>) dst(%dma_wait3A_221 : memref<10112x128xf32, #tpu.memory_space<vmem_shared>>)
        %dma_wait3A_222 = arith.constant 0 : i32
        %dma_wait3A_223 = tpu.memref_slice %arg7[%add3A_209, %dma_wait3A_222] : memref<40x128xi32, #tpu.memory_space<vmem>> -> memref<1x128xi32, #tpu.memory_space<vmem>>
        %dma_wait3A_224 = tpu.memref_squeeze %dma_wait3A_223 : memref<1x128xi32, #tpu.memory_space<vmem>> -> memref<128xi32, #tpu.memory_space<vmem>>
        %dma_wait3A_225 = arith.constant 0 : i32
        %dma_wait3A_226 = arith.constant 0 : i32
        %dma_wait3A_227 = tpu.memref_slice %arg2[%dma_wait3A_225, %dma_wait3A_226] : memref<10000x128xf32, #tpu.memory_space<hbm>> -> memref<10000x128xf32, #tpu.memory_space<hbm>>
        tpu.wait_indirect_dma semaphore(%arg12 : memref<!tpu.dma_semaphore, #tpu.memory_space<semaphore_mem>>) src(%dma_wait3A_227 : memref<10000x128xf32, #tpu.memory_space<hbm>>) dst(%arg10 : memref<128x128xf32, #tpu.memory_space<vmem>>)
        %add3A_228 = arith.constant 1 : i32
        %add3A_229 = arith.addi %mul3A_201, %add3A_228 : i32
        %dma_start3A_230 = arith.constant 0 : i32
        %dma_start3A_231 = tpu.memref_slice %arg8[%add3A_229, %dma_start3A_230] : memref<40x128xi32, #tpu.memory_space<vmem>> -> memref<1x128xi32, #tpu.memory_space<vmem>>
        %dma_start3A_232 = tpu.memref_squeeze %dma_start3A_231 : memref<1x128xi32, #tpu.memory_space<vmem>> -> memref<128xi32, #tpu.memory_space<vmem>>
        %dma_start3A_233 = arith.constant 0 : i32
        %dma_start3A_234 = arith.constant 0 : i32
        %dma_start3A_235 = tpu.memref_slice %arg11[%dma_start3A_233, %dma_start3A_234] : memref<10112x128xf32, #tpu.memory_space<vmem_shared>> -> memref<10112x128xf32, #tpu.memory_space<vmem_shared>>
        tpu.enqueue_indirect_dma source(%arg10 : memref<128x128xf32, #tpu.memory_space<vmem>>) target(%dma_start3A_235 : memref<10112x128xf32, #tpu.memory_space<vmem_shared>>) offsets(%dma_start3A_232 : memref<128xi32, #tpu.memory_space<vmem>>) semaphore(%arg13 : memref<!tpu.dma_semaphore, #tpu.memory_space<semaphore_mem>>) {add = true}
        %lt3A_236 = arith.constant 19 : i32
        %lt3A_237 = arith.cmpi slt, %scan3A_199, %lt3A_236 : i32
        %convert_element_type3A_238 = arith.extui %lt3A_237 : i1 to i32
        %cond3A_239 = arith.constant 0 : i32
        %cond3A_240 = arith.cmpi ne, %convert_element_type3A_238, %cond3A_239 : i32
        scf.if %cond3A_240 {
          %add3A_296 = arith.constant 2 : i32
          %add3A_297 = arith.addi %mul3A_201, %add3A_296 : i32
          %dma_start3A_298 = arith.constant 0 : i32
          %dma_start3A_299 = tpu.memref_slice %arg7[%add3A_297, %dma_start3A_298] : memref<40x128xi32, #tpu.memory_space<vmem>> -> memref<1x128xi32, #tpu.memory_space<vmem>>
          %dma_start3A_300 = tpu.memref_squeeze %dma_start3A_299 : memref<1x128xi32, #tpu.memory_space<vmem>> -> memref<128xi32, #tpu.memory_space<vmem>>
          %dma_start3A_301 = arith.constant 0 : i32
          %dma_start3A_302 = arith.constant 0 : i32
          %dma_start3A_303 = tpu.memref_slice %arg2[%dma_start3A_301, %dma_start3A_302] : memref<10000x128xf32, #tpu.memory_space<hbm>> -> memref<10000x128xf32, #tpu.memory_space<hbm>>
          tpu.enqueue_indirect_dma source(%dma_start3A_303 : memref<10000x128xf32, #tpu.memory_space<hbm>>) target(%arg9 : memref<128x128xf32, #tpu.memory_space<vmem>>) offsets(%dma_start3A_300 : memref<128xi32, #tpu.memory_space<vmem>>) semaphore(%arg12 : memref<!tpu.dma_semaphore, #tpu.memory_space<semaphore_mem>>)
          %dma_wait3A_304 = arith.constant 0 : i32
          %dma_wait3A_305 = tpu.memref_slice %arg7[%add3A_297, %dma_wait3A_304] : memref<40x128xi32, #tpu.memory_space<vmem>> -> memref<1x128xi32, #tpu.memory_space<vmem>>
          %dma_wait3A_306 = tpu.memref_squeeze %dma_wait3A_305 : memref<1x128xi32, #tpu.memory_space<vmem>> -> memref<128xi32, #tpu.memory_space<vmem>>
          %dma_wait3A_307 = arith.constant 0 : i32
          %dma_wait3A_308 = arith.constant 0 : i32
          %dma_wait3A_309 = tpu.memref_slice %arg2[%dma_wait3A_307, %dma_wait3A_308] : memref<10000x128xf32, #tpu.memory_space<hbm>> -> memref<10000x128xf32, #tpu.memory_space<hbm>>
          tpu.wait_indirect_dma semaphore(%arg12 : memref<!tpu.dma_semaphore, #tpu.memory_space<semaphore_mem>>) src(%dma_wait3A_309 : memref<10000x128xf32, #tpu.memory_space<hbm>>) dst(%arg9 : memref<128x128xf32, #tpu.memory_space<vmem>>)
        } else {
        }
        %dma_wait3A_241 = arith.constant 0 : i32
        %dma_wait3A_242 = tpu.memref_slice %arg8[%add3A_229, %dma_wait3A_241] : memref<40x128xi32, #tpu.memory_space<vmem>> -> memref<1x128xi32, #tpu.memory_space<vmem>>
        %dma_wait3A_243 = tpu.memref_squeeze %dma_wait3A_242 : memref<1x128xi32, #tpu.memory_space<vmem>> -> memref<128xi32, #tpu.memory_space<vmem>>
        %dma_wait3A_244 = arith.constant 0 : i32
        %dma_wait3A_245 = arith.constant 0 : i32
        %dma_wait3A_246 = tpu.memref_slice %arg11[%dma_wait3A_244, %dma_wait3A_245] : memref<10112x128xf32, #tpu.memory_space<vmem_shared>> -> memref<10112x128xf32, #tpu.memory_space<vmem_shared>>
        tpu.wait_indirect_dma semaphore(%arg13 : memref<!tpu.dma_semaphore, #tpu.memory_space<semaphore_mem>>) src(%arg10 : memref<128x128xf32, #tpu.memory_space<vmem>>) dst(%dma_wait3A_246 : memref<10112x128xf32, #tpu.memory_space<vmem_shared>>)
        %scan3A_247 = arith.constant 4 : i32
        %scan3A_248 = arith.addi %scan3A_52, %scan3A_247 : i32
        %mul3A_249 = arith.constant 2 : i32
        %mul3A_250 = arith.muli %scan3A_248, %mul3A_249 : i32
        %dma_start3A_251 = arith.constant 0 : i32
        %dma_start3A_252 = tpu.memref_slice %arg8[%mul3A_250, %dma_start3A_251] : memref<40x128xi32, #tpu.memory_space<vmem>> -> memref<1x128xi32, #tpu.memory_space<vmem>>
        %dma_start3A_253 = tpu.memref_squeeze %dma_start3A_252 : memref<1x128xi32, #tpu.memory_space<vmem>> -> memref<128xi32, #tpu.memory_space<vmem>>
        %dma_start3A_254 = arith.constant 0 : i32
        %dma_start3A_255 = arith.constant 0 : i32
        %dma_start3A_256 = tpu.memref_slice %arg11[%dma_start3A_254, %dma_start3A_255] : memref<10112x128xf32, #tpu.memory_space<vmem_shared>> -> memref<10112x128xf32, #tpu.memory_space<vmem_shared>>
        tpu.enqueue_indirect_dma source(%arg9 : memref<128x128xf32, #tpu.memory_space<vmem>>) target(%dma_start3A_256 : memref<10112x128xf32, #tpu.memory_space<vmem_shared>>) offsets(%dma_start3A_253 : memref<128xi32, #tpu.memory_space<vmem>>) semaphore(%arg13 : memref<!tpu.dma_semaphore, #tpu.memory_space<semaphore_mem>>) {add = true}
        %add3A_257 = arith.constant 1 : i32
        %add3A_258 = arith.addi %mul3A_250, %add3A_257 : i32
        %dma_start3A_259 = arith.constant 0 : i32
        %dma_start3A_260 = tpu.memref_slice %arg7[%add3A_258, %dma_start3A_259] : memref<40x128xi32, #tpu.memory_space<vmem>> -> memref<1x128xi32, #tpu.memory_space<vmem>>
        %dma_start3A_261 = tpu.memref_squeeze %dma_start3A_260 : memref<1x128xi32, #tpu.memory_space<vmem>> -> memref<128xi32, #tpu.memory_space<vmem>>
        %dma_start3A_262 = arith.constant 0 : i32
        %dma_start3A_263 = arith.constant 0 : i32
        %dma_start3A_264 = tpu.memref_slice %arg2[%dma_start3A_262, %dma_start3A_263] : memref<10000x128xf32, #tpu.memory_space<hbm>> -> memref<10000x128xf32, #tpu.memory_space<hbm>>
        tpu.enqueue_indirect_dma source(%dma_start3A_264 : memref<10000x128xf32, #tpu.memory_space<hbm>>) target(%arg10 : memref<128x128xf32, #tpu.memory_space<vmem>>) offsets(%dma_start3A_261 : memref<128xi32, #tpu.memory_space<vmem>>) semaphore(%arg12 : memref<!tpu.dma_semaphore, #tpu.memory_space<semaphore_mem>>)
        %dma_wait3A_265 = arith.constant 0 : i32
        %dma_wait3A_266 = tpu.memref_slice %arg8[%mul3A_250, %dma_wait3A_265] : memref<40x128xi32, #tpu.memory_space<vmem>> -> memref<1x128xi32, #tpu.memory_space<vmem>>
        %dma_wait3A_267 = tpu.memref_squeeze %dma_wait3A_266 : memref<1x128xi32, #tpu.memory_space<vmem>> -> memref<128xi32, #tpu.memory_space<vmem>>
        %dma_wait3A_268 = arith.constant 0 : i32
        %dma_wait3A_269 = arith.constant 0 : i32
        %dma_wait3A_270 = tpu.memref_slice %arg11[%dma_wait3A_268, %dma_wait3A_269] : memref<10112x128xf32, #tpu.memory_space<vmem_shared>> -> memref<10112x128xf32, #tpu.memory_space<vmem_shared>>
        tpu.wait_indirect_dma semaphore(%arg13 : memref<!tpu.dma_semaphore, #tpu.memory_space<semaphore_mem>>) src(%arg9 : memref<128x128xf32, #tpu.memory_space<vmem>>) dst(%dma_wait3A_270 : memref<10112x128xf32, #tpu.memory_space<vmem_shared>>)
        %dma_wait3A_271 = arith.constant 0 : i32
        %dma_wait3A_272 = tpu.memref_slice %arg7[%add3A_258, %dma_wait3A_271] : memref<40x128xi32, #tpu.memory_space<vmem>> -> memref<1x128xi32, #tpu.memory_space<vmem>>
        %dma_wait3A_273 = tpu.memref_squeeze %dma_wait3A_272 : memref<1x128xi32, #tpu.memory_space<vmem>> -> memref<128xi32, #tpu.memory_space<vmem>>
        %dma_wait3A_274 = arith.constant 0 : i32
        %dma_wait3A_275 = arith.constant 0 : i32
        %dma_wait3A_276 = tpu.memref_slice %arg2[%dma_wait3A_274, %dma_wait3A_275] : memref<10000x128xf32, #tpu.memory_space<hbm>> -> memref<10000x128xf32, #tpu.memory_space<hbm>>
        tpu.wait_indirect_dma semaphore(%arg12 : memref<!tpu.dma_semaphore, #tpu.memory_space<semaphore_mem>>) src(%dma_wait3A_276 : memref<10000x128xf32, #tpu.memory_space<hbm>>) dst(%arg10 : memref<128x128xf32, #tpu.memory_space<vmem>>)
        %add3A_277 = arith.constant 1 : i32
        %add3A_278 = arith.addi %mul3A_250, %add3A_277 : i32
        %dma_start3A_279 = arith.constant 0 : i32
        %dma_start3A_280 = tpu.memref_slice %arg8[%add3A_278, %dma_start3A_279] : memref<40x128xi32, #tpu.memory_space<vmem>> -> memref<1x128xi32, #tpu.memory_space<vmem>>
        %dma_start3A_281 = tpu.memref_squeeze %dma_start3A_280 : memref<1x128xi32, #tpu.memory_space<vmem>> -> memref<128xi32, #tpu.memory_space<vmem>>
        %dma_start3A_282 = arith.constant 0 : i32
        %dma_start3A_283 = arith.constant 0 : i32
        %dma_start3A_284 = tpu.memref_slice %arg11[%dma_start3A_282, %dma_start3A_283] : memref<10112x128xf32, #tpu.memory_space<vmem_shared>> -> memref<10112x128xf32, #tpu.memory_space<vmem_shared>>
        tpu.enqueue_indirect_dma source(%arg10 : memref<128x128xf32, #tpu.memory_space<vmem>>) target(%dma_start3A_284 : memref<10112x128xf32, #tpu.memory_space<vmem_shared>>) offsets(%dma_start3A_281 : memref<128xi32, #tpu.memory_space<vmem>>) semaphore(%arg13 : memref<!tpu.dma_semaphore, #tpu.memory_space<semaphore_mem>>) {add = true}
        %lt3A_285 = arith.constant 19 : i32
        %lt3A_286 = arith.cmpi slt, %scan3A_248, %lt3A_285 : i32
        %convert_element_type3A_287 = arith.extui %lt3A_286 : i1 to i32
        %cond3A_288 = arith.constant 0 : i32
        %cond3A_289 = arith.cmpi ne, %convert_element_type3A_287, %cond3A_288 : i32
        scf.if %cond3A_289 {
          %add3A_296 = arith.constant 2 : i32
          %add3A_297 = arith.addi %mul3A_250, %add3A_296 : i32
          %dma_start3A_298 = arith.constant 0 : i32
          %dma_start3A_299 = tpu.memref_slice %arg7[%add3A_297, %dma_start3A_298] : memref<40x128xi32, #tpu.memory_space<vmem>> -> memref<1x128xi32, #tpu.memory_space<vmem>>
          %dma_start3A_300 = tpu.memref_squeeze %dma_start3A_299 : memref<1x128xi32, #tpu.memory_space<vmem>> -> memref<128xi32, #tpu.memory_space<vmem>>
          %dma_start3A_301 = arith.constant 0 : i32
          %dma_start3A_302 = arith.constant 0 : i32
          %dma_start3A_303 = tpu.memref_slice %arg2[%dma_start3A_301, %dma_start3A_302] : memref<10000x128xf32, #tpu.memory_space<hbm>> -> memref<10000x128xf32, #tpu.memory_space<hbm>>
          tpu.enqueue_indirect_dma source(%dma_start3A_303 : memref<10000x128xf32, #tpu.memory_space<hbm>>) target(%arg9 : memref<128x128xf32, #tpu.memory_space<vmem>>) offsets(%dma_start3A_300 : memref<128xi32, #tpu.memory_space<vmem>>) semaphore(%arg12 : memref<!tpu.dma_semaphore, #tpu.memory_space<semaphore_mem>>)
          %dma_wait3A_304 = arith.constant 0 : i32
          %dma_wait3A_305 = tpu.memref_slice %arg7[%add3A_297, %dma_wait3A_304] : memref<40x128xi32, #tpu.memory_space<vmem>> -> memref<1x128xi32, #tpu.memory_space<vmem>>
          %dma_wait3A_306 = tpu.memref_squeeze %dma_wait3A_305 : memref<1x128xi32, #tpu.memory_space<vmem>> -> memref<128xi32, #tpu.memory_space<vmem>>
          %dma_wait3A_307 = arith.constant 0 : i32
          %dma_wait3A_308 = arith.constant 0 : i32
          %dma_wait3A_309 = tpu.memref_slice %arg2[%dma_wait3A_307, %dma_wait3A_308] : memref<10000x128xf32, #tpu.memory_space<hbm>> -> memref<10000x128xf32, #tpu.memory_space<hbm>>
          tpu.wait_indirect_dma semaphore(%arg12 : memref<!tpu.dma_semaphore, #tpu.memory_space<semaphore_mem>>) src(%dma_wait3A_309 : memref<10000x128xf32, #tpu.memory_space<hbm>>) dst(%arg9 : memref<128x128xf32, #tpu.memory_space<vmem>>)
        } else {
        }
        %dma_wait3A_290 = arith.constant 0 : i32
        %dma_wait3A_291 = tpu.memref_slice %arg8[%add3A_278, %dma_wait3A_290] : memref<40x128xi32, #tpu.memory_space<vmem>> -> memref<1x128xi32, #tpu.memory_space<vmem>>
        %dma_wait3A_292 = tpu.memref_squeeze %dma_wait3A_291 : memref<1x128xi32, #tpu.memory_space<vmem>> -> memref<128xi32, #tpu.memory_space<vmem>>
        %dma_wait3A_293 = arith.constant 0 : i32
        %dma_wait3A_294 = arith.constant 0 : i32
        %dma_wait3A_295 = tpu.memref_slice %arg11[%dma_wait3A_293, %dma_wait3A_294] : memref<10112x128xf32, #tpu.memory_space<vmem_shared>> -> memref<10112x128xf32, #tpu.memory_space<vmem_shared>>
        tpu.wait_indirect_dma semaphore(%arg13 : memref<!tpu.dma_semaphore, #tpu.memory_space<semaphore_mem>>) src(%arg10 : memref<128x128xf32, #tpu.memory_space<vmem>>) dst(%dma_wait3A_295 : memref<10112x128xf32, #tpu.memory_space<vmem_shared>>)
      }
      %scan3A_51 = arith.constant 20 : i32
    }
    %scan3A_20 = arith.constant 2 : i32
    %barrier3A_21 = arith.constant 0 : index
    tpu.barrier barrier_id(%barrier3A_21)
    %lt3A_22 = arith.constant 15 : i32
    %lt3A_23 = arith.cmpi slt, %arg1, %lt3A_22 : i32
    %convert_element_type3A_24 = arith.extui %lt3A_23 : i1 to i32
    %cond3A_25 = arith.constant 0 : i32
    %cond3A_26 = arith.cmpi ne, %convert_element_type3A_24, %cond3A_25 : i32
    scf.if %cond3A_26 {
      %mul3A_32 = arith.constant 632 : i32
      %mul3A_33 = arith.muli %arg1, %mul3A_32 : i32
      %mul3A_34 = arith.constant 632 : i32
      %mul3A_35 = arith.muli %arg1, %mul3A_34 : i32
      "tpu.region"() ({
        %run_scoped3A = tpu.sem_alloc : memref<!tpu.dma_semaphore, #tpu.memory_space<semaphore_mem>>
        %dma_start3A = arith.constant 0 : i32
        %dma_start3A_36 = tpu.memref_slice %arg6[%arg0, %mul3A_35, %dma_start3A] : memref<2x10000x128xf32, #tpu.memory_space<hbm>> -> memref<1x632x128xf32, #tpu.memory_space<hbm>>
        %dma_start3A_37 = tpu.memref_squeeze %dma_start3A_36 : memref<1x632x128xf32, #tpu.memory_space<hbm>> -> memref<632x128xf32, #tpu.memory_space<hbm>>
        %dma_start3A_38 = arith.constant 0 : i32
        %dma_start3A_39 = tpu.memref_slice %arg11[%mul3A_33, %dma_start3A_38] : memref<10112x128xf32, #tpu.memory_space<vmem_shared>> -> memref<632x128xf32, #tpu.memory_space<vmem_shared>>
        tpu.enqueue_dma source(%dma_start3A_39 : memref<632x128xf32, #tpu.memory_space<vmem_shared>>) target(%dma_start3A_37 : memref<632x128xf32, #tpu.memory_space<hbm>>) target_semaphore(%run_scoped3A : memref<!tpu.dma_semaphore, #tpu.memory_space<semaphore_mem>>)
        %dma_wait3A = arith.constant 0 : i32
        %dma_wait3A_40 = tpu.memref_slice %arg6[%arg0, %mul3A_35, %dma_wait3A] : memref<2x10000x128xf32, #tpu.memory_space<hbm>> -> memref<1x632x128xf32, #tpu.memory_space<hbm>>
        %dma_wait3A_41 = tpu.memref_squeeze %dma_wait3A_40 : memref<1x632x128xf32, #tpu.memory_space<hbm>> -> memref<632x128xf32, #tpu.memory_space<hbm>>
        %dma_wait3A_42 = arith.constant 0 : i32
        %dma_wait3A_43 = tpu.memref_slice %arg11[%mul3A_33, %dma_wait3A_42] : memref<10112x128xf32, #tpu.memory_space<vmem_shared>> -> memref<632x128xf32, #tpu.memory_space<vmem_shared>>
        tpu.wait_dma2 semaphore(%run_scoped3A : memref<!tpu.dma_semaphore, #tpu.memory_space<semaphore_mem>>) src(%dma_wait3A_43 : memref<632x128xf32, #tpu.memory_space<vmem_shared>>) dst(%dma_wait3A_41 : memref<632x128xf32, #tpu.memory_space<hbm>>)
        tpu.yield
      }) : () -> ()
    } else {
    }
    %eq3A_27 = arith.constant 15 : i32
    %eq3A_28 = arith.cmpi eq, %arg1, %eq3A_27 : i32
    %convert_element_type3A_29 = arith.extui %eq3A_28 : i1 to i32
    %cond3A_30 = arith.constant 0 : i32
    %cond3A_31 = arith.cmpi ne, %convert_element_type3A_29, %cond3A_30 : i32
    scf.if %cond3A_31 {
      "tpu.region"() ({
        %run_scoped3A = tpu.sem_alloc : memref<!tpu.dma_semaphore, #tpu.memory_space<semaphore_mem>>
        %dma_start3A = arith.constant 9480 : i32
        %dma_start3A_32 = arith.constant 0 : i32
        %dma_start3A_33 = tpu.memref_slice %arg6[%arg0, %dma_start3A, %dma_start3A_32] : memref<2x10000x128xf32, #tpu.memory_space<hbm>> -> memref<1x520x128xf32, #tpu.memory_space<hbm>>
        %dma_start3A_34 = tpu.memref_squeeze %dma_start3A_33 : memref<1x520x128xf32, #tpu.memory_space<hbm>> -> memref<520x128xf32, #tpu.memory_space<hbm>>
        %dma_start3A_35 = arith.constant 9480 : i32
        %dma_start3A_36 = arith.constant 0 : i32
        %dma_start3A_37 = tpu.memref_slice %arg11[%dma_start3A_35, %dma_start3A_36] : memref<10112x128xf32, #tpu.memory_space<vmem_shared>> -> memref<520x128xf32, #tpu.memory_space<vmem_shared>>
        tpu.enqueue_dma source(%dma_start3A_37 : memref<520x128xf32, #tpu.memory_space<vmem_shared>>) target(%dma_start3A_34 : memref<520x128xf32, #tpu.memory_space<hbm>>) target_semaphore(%run_scoped3A : memref<!tpu.dma_semaphore, #tpu.memory_space<semaphore_mem>>)
        %dma_wait3A = arith.constant 9480 : i32
        %dma_wait3A_38 = arith.constant 0 : i32
        %dma_wait3A_39 = tpu.memref_slice %arg6[%arg0, %dma_wait3A, %dma_wait3A_38] : memref<2x10000x128xf32, #tpu.memory_space<hbm>> -> memref<1x520x128xf32, #tpu.memory_space<hbm>>
        %dma_wait3A_40 = tpu.memref_squeeze %dma_wait3A_39 : memref<1x520x128xf32, #tpu.memory_space<hbm>> -> memref<520x128xf32, #tpu.memory_space<hbm>>
        %dma_wait3A_41 = arith.constant 9480 : i32
        %dma_wait3A_42 = arith.constant 0 : i32
        %dma_wait3A_43 = tpu.memref_slice %arg11[%dma_wait3A_41, %dma_wait3A_42] : memref<10112x128xf32, #tpu.memory_space<vmem_shared>> -> memref<520x128xf32, #tpu.memory_space<vmem_shared>>
        tpu.wait_dma2 semaphore(%run_scoped3A : memref<!tpu.dma_semaphore, #tpu.memory_space<semaphore_mem>>) src(%dma_wait3A_43 : memref<520x128xf32, #tpu.memory_space<vmem_shared>>) dst(%dma_wait3A_40 : memref<520x128xf32, #tpu.memory_space<hbm>>)
        tpu.yield
      }) : () -> ()
    } else {
    }
    return
  }
}

#map = affine_map<(d0, d1) -> (0, 0)>
#map1 = affine_map<(d0, d1) -> (0, 0, 0)>
module attributes {stable_mosaic.version = 14 : i64} {
  func.func @sc_agg(%arg0: i32, %arg1: i32, %arg2: memref<10000x128xf32, #tpu.memory_space<hbm>>, %arg3: memref<32x80x128xi32, #tpu.memory_space<hbm>>, %arg4: memref<32x80x128xi32, #tpu.memory_space<hbm>>, %arg5: memref<10112x128xf32, #tpu.memory_space<hbm>>, %arg6: memref<2x10000x128xf32, #tpu.memory_space<hbm>>, %arg7: memref<40x128xi32, #tpu.memory_space<vmem>>, %arg8: memref<40x128xi32, #tpu.memory_space<vmem>>, %arg9: memref<128x128xf32, #tpu.memory_space<vmem>>, %arg10: memref<128x128xf32, #tpu.memory_space<vmem>>, %arg11: memref<10112x128xf32, #tpu.memory_space<vmem_shared>>, %arg12: memref<!tpu.dma_semaphore, #tpu.memory_space<semaphore_mem>>, %arg13: memref<!tpu.dma_semaphore, #tpu.memory_space<semaphore_mem>>) attributes {dimension_semantics = [#tpu.dimension_semantics<core_parallel>, #tpu.dimension_semantics<subcore_parallel>], iteration_bounds = array<i64: 2, 16>, scalar_prefetch = 0 : i64, scratch_operands = 7 : i64, tpu.core_type = #tpu.core_type<sc_vector_subcore>, window_params = [{transform_indices = #map}, {transform_indices = #map1}, {transform_indices = #map1}, {transform_indices = #map}, {transform_indices = #map1}]} {
    %mul3A = arith.constant 2 : i32
    %mul3A_0 = arith.muli %arg1, %mul3A : i32
    %add3A = arith.addi %mul3A_0, %arg0 : i32
    %eq3A = arith.constant 0 : i32
    %eq3A_1 = arith.cmpi eq, %arg0, %eq3A : i32
    %lt3A = arith.constant 15 : i32
    %lt3A_2 = arith.cmpi slt, %arg1, %lt3A : i32
    %and3A = arith.andi %eq3A_1, %lt3A_2 : i1
    %convert_element_type3A = arith.extui %and3A : i1 to i32
    %cond3A = arith.constant 0 : i32
    %cond3A_3 = arith.cmpi ne, %convert_element_type3A, %cond3A : i32
    scf.if %cond3A_3 {
      %mul3A_32 = arith.constant 632 : i32
      %mul3A_33 = arith.muli %arg1, %mul3A_32 : i32
      %mul3A_34 = arith.constant 632 : i32
      %mul3A_35 = arith.muli %arg1, %mul3A_34 : i32
      "tpu.region"() ({
        %run_scoped3A = tpu.sem_alloc : memref<!tpu.dma_semaphore, #tpu.memory_space<semaphore_mem>>
        %dma_start3A = arith.constant 0 : i32
        %dma_start3A_36 = tpu.memref_slice %arg11[%mul3A_35, %dma_start3A] : memref<10112x128xf32, #tpu.memory_space<vmem_shared>> -> memref<632x128xf32, #tpu.memory_space<vmem_shared>>
        %dma_start3A_37 = arith.constant 0 : i32
        %dma_start3A_38 = tpu.memref_slice %arg2[%mul3A_33, %dma_start3A_37] : memref<10000x128xf32, #tpu.memory_space<hbm>> -> memref<632x128xf32, #tpu.memory_space<hbm>>
        tpu.enqueue_dma source(%dma_start3A_38 : memref<632x128xf32, #tpu.memory_space<hbm>>) target(%dma_start3A_36 : memref<632x128xf32, #tpu.memory_space<vmem_shared>>) target_semaphore(%run_scoped3A : memref<!tpu.dma_semaphore, #tpu.memory_space<semaphore_mem>>)
        %dma_wait3A = arith.constant 0 : i32
        %dma_wait3A_39 = tpu.memref_slice %arg11[%mul3A_35, %dma_wait3A] : memref<10112x128xf32, #tpu.memory_space<vmem_shared>> -> memref<632x128xf32, #tpu.memory_space<vmem_shared>>
        %dma_wait3A_40 = arith.constant 0 : i32
        %dma_wait3A_41 = tpu.memref_slice %arg2[%mul3A_33, %dma_wait3A_40] : memref<10000x128xf32, #tpu.memory_space<hbm>> -> memref<632x128xf32, #tpu.memory_space<hbm>>
        tpu.wait_dma2 semaphore(%run_scoped3A : memref<!tpu.dma_semaphore, #tpu.memory_space<semaphore_mem>>) src(%dma_wait3A_41 : memref<632x128xf32, #tpu.memory_space<hbm>>) dst(%dma_wait3A_39 : memref<632x128xf32, #tpu.memory_space<vmem_shared>>)
        tpu.yield
      }) : () -> ()
    } else {
    }
    %eq3A_4 = arith.constant 0 : i32
    %eq3A_5 = arith.cmpi eq, %arg0, %eq3A_4 : i32
    %eq3A_6 = arith.constant 15 : i32
    %eq3A_7 = arith.cmpi eq, %arg1, %eq3A_6 : i32
    %and3A_8 = arith.andi %eq3A_5, %eq3A_7 : i1
    %convert_element_type3A_9 = arith.extui %and3A_8 : i1 to i32
    %cond3A_10 = arith.constant 0 : i32
    %cond3A_11 = arith.cmpi ne, %convert_element_type3A_9, %cond3A_10 : i32
    scf.if %cond3A_11 {
      "tpu.region"() ({
        %run_scoped3A = tpu.sem_alloc : memref<!tpu.dma_semaphore, #tpu.memory_space<semaphore_mem>>
        %dma_start3A = arith.constant 9480 : i32
        %dma_start3A_32 = arith.constant 0 : i32
        %dma_start3A_33 = tpu.memref_slice %arg11[%dma_start3A, %dma_start3A_32] : memref<10112x128xf32, #tpu.memory_space<vmem_shared>> -> memref<520x128xf32, #tpu.memory_space<vmem_shared>>
        %dma_start3A_34 = arith.constant 9480 : i32
        %dma_start3A_35 = arith.constant 0 : i32
        %dma_start3A_36 = tpu.memref_slice %arg2[%dma_start3A_34, %dma_start3A_35] : memref<10000x128xf32, #tpu.memory_space<hbm>> -> memref<520x128xf32, #tpu.memory_space<hbm>>
        tpu.enqueue_dma source(%dma_start3A_36 : memref<520x128xf32, #tpu.memory_space<hbm>>) target(%dma_start3A_33 : memref<520x128xf32, #tpu.memory_space<vmem_shared>>) target_semaphore(%run_scoped3A : memref<!tpu.dma_semaphore, #tpu.memory_space<semaphore_mem>>)
        %dma_wait3A = arith.constant 9480 : i32
        %dma_wait3A_37 = arith.constant 0 : i32
        %dma_wait3A_38 = tpu.memref_slice %arg11[%dma_wait3A, %dma_wait3A_37] : memref<10112x128xf32, #tpu.memory_space<vmem_shared>> -> memref<520x128xf32, #tpu.memory_space<vmem_shared>>
        %dma_wait3A_39 = arith.constant 9480 : i32
        %dma_wait3A_40 = arith.constant 0 : i32
        %dma_wait3A_41 = tpu.memref_slice %arg2[%dma_wait3A_39, %dma_wait3A_40] : memref<10000x128xf32, #tpu.memory_space<hbm>> -> memref<520x128xf32, #tpu.memory_space<hbm>>
        tpu.wait_dma2 semaphore(%run_scoped3A : memref<!tpu.dma_semaphore, #tpu.memory_space<semaphore_mem>>) src(%dma_wait3A_41 : memref<520x128xf32, #tpu.memory_space<hbm>>) dst(%dma_wait3A_38 : memref<520x128xf32, #tpu.memory_space<vmem_shared>>)
        tpu.yield
      }) : () -> ()
      "tpu.region"() ({
        %run_scoped3A = tpu.sem_alloc : memref<!tpu.dma_semaphore, #tpu.memory_space<semaphore_mem>>
        %dma_start3A = arith.constant 10000 : i32
        %dma_start3A_32 = arith.constant 0 : i32
        %dma_start3A_33 = tpu.memref_slice %arg11[%dma_start3A, %dma_start3A_32] : memref<10112x128xf32, #tpu.memory_space<vmem_shared>> -> memref<112x128xf32, #tpu.memory_space<vmem_shared>>
        %dma_start3A_34 = arith.constant 0 : i32
        %dma_start3A_35 = arith.constant 0 : i32
        %dma_start3A_36 = tpu.memref_slice %arg5[%dma_start3A_34, %dma_start3A_35] : memref<10112x128xf32, #tpu.memory_space<hbm>> -> memref<112x128xf32, #tpu.memory_space<hbm>>
        tpu.enqueue_dma source(%dma_start3A_36 : memref<112x128xf32, #tpu.memory_space<hbm>>) target(%dma_start3A_33 : memref<112x128xf32, #tpu.memory_space<vmem_shared>>) target_semaphore(%run_scoped3A : memref<!tpu.dma_semaphore, #tpu.memory_space<semaphore_mem>>)
        %dma_wait3A = arith.constant 10000 : i32
        %dma_wait3A_37 = arith.constant 0 : i32
        %dma_wait3A_38 = tpu.memref_slice %arg11[%dma_wait3A, %dma_wait3A_37] : memref<10112x128xf32, #tpu.memory_space<vmem_shared>> -> memref<112x128xf32, #tpu.memory_space<vmem_shared>>
        %dma_wait3A_39 = arith.constant 0 : i32
        %dma_wait3A_40 = arith.constant 0 : i32
        %dma_wait3A_41 = tpu.memref_slice %arg5[%dma_wait3A_39, %dma_wait3A_40] : memref<10112x128xf32, #tpu.memory_space<hbm>> -> memref<112x128xf32, #tpu.memory_space<hbm>>
        tpu.wait_dma2 semaphore(%run_scoped3A : memref<!tpu.dma_semaphore, #tpu.memory_space<semaphore_mem>>) src(%dma_wait3A_41 : memref<112x128xf32, #tpu.memory_space<hbm>>) dst(%dma_wait3A_38 : memref<112x128xf32, #tpu.memory_space<vmem_shared>>)
        tpu.yield
      }) : () -> ()
    } else {
    }
    %eq3A_12 = arith.constant 1 : i32
    %eq3A_13 = arith.cmpi eq, %arg0, %eq3A_12 : i32
    %convert_element_type3A_14 = arith.extui %eq3A_13 : i1 to i32
    %cond3A_15 = arith.constant 0 : i32
    %cond3A_16 = arith.cmpi ne, %convert_element_type3A_14, %cond3A_15 : i32
    scf.if %cond3A_16 {
      %mul3A_32 = arith.constant 632 : i32
      %mul3A_33 = arith.muli %arg1, %mul3A_32 : i32
      %mul3A_34 = arith.constant 632 : i32
      %mul3A_35 = arith.muli %arg1, %mul3A_34 : i32
      "tpu.region"() ({
        %run_scoped3A = tpu.sem_alloc : memref<!tpu.dma_semaphore, #tpu.memory_space<semaphore_mem>>
        %dma_start3A = arith.constant 0 : i32
        %dma_start3A_36 = tpu.memref_slice %arg11[%mul3A_35, %dma_start3A] : memref<10112x128xf32, #tpu.memory_space<vmem_shared>> -> memref<632x128xf32, #tpu.memory_space<vmem_shared>>
        %dma_start3A_37 = arith.constant 0 : i32
        %dma_start3A_38 = tpu.memref_slice %arg5[%mul3A_33, %dma_start3A_37] : memref<10112x128xf32, #tpu.memory_space<hbm>> -> memref<632x128xf32, #tpu.memory_space<hbm>>
        tpu.enqueue_dma source(%dma_start3A_38 : memref<632x128xf32, #tpu.memory_space<hbm>>) target(%dma_start3A_36 : memref<632x128xf32, #tpu.memory_space<vmem_shared>>) target_semaphore(%run_scoped3A : memref<!tpu.dma_semaphore, #tpu.memory_space<semaphore_mem>>)
        %dma_wait3A = arith.constant 0 : i32
        %dma_wait3A_39 = tpu.memref_slice %arg11[%mul3A_35, %dma_wait3A] : memref<10112x128xf32, #tpu.memory_space<vmem_shared>> -> memref<632x128xf32, #tpu.memory_space<vmem_shared>>
        %dma_wait3A_40 = arith.constant 0 : i32
        %dma_wait3A_41 = tpu.memref_slice %arg5[%mul3A_33, %dma_wait3A_40] : memref<10112x128xf32, #tpu.memory_space<hbm>> -> memref<632x128xf32, #tpu.memory_space<hbm>>
        tpu.wait_dma2 semaphore(%run_scoped3A : memref<!tpu.dma_semaphore, #tpu.memory_space<semaphore_mem>>) src(%dma_wait3A_41 : memref<632x128xf32, #tpu.memory_space<hbm>>) dst(%dma_wait3A_39 : memref<632x128xf32, #tpu.memory_space<vmem_shared>>)
        tpu.yield
      }) : () -> ()
    } else {
    }
    %barrier3A = arith.constant 0 : index
    tpu.barrier barrier_id(%barrier3A)
    %scan3A = arith.constant 0 : i32
    %scan3A_17 = arith.constant 2 : i32
    %scan3A_18 = arith.addi %scan3A, %scan3A_17 : i32
    %scan3A_19 = arith.constant 1 : i32
    scf.for %scan3A_32 = %scan3A to %scan3A_18 step %scan3A_19  : i32 {
      %mul3A_33 = arith.constant 40 : i32
      %mul3A_34 = arith.muli %scan3A_32, %mul3A_33 : i32
      "tpu.region"() ({
        %run_scoped3A = tpu.sem_alloc : memref<!tpu.dma_semaphore, #tpu.memory_space<semaphore_mem>>
        %dma_start3A_52 = arith.constant 0 : i32
        %dma_start3A_53 = tpu.memref_slice %arg3[%add3A, %mul3A_34, %dma_start3A_52] : memref<32x80x128xi32, #tpu.memory_space<hbm>> -> memref<1x40x128xi32, #tpu.memory_space<hbm>>
        %dma_start3A_54 = tpu.memref_squeeze %dma_start3A_53 : memref<1x40x128xi32, #tpu.memory_space<hbm>> -> memref<40x128xi32, #tpu.memory_space<hbm>>
        %dma_start3A_55 = arith.constant 0 : i32
        %dma_start3A_56 = tpu.memref_slice %arg3[%add3A, %mul3A_34, %dma_start3A_55] : memref<32x80x128xi32, #tpu.memory_space<hbm>> -> memref<1x40x128xi32, #tpu.memory_space<hbm>>
        %dma_start3A_57 = tpu.memref_squeeze %dma_start3A_56 : memref<1x40x128xi32, #tpu.memory_space<hbm>> -> memref<40x128xi32, #tpu.memory_space<hbm>>
        tpu.enqueue_dma source(%dma_start3A_57 : memref<40x128xi32, #tpu.memory_space<hbm>>) target(%arg7 : memref<40x128xi32, #tpu.memory_space<vmem>>) target_semaphore(%run_scoped3A : memref<!tpu.dma_semaphore, #tpu.memory_space<semaphore_mem>>)
        %dma_wait3A_58 = arith.constant 0 : i32
        %dma_wait3A_59 = tpu.memref_slice %arg3[%add3A, %mul3A_34, %dma_wait3A_58] : memref<32x80x128xi32, #tpu.memory_space<hbm>> -> memref<1x40x128xi32, #tpu.memory_space<hbm>>
        %dma_wait3A_60 = tpu.memref_squeeze %dma_wait3A_59 : memref<1x40x128xi32, #tpu.memory_space<hbm>> -> memref<40x128xi32, #tpu.memory_space<hbm>>
        %dma_wait3A_61 = arith.constant 0 : i32
        %dma_wait3A_62 = tpu.memref_slice %arg3[%add3A, %mul3A_34, %dma_wait3A_61] : memref<32x80x128xi32, #tpu.memory_space<hbm>> -> memref<1x40x128xi32, #tpu.memory_space<hbm>>
        %dma_wait3A_63 = tpu.memref_squeeze %dma_wait3A_62 : memref<1x40x128xi32, #tpu.memory_space<hbm>> -> memref<40x128xi32, #tpu.memory_space<hbm>>
        tpu.wait_dma2 semaphore(%run_scoped3A : memref<!tpu.dma_semaphore, #tpu.memory_space<semaphore_mem>>) src(%dma_wait3A_63 : memref<40x128xi32, #tpu.memory_space<hbm>>) dst(%arg7 : memref<40x128xi32, #tpu.memory_space<vmem>>)
        tpu.yield
      }) : () -> ()
      "tpu.region"() ({
        %run_scoped3A = tpu.sem_alloc : memref<!tpu.dma_semaphore, #tpu.memory_space<semaphore_mem>>
        %dma_start3A_52 = arith.constant 0 : i32
        %dma_start3A_53 = tpu.memref_slice %arg4[%add3A, %mul3A_34, %dma_start3A_52] : memref<32x80x128xi32, #tpu.memory_space<hbm>> -> memref<1x40x128xi32, #tpu.memory_space<hbm>>
        %dma_start3A_54 = tpu.memref_squeeze %dma_start3A_53 : memref<1x40x128xi32, #tpu.memory_space<hbm>> -> memref<40x128xi32, #tpu.memory_space<hbm>>
        %dma_start3A_55 = arith.constant 0 : i32
        %dma_start3A_56 = tpu.memref_slice %arg4[%add3A, %mul3A_34, %dma_start3A_55] : memref<32x80x128xi32, #tpu.memory_space<hbm>> -> memref<1x40x128xi32, #tpu.memory_space<hbm>>
        %dma_start3A_57 = tpu.memref_squeeze %dma_start3A_56 : memref<1x40x128xi32, #tpu.memory_space<hbm>> -> memref<40x128xi32, #tpu.memory_space<hbm>>
        tpu.enqueue_dma source(%dma_start3A_57 : memref<40x128xi32, #tpu.memory_space<hbm>>) target(%arg8 : memref<40x128xi32, #tpu.memory_space<vmem>>) target_semaphore(%run_scoped3A : memref<!tpu.dma_semaphore, #tpu.memory_space<semaphore_mem>>)
        %dma_wait3A_58 = arith.constant 0 : i32
        %dma_wait3A_59 = tpu.memref_slice %arg4[%add3A, %mul3A_34, %dma_wait3A_58] : memref<32x80x128xi32, #tpu.memory_space<hbm>> -> memref<1x40x128xi32, #tpu.memory_space<hbm>>
        %dma_wait3A_60 = tpu.memref_squeeze %dma_wait3A_59 : memref<1x40x128xi32, #tpu.memory_space<hbm>> -> memref<40x128xi32, #tpu.memory_space<hbm>>
        %dma_wait3A_61 = arith.constant 0 : i32
        %dma_wait3A_62 = tpu.memref_slice %arg4[%add3A, %mul3A_34, %dma_wait3A_61] : memref<32x80x128xi32, #tpu.memory_space<hbm>> -> memref<1x40x128xi32, #tpu.memory_space<hbm>>
        %dma_wait3A_63 = tpu.memref_squeeze %dma_wait3A_62 : memref<1x40x128xi32, #tpu.memory_space<hbm>> -> memref<40x128xi32, #tpu.memory_space<hbm>>
        tpu.wait_dma2 semaphore(%run_scoped3A : memref<!tpu.dma_semaphore, #tpu.memory_space<semaphore_mem>>) src(%dma_wait3A_63 : memref<40x128xi32, #tpu.memory_space<hbm>>) dst(%arg8 : memref<40x128xi32, #tpu.memory_space<vmem>>)
        tpu.yield
      }) : () -> ()
      %dma_start3A = arith.constant 0 : i32
      %dma_start3A_35 = arith.constant 0 : i32
      %dma_start3A_36 = tpu.memref_slice %arg7[%dma_start3A, %dma_start3A_35] : memref<40x128xi32, #tpu.memory_space<vmem>> -> memref<1x128xi32, #tpu.memory_space<vmem>>
      %dma_start3A_37 = tpu.memref_squeeze %dma_start3A_36 : memref<1x128xi32, #tpu.memory_space<vmem>> -> memref<128xi32, #tpu.memory_space<vmem>>
      %dma_start3A_38 = arith.constant 0 : i32
      %dma_start3A_39 = arith.constant 0 : i32
      %dma_start3A_40 = tpu.memref_slice %arg2[%dma_start3A_38, %dma_start3A_39] : memref<10000x128xf32, #tpu.memory_space<hbm>> -> memref<10000x128xf32, #tpu.memory_space<hbm>>
      tpu.enqueue_indirect_dma source(%dma_start3A_40 : memref<10000x128xf32, #tpu.memory_space<hbm>>) target(%arg9 : memref<128x128xf32, #tpu.memory_space<vmem>>) offsets(%dma_start3A_37 : memref<128xi32, #tpu.memory_space<vmem>>) semaphore(%arg12 : memref<!tpu.dma_semaphore, #tpu.memory_space<semaphore_mem>>)
      %dma_wait3A = arith.constant 0 : i32
      %dma_wait3A_41 = arith.constant 0 : i32
      %dma_wait3A_42 = tpu.memref_slice %arg7[%dma_wait3A, %dma_wait3A_41] : memref<40x128xi32, #tpu.memory_space<vmem>> -> memref<1x128xi32, #tpu.memory_space<vmem>>
      %dma_wait3A_43 = tpu.memref_squeeze %dma_wait3A_42 : memref<1x128xi32, #tpu.memory_space<vmem>> -> memref<128xi32, #tpu.memory_space<vmem>>
      %dma_wait3A_44 = arith.constant 0 : i32
      %dma_wait3A_45 = arith.constant 0 : i32
      %dma_wait3A_46 = tpu.memref_slice %arg2[%dma_wait3A_44, %dma_wait3A_45] : memref<10000x128xf32, #tpu.memory_space<hbm>> -> memref<10000x128xf32, #tpu.memory_space<hbm>>
      tpu.wait_indirect_dma semaphore(%arg12 : memref<!tpu.dma_semaphore, #tpu.memory_space<semaphore_mem>>) src(%dma_wait3A_46 : memref<10000x128xf32, #tpu.memory_space<hbm>>) dst(%arg9 : memref<128x128xf32, #tpu.memory_space<vmem>>)
      %scan3A_47 = arith.constant 0 : i32
      %scan3A_48 = arith.constant 20 : i32
      %scan3A_49 = arith.addi %scan3A_47, %scan3A_48 : i32
      %scan3A_50 = arith.constant 5 : i32
      scf.for %scan3A_52 = %scan3A_47 to %scan3A_49 step %scan3A_50  : i32 {
        %mul3A_53 = arith.constant 2 : i32
        %mul3A_54 = arith.muli %scan3A_52, %mul3A_53 : i32
        %dma_start3A_55 = arith.constant 0 : i32
        %dma_start3A_56 = tpu.memref_slice %arg8[%mul3A_54, %dma_start3A_55] : memref<40x128xi32, #tpu.memory_space<vmem>> -> memref<1x128xi32, #tpu.memory_space<vmem>>
        %dma_start3A_57 = tpu.memref_squeeze %dma_start3A_56 : memref<1x128xi32, #tpu.memory_space<vmem>> -> memref<128xi32, #tpu.memory_space<vmem>>
        %dma_start3A_58 = arith.constant 0 : i32
        %dma_start3A_59 = arith.constant 0 : i32
        %dma_start3A_60 = tpu.memref_slice %arg11[%dma_start3A_58, %dma_start3A_59] : memref<10112x128xf32, #tpu.memory_space<vmem_shared>> -> memref<10112x128xf32, #tpu.memory_space<vmem_shared>>
        tpu.enqueue_indirect_dma source(%arg9 : memref<128x128xf32, #tpu.memory_space<vmem>>) target(%dma_start3A_60 : memref<10112x128xf32, #tpu.memory_space<vmem_shared>>) offsets(%dma_start3A_57 : memref<128xi32, #tpu.memory_space<vmem>>) semaphore(%arg13 : memref<!tpu.dma_semaphore, #tpu.memory_space<semaphore_mem>>) {add = true}
        %add3A_61 = arith.constant 1 : i32
        %add3A_62 = arith.addi %mul3A_54, %add3A_61 : i32
        %dma_start3A_63 = arith.constant 0 : i32
        %dma_start3A_64 = tpu.memref_slice %arg7[%add3A_62, %dma_start3A_63] : memref<40x128xi32, #tpu.memory_space<vmem>> -> memref<1x128xi32, #tpu.memory_space<vmem>>
        %dma_start3A_65 = tpu.memref_squeeze %dma_start3A_64 : memref<1x128xi32, #tpu.memory_space<vmem>> -> memref<128xi32, #tpu.memory_space<vmem>>
        %dma_start3A_66 = arith.constant 0 : i32
        %dma_start3A_67 = arith.constant 0 : i32
        %dma_start3A_68 = tpu.memref_slice %arg2[%dma_start3A_66, %dma_start3A_67] : memref<10000x128xf32, #tpu.memory_space<hbm>> -> memref<10000x128xf32, #tpu.memory_space<hbm>>
        tpu.enqueue_indirect_dma source(%dma_start3A_68 : memref<10000x128xf32, #tpu.memory_space<hbm>>) target(%arg10 : memref<128x128xf32, #tpu.memory_space<vmem>>) offsets(%dma_start3A_65 : memref<128xi32, #tpu.memory_space<vmem>>) semaphore(%arg12 : memref<!tpu.dma_semaphore, #tpu.memory_space<semaphore_mem>>)
        %dma_wait3A_69 = arith.constant 0 : i32
        %dma_wait3A_70 = tpu.memref_slice %arg8[%mul3A_54, %dma_wait3A_69] : memref<40x128xi32, #tpu.memory_space<vmem>> -> memref<1x128xi32, #tpu.memory_space<vmem>>
        %dma_wait3A_71 = tpu.memref_squeeze %dma_wait3A_70 : memref<1x128xi32, #tpu.memory_space<vmem>> -> memref<128xi32, #tpu.memory_space<vmem>>
        %dma_wait3A_72 = arith.constant 0 : i32
        %dma_wait3A_73 = arith.constant 0 : i32
        %dma_wait3A_74 = tpu.memref_slice %arg11[%dma_wait3A_72, %dma_wait3A_73] : memref<10112x128xf32, #tpu.memory_space<vmem_shared>> -> memref<10112x128xf32, #tpu.memory_space<vmem_shared>>
        tpu.wait_indirect_dma semaphore(%arg13 : memref<!tpu.dma_semaphore, #tpu.memory_space<semaphore_mem>>) src(%arg9 : memref<128x128xf32, #tpu.memory_space<vmem>>) dst(%dma_wait3A_74 : memref<10112x128xf32, #tpu.memory_space<vmem_shared>>)
        %dma_wait3A_75 = arith.constant 0 : i32
        %dma_wait3A_76 = tpu.memref_slice %arg7[%add3A_62, %dma_wait3A_75] : memref<40x128xi32, #tpu.memory_space<vmem>> -> memref<1x128xi32, #tpu.memory_space<vmem>>
        %dma_wait3A_77 = tpu.memref_squeeze %dma_wait3A_76 : memref<1x128xi32, #tpu.memory_space<vmem>> -> memref<128xi32, #tpu.memory_space<vmem>>
        %dma_wait3A_78 = arith.constant 0 : i32
        %dma_wait3A_79 = arith.constant 0 : i32
        %dma_wait3A_80 = tpu.memref_slice %arg2[%dma_wait3A_78, %dma_wait3A_79] : memref<10000x128xf32, #tpu.memory_space<hbm>> -> memref<10000x128xf32, #tpu.memory_space<hbm>>
        tpu.wait_indirect_dma semaphore(%arg12 : memref<!tpu.dma_semaphore, #tpu.memory_space<semaphore_mem>>) src(%dma_wait3A_80 : memref<10000x128xf32, #tpu.memory_space<hbm>>) dst(%arg10 : memref<128x128xf32, #tpu.memory_space<vmem>>)
        %add3A_81 = arith.constant 1 : i32
        %add3A_82 = arith.addi %mul3A_54, %add3A_81 : i32
        %dma_start3A_83 = arith.constant 0 : i32
        %dma_start3A_84 = tpu.memref_slice %arg8[%add3A_82, %dma_start3A_83] : memref<40x128xi32, #tpu.memory_space<vmem>> -> memref<1x128xi32, #tpu.memory_space<vmem>>
        %dma_start3A_85 = tpu.memref_squeeze %dma_start3A_84 : memref<1x128xi32, #tpu.memory_space<vmem>> -> memref<128xi32, #tpu.memory_space<vmem>>
        %dma_start3A_86 = arith.constant 0 : i32
        %dma_start3A_87 = arith.constant 0 : i32
        %dma_start3A_88 = tpu.memref_slice %arg11[%dma_start3A_86, %dma_start3A_87] : memref<10112x128xf32, #tpu.memory_space<vmem_shared>> -> memref<10112x128xf32, #tpu.memory_space<vmem_shared>>
        tpu.enqueue_indirect_dma source(%arg10 : memref<128x128xf32, #tpu.memory_space<vmem>>) target(%dma_start3A_88 : memref<10112x128xf32, #tpu.memory_space<vmem_shared>>) offsets(%dma_start3A_85 : memref<128xi32, #tpu.memory_space<vmem>>) semaphore(%arg13 : memref<!tpu.dma_semaphore, #tpu.memory_space<semaphore_mem>>) {add = true}
        %lt3A_89 = arith.constant 19 : i32
        %lt3A_90 = arith.cmpi slt, %scan3A_52, %lt3A_89 : i32
        %convert_element_type3A_91 = arith.extui %lt3A_90 : i1 to i32
        %cond3A_92 = arith.constant 0 : i32
        %cond3A_93 = arith.cmpi ne, %convert_element_type3A_91, %cond3A_92 : i32
        scf.if %cond3A_93 {
          %add3A_296 = arith.constant 2 : i32
          %add3A_297 = arith.addi %mul3A_54, %add3A_296 : i32
          %dma_start3A_298 = arith.constant 0 : i32
          %dma_start3A_299 = tpu.memref_slice %arg7[%add3A_297, %dma_start3A_298] : memref<40x128xi32, #tpu.memory_space<vmem>> -> memref<1x128xi32, #tpu.memory_space<vmem>>
          %dma_start3A_300 = tpu.memref_squeeze %dma_start3A_299 : memref<1x128xi32, #tpu.memory_space<vmem>> -> memref<128xi32, #tpu.memory_space<vmem>>
          %dma_start3A_301 = arith.constant 0 : i32
          %dma_start3A_302 = arith.constant 0 : i32
          %dma_start3A_303 = tpu.memref_slice %arg2[%dma_start3A_301, %dma_start3A_302] : memref<10000x128xf32, #tpu.memory_space<hbm>> -> memref<10000x128xf32, #tpu.memory_space<hbm>>
          tpu.enqueue_indirect_dma source(%dma_start3A_303 : memref<10000x128xf32, #tpu.memory_space<hbm>>) target(%arg9 : memref<128x128xf32, #tpu.memory_space<vmem>>) offsets(%dma_start3A_300 : memref<128xi32, #tpu.memory_space<vmem>>) semaphore(%arg12 : memref<!tpu.dma_semaphore, #tpu.memory_space<semaphore_mem>>)
          %dma_wait3A_304 = arith.constant 0 : i32
          %dma_wait3A_305 = tpu.memref_slice %arg7[%add3A_297, %dma_wait3A_304] : memref<40x128xi32, #tpu.memory_space<vmem>> -> memref<1x128xi32, #tpu.memory_space<vmem>>
          %dma_wait3A_306 = tpu.memref_squeeze %dma_wait3A_305 : memref<1x128xi32, #tpu.memory_space<vmem>> -> memref<128xi32, #tpu.memory_space<vmem>>
          %dma_wait3A_307 = arith.constant 0 : i32
          %dma_wait3A_308 = arith.constant 0 : i32
          %dma_wait3A_309 = tpu.memref_slice %arg2[%dma_wait3A_307, %dma_wait3A_308] : memref<10000x128xf32, #tpu.memory_space<hbm>> -> memref<10000x128xf32, #tpu.memory_space<hbm>>
          tpu.wait_indirect_dma semaphore(%arg12 : memref<!tpu.dma_semaphore, #tpu.memory_space<semaphore_mem>>) src(%dma_wait3A_309 : memref<10000x128xf32, #tpu.memory_space<hbm>>) dst(%arg9 : memref<128x128xf32, #tpu.memory_space<vmem>>)
        } else {
        }
        %dma_wait3A_94 = arith.constant 0 : i32
        %dma_wait3A_95 = tpu.memref_slice %arg8[%add3A_82, %dma_wait3A_94] : memref<40x128xi32, #tpu.memory_space<vmem>> -> memref<1x128xi32, #tpu.memory_space<vmem>>
        %dma_wait3A_96 = tpu.memref_squeeze %dma_wait3A_95 : memref<1x128xi32, #tpu.memory_space<vmem>> -> memref<128xi32, #tpu.memory_space<vmem>>
        %dma_wait3A_97 = arith.constant 0 : i32
        %dma_wait3A_98 = arith.constant 0 : i32
        %dma_wait3A_99 = tpu.memref_slice %arg11[%dma_wait3A_97, %dma_wait3A_98] : memref<10112x128xf32, #tpu.memory_space<vmem_shared>> -> memref<10112x128xf32, #tpu.memory_space<vmem_shared>>
        tpu.wait_indirect_dma semaphore(%arg13 : memref<!tpu.dma_semaphore, #tpu.memory_space<semaphore_mem>>) src(%arg10 : memref<128x128xf32, #tpu.memory_space<vmem>>) dst(%dma_wait3A_99 : memref<10112x128xf32, #tpu.memory_space<vmem_shared>>)
        %scan3A_100 = arith.constant 1 : i32
        %scan3A_101 = arith.addi %scan3A_52, %scan3A_100 : i32
        %mul3A_102 = arith.constant 2 : i32
        %mul3A_103 = arith.muli %scan3A_101, %mul3A_102 : i32
        %dma_start3A_104 = arith.constant 0 : i32
        %dma_start3A_105 = tpu.memref_slice %arg8[%mul3A_103, %dma_start3A_104] : memref<40x128xi32, #tpu.memory_space<vmem>> -> memref<1x128xi32, #tpu.memory_space<vmem>>
        %dma_start3A_106 = tpu.memref_squeeze %dma_start3A_105 : memref<1x128xi32, #tpu.memory_space<vmem>> -> memref<128xi32, #tpu.memory_space<vmem>>
        %dma_start3A_107 = arith.constant 0 : i32
        %dma_start3A_108 = arith.constant 0 : i32
        %dma_start3A_109 = tpu.memref_slice %arg11[%dma_start3A_107, %dma_start3A_108] : memref<10112x128xf32, #tpu.memory_space<vmem_shared>> -> memref<10112x128xf32, #tpu.memory_space<vmem_shared>>
        tpu.enqueue_indirect_dma source(%arg9 : memref<128x128xf32, #tpu.memory_space<vmem>>) target(%dma_start3A_109 : memref<10112x128xf32, #tpu.memory_space<vmem_shared>>) offsets(%dma_start3A_106 : memref<128xi32, #tpu.memory_space<vmem>>) semaphore(%arg13 : memref<!tpu.dma_semaphore, #tpu.memory_space<semaphore_mem>>) {add = true}
        %add3A_110 = arith.constant 1 : i32
        %add3A_111 = arith.addi %mul3A_103, %add3A_110 : i32
        %dma_start3A_112 = arith.constant 0 : i32
        %dma_start3A_113 = tpu.memref_slice %arg7[%add3A_111, %dma_start3A_112] : memref<40x128xi32, #tpu.memory_space<vmem>> -> memref<1x128xi32, #tpu.memory_space<vmem>>
        %dma_start3A_114 = tpu.memref_squeeze %dma_start3A_113 : memref<1x128xi32, #tpu.memory_space<vmem>> -> memref<128xi32, #tpu.memory_space<vmem>>
        %dma_start3A_115 = arith.constant 0 : i32
        %dma_start3A_116 = arith.constant 0 : i32
        %dma_start3A_117 = tpu.memref_slice %arg2[%dma_start3A_115, %dma_start3A_116] : memref<10000x128xf32, #tpu.memory_space<hbm>> -> memref<10000x128xf32, #tpu.memory_space<hbm>>
        tpu.enqueue_indirect_dma source(%dma_start3A_117 : memref<10000x128xf32, #tpu.memory_space<hbm>>) target(%arg10 : memref<128x128xf32, #tpu.memory_space<vmem>>) offsets(%dma_start3A_114 : memref<128xi32, #tpu.memory_space<vmem>>) semaphore(%arg12 : memref<!tpu.dma_semaphore, #tpu.memory_space<semaphore_mem>>)
        %dma_wait3A_118 = arith.constant 0 : i32
        %dma_wait3A_119 = tpu.memref_slice %arg8[%mul3A_103, %dma_wait3A_118] : memref<40x128xi32, #tpu.memory_space<vmem>> -> memref<1x128xi32, #tpu.memory_space<vmem>>
        %dma_wait3A_120 = tpu.memref_squeeze %dma_wait3A_119 : memref<1x128xi32, #tpu.memory_space<vmem>> -> memref<128xi32, #tpu.memory_space<vmem>>
        %dma_wait3A_121 = arith.constant 0 : i32
        %dma_wait3A_122 = arith.constant 0 : i32
        %dma_wait3A_123 = tpu.memref_slice %arg11[%dma_wait3A_121, %dma_wait3A_122] : memref<10112x128xf32, #tpu.memory_space<vmem_shared>> -> memref<10112x128xf32, #tpu.memory_space<vmem_shared>>
        tpu.wait_indirect_dma semaphore(%arg13 : memref<!tpu.dma_semaphore, #tpu.memory_space<semaphore_mem>>) src(%arg9 : memref<128x128xf32, #tpu.memory_space<vmem>>) dst(%dma_wait3A_123 : memref<10112x128xf32, #tpu.memory_space<vmem_shared>>)
        %dma_wait3A_124 = arith.constant 0 : i32
        %dma_wait3A_125 = tpu.memref_slice %arg7[%add3A_111, %dma_wait3A_124] : memref<40x128xi32, #tpu.memory_space<vmem>> -> memref<1x128xi32, #tpu.memory_space<vmem>>
        %dma_wait3A_126 = tpu.memref_squeeze %dma_wait3A_125 : memref<1x128xi32, #tpu.memory_space<vmem>> -> memref<128xi32, #tpu.memory_space<vmem>>
        %dma_wait3A_127 = arith.constant 0 : i32
        %dma_wait3A_128 = arith.constant 0 : i32
        %dma_wait3A_129 = tpu.memref_slice %arg2[%dma_wait3A_127, %dma_wait3A_128] : memref<10000x128xf32, #tpu.memory_space<hbm>> -> memref<10000x128xf32, #tpu.memory_space<hbm>>
        tpu.wait_indirect_dma semaphore(%arg12 : memref<!tpu.dma_semaphore, #tpu.memory_space<semaphore_mem>>) src(%dma_wait3A_129 : memref<10000x128xf32, #tpu.memory_space<hbm>>) dst(%arg10 : memref<128x128xf32, #tpu.memory_space<vmem>>)
        %add3A_130 = arith.constant 1 : i32
        %add3A_131 = arith.addi %mul3A_103, %add3A_130 : i32
        %dma_start3A_132 = arith.constant 0 : i32
        %dma_start3A_133 = tpu.memref_slice %arg8[%add3A_131, %dma_start3A_132] : memref<40x128xi32, #tpu.memory_space<vmem>> -> memref<1x128xi32, #tpu.memory_space<vmem>>
        %dma_start3A_134 = tpu.memref_squeeze %dma_start3A_133 : memref<1x128xi32, #tpu.memory_space<vmem>> -> memref<128xi32, #tpu.memory_space<vmem>>
        %dma_start3A_135 = arith.constant 0 : i32
        %dma_start3A_136 = arith.constant 0 : i32
        %dma_start3A_137 = tpu.memref_slice %arg11[%dma_start3A_135, %dma_start3A_136] : memref<10112x128xf32, #tpu.memory_space<vmem_shared>> -> memref<10112x128xf32, #tpu.memory_space<vmem_shared>>
        tpu.enqueue_indirect_dma source(%arg10 : memref<128x128xf32, #tpu.memory_space<vmem>>) target(%dma_start3A_137 : memref<10112x128xf32, #tpu.memory_space<vmem_shared>>) offsets(%dma_start3A_134 : memref<128xi32, #tpu.memory_space<vmem>>) semaphore(%arg13 : memref<!tpu.dma_semaphore, #tpu.memory_space<semaphore_mem>>) {add = true}
        %lt3A_138 = arith.constant 19 : i32
        %lt3A_139 = arith.cmpi slt, %scan3A_101, %lt3A_138 : i32
        %convert_element_type3A_140 = arith.extui %lt3A_139 : i1 to i32
        %cond3A_141 = arith.constant 0 : i32
        %cond3A_142 = arith.cmpi ne, %convert_element_type3A_140, %cond3A_141 : i32
        scf.if %cond3A_142 {
          %add3A_296 = arith.constant 2 : i32
          %add3A_297 = arith.addi %mul3A_103, %add3A_296 : i32
          %dma_start3A_298 = arith.constant 0 : i32
          %dma_start3A_299 = tpu.memref_slice %arg7[%add3A_297, %dma_start3A_298] : memref<40x128xi32, #tpu.memory_space<vmem>> -> memref<1x128xi32, #tpu.memory_space<vmem>>
          %dma_start3A_300 = tpu.memref_squeeze %dma_start3A_299 : memref<1x128xi32, #tpu.memory_space<vmem>> -> memref<128xi32, #tpu.memory_space<vmem>>
          %dma_start3A_301 = arith.constant 0 : i32
          %dma_start3A_302 = arith.constant 0 : i32
          %dma_start3A_303 = tpu.memref_slice %arg2[%dma_start3A_301, %dma_start3A_302] : memref<10000x128xf32, #tpu.memory_space<hbm>> -> memref<10000x128xf32, #tpu.memory_space<hbm>>
          tpu.enqueue_indirect_dma source(%dma_start3A_303 : memref<10000x128xf32, #tpu.memory_space<hbm>>) target(%arg9 : memref<128x128xf32, #tpu.memory_space<vmem>>) offsets(%dma_start3A_300 : memref<128xi32, #tpu.memory_space<vmem>>) semaphore(%arg12 : memref<!tpu.dma_semaphore, #tpu.memory_space<semaphore_mem>>)
          %dma_wait3A_304 = arith.constant 0 : i32
          %dma_wait3A_305 = tpu.memref_slice %arg7[%add3A_297, %dma_wait3A_304] : memref<40x128xi32, #tpu.memory_space<vmem>> -> memref<1x128xi32, #tpu.memory_space<vmem>>
          %dma_wait3A_306 = tpu.memref_squeeze %dma_wait3A_305 : memref<1x128xi32, #tpu.memory_space<vmem>> -> memref<128xi32, #tpu.memory_space<vmem>>
          %dma_wait3A_307 = arith.constant 0 : i32
          %dma_wait3A_308 = arith.constant 0 : i32
          %dma_wait3A_309 = tpu.memref_slice %arg2[%dma_wait3A_307, %dma_wait3A_308] : memref<10000x128xf32, #tpu.memory_space<hbm>> -> memref<10000x128xf32, #tpu.memory_space<hbm>>
          tpu.wait_indirect_dma semaphore(%arg12 : memref<!tpu.dma_semaphore, #tpu.memory_space<semaphore_mem>>) src(%dma_wait3A_309 : memref<10000x128xf32, #tpu.memory_space<hbm>>) dst(%arg9 : memref<128x128xf32, #tpu.memory_space<vmem>>)
        } else {
        }
        %dma_wait3A_143 = arith.constant 0 : i32
        %dma_wait3A_144 = tpu.memref_slice %arg8[%add3A_131, %dma_wait3A_143] : memref<40x128xi32, #tpu.memory_space<vmem>> -> memref<1x128xi32, #tpu.memory_space<vmem>>
        %dma_wait3A_145 = tpu.memref_squeeze %dma_wait3A_144 : memref<1x128xi32, #tpu.memory_space<vmem>> -> memref<128xi32, #tpu.memory_space<vmem>>
        %dma_wait3A_146 = arith.constant 0 : i32
        %dma_wait3A_147 = arith.constant 0 : i32
        %dma_wait3A_148 = tpu.memref_slice %arg11[%dma_wait3A_146, %dma_wait3A_147] : memref<10112x128xf32, #tpu.memory_space<vmem_shared>> -> memref<10112x128xf32, #tpu.memory_space<vmem_shared>>
        tpu.wait_indirect_dma semaphore(%arg13 : memref<!tpu.dma_semaphore, #tpu.memory_space<semaphore_mem>>) src(%arg10 : memref<128x128xf32, #tpu.memory_space<vmem>>) dst(%dma_wait3A_148 : memref<10112x128xf32, #tpu.memory_space<vmem_shared>>)
        %scan3A_149 = arith.constant 2 : i32
        %scan3A_150 = arith.addi %scan3A_52, %scan3A_149 : i32
        %mul3A_151 = arith.constant 2 : i32
        %mul3A_152 = arith.muli %scan3A_150, %mul3A_151 : i32
        %dma_start3A_153 = arith.constant 0 : i32
        %dma_start3A_154 = tpu.memref_slice %arg8[%mul3A_152, %dma_start3A_153] : memref<40x128xi32, #tpu.memory_space<vmem>> -> memref<1x128xi32, #tpu.memory_space<vmem>>
        %dma_start3A_155 = tpu.memref_squeeze %dma_start3A_154 : memref<1x128xi32, #tpu.memory_space<vmem>> -> memref<128xi32, #tpu.memory_space<vmem>>
        %dma_start3A_156 = arith.constant 0 : i32
        %dma_start3A_157 = arith.constant 0 : i32
        %dma_start3A_158 = tpu.memref_slice %arg11[%dma_start3A_156, %dma_start3A_157] : memref<10112x128xf32, #tpu.memory_space<vmem_shared>> -> memref<10112x128xf32, #tpu.memory_space<vmem_shared>>
        tpu.enqueue_indirect_dma source(%arg9 : memref<128x128xf32, #tpu.memory_space<vmem>>) target(%dma_start3A_158 : memref<10112x128xf32, #tpu.memory_space<vmem_shared>>) offsets(%dma_start3A_155 : memref<128xi32, #tpu.memory_space<vmem>>) semaphore(%arg13 : memref<!tpu.dma_semaphore, #tpu.memory_space<semaphore_mem>>) {add = true}
        %add3A_159 = arith.constant 1 : i32
        %add3A_160 = arith.addi %mul3A_152, %add3A_159 : i32
        %dma_start3A_161 = arith.constant 0 : i32
        %dma_start3A_162 = tpu.memref_slice %arg7[%add3A_160, %dma_start3A_161] : memref<40x128xi32, #tpu.memory_space<vmem>> -> memref<1x128xi32, #tpu.memory_space<vmem>>
        %dma_start3A_163 = tpu.memref_squeeze %dma_start3A_162 : memref<1x128xi32, #tpu.memory_space<vmem>> -> memref<128xi32, #tpu.memory_space<vmem>>
        %dma_start3A_164 = arith.constant 0 : i32
        %dma_start3A_165 = arith.constant 0 : i32
        %dma_start3A_166 = tpu.memref_slice %arg2[%dma_start3A_164, %dma_start3A_165] : memref<10000x128xf32, #tpu.memory_space<hbm>> -> memref<10000x128xf32, #tpu.memory_space<hbm>>
        tpu.enqueue_indirect_dma source(%dma_start3A_166 : memref<10000x128xf32, #tpu.memory_space<hbm>>) target(%arg10 : memref<128x128xf32, #tpu.memory_space<vmem>>) offsets(%dma_start3A_163 : memref<128xi32, #tpu.memory_space<vmem>>) semaphore(%arg12 : memref<!tpu.dma_semaphore, #tpu.memory_space<semaphore_mem>>)
        %dma_wait3A_167 = arith.constant 0 : i32
        %dma_wait3A_168 = tpu.memref_slice %arg8[%mul3A_152, %dma_wait3A_167] : memref<40x128xi32, #tpu.memory_space<vmem>> -> memref<1x128xi32, #tpu.memory_space<vmem>>
        %dma_wait3A_169 = tpu.memref_squeeze %dma_wait3A_168 : memref<1x128xi32, #tpu.memory_space<vmem>> -> memref<128xi32, #tpu.memory_space<vmem>>
        %dma_wait3A_170 = arith.constant 0 : i32
        %dma_wait3A_171 = arith.constant 0 : i32
        %dma_wait3A_172 = tpu.memref_slice %arg11[%dma_wait3A_170, %dma_wait3A_171] : memref<10112x128xf32, #tpu.memory_space<vmem_shared>> -> memref<10112x128xf32, #tpu.memory_space<vmem_shared>>
        tpu.wait_indirect_dma semaphore(%arg13 : memref<!tpu.dma_semaphore, #tpu.memory_space<semaphore_mem>>) src(%arg9 : memref<128x128xf32, #tpu.memory_space<vmem>>) dst(%dma_wait3A_172 : memref<10112x128xf32, #tpu.memory_space<vmem_shared>>)
        %dma_wait3A_173 = arith.constant 0 : i32
        %dma_wait3A_174 = tpu.memref_slice %arg7[%add3A_160, %dma_wait3A_173] : memref<40x128xi32, #tpu.memory_space<vmem>> -> memref<1x128xi32, #tpu.memory_space<vmem>>
        %dma_wait3A_175 = tpu.memref_squeeze %dma_wait3A_174 : memref<1x128xi32, #tpu.memory_space<vmem>> -> memref<128xi32, #tpu.memory_space<vmem>>
        %dma_wait3A_176 = arith.constant 0 : i32
        %dma_wait3A_177 = arith.constant 0 : i32
        %dma_wait3A_178 = tpu.memref_slice %arg2[%dma_wait3A_176, %dma_wait3A_177] : memref<10000x128xf32, #tpu.memory_space<hbm>> -> memref<10000x128xf32, #tpu.memory_space<hbm>>
        tpu.wait_indirect_dma semaphore(%arg12 : memref<!tpu.dma_semaphore, #tpu.memory_space<semaphore_mem>>) src(%dma_wait3A_178 : memref<10000x128xf32, #tpu.memory_space<hbm>>) dst(%arg10 : memref<128x128xf32, #tpu.memory_space<vmem>>)
        %add3A_179 = arith.constant 1 : i32
        %add3A_180 = arith.addi %mul3A_152, %add3A_179 : i32
        %dma_start3A_181 = arith.constant 0 : i32
        %dma_start3A_182 = tpu.memref_slice %arg8[%add3A_180, %dma_start3A_181] : memref<40x128xi32, #tpu.memory_space<vmem>> -> memref<1x128xi32, #tpu.memory_space<vmem>>
        %dma_start3A_183 = tpu.memref_squeeze %dma_start3A_182 : memref<1x128xi32, #tpu.memory_space<vmem>> -> memref<128xi32, #tpu.memory_space<vmem>>
        %dma_start3A_184 = arith.constant 0 : i32
        %dma_start3A_185 = arith.constant 0 : i32
        %dma_start3A_186 = tpu.memref_slice %arg11[%dma_start3A_184, %dma_start3A_185] : memref<10112x128xf32, #tpu.memory_space<vmem_shared>> -> memref<10112x128xf32, #tpu.memory_space<vmem_shared>>
        tpu.enqueue_indirect_dma source(%arg10 : memref<128x128xf32, #tpu.memory_space<vmem>>) target(%dma_start3A_186 : memref<10112x128xf32, #tpu.memory_space<vmem_shared>>) offsets(%dma_start3A_183 : memref<128xi32, #tpu.memory_space<vmem>>) semaphore(%arg13 : memref<!tpu.dma_semaphore, #tpu.memory_space<semaphore_mem>>) {add = true}
        %lt3A_187 = arith.constant 19 : i32
        %lt3A_188 = arith.cmpi slt, %scan3A_150, %lt3A_187 : i32
        %convert_element_type3A_189 = arith.extui %lt3A_188 : i1 to i32
        %cond3A_190 = arith.constant 0 : i32
        %cond3A_191 = arith.cmpi ne, %convert_element_type3A_189, %cond3A_190 : i32
        scf.if %cond3A_191 {
          %add3A_296 = arith.constant 2 : i32
          %add3A_297 = arith.addi %mul3A_152, %add3A_296 : i32
          %dma_start3A_298 = arith.constant 0 : i32
          %dma_start3A_299 = tpu.memref_slice %arg7[%add3A_297, %dma_start3A_298] : memref<40x128xi32, #tpu.memory_space<vmem>> -> memref<1x128xi32, #tpu.memory_space<vmem>>
          %dma_start3A_300 = tpu.memref_squeeze %dma_start3A_299 : memref<1x128xi32, #tpu.memory_space<vmem>> -> memref<128xi32, #tpu.memory_space<vmem>>
          %dma_start3A_301 = arith.constant 0 : i32
          %dma_start3A_302 = arith.constant 0 : i32
          %dma_start3A_303 = tpu.memref_slice %arg2[%dma_start3A_301, %dma_start3A_302] : memref<10000x128xf32, #tpu.memory_space<hbm>> -> memref<10000x128xf32, #tpu.memory_space<hbm>>
          tpu.enqueue_indirect_dma source(%dma_start3A_303 : memref<10000x128xf32, #tpu.memory_space<hbm>>) target(%arg9 : memref<128x128xf32, #tpu.memory_space<vmem>>) offsets(%dma_start3A_300 : memref<128xi32, #tpu.memory_space<vmem>>) semaphore(%arg12 : memref<!tpu.dma_semaphore, #tpu.memory_space<semaphore_mem>>)
          %dma_wait3A_304 = arith.constant 0 : i32
          %dma_wait3A_305 = tpu.memref_slice %arg7[%add3A_297, %dma_wait3A_304] : memref<40x128xi32, #tpu.memory_space<vmem>> -> memref<1x128xi32, #tpu.memory_space<vmem>>
          %dma_wait3A_306 = tpu.memref_squeeze %dma_wait3A_305 : memref<1x128xi32, #tpu.memory_space<vmem>> -> memref<128xi32, #tpu.memory_space<vmem>>
          %dma_wait3A_307 = arith.constant 0 : i32
          %dma_wait3A_308 = arith.constant 0 : i32
          %dma_wait3A_309 = tpu.memref_slice %arg2[%dma_wait3A_307, %dma_wait3A_308] : memref<10000x128xf32, #tpu.memory_space<hbm>> -> memref<10000x128xf32, #tpu.memory_space<hbm>>
          tpu.wait_indirect_dma semaphore(%arg12 : memref<!tpu.dma_semaphore, #tpu.memory_space<semaphore_mem>>) src(%dma_wait3A_309 : memref<10000x128xf32, #tpu.memory_space<hbm>>) dst(%arg9 : memref<128x128xf32, #tpu.memory_space<vmem>>)
        } else {
        }
        %dma_wait3A_192 = arith.constant 0 : i32
        %dma_wait3A_193 = tpu.memref_slice %arg8[%add3A_180, %dma_wait3A_192] : memref<40x128xi32, #tpu.memory_space<vmem>> -> memref<1x128xi32, #tpu.memory_space<vmem>>
        %dma_wait3A_194 = tpu.memref_squeeze %dma_wait3A_193 : memref<1x128xi32, #tpu.memory_space<vmem>> -> memref<128xi32, #tpu.memory_space<vmem>>
        %dma_wait3A_195 = arith.constant 0 : i32
        %dma_wait3A_196 = arith.constant 0 : i32
        %dma_wait3A_197 = tpu.memref_slice %arg11[%dma_wait3A_195, %dma_wait3A_196] : memref<10112x128xf32, #tpu.memory_space<vmem_shared>> -> memref<10112x128xf32, #tpu.memory_space<vmem_shared>>
        tpu.wait_indirect_dma semaphore(%arg13 : memref<!tpu.dma_semaphore, #tpu.memory_space<semaphore_mem>>) src(%arg10 : memref<128x128xf32, #tpu.memory_space<vmem>>) dst(%dma_wait3A_197 : memref<10112x128xf32, #tpu.memory_space<vmem_shared>>)
        %scan3A_198 = arith.constant 3 : i32
        %scan3A_199 = arith.addi %scan3A_52, %scan3A_198 : i32
        %mul3A_200 = arith.constant 2 : i32
        %mul3A_201 = arith.muli %scan3A_199, %mul3A_200 : i32
        %dma_start3A_202 = arith.constant 0 : i32
        %dma_start3A_203 = tpu.memref_slice %arg8[%mul3A_201, %dma_start3A_202] : memref<40x128xi32, #tpu.memory_space<vmem>> -> memref<1x128xi32, #tpu.memory_space<vmem>>
        %dma_start3A_204 = tpu.memref_squeeze %dma_start3A_203 : memref<1x128xi32, #tpu.memory_space<vmem>> -> memref<128xi32, #tpu.memory_space<vmem>>
        %dma_start3A_205 = arith.constant 0 : i32
        %dma_start3A_206 = arith.constant 0 : i32
        %dma_start3A_207 = tpu.memref_slice %arg11[%dma_start3A_205, %dma_start3A_206] : memref<10112x128xf32, #tpu.memory_space<vmem_shared>> -> memref<10112x128xf32, #tpu.memory_space<vmem_shared>>
        tpu.enqueue_indirect_dma source(%arg9 : memref<128x128xf32, #tpu.memory_space<vmem>>) target(%dma_start3A_207 : memref<10112x128xf32, #tpu.memory_space<vmem_shared>>) offsets(%dma_start3A_204 : memref<128xi32, #tpu.memory_space<vmem>>) semaphore(%arg13 : memref<!tpu.dma_semaphore, #tpu.memory_space<semaphore_mem>>) {add = true}
        %add3A_208 = arith.constant 1 : i32
        %add3A_209 = arith.addi %mul3A_201, %add3A_208 : i32
        %dma_start3A_210 = arith.constant 0 : i32
        %dma_start3A_211 = tpu.memref_slice %arg7[%add3A_209, %dma_start3A_210] : memref<40x128xi32, #tpu.memory_space<vmem>> -> memref<1x128xi32, #tpu.memory_space<vmem>>
        %dma_start3A_212 = tpu.memref_squeeze %dma_start3A_211 : memref<1x128xi32, #tpu.memory_space<vmem>> -> memref<128xi32, #tpu.memory_space<vmem>>
        %dma_start3A_213 = arith.constant 0 : i32
        %dma_start3A_214 = arith.constant 0 : i32
        %dma_start3A_215 = tpu.memref_slice %arg2[%dma_start3A_213, %dma_start3A_214] : memref<10000x128xf32, #tpu.memory_space<hbm>> -> memref<10000x128xf32, #tpu.memory_space<hbm>>
        tpu.enqueue_indirect_dma source(%dma_start3A_215 : memref<10000x128xf32, #tpu.memory_space<hbm>>) target(%arg10 : memref<128x128xf32, #tpu.memory_space<vmem>>) offsets(%dma_start3A_212 : memref<128xi32, #tpu.memory_space<vmem>>) semaphore(%arg12 : memref<!tpu.dma_semaphore, #tpu.memory_space<semaphore_mem>>)
        %dma_wait3A_216 = arith.constant 0 : i32
        %dma_wait3A_217 = tpu.memref_slice %arg8[%mul3A_201, %dma_wait3A_216] : memref<40x128xi32, #tpu.memory_space<vmem>> -> memref<1x128xi32, #tpu.memory_space<vmem>>
        %dma_wait3A_218 = tpu.memref_squeeze %dma_wait3A_217 : memref<1x128xi32, #tpu.memory_space<vmem>> -> memref<128xi32, #tpu.memory_space<vmem>>
        %dma_wait3A_219 = arith.constant 0 : i32
        %dma_wait3A_220 = arith.constant 0 : i32
        %dma_wait3A_221 = tpu.memref_slice %arg11[%dma_wait3A_219, %dma_wait3A_220] : memref<10112x128xf32, #tpu.memory_space<vmem_shared>> -> memref<10112x128xf32, #tpu.memory_space<vmem_shared>>
        tpu.wait_indirect_dma semaphore(%arg13 : memref<!tpu.dma_semaphore, #tpu.memory_space<semaphore_mem>>) src(%arg9 : memref<128x128xf32, #tpu.memory_space<vmem>>) dst(%dma_wait3A_221 : memref<10112x128xf32, #tpu.memory_space<vmem_shared>>)
        %dma_wait3A_222 = arith.constant 0 : i32
        %dma_wait3A_223 = tpu.memref_slice %arg7[%add3A_209, %dma_wait3A_222] : memref<40x128xi32, #tpu.memory_space<vmem>> -> memref<1x128xi32, #tpu.memory_space<vmem>>
        %dma_wait3A_224 = tpu.memref_squeeze %dma_wait3A_223 : memref<1x128xi32, #tpu.memory_space<vmem>> -> memref<128xi32, #tpu.memory_space<vmem>>
        %dma_wait3A_225 = arith.constant 0 : i32
        %dma_wait3A_226 = arith.constant 0 : i32
        %dma_wait3A_227 = tpu.memref_slice %arg2[%dma_wait3A_225, %dma_wait3A_226] : memref<10000x128xf32, #tpu.memory_space<hbm>> -> memref<10000x128xf32, #tpu.memory_space<hbm>>
        tpu.wait_indirect_dma semaphore(%arg12 : memref<!tpu.dma_semaphore, #tpu.memory_space<semaphore_mem>>) src(%dma_wait3A_227 : memref<10000x128xf32, #tpu.memory_space<hbm>>) dst(%arg10 : memref<128x128xf32, #tpu.memory_space<vmem>>)
        %add3A_228 = arith.constant 1 : i32
        %add3A_229 = arith.addi %mul3A_201, %add3A_228 : i32
        %dma_start3A_230 = arith.constant 0 : i32
        %dma_start3A_231 = tpu.memref_slice %arg8[%add3A_229, %dma_start3A_230] : memref<40x128xi32, #tpu.memory_space<vmem>> -> memref<1x128xi32, #tpu.memory_space<vmem>>
        %dma_start3A_232 = tpu.memref_squeeze %dma_start3A_231 : memref<1x128xi32, #tpu.memory_space<vmem>> -> memref<128xi32, #tpu.memory_space<vmem>>
        %dma_start3A_233 = arith.constant 0 : i32
        %dma_start3A_234 = arith.constant 0 : i32
        %dma_start3A_235 = tpu.memref_slice %arg11[%dma_start3A_233, %dma_start3A_234] : memref<10112x128xf32, #tpu.memory_space<vmem_shared>> -> memref<10112x128xf32, #tpu.memory_space<vmem_shared>>
        tpu.enqueue_indirect_dma source(%arg10 : memref<128x128xf32, #tpu.memory_space<vmem>>) target(%dma_start3A_235 : memref<10112x128xf32, #tpu.memory_space<vmem_shared>>) offsets(%dma_start3A_232 : memref<128xi32, #tpu.memory_space<vmem>>) semaphore(%arg13 : memref<!tpu.dma_semaphore, #tpu.memory_space<semaphore_mem>>) {add = true}
        %lt3A_236 = arith.constant 19 : i32
        %lt3A_237 = arith.cmpi slt, %scan3A_199, %lt3A_236 : i32
        %convert_element_type3A_238 = arith.extui %lt3A_237 : i1 to i32
        %cond3A_239 = arith.constant 0 : i32
        %cond3A_240 = arith.cmpi ne, %convert_element_type3A_238, %cond3A_239 : i32
        scf.if %cond3A_240 {
          %add3A_296 = arith.constant 2 : i32
          %add3A_297 = arith.addi %mul3A_201, %add3A_296 : i32
          %dma_start3A_298 = arith.constant 0 : i32
          %dma_start3A_299 = tpu.memref_slice %arg7[%add3A_297, %dma_start3A_298] : memref<40x128xi32, #tpu.memory_space<vmem>> -> memref<1x128xi32, #tpu.memory_space<vmem>>
          %dma_start3A_300 = tpu.memref_squeeze %dma_start3A_299 : memref<1x128xi32, #tpu.memory_space<vmem>> -> memref<128xi32, #tpu.memory_space<vmem>>
          %dma_start3A_301 = arith.constant 0 : i32
          %dma_start3A_302 = arith.constant 0 : i32
          %dma_start3A_303 = tpu.memref_slice %arg2[%dma_start3A_301, %dma_start3A_302] : memref<10000x128xf32, #tpu.memory_space<hbm>> -> memref<10000x128xf32, #tpu.memory_space<hbm>>
          tpu.enqueue_indirect_dma source(%dma_start3A_303 : memref<10000x128xf32, #tpu.memory_space<hbm>>) target(%arg9 : memref<128x128xf32, #tpu.memory_space<vmem>>) offsets(%dma_start3A_300 : memref<128xi32, #tpu.memory_space<vmem>>) semaphore(%arg12 : memref<!tpu.dma_semaphore, #tpu.memory_space<semaphore_mem>>)
          %dma_wait3A_304 = arith.constant 0 : i32
          %dma_wait3A_305 = tpu.memref_slice %arg7[%add3A_297, %dma_wait3A_304] : memref<40x128xi32, #tpu.memory_space<vmem>> -> memref<1x128xi32, #tpu.memory_space<vmem>>
          %dma_wait3A_306 = tpu.memref_squeeze %dma_wait3A_305 : memref<1x128xi32, #tpu.memory_space<vmem>> -> memref<128xi32, #tpu.memory_space<vmem>>
          %dma_wait3A_307 = arith.constant 0 : i32
          %dma_wait3A_308 = arith.constant 0 : i32
          %dma_wait3A_309 = tpu.memref_slice %arg2[%dma_wait3A_307, %dma_wait3A_308] : memref<10000x128xf32, #tpu.memory_space<hbm>> -> memref<10000x128xf32, #tpu.memory_space<hbm>>
          tpu.wait_indirect_dma semaphore(%arg12 : memref<!tpu.dma_semaphore, #tpu.memory_space<semaphore_mem>>) src(%dma_wait3A_309 : memref<10000x128xf32, #tpu.memory_space<hbm>>) dst(%arg9 : memref<128x128xf32, #tpu.memory_space<vmem>>)
        } else {
        }
        %dma_wait3A_241 = arith.constant 0 : i32
        %dma_wait3A_242 = tpu.memref_slice %arg8[%add3A_229, %dma_wait3A_241] : memref<40x128xi32, #tpu.memory_space<vmem>> -> memref<1x128xi32, #tpu.memory_space<vmem>>
        %dma_wait3A_243 = tpu.memref_squeeze %dma_wait3A_242 : memref<1x128xi32, #tpu.memory_space<vmem>> -> memref<128xi32, #tpu.memory_space<vmem>>
        %dma_wait3A_244 = arith.constant 0 : i32
        %dma_wait3A_245 = arith.constant 0 : i32
        %dma_wait3A_246 = tpu.memref_slice %arg11[%dma_wait3A_244, %dma_wait3A_245] : memref<10112x128xf32, #tpu.memory_space<vmem_shared>> -> memref<10112x128xf32, #tpu.memory_space<vmem_shared>>
        tpu.wait_indirect_dma semaphore(%arg13 : memref<!tpu.dma_semaphore, #tpu.memory_space<semaphore_mem>>) src(%arg10 : memref<128x128xf32, #tpu.memory_space<vmem>>) dst(%dma_wait3A_246 : memref<10112x128xf32, #tpu.memory_space<vmem_shared>>)
        %scan3A_247 = arith.constant 4 : i32
        %scan3A_248 = arith.addi %scan3A_52, %scan3A_247 : i32
        %mul3A_249 = arith.constant 2 : i32
        %mul3A_250 = arith.muli %scan3A_248, %mul3A_249 : i32
        %dma_start3A_251 = arith.constant 0 : i32
        %dma_start3A_252 = tpu.memref_slice %arg8[%mul3A_250, %dma_start3A_251] : memref<40x128xi32, #tpu.memory_space<vmem>> -> memref<1x128xi32, #tpu.memory_space<vmem>>
        %dma_start3A_253 = tpu.memref_squeeze %dma_start3A_252 : memref<1x128xi32, #tpu.memory_space<vmem>> -> memref<128xi32, #tpu.memory_space<vmem>>
        %dma_start3A_254 = arith.constant 0 : i32
        %dma_start3A_255 = arith.constant 0 : i32
        %dma_start3A_256 = tpu.memref_slice %arg11[%dma_start3A_254, %dma_start3A_255] : memref<10112x128xf32, #tpu.memory_space<vmem_shared>> -> memref<10112x128xf32, #tpu.memory_space<vmem_shared>>
        tpu.enqueue_indirect_dma source(%arg9 : memref<128x128xf32, #tpu.memory_space<vmem>>) target(%dma_start3A_256 : memref<10112x128xf32, #tpu.memory_space<vmem_shared>>) offsets(%dma_start3A_253 : memref<128xi32, #tpu.memory_space<vmem>>) semaphore(%arg13 : memref<!tpu.dma_semaphore, #tpu.memory_space<semaphore_mem>>) {add = true}
        %add3A_257 = arith.constant 1 : i32
        %add3A_258 = arith.addi %mul3A_250, %add3A_257 : i32
        %dma_start3A_259 = arith.constant 0 : i32
        %dma_start3A_260 = tpu.memref_slice %arg7[%add3A_258, %dma_start3A_259] : memref<40x128xi32, #tpu.memory_space<vmem>> -> memref<1x128xi32, #tpu.memory_space<vmem>>
        %dma_start3A_261 = tpu.memref_squeeze %dma_start3A_260 : memref<1x128xi32, #tpu.memory_space<vmem>> -> memref<128xi32, #tpu.memory_space<vmem>>
        %dma_start3A_262 = arith.constant 0 : i32
        %dma_start3A_263 = arith.constant 0 : i32
        %dma_start3A_264 = tpu.memref_slice %arg2[%dma_start3A_262, %dma_start3A_263] : memref<10000x128xf32, #tpu.memory_space<hbm>> -> memref<10000x128xf32, #tpu.memory_space<hbm>>
        tpu.enqueue_indirect_dma source(%dma_start3A_264 : memref<10000x128xf32, #tpu.memory_space<hbm>>) target(%arg10 : memref<128x128xf32, #tpu.memory_space<vmem>>) offsets(%dma_start3A_261 : memref<128xi32, #tpu.memory_space<vmem>>) semaphore(%arg12 : memref<!tpu.dma_semaphore, #tpu.memory_space<semaphore_mem>>)
        %dma_wait3A_265 = arith.constant 0 : i32
        %dma_wait3A_266 = tpu.memref_slice %arg8[%mul3A_250, %dma_wait3A_265] : memref<40x128xi32, #tpu.memory_space<vmem>> -> memref<1x128xi32, #tpu.memory_space<vmem>>
        %dma_wait3A_267 = tpu.memref_squeeze %dma_wait3A_266 : memref<1x128xi32, #tpu.memory_space<vmem>> -> memref<128xi32, #tpu.memory_space<vmem>>
        %dma_wait3A_268 = arith.constant 0 : i32
        %dma_wait3A_269 = arith.constant 0 : i32
        %dma_wait3A_270 = tpu.memref_slice %arg11[%dma_wait3A_268, %dma_wait3A_269] : memref<10112x128xf32, #tpu.memory_space<vmem_shared>> -> memref<10112x128xf32, #tpu.memory_space<vmem_shared>>
        tpu.wait_indirect_dma semaphore(%arg13 : memref<!tpu.dma_semaphore, #tpu.memory_space<semaphore_mem>>) src(%arg9 : memref<128x128xf32, #tpu.memory_space<vmem>>) dst(%dma_wait3A_270 : memref<10112x128xf32, #tpu.memory_space<vmem_shared>>)
        %dma_wait3A_271 = arith.constant 0 : i32
        %dma_wait3A_272 = tpu.memref_slice %arg7[%add3A_258, %dma_wait3A_271] : memref<40x128xi32, #tpu.memory_space<vmem>> -> memref<1x128xi32, #tpu.memory_space<vmem>>
        %dma_wait3A_273 = tpu.memref_squeeze %dma_wait3A_272 : memref<1x128xi32, #tpu.memory_space<vmem>> -> memref<128xi32, #tpu.memory_space<vmem>>
        %dma_wait3A_274 = arith.constant 0 : i32
        %dma_wait3A_275 = arith.constant 0 : i32
        %dma_wait3A_276 = tpu.memref_slice %arg2[%dma_wait3A_274, %dma_wait3A_275] : memref<10000x128xf32, #tpu.memory_space<hbm>> -> memref<10000x128xf32, #tpu.memory_space<hbm>>
        tpu.wait_indirect_dma semaphore(%arg12 : memref<!tpu.dma_semaphore, #tpu.memory_space<semaphore_mem>>) src(%dma_wait3A_276 : memref<10000x128xf32, #tpu.memory_space<hbm>>) dst(%arg10 : memref<128x128xf32, #tpu.memory_space<vmem>>)
        %add3A_277 = arith.constant 1 : i32
        %add3A_278 = arith.addi %mul3A_250, %add3A_277 : i32
        %dma_start3A_279 = arith.constant 0 : i32
        %dma_start3A_280 = tpu.memref_slice %arg8[%add3A_278, %dma_start3A_279] : memref<40x128xi32, #tpu.memory_space<vmem>> -> memref<1x128xi32, #tpu.memory_space<vmem>>
        %dma_start3A_281 = tpu.memref_squeeze %dma_start3A_280 : memref<1x128xi32, #tpu.memory_space<vmem>> -> memref<128xi32, #tpu.memory_space<vmem>>
        %dma_start3A_282 = arith.constant 0 : i32
        %dma_start3A_283 = arith.constant 0 : i32
        %dma_start3A_284 = tpu.memref_slice %arg11[%dma_start3A_282, %dma_start3A_283] : memref<10112x128xf32, #tpu.memory_space<vmem_shared>> -> memref<10112x128xf32, #tpu.memory_space<vmem_shared>>
        tpu.enqueue_indirect_dma source(%arg10 : memref<128x128xf32, #tpu.memory_space<vmem>>) target(%dma_start3A_284 : memref<10112x128xf32, #tpu.memory_space<vmem_shared>>) offsets(%dma_start3A_281 : memref<128xi32, #tpu.memory_space<vmem>>) semaphore(%arg13 : memref<!tpu.dma_semaphore, #tpu.memory_space<semaphore_mem>>) {add = true}
        %lt3A_285 = arith.constant 19 : i32
        %lt3A_286 = arith.cmpi slt, %scan3A_248, %lt3A_285 : i32
        %convert_element_type3A_287 = arith.extui %lt3A_286 : i1 to i32
        %cond3A_288 = arith.constant 0 : i32
        %cond3A_289 = arith.cmpi ne, %convert_element_type3A_287, %cond3A_288 : i32
        scf.if %cond3A_289 {
          %add3A_296 = arith.constant 2 : i32
          %add3A_297 = arith.addi %mul3A_250, %add3A_296 : i32
          %dma_start3A_298 = arith.constant 0 : i32
          %dma_start3A_299 = tpu.memref_slice %arg7[%add3A_297, %dma_start3A_298] : memref<40x128xi32, #tpu.memory_space<vmem>> -> memref<1x128xi32, #tpu.memory_space<vmem>>
          %dma_start3A_300 = tpu.memref_squeeze %dma_start3A_299 : memref<1x128xi32, #tpu.memory_space<vmem>> -> memref<128xi32, #tpu.memory_space<vmem>>
          %dma_start3A_301 = arith.constant 0 : i32
          %dma_start3A_302 = arith.constant 0 : i32
          %dma_start3A_303 = tpu.memref_slice %arg2[%dma_start3A_301, %dma_start3A_302] : memref<10000x128xf32, #tpu.memory_space<hbm>> -> memref<10000x128xf32, #tpu.memory_space<hbm>>
          tpu.enqueue_indirect_dma source(%dma_start3A_303 : memref<10000x128xf32, #tpu.memory_space<hbm>>) target(%arg9 : memref<128x128xf32, #tpu.memory_space<vmem>>) offsets(%dma_start3A_300 : memref<128xi32, #tpu.memory_space<vmem>>) semaphore(%arg12 : memref<!tpu.dma_semaphore, #tpu.memory_space<semaphore_mem>>)
          %dma_wait3A_304 = arith.constant 0 : i32
          %dma_wait3A_305 = tpu.memref_slice %arg7[%add3A_297, %dma_wait3A_304] : memref<40x128xi32, #tpu.memory_space<vmem>> -> memref<1x128xi32, #tpu.memory_space<vmem>>
          %dma_wait3A_306 = tpu.memref_squeeze %dma_wait3A_305 : memref<1x128xi32, #tpu.memory_space<vmem>> -> memref<128xi32, #tpu.memory_space<vmem>>
          %dma_wait3A_307 = arith.constant 0 : i32
          %dma_wait3A_308 = arith.constant 0 : i32
          %dma_wait3A_309 = tpu.memref_slice %arg2[%dma_wait3A_307, %dma_wait3A_308] : memref<10000x128xf32, #tpu.memory_space<hbm>> -> memref<10000x128xf32, #tpu.memory_space<hbm>>
          tpu.wait_indirect_dma semaphore(%arg12 : memref<!tpu.dma_semaphore, #tpu.memory_space<semaphore_mem>>) src(%dma_wait3A_309 : memref<10000x128xf32, #tpu.memory_space<hbm>>) dst(%arg9 : memref<128x128xf32, #tpu.memory_space<vmem>>)
        } else {
        }
        %dma_wait3A_290 = arith.constant 0 : i32
        %dma_wait3A_291 = tpu.memref_slice %arg8[%add3A_278, %dma_wait3A_290] : memref<40x128xi32, #tpu.memory_space<vmem>> -> memref<1x128xi32, #tpu.memory_space<vmem>>
        %dma_wait3A_292 = tpu.memref_squeeze %dma_wait3A_291 : memref<1x128xi32, #tpu.memory_space<vmem>> -> memref<128xi32, #tpu.memory_space<vmem>>
        %dma_wait3A_293 = arith.constant 0 : i32
        %dma_wait3A_294 = arith.constant 0 : i32
        %dma_wait3A_295 = tpu.memref_slice %arg11[%dma_wait3A_293, %dma_wait3A_294] : memref<10112x128xf32, #tpu.memory_space<vmem_shared>> -> memref<10112x128xf32, #tpu.memory_space<vmem_shared>>
        tpu.wait_indirect_dma semaphore(%arg13 : memref<!tpu.dma_semaphore, #tpu.memory_space<semaphore_mem>>) src(%arg10 : memref<128x128xf32, #tpu.memory_space<vmem>>) dst(%dma_wait3A_295 : memref<10112x128xf32, #tpu.memory_space<vmem_shared>>)
      }
      %scan3A_51 = arith.constant 20 : i32
    }
    %scan3A_20 = arith.constant 2 : i32
    %barrier3A_21 = arith.constant 0 : index
    tpu.barrier barrier_id(%barrier3A_21)
    %lt3A_22 = arith.constant 15 : i32
    %lt3A_23 = arith.cmpi slt, %arg1, %lt3A_22 : i32
    %convert_element_type3A_24 = arith.extui %lt3A_23 : i1 to i32
    %cond3A_25 = arith.constant 0 : i32
    %cond3A_26 = arith.cmpi ne, %convert_element_type3A_24, %cond3A_25 : i32
    scf.if %cond3A_26 {
      %mul3A_32 = arith.constant 632 : i32
      %mul3A_33 = arith.muli %arg1, %mul3A_32 : i32
      %mul3A_34 = arith.constant 632 : i32
      %mul3A_35 = arith.muli %arg1, %mul3A_34 : i32
      "tpu.region"() ({
        %run_scoped3A = tpu.sem_alloc : memref<!tpu.dma_semaphore, #tpu.memory_space<semaphore_mem>>
        %dma_start3A = arith.constant 0 : i32
        %dma_start3A_36 = tpu.memref_slice %arg6[%arg0, %mul3A_35, %dma_start3A] : memref<2x10000x128xf32, #tpu.memory_space<hbm>> -> memref<1x632x128xf32, #tpu.memory_space<hbm>>
        %dma_start3A_37 = tpu.memref_squeeze %dma_start3A_36 : memref<1x632x128xf32, #tpu.memory_space<hbm>> -> memref<632x128xf32, #tpu.memory_space<hbm>>
        %dma_start3A_38 = arith.constant 0 : i32
        %dma_start3A_39 = tpu.memref_slice %arg11[%mul3A_33, %dma_start3A_38] : memref<10112x128xf32, #tpu.memory_space<vmem_shared>> -> memref<632x128xf32, #tpu.memory_space<vmem_shared>>
        tpu.enqueue_dma source(%dma_start3A_39 : memref<632x128xf32, #tpu.memory_space<vmem_shared>>) target(%dma_start3A_37 : memref<632x128xf32, #tpu.memory_space<hbm>>) target_semaphore(%run_scoped3A : memref<!tpu.dma_semaphore, #tpu.memory_space<semaphore_mem>>)
        %dma_wait3A = arith.constant 0 : i32
        %dma_wait3A_40 = tpu.memref_slice %arg6[%arg0, %mul3A_35, %dma_wait3A] : memref<2x10000x128xf32, #tpu.memory_space<hbm>> -> memref<1x632x128xf32, #tpu.memory_space<hbm>>
        %dma_wait3A_41 = tpu.memref_squeeze %dma_wait3A_40 : memref<1x632x128xf32, #tpu.memory_space<hbm>> -> memref<632x128xf32, #tpu.memory_space<hbm>>
        %dma_wait3A_42 = arith.constant 0 : i32
        %dma_wait3A_43 = tpu.memref_slice %arg11[%mul3A_33, %dma_wait3A_42] : memref<10112x128xf32, #tpu.memory_space<vmem_shared>> -> memref<632x128xf32, #tpu.memory_space<vmem_shared>>
        tpu.wait_dma2 semaphore(%run_scoped3A : memref<!tpu.dma_semaphore, #tpu.memory_space<semaphore_mem>>) src(%dma_wait3A_43 : memref<632x128xf32, #tpu.memory_space<vmem_shared>>) dst(%dma_wait3A_41 : memref<632x128xf32, #tpu.memory_space<hbm>>)
        tpu.yield
      }) : () -> ()
    } else {
    }
    %eq3A_27 = arith.constant 15 : i32
    %eq3A_28 = arith.cmpi eq, %arg1, %eq3A_27 : i32
    %convert_element_type3A_29 = arith.extui %eq3A_28 : i1 to i32
    %cond3A_30 = arith.constant 0 : i32
    %cond3A_31 = arith.cmpi ne, %convert_element_type3A_29, %cond3A_30 : i32
    scf.if %cond3A_31 {
      "tpu.region"() ({
        %run_scoped3A = tpu.sem_alloc : memref<!tpu.dma_semaphore, #tpu.memory_space<semaphore_mem>>
        %dma_start3A = arith.constant 9480 : i32
        %dma_start3A_32 = arith.constant 0 : i32
        %dma_start3A_33 = tpu.memref_slice %arg6[%arg0, %dma_start3A, %dma_start3A_32] : memref<2x10000x128xf32, #tpu.memory_space<hbm>> -> memref<1x520x128xf32, #tpu.memory_space<hbm>>
        %dma_start3A_34 = tpu.memref_squeeze %dma_start3A_33 : memref<1x520x128xf32, #tpu.memory_space<hbm>> -> memref<520x128xf32, #tpu.memory_space<hbm>>
        %dma_start3A_35 = arith.constant 9480 : i32
        %dma_start3A_36 = arith.constant 0 : i32
        %dma_start3A_37 = tpu.memref_slice %arg11[%dma_start3A_35, %dma_start3A_36] : memref<10112x128xf32, #tpu.memory_space<vmem_shared>> -> memref<520x128xf32, #tpu.memory_space<vmem_shared>>
        tpu.enqueue_dma source(%dma_start3A_37 : memref<520x128xf32, #tpu.memory_space<vmem_shared>>) target(%dma_start3A_34 : memref<520x128xf32, #tpu.memory_space<hbm>>) target_semaphore(%run_scoped3A : memref<!tpu.dma_semaphore, #tpu.memory_space<semaphore_mem>>)
        %dma_wait3A = arith.constant 9480 : i32
        %dma_wait3A_38 = arith.constant 0 : i32
        %dma_wait3A_39 = tpu.memref_slice %arg6[%arg0, %dma_wait3A, %dma_wait3A_38] : memref<2x10000x128xf32, #tpu.memory_space<hbm>> -> memref<1x520x128xf32, #tpu.memory_space<hbm>>
        %dma_wait3A_40 = tpu.memref_squeeze %dma_wait3A_39 : memref<1x520x128xf32, #tpu.memory_space<hbm>> -> memref<520x128xf32, #tpu.memory_space<hbm>>
        %dma_wait3A_41 = arith.constant 9480 : i32
        %dma_wait3A_42 = arith.constant 0 : i32
        %dma_wait3A_43 = tpu.memref_slice %arg11[%dma_wait3A_41, %dma_wait3A_42] : memref<10112x128xf32, #tpu.memory_space<vmem_shared>> -> memref<520x128xf32, #tpu.memory_space<vmem_shared>>
        tpu.wait_dma2 semaphore(%run_scoped3A : memref<!tpu.dma_semaphore, #tpu.memory_space<semaphore_mem>>) src(%dma_wait3A_43 : memref<520x128xf32, #tpu.memory_space<vmem_shared>>) dst(%dma_wait3A_40 : memref<520x128xf32, #tpu.memory_space<hbm>>)
        tpu.yield
      }) : () -> ()
    } else {
    }
    return
  }
}

module attributes {stable_mosaic.version = 14 : i64} {
  func.func @body(%arg0: memref<10000x128xf32, #tpu.memory_space<vmem>>, %arg1: memref<128x128xf32, #tpu.memory_space<vmem>>, %arg2: memref<1x128xf32, #tpu.memory_space<vmem>>, %arg3: memref<1x128xf32, #tpu.memory_space<vmem>>, %arg4: memref<1x128xf32, #tpu.memory_space<vmem>>, %arg5: memref<64x10000xf32, #tpu.memory_space<vmem>>, %arg6: memref<10000x128xf32, #tpu.memory_space<vmem>>, %arg7: memref<64x128xf32, #tpu.memory_space<vmem>>) attributes {dimension_semantics = [], scalar_prefetch = 0 : i64, scratch_operands = 0 : i64, tpu.core_type = #tpu.core_type<tc>} {
    %get3A = arith.constant 0 : index
    %get3A_0 = arith.constant 0 : index
    %get3A_1 = vector.load %arg0[%get3A, %get3A_0] : memref<10000x128xf32, #tpu.memory_space<vmem>>, vector<10000x128xf32>
    %get3A_2 = arith.constant 0 : index
    %get3A_3 = arith.constant 0 : index
    %get3A_4 = vector.load %arg1[%get3A_2, %get3A_3] : memref<128x128xf32, #tpu.memory_space<vmem>>, vector<128x128xf32>
    %dot_general3A = arith.constant dense<0.000000e+00> : vector<10000x128xf32>
    %dot_general3A_5 = tpu.matmul %get3A_1, %get3A_4, %dot_general3A {dimension_numbers = #tpu.dot_dimension_numbers<[1], [0], [0], [1], [0, 0, 1, 1], [], []>, transpose_lhs_hint = false} : vector<10000x128xf32>, vector<128x128xf32>, vector<10000x128xf32> -> vector<10000x128xf32>
    %get3A_6 = arith.constant 0 : index
    %get3A_7 = arith.constant 0 : index
    %get3A_8 = vector.load %arg2[%get3A_6, %get3A_7] : memref<1x128xf32, #tpu.memory_space<vmem>>, vector<1x128xf32>
    %add3A = vector.broadcast %get3A_8 : vector<1x128xf32> to vector<10000x128xf32>
    %add3A_9 = arith.addf %dot_general3A_5, %add3A : vector<10000x128xf32>
    %get3A_10 = arith.constant 0 : index
    %get3A_11 = arith.constant 0 : index
    %get3A_12 = vector.load %arg3[%get3A_10, %get3A_11] : memref<1x128xf32, #tpu.memory_space<vmem>>, vector<1x128xf32>
    %get3A_13 = arith.constant 0 : index
    %get3A_14 = arith.constant 0 : index
    %get3A_15 = vector.load %arg4[%get3A_13, %get3A_14] : memref<1x128xf32, #tpu.memory_space<vmem>>, vector<1x128xf32>
    %get3A_16 = arith.constant 0 : index
    %get3A_17 = arith.constant 0 : index
    %get3A_18 = vector.load %arg5[%get3A_16, %get3A_17] : memref<64x10000xf32, #tpu.memory_space<vmem>>, vector<64x10000xf32>
    %broadcast_in_dim3A = arith.constant 0.000000e+00 : f32
    %broadcast_in_dim3A_19 = vector.broadcast %broadcast_in_dim3A : f32 to vector<64x128xf32>
    %reduce_sum3A = arith.constant dense<0.000000e+00> : vector<128xf32>
    %reduce_sum3A_20 = vector.multi_reduction <add>, %add3A_9, %reduce_sum3A [0] : vector<10000x128xf32> to vector<128xf32>
    %broadcast_in_dim3A_21 = vector.shape_cast %reduce_sum3A_20 : vector<128xf32> to vector<1x128xf32>
    %div3A = arith.constant 1.000000e+04 : f32
    %div3A_22 = vector.broadcast %div3A : f32 to vector<1x128xf32>
    %div3A_23 = arith.divf %broadcast_in_dim3A_21, %div3A_22 : vector<1x128xf32>
    %sub3A = vector.broadcast %div3A_23 : vector<1x128xf32> to vector<10000x128xf32>
    %sub3A_24 = arith.subf %add3A_9, %sub3A : vector<10000x128xf32>
    %integer_pow3A = arith.mulf %sub3A_24, %sub3A_24 : vector<10000x128xf32>
    %reduce_sum3A_25 = arith.constant dense<0.000000e+00> : vector<128xf32>
    %reduce_sum3A_26 = vector.multi_reduction <add>, %integer_pow3A, %reduce_sum3A_25 [0] : vector<10000x128xf32> to vector<128xf32>
    %broadcast_in_dim3A_27 = vector.shape_cast %reduce_sum3A_26 : vector<128xf32> to vector<1x128xf32>
    %div3A_28 = arith.constant 1.000000e+04 : f32
    %div3A_29 = vector.broadcast %div3A_28 : f32 to vector<1x128xf32>
    %div3A_30 = arith.divf %broadcast_in_dim3A_27, %div3A_29 : vector<1x128xf32>
    %sub3A_31 = vector.broadcast %div3A_23 : vector<1x128xf32> to vector<10000x128xf32>
    %sub3A_32 = arith.subf %add3A_9, %sub3A_31 : vector<10000x128xf32>
    %add3A_33 = arith.constant 9.99999974E-6 : f32
    %add3A_34 = vector.broadcast %add3A_33 : f32 to vector<1x128xf32>
    %add3A_35 = arith.addf %div3A_30, %add3A_34 : vector<1x128xf32>
    %rsqrt3A = math.rsqrt %add3A_35 : vector<1x128xf32>
    %mul3A = vector.broadcast %rsqrt3A : vector<1x128xf32> to vector<10000x128xf32>
    %mul3A_36 = arith.mulf %sub3A_32, %mul3A : vector<10000x128xf32>
    %mul3A_37 = vector.broadcast %get3A_12 : vector<1x128xf32> to vector<10000x128xf32>
    %mul3A_38 = arith.mulf %mul3A_36, %mul3A_37 : vector<10000x128xf32>
    %add3A_39 = vector.broadcast %get3A_15 : vector<1x128xf32> to vector<10000x128xf32>
    %add3A_40 = arith.addf %mul3A_38, %add3A_39 : vector<10000x128xf32>
    %reduce_sum3A_41 = arith.constant dense<0.000000e+00> : vector<64xf32>
    %reduce_sum3A_42 = vector.multi_reduction <add>, %get3A_18, %reduce_sum3A_41 [1] : vector<64x10000xf32> to vector<64xf32>
    %broadcast_in_dim3A_43 = vector.shape_cast %reduce_sum3A_42 : vector<64xf32> to vector<64x1xf32>
    %max3A = arith.constant 1.000000e+00 : f32
    %max3A_44 = vector.broadcast %max3A : f32 to vector<64x1xf32>
    %max3A_45 = arith.maximumf %broadcast_in_dim3A_43, %max3A_44 : vector<64x1xf32>
    %dot_general3A_46 = arith.constant dense<0.000000e+00> : vector<64x128xf32>
    %dot_general3A_47 = tpu.matmul %get3A_18, %add3A_40, %dot_general3A_46 {dimension_numbers = #tpu.dot_dimension_numbers<[1], [0], [0], [1], [0, 0, 1, 1], [], []>, transpose_lhs_hint = false} : vector<64x10000xf32>, vector<10000x128xf32>, vector<64x128xf32> -> vector<64x128xf32>
    %div3A_48 = vector.broadcast %max3A_45 : vector<64x1xf32> to vector<64x128xf32>
    %div3A_49 = arith.divf %dot_general3A_47, %div3A_48 : vector<64x128xf32>
    %add3A_50 = arith.addf %broadcast_in_dim3A_19, %div3A_49 : vector<64x128xf32>
    %swap3A = arith.constant 0 : index
    %swap3A_51 = arith.constant 0 : index
    %swap3A_52 = vector.load %arg6[%swap3A, %swap3A_51] : memref<10000x128xf32, #tpu.memory_space<vmem>>, vector<10000x128xf32>
    tpu.vector_store %arg6[%swap3A, %swap3A_51], %add3A_40 {strides = array<i32>} : memref<10000x128xf32, #tpu.memory_space<vmem>>, vector<10000x128xf32>,
    %swap3A_53 = arith.constant 0 : index
    %swap3A_54 = arith.constant 0 : index
    %swap3A_55 = vector.load %arg7[%swap3A_53, %swap3A_54] : memref<64x128xf32, #tpu.memory_space<vmem>>, vector<64x128xf32>
    tpu.vector_store %arg7[%swap3A_53, %swap3A_54], %add3A_50 {strides = array<i32>} : memref<64x128xf32, #tpu.memory_space<vmem>>, vector<64x128xf32>,
    return
  }
}

module attributes {stable_mosaic.version = 14 : i64} {
  func.func @body(%arg0: memref<10000x128xf32, #tpu.memory_space<vmem>>, %arg1: memref<10000x128xf32, #tpu.memory_space<vmem>>, %arg2: memref<128x128xf32, #tpu.memory_space<vmem>>, %arg3: memref<1x128xf32, #tpu.memory_space<vmem>>, %arg4: memref<128x128xf32, #tpu.memory_space<vmem>>, %arg5: memref<1x128xf32, #tpu.memory_space<vmem>>, %arg6: memref<1x128xf32, #tpu.memory_space<vmem>>, %arg7: memref<1x128xf32, #tpu.memory_space<vmem>>, %arg8: memref<64x10000xf32, #tpu.memory_space<vmem>>, %arg9: memref<64x128xf32, #tpu.memory_space<vmem>>, %arg10: memref<10000x128xf32, #tpu.memory_space<vmem>>, %arg11: memref<64x128xf32, #tpu.memory_space<vmem>>) attributes {dimension_semantics = [], scalar_prefetch = 0 : i64, scratch_operands = 0 : i64, tpu.core_type = #tpu.core_type<tc>} {
    %get3A = arith.constant 0 : index
    %get3A_0 = arith.constant 0 : index
    %get3A_1 = vector.load %arg0[%get3A, %get3A_0] : memref<10000x128xf32, #tpu.memory_space<vmem>>, vector<10000x128xf32>
    %get3A_2 = arith.constant 0 : index
    %get3A_3 = arith.constant 0 : index
    %get3A_4 = vector.load %arg1[%get3A_2, %get3A_3] : memref<10000x128xf32, #tpu.memory_space<vmem>>, vector<10000x128xf32>
    %add3A = arith.addf %get3A_1, %get3A_4 : vector<10000x128xf32>
    %get3A_5 = arith.constant 0 : index
    %get3A_6 = arith.constant 0 : index
    %get3A_7 = vector.load %arg2[%get3A_5, %get3A_6] : memref<128x128xf32, #tpu.memory_space<vmem>>, vector<128x128xf32>
    %dot_general3A = arith.constant dense<0.000000e+00> : vector<10000x128xf32>
    %dot_general3A_8 = tpu.matmul %add3A, %get3A_7, %dot_general3A {dimension_numbers = #tpu.dot_dimension_numbers<[1], [0], [0], [1], [0, 0, 1, 1], [], []>, transpose_lhs_hint = false} : vector<10000x128xf32>, vector<128x128xf32>, vector<10000x128xf32> -> vector<10000x128xf32>
    %get3A_9 = arith.constant 0 : index
    %get3A_10 = arith.constant 0 : index
    %get3A_11 = vector.load %arg3[%get3A_9, %get3A_10] : memref<1x128xf32, #tpu.memory_space<vmem>>, vector<1x128xf32>
    %add3A_12 = vector.broadcast %get3A_11 : vector<1x128xf32> to vector<10000x128xf32>
    %add3A_13 = arith.addf %dot_general3A_8, %add3A_12 : vector<10000x128xf32>
    %max3A = arith.constant 0.000000e+00 : f32
    %max3A_14 = vector.broadcast %max3A : f32 to vector<10000x128xf32>
    %max3A_15 = arith.maximumf %add3A_13, %max3A_14 : vector<10000x128xf32>
    %get3A_16 = arith.constant 0 : index
    %get3A_17 = arith.constant 0 : index
    %get3A_18 = vector.load %arg4[%get3A_16, %get3A_17] : memref<128x128xf32, #tpu.memory_space<vmem>>, vector<128x128xf32>
    %dot_general3A_19 = arith.constant dense<0.000000e+00> : vector<10000x128xf32>
    %dot_general3A_20 = tpu.matmul %max3A_15, %get3A_18, %dot_general3A_19 {dimension_numbers = #tpu.dot_dimension_numbers<[1], [0], [0], [1], [0, 0, 1, 1], [], []>, transpose_lhs_hint = false} : vector<10000x128xf32>, vector<128x128xf32>, vector<10000x128xf32> -> vector<10000x128xf32>
    %get3A_21 = arith.constant 0 : index
    %get3A_22 = arith.constant 0 : index
    %get3A_23 = vector.load %arg5[%get3A_21, %get3A_22] : memref<1x128xf32, #tpu.memory_space<vmem>>, vector<1x128xf32>
    %add3A_24 = vector.broadcast %get3A_23 : vector<1x128xf32> to vector<10000x128xf32>
    %add3A_25 = arith.addf %dot_general3A_20, %add3A_24 : vector<10000x128xf32>
    %max3A_26 = arith.constant 0.000000e+00 : f32
    %max3A_27 = vector.broadcast %max3A_26 : f32 to vector<10000x128xf32>
    %max3A_28 = arith.maximumf %add3A_25, %max3A_27 : vector<10000x128xf32>
    %get3A_29 = arith.constant 0 : index
    %get3A_30 = arith.constant 0 : index
    %get3A_31 = vector.load %arg6[%get3A_29, %get3A_30] : memref<1x128xf32, #tpu.memory_space<vmem>>, vector<1x128xf32>
    %get3A_32 = arith.constant 0 : index
    %get3A_33 = arith.constant 0 : index
    %get3A_34 = vector.load %arg7[%get3A_32, %get3A_33] : memref<1x128xf32, #tpu.memory_space<vmem>>, vector<1x128xf32>
    %get3A_35 = arith.constant 0 : index
    %get3A_36 = arith.constant 0 : index
    %get3A_37 = vector.load %arg8[%get3A_35, %get3A_36] : memref<64x10000xf32, #tpu.memory_space<vmem>>, vector<64x10000xf32>
    %get3A_38 = arith.constant 0 : index
    %get3A_39 = arith.constant 0 : index
    %get3A_40 = vector.load %arg9[%get3A_38, %get3A_39] : memref<64x128xf32, #tpu.memory_space<vmem>>, vector<64x128xf32>
    %reduce_sum3A = arith.constant dense<0.000000e+00> : vector<128xf32>
    %reduce_sum3A_41 = vector.multi_reduction <add>, %max3A_28, %reduce_sum3A [0] : vector<10000x128xf32> to vector<128xf32>
    %broadcast_in_dim3A = vector.shape_cast %reduce_sum3A_41 : vector<128xf32> to vector<1x128xf32>
    %div3A = arith.constant 1.000000e+04 : f32
    %div3A_42 = vector.broadcast %div3A : f32 to vector<1x128xf32>
    %div3A_43 = arith.divf %broadcast_in_dim3A, %div3A_42 : vector<1x128xf32>
    %sub3A = vector.broadcast %div3A_43 : vector<1x128xf32> to vector<10000x128xf32>
    %sub3A_44 = arith.subf %max3A_28, %sub3A : vector<10000x128xf32>
    %integer_pow3A = arith.mulf %sub3A_44, %sub3A_44 : vector<10000x128xf32>
    %reduce_sum3A_45 = arith.constant dense<0.000000e+00> : vector<128xf32>
    %reduce_sum3A_46 = vector.multi_reduction <add>, %integer_pow3A, %reduce_sum3A_45 [0] : vector<10000x128xf32> to vector<128xf32>
    %broadcast_in_dim3A_47 = vector.shape_cast %reduce_sum3A_46 : vector<128xf32> to vector<1x128xf32>
    %div3A_48 = arith.constant 1.000000e+04 : f32
    %div3A_49 = vector.broadcast %div3A_48 : f32 to vector<1x128xf32>
    %div3A_50 = arith.divf %broadcast_in_dim3A_47, %div3A_49 : vector<1x128xf32>
    %sub3A_51 = vector.broadcast %div3A_43 : vector<1x128xf32> to vector<10000x128xf32>
    %sub3A_52 = arith.subf %max3A_28, %sub3A_51 : vector<10000x128xf32>
    %add3A_53 = arith.constant 9.99999974E-6 : f32
    %add3A_54 = vector.broadcast %add3A_53 : f32 to vector<1x128xf32>
    %add3A_55 = arith.addf %div3A_50, %add3A_54 : vector<1x128xf32>
    %rsqrt3A = math.rsqrt %add3A_55 : vector<1x128xf32>
    %mul3A = vector.broadcast %rsqrt3A : vector<1x128xf32> to vector<10000x128xf32>
    %mul3A_56 = arith.mulf %sub3A_52, %mul3A : vector<10000x128xf32>
    %mul3A_57 = vector.broadcast %get3A_31 : vector<1x128xf32> to vector<10000x128xf32>
    %mul3A_58 = arith.mulf %mul3A_56, %mul3A_57 : vector<10000x128xf32>
    %add3A_59 = vector.broadcast %get3A_34 : vector<1x128xf32> to vector<10000x128xf32>
    %add3A_60 = arith.addf %mul3A_58, %add3A_59 : vector<10000x128xf32>
    %reduce_sum3A_61 = arith.constant dense<0.000000e+00> : vector<64xf32>
    %reduce_sum3A_62 = vector.multi_reduction <add>, %get3A_37, %reduce_sum3A_61 [1] : vector<64x10000xf32> to vector<64xf32>
    %broadcast_in_dim3A_63 = vector.shape_cast %reduce_sum3A_62 : vector<64xf32> to vector<64x1xf32>
    %max3A_64 = arith.constant 1.000000e+00 : f32
    %max3A_65 = vector.broadcast %max3A_64 : f32 to vector<64x1xf32>
    %max3A_66 = arith.maximumf %broadcast_in_dim3A_63, %max3A_65 : vector<64x1xf32>
    %dot_general3A_67 = arith.constant dense<0.000000e+00> : vector<64x128xf32>
    %dot_general3A_68 = tpu.matmul %get3A_37, %add3A_60, %dot_general3A_67 {dimension_numbers = #tpu.dot_dimension_numbers<[1], [0], [0], [1], [0, 0, 1, 1], [], []>, transpose_lhs_hint = false} : vector<64x10000xf32>, vector<10000x128xf32>, vector<64x128xf32> -> vector<64x128xf32>
    %div3A_69 = vector.broadcast %max3A_66 : vector<64x1xf32> to vector<64x128xf32>
    %div3A_70 = arith.divf %dot_general3A_68, %div3A_69 : vector<64x128xf32>
    %add3A_71 = arith.addf %get3A_40, %div3A_70 : vector<64x128xf32>
    %swap3A = arith.constant 0 : index
    %swap3A_72 = arith.constant 0 : index
    %swap3A_73 = vector.load %arg10[%swap3A, %swap3A_72] : memref<10000x128xf32, #tpu.memory_space<vmem>>, vector<10000x128xf32>
    tpu.vector_store %arg10[%swap3A, %swap3A_72], %add3A_60 {strides = array<i32>} : memref<10000x128xf32, #tpu.memory_space<vmem>>, vector<10000x128xf32>,
    %swap3A_74 = arith.constant 0 : index
    %swap3A_75 = arith.constant 0 : index
    %swap3A_76 = vector.load %arg11[%swap3A_74, %swap3A_75] : memref<64x128xf32, #tpu.memory_space<vmem>>, vector<64x128xf32>
    tpu.vector_store %arg11[%swap3A_74, %swap3A_75], %add3A_71 {strides = array<i32>} : memref<64x128xf32, #tpu.memory_space<vmem>>, vector<64x128xf32>,
    return
  }
}

module attributes {stable_mosaic.version = 14 : i64} {
  func.func @body(%arg0: memref<10000x128xf32, #tpu.memory_space<vmem>>, %arg1: memref<10000x128xf32, #tpu.memory_space<vmem>>, %arg2: memref<128x128xf32, #tpu.memory_space<vmem>>, %arg3: memref<1x128xf32, #tpu.memory_space<vmem>>, %arg4: memref<128x128xf32, #tpu.memory_space<vmem>>, %arg5: memref<1x128xf32, #tpu.memory_space<vmem>>, %arg6: memref<1x128xf32, #tpu.memory_space<vmem>>, %arg7: memref<1x128xf32, #tpu.memory_space<vmem>>, %arg8: memref<64x10000xf32, #tpu.memory_space<vmem>>, %arg9: memref<64x128xf32, #tpu.memory_space<vmem>>, %arg10: memref<10000x128xf32, #tpu.memory_space<vmem>>, %arg11: memref<64x128xf32, #tpu.memory_space<vmem>>) attributes {dimension_semantics = [], scalar_prefetch = 0 : i64, scratch_operands = 0 : i64, tpu.core_type = #tpu.core_type<tc>} {
    %get3A = arith.constant 0 : index
    %get3A_0 = arith.constant 0 : index
    %get3A_1 = vector.load %arg0[%get3A, %get3A_0] : memref<10000x128xf32, #tpu.memory_space<vmem>>, vector<10000x128xf32>
    %get3A_2 = arith.constant 0 : index
    %get3A_3 = arith.constant 0 : index
    %get3A_4 = vector.load %arg1[%get3A_2, %get3A_3] : memref<10000x128xf32, #tpu.memory_space<vmem>>, vector<10000x128xf32>
    %add3A = arith.addf %get3A_1, %get3A_4 : vector<10000x128xf32>
    %get3A_5 = arith.constant 0 : index
    %get3A_6 = arith.constant 0 : index
    %get3A_7 = vector.load %arg2[%get3A_5, %get3A_6] : memref<128x128xf32, #tpu.memory_space<vmem>>, vector<128x128xf32>
    %dot_general3A = arith.constant dense<0.000000e+00> : vector<10000x128xf32>
    %dot_general3A_8 = tpu.matmul %add3A, %get3A_7, %dot_general3A {dimension_numbers = #tpu.dot_dimension_numbers<[1], [0], [0], [1], [0, 0, 1, 1], [], []>, transpose_lhs_hint = false} : vector<10000x128xf32>, vector<128x128xf32>, vector<10000x128xf32> -> vector<10000x128xf32>
    %get3A_9 = arith.constant 0 : index
    %get3A_10 = arith.constant 0 : index
    %get3A_11 = vector.load %arg3[%get3A_9, %get3A_10] : memref<1x128xf32, #tpu.memory_space<vmem>>, vector<1x128xf32>
    %add3A_12 = vector.broadcast %get3A_11 : vector<1x128xf32> to vector<10000x128xf32>
    %add3A_13 = arith.addf %dot_general3A_8, %add3A_12 : vector<10000x128xf32>
    %max3A = arith.constant 0.000000e+00 : f32
    %max3A_14 = vector.broadcast %max3A : f32 to vector<10000x128xf32>
    %max3A_15 = arith.maximumf %add3A_13, %max3A_14 : vector<10000x128xf32>
    %get3A_16 = arith.constant 0 : index
    %get3A_17 = arith.constant 0 : index
    %get3A_18 = vector.load %arg4[%get3A_16, %get3A_17] : memref<128x128xf32, #tpu.memory_space<vmem>>, vector<128x128xf32>
    %dot_general3A_19 = arith.constant dense<0.000000e+00> : vector<10000x128xf32>
    %dot_general3A_20 = tpu.matmul %max3A_15, %get3A_18, %dot_general3A_19 {dimension_numbers = #tpu.dot_dimension_numbers<[1], [0], [0], [1], [0, 0, 1, 1], [], []>, transpose_lhs_hint = false} : vector<10000x128xf32>, vector<128x128xf32>, vector<10000x128xf32> -> vector<10000x128xf32>
    %get3A_21 = arith.constant 0 : index
    %get3A_22 = arith.constant 0 : index
    %get3A_23 = vector.load %arg5[%get3A_21, %get3A_22] : memref<1x128xf32, #tpu.memory_space<vmem>>, vector<1x128xf32>
    %add3A_24 = vector.broadcast %get3A_23 : vector<1x128xf32> to vector<10000x128xf32>
    %add3A_25 = arith.addf %dot_general3A_20, %add3A_24 : vector<10000x128xf32>
    %max3A_26 = arith.constant 0.000000e+00 : f32
    %max3A_27 = vector.broadcast %max3A_26 : f32 to vector<10000x128xf32>
    %max3A_28 = arith.maximumf %add3A_25, %max3A_27 : vector<10000x128xf32>
    %get3A_29 = arith.constant 0 : index
    %get3A_30 = arith.constant 0 : index
    %get3A_31 = vector.load %arg6[%get3A_29, %get3A_30] : memref<1x128xf32, #tpu.memory_space<vmem>>, vector<1x128xf32>
    %get3A_32 = arith.constant 0 : index
    %get3A_33 = arith.constant 0 : index
    %get3A_34 = vector.load %arg7[%get3A_32, %get3A_33] : memref<1x128xf32, #tpu.memory_space<vmem>>, vector<1x128xf32>
    %get3A_35 = arith.constant 0 : index
    %get3A_36 = arith.constant 0 : index
    %get3A_37 = vector.load %arg8[%get3A_35, %get3A_36] : memref<64x10000xf32, #tpu.memory_space<vmem>>, vector<64x10000xf32>
    %get3A_38 = arith.constant 0 : index
    %get3A_39 = arith.constant 0 : index
    %get3A_40 = vector.load %arg9[%get3A_38, %get3A_39] : memref<64x128xf32, #tpu.memory_space<vmem>>, vector<64x128xf32>
    %reduce_sum3A = arith.constant dense<0.000000e+00> : vector<128xf32>
    %reduce_sum3A_41 = vector.multi_reduction <add>, %max3A_28, %reduce_sum3A [0] : vector<10000x128xf32> to vector<128xf32>
    %broadcast_in_dim3A = vector.shape_cast %reduce_sum3A_41 : vector<128xf32> to vector<1x128xf32>
    %div3A = arith.constant 1.000000e+04 : f32
    %div3A_42 = vector.broadcast %div3A : f32 to vector<1x128xf32>
    %div3A_43 = arith.divf %broadcast_in_dim3A, %div3A_42 : vector<1x128xf32>
    %sub3A = vector.broadcast %div3A_43 : vector<1x128xf32> to vector<10000x128xf32>
    %sub3A_44 = arith.subf %max3A_28, %sub3A : vector<10000x128xf32>
    %integer_pow3A = arith.mulf %sub3A_44, %sub3A_44 : vector<10000x128xf32>
    %reduce_sum3A_45 = arith.constant dense<0.000000e+00> : vector<128xf32>
    %reduce_sum3A_46 = vector.multi_reduction <add>, %integer_pow3A, %reduce_sum3A_45 [0] : vector<10000x128xf32> to vector<128xf32>
    %broadcast_in_dim3A_47 = vector.shape_cast %reduce_sum3A_46 : vector<128xf32> to vector<1x128xf32>
    %div3A_48 = arith.constant 1.000000e+04 : f32
    %div3A_49 = vector.broadcast %div3A_48 : f32 to vector<1x128xf32>
    %div3A_50 = arith.divf %broadcast_in_dim3A_47, %div3A_49 : vector<1x128xf32>
    %sub3A_51 = vector.broadcast %div3A_43 : vector<1x128xf32> to vector<10000x128xf32>
    %sub3A_52 = arith.subf %max3A_28, %sub3A_51 : vector<10000x128xf32>
    %add3A_53 = arith.constant 9.99999974E-6 : f32
    %add3A_54 = vector.broadcast %add3A_53 : f32 to vector<1x128xf32>
    %add3A_55 = arith.addf %div3A_50, %add3A_54 : vector<1x128xf32>
    %rsqrt3A = math.rsqrt %add3A_55 : vector<1x128xf32>
    %mul3A = vector.broadcast %rsqrt3A : vector<1x128xf32> to vector<10000x128xf32>
    %mul3A_56 = arith.mulf %sub3A_52, %mul3A : vector<10000x128xf32>
    %mul3A_57 = vector.broadcast %get3A_31 : vector<1x128xf32> to vector<10000x128xf32>
    %mul3A_58 = arith.mulf %mul3A_56, %mul3A_57 : vector<10000x128xf32>
    %add3A_59 = vector.broadcast %get3A_34 : vector<1x128xf32> to vector<10000x128xf32>
    %add3A_60 = arith.addf %mul3A_58, %add3A_59 : vector<10000x128xf32>
    %reduce_sum3A_61 = arith.constant dense<0.000000e+00> : vector<64xf32>
    %reduce_sum3A_62 = vector.multi_reduction <add>, %get3A_37, %reduce_sum3A_61 [1] : vector<64x10000xf32> to vector<64xf32>
    %broadcast_in_dim3A_63 = vector.shape_cast %reduce_sum3A_62 : vector<64xf32> to vector<64x1xf32>
    %max3A_64 = arith.constant 1.000000e+00 : f32
    %max3A_65 = vector.broadcast %max3A_64 : f32 to vector<64x1xf32>
    %max3A_66 = arith.maximumf %broadcast_in_dim3A_63, %max3A_65 : vector<64x1xf32>
    %dot_general3A_67 = arith.constant dense<0.000000e+00> : vector<64x128xf32>
    %dot_general3A_68 = tpu.matmul %get3A_37, %add3A_60, %dot_general3A_67 {dimension_numbers = #tpu.dot_dimension_numbers<[1], [0], [0], [1], [0, 0, 1, 1], [], []>, transpose_lhs_hint = false} : vector<64x10000xf32>, vector<10000x128xf32>, vector<64x128xf32> -> vector<64x128xf32>
    %div3A_69 = vector.broadcast %max3A_66 : vector<64x1xf32> to vector<64x128xf32>
    %div3A_70 = arith.divf %dot_general3A_68, %div3A_69 : vector<64x128xf32>
    %add3A_71 = arith.addf %get3A_40, %div3A_70 : vector<64x128xf32>
    %swap3A = arith.constant 0 : index
    %swap3A_72 = arith.constant 0 : index
    %swap3A_73 = vector.load %arg10[%swap3A, %swap3A_72] : memref<10000x128xf32, #tpu.memory_space<vmem>>, vector<10000x128xf32>
    tpu.vector_store %arg10[%swap3A, %swap3A_72], %add3A_60 {strides = array<i32>} : memref<10000x128xf32, #tpu.memory_space<vmem>>, vector<10000x128xf32>,
    %swap3A_74 = arith.constant 0 : index
    %swap3A_75 = arith.constant 0 : index
    %swap3A_76 = vector.load %arg11[%swap3A_74, %swap3A_75] : memref<64x128xf32, #tpu.memory_space<vmem>>, vector<64x128xf32>
    tpu.vector_store %arg11[%swap3A_74, %swap3A_75], %add3A_71 {strides = array<i32>} : memref<64x128xf32, #tpu.memory_space<vmem>>, vector<64x128xf32>,
    return
  }
}

</mosaic_0001>

<sc_bundles>
// kernel: kernel.12.cloned.1.call-start
scs
__scs_entry_jumppad:
0x0: {  	(pc) =	sbr.rel $0x88, $3  }
0x1: {  	(tag) =	ssettag $0x0;
	lr =	simm.s32 $0x1  }
0x2: {  	[smem:$0x3F94] =	sst lr;
	_ =	strace $0xD0000000  }
0x3: {  	_ = 	snop  }
0x4: {  	_ = 	snop  }
0x5: {  	_ = 	snop  }
0x6: {  	_ = 	snop  }
0x7: {  	_ = 	snop  }
__scs_overlays_trampoline_lowered:
0x8: {  	[smem:$0x3FA3] =	sst s0  }
0x9: {  	[smem:$0x3FA4] =	sst s1  }
0xa: {  	[smem:$0x3FA5] =	sst s2  }
0xb: {  	[smem:$0x3FA6] =	sst s3  }
0xc: {  	[smem:$0x3FA7] =	sst s4  }
0xd: {  	[smem:$0x3FA8] =	sst s5  }
0xe: {  	[smem:$0x3FA9] =	sst s6  }
0xf: {  	[smem:$0x3FAA] =	sst s7  }
0x10: {  	[smem:$0x3FAB] =	sst s8  }
0x11: {  	[smem:$0x3FAC] =	sst s9;
	s0 =	simm.s32 @!p0 $0x0  }
0x12: {  	s1 =	sld [smem:$0x3F92];
	s0 =	simm.s32 @p0 $0x1  }
0x13: {  	[smem:$0x3FAD] =	sst s0;
	s0 =	simm.s32 @!p1 $0x0  }
0x14: {  	s2 =	sld [smem:$0x3F91];
	s0 =	simm.s32 @p1 $0x1  }
0x15: {  	[smem:$0x3FAE] =	sst s0;
	s0 =	simm.s32 @!p2 $0x0  }
0x16: {  	s3 =	sld [smem:$0x3FDB];
	s0 =	simm.s32 @p2 $0x1  }
0x17: {  	s4 =	simm.s32 $0x1BF5;
	[smem:$0x3FB0] =	sst s0  }
0x18: {  	s0 =	sld [smem:$0x3F93];
	_ =	swait.ge [sflag:s4], $0x0  }
0x19: {  	s7 =	sld [smem:$0x3F94]  }
0x1a: {  	s8 =	sadd.s32 $0xFFFFE003, lr  }
0x1b: {  	s9 =	sadd.s32 $0xFFFFFEF7, lr;
	s5 =	simm.s32 $0xFFFFFFFF;
	p2 =	slt.u32 s8, $0xFFFFF086  }
0x1c: {  	p1 =	slt.u32 s9, $0xF7A;
	s5 =	simm.s32 @!p2 $0x0  }
0x1d: {  	s5 =	simm.s32 @p1 $0x1;
	p0 =	seq.s32 s7, s2  }
0x1e: {  	s7 =	smul.u32 @!p0 $0xF7A, s2;
	p2 =	seq.s32 @!p0 s5, $0x0  }
0x1f: {  	s9 =	smul.u32 $0xF7A, s1;
	s8 =	simm.s32 @!p0 $0x1BF5;
	p2 =	por !p2, p0  }
0x20: {  	[sflag:s8] =	ssyncset.s32 @!p0 $0xFFFFF086;
	s6 =	sadd.s32 @!p0 s3, s7;
	s7 =	simm.s32 @!p0 $0x108  }
0x21: {  	s3 =	sadd.s32 s3, s9;
	s6 =	sadd.s32 @!p0 $0x88, s6;
	s7 =	simm.s32 @p2 $0x1082  }
0x22: {  	[simem:s7], [sflag:s8] =	dma.local @!p0 [hbm:s6], $0xF7A  }
0x23: {  	s9 =	sor.u32 $0xD0000000, s2;
	s6 =	simm.s32 $0x108;
	_ =	swait.ge @!p0 [sflag:s8], $0x0  }
0x24: {  	s3 =	sadd.s32 $0x88, s3;
	s6 =	simm.s32 @!p1 $0x1082;
	[sflag:s4] =	ssyncset.s32 $0xFFFFF086  }
0x25: {  	[simem:s6], [sflag:s4] =	dma.local [hbm:s3], $0xF7A  }
0x26: {  	[smem:$0x3F94] =	sst s1;
	(tag) =	ssettag s2;
	_ =	strace s9  }
0x27: {  	s1 =	sld [smem:$0x3FA4]  }
0x28: {  	s2 =	sld [smem:$0x3FA5]  }
0x29: {  	s4 =	sld [smem:$0x3FA7]  }
0x2a: {  	p0 =	seq.s32 s5, $0x0;
	s5 =	sld [smem:$0x3FA8]  }
0x2b: {  	s6 =	sld [smem:$0x3FA9]  }
0x2c: {  	s7 =	sld [smem:$0x3FAA]  }
0x2d: {  	s3 =	simm.s32 $0x108;
	s8 =	sld [smem:$0x3FAB]  }
0x2e: {  	s3 =	simm.s32 @!p0 $0x1082;
	s9 =	sld [smem:$0x3FAC]  }
0x2f: {  	lr =	sadd.s32 s0, s3;
	s0 =	sld [smem:$0x3FA3]  }
0x30: {  	s3 =	sld [smem:$0x3FA6]  }
0x31: {  	[smem:$0x3FAF] =	sst s10  }
0x32: {  	s10 =	sld [smem:$0x3FAD];
	_ =	sdelay $0x3  }
0x33: {  	p0 =	seq.s32 s10, $0x1;
	s10 =	sld [smem:$0x3FAF];
	_ =	sdelay $0x3  }
0x34: {  	[smem:$0x3FAF] =	sst s10  }
0x35: {  	s10 =	sld [smem:$0x3FAE];
	_ =	sdelay $0x3  }
0x36: {  	p1 =	seq.s32 s10, $0x1;
	s10 =	sld [smem:$0x3FAF];
	_ =	sdelay $0x3  }
0x37: {  	[smem:$0x3FAF] =	sst s10  }
0x38: {  	s10 =	sld [smem:$0x3FB0]  }
0x39: {  	_ = 	snop;
	(pc) =	sbr.ind lr, $3  }
0x3a: {  	_ = 	snop  }
0x3b: {  	_ = 	snop  }
0x3c: {  	p2 =	seq.s32 s10, $0x1;
	s10 =	sld [smem:$0x3FAF]  }
0x3d: {  	_ =	shalt  }
0x3e: {  	_ =	shalt  }
0x3f: {  	_ =	shalt  }
0x40: {  	_ =	shalt  }
0x41: {  	_ =	shalt  }
0x42: {  	_ =	shalt  }
0x43: {  	_ =	shalt  }
0x44: {  	_ =	shalt  }
0x45: {  	_ =	shalt  }
0x46: {  	_ =	shalt  }
0x47: {  	_ =	shalt  }
0x48: {  	_ =	shalt  }
0x49: {  	_ =	shalt  }
0x4a: {  	_ =	shalt  }
0x4b: {  	_ =	shalt  }
0x4c: {  	_ =	shalt  }
0x4d: {  	_ =	shalt  }
0x4e: {  	_ =	shalt  }
0x4f: {  	_ =	shalt  }
0x50: {  	_ =	shalt  }
0x51: {  	_ =	shalt  }
0x52: {  	_ =	shalt  }
0x53: {  	_ =	shalt  }
0x54: {  	_ =	shalt  }
0x55: {  	_ =	shalt  }
0x56: {  	_ =	shalt  }
0x57: {  	_ =	shalt  }
0x58: {  	_ =	shalt  }
0x59: {  	_ =	shalt  }
0x5a: {  	_ =	shalt  }
0x5b: {  	_ =	shalt  }
0x5c: {  	_ =	shalt  }
0x5d: {  	_ =	shalt  }
0x5e: {  	_ =	shalt  }
0x5f: {  	_ =	shalt  }
0x60: {  	_ =	shalt  }
0x61: {  	_ =	shalt  }
0x62: {  	_ =	shalt  }
0x63: {  	_ =	shalt  }
0x64: {  	_ =	shalt  }
0x65: {  	_ =	shalt  }
0x66: {  	_ =	shalt  }
0x67: {  	_ =	shalt  }
0x68: {  	_ =	shalt  }
0x69: {  	_ =	shalt  }
0x6a: {  	_ =	shalt  }
0x6b: {  	_ =	shalt  }
0x6c: {  	_ =	shalt  }
0x6d: {  	_ =	shalt  }
0x6e: {  	_ =	shalt  }
0x6f: {  	_ =	shalt  }
0x70: {  	_ =	shalt  }
0x71: {  	_ =	shalt  }
0x72: {  	_ =	shalt  }
0x73: {  	_ =	shalt  }
0x74: {  	_ =	shalt  }
0x75: {  	_ =	shalt  }
0x76: {  	_ =	shalt  }
0x77: {  	_ =	shalt  }
0x78: {  	_ =	shalt  }
0x79: {  	_ =	shalt  }
0x7a: {  	_ =	shalt  }
0x7b: {  	_ =	shalt  }
0x7c: {  	_ =	shalt  }
0x7d: {  	_ =	shalt  }
0x7e: {  	_ =	shalt  }
0x7f: {  	_ =	shalt  }
0x80: {  	_ =	shalt  }
0x81: {  	_ =	shalt  }
0x82: {  	_ =	shalt  }
0x83: {  	_ =	shalt  }
0x84: {  	_ =	shalt  }
0x85: {  	_ =	shalt  }
0x86: {  	_ =	shalt  }
0x87: {  	_ =	shalt  }
.Lfunc_end0:
.L_simem_size_0:
called_computation.1_lowered:
.L_overlay_start_0:
0x88: {  	s2 =	sld [smem:$0x3FD9]  }
0x89: {  	s3 =	sld [smem:$0x3FFE];
	_ =	sdelay $0x1  }
0x8a: {  	s1 =	srdreg.scid  }
0x8b: {  	s0 =	sand.u32 $0x1, s1  }
0x8c: {  	s16 =	sshll.u32 s0, $0xA;
	s2 =	sadd.s32 s3, s2  }
0x8d: {  	s2 =	sadd.s32 s2, s16  }
0x8e: {  	[smem:$0x3FBB] =	sst s2  }
0x8f: {  	_ = 	snop  }
0x90: {  	(tm) =	ssettm $0x1  }
0x91: {  	s17 =	sld [smem:$0x3FFB];
	_ =	sdelay $0x3  }
0x92: {  	_ =	strace s17  }
0x93: {  	s2 =	sld [smem:$0x3FFC];
	_ =	sdelay $0x3  }
0x94: {  	_ =	strace s2  }
0x95: {  	s2 =	sld [smem:$0x3FFD];
	_ =	sdelay $0x3  }
0x96: {  	_ =	strace s2  }
0x97: {  	_ =	strace $0x8FFFFFFF  }
0x98: {  	s18 =	sld [smem:$0x3FDB];
	_ =	sdelay $0x1  }
0x99: {  	s19 =	simm.s32 $_scs_section_size  }
0x9a: {  	s4 =	simm.s32 $_size__tile_overlayer_lowered;
	s5 =	simm.s32 $_tile_overlayer_lowered  }
0x9b: {  	s22 =	simm.s32 $0x1BFF;
	s21 =	sshll.u32 s5, $0x1;
	s2 =	sadd.s32 s19, s18  }
0x9c: {  	s6 =	simm.s32 $0x0;
	s20 =	sshll.u32 s4, $0x1;
	s4 =	sadd.s32 s21, s2  }
0x9d: {  	[timem:s6], [sflag:s22] =	dma.local [hbm:s4], s20  }
0x9e: {  	_ =	swait.ge [sflag:s22], s20  }
0x9f: {  	s3 =	ssub.s32 $0x0, s20;
	[sflag:s22] =	ssyncset.done $0x0  }
0xa0: {  	[sflag:s22] =	ssyncadd.s32 s3;
	_ =	sdelay $0x1  }
0xa1: {  	s23 =	simm.s32 $0x1B8B  }
0xa2: {  	_ =	swait.ge [sflag:s23], $0x1  }
0xa3: {  	[sflag:s23] =	ssyncset.done $0x0  }
0xa4: {  	s25 =	simm.s32 $0x1B8E;
	s24 =	sld [smem:$0x3FFE];
	[sflag:s23] =	ssyncadd.s32 $0xFFFFFFFF  }
0xa5: {  	s26 =	simm.s32 $execute0_lowered;
	[smem:$0x3FD2] =	sst s25  }
0xa6: {  	s4 =	sshll.u32 s26, $0x1;
	_ =	strace $0x80000049;
	[dreg:$0x1] =	wrdreg $0xFFFFFFFF  }
0xa7: {  	s28 =	simm.s32 $_size_execute0_lowered;
	s2 =	sadd.s32 s2, s4;
	[dreg:$0x0] =	wrdreg $0x0  }
0xa8: {  	s4 =	sshll.u32 s28, $0x1;
	[dreg:$0x2] =	wrdreg s2  }
0xa9: {  	[dreg:$0x3] =	wrdreg s4  }
0xaa: {  	[dreg:$0x4] =	wrdreg $0xC0  }
0xab: {  	_ =	task [dreg:s6], $0x5FFFF  }
0xac: {  	[dreg:$0x1] =	wrdreg $0xFFFFFFFF  }
0xad: {  	[dreg:$0x0] =	wrdreg $0x60  }
0xae: {  	[dreg:$0x2] =	wrdreg s24  }
0xaf: {  	[dreg:$0x3] =	wrdreg $0xA8000  }
0xb0: {  	[dreg:$0x4] =	wrdreg $0x9  }
0xb1: {  	_ =	task.clear_ibuf [dreg:s6], $0x5FFFF;
	_ =	strace $0x90000049  }
0xb2: {  	s29 =	simm.s32 $0x9;
	_ =	strace $0x8000004B  }
0xb3: {  	_ =	swait.ge [sflag:s29], $0x1  }
0xb4: {  	[sflag:s29] =	ssyncadd.s32 $0xFFFFFFFF  }
0xb5: {  	_ =	strace $0x9000004B  }
0xb6: {  	_ =	sfence  }
0xb7: {  	s30 =	sld [smem:$0x0];
	_ =	sdelay $0x2  }
0xb8: {  	s31 =	sshll.u32 s1, $0xD;
	s1 =	sshrl.u32 s1, $0x2  }
0xb9: {  	s3 =	sand.u32 $0x4000, s31;
	s1 =	sadd.s32 s1, s30  }
0xba: {  	s0 =	sor.u32 s3, s0;
	s1 =	sshll.u32 s1, $0x11  }
0xbb: {  	s0 =	sor.u32 s1, s0  }
0xbc: {  	s0 =	sadd.s32 $0x8F2B, s0  }
0xbd: {  	[sflag:s0] =	ssyncadd.remote.s32 $0x1  }
0xbe: {  	_ =	sfence.sel $0xFFFF  }
0xbf: {  	[dreg:$0x0] =	wrdreg $0xFFFFFFFF;
	(pc) =	sbr.abs _section_cstart, $3  }
0xc0: {  	[dreg:$0x1] =	wrdreg $0xFFFFFFFF  }
0xc1: {  	_ =	task.clear_ibuf [dreg:s6], $0x2FFFF;
	_ =	strace $0x9FFFFFFF  }
0xc2: {  	(tm) =	ssettm $0x7FFFFFFF  }
0xc3: {  	_ =	shalt  }
tec
execute0_lowered:
.L_overlay_start_1:
0x0: {  	(tag) =	ssettag $0x1  }
0x1: {  	s0 =	rddreg [dreg:$0x0]  }
0x2: {  	s1 =	rddreg [dreg:$0x1];
	s2 =	simm.s32 $0x0;
	s4 =	srdreg.scid  }
0x3: {  	s28 =	simm.s32 $0x1;
	s29 =	simm.s32 $0x6800;
	s30 =	simm.s32 $0x2  }
0x4: {  	[smem:$0x7FF] =	sst s2;
	s3 =	sadd.s32 $0x17E00, s0;
	s5 =	sadd.s32 $0x3E00, s0  }
0x5: {  	s6 =	sadd.s32 $0xDE00, s0;
	s7 =	sand.u32 $0x1, s4;
	s14 =	sadd.s32 $0x3F000, s0  }
0x6: {  	s4 =	stileid.u32;
	s9 =	sadd.s32 $0x66800, s0;
	s0 =	sadd.s32 $0x3CE80, s0  }
0x7: {  	s20 =	sadd.s32 $0x138800, s1;
	_ =	strace $0x8000004A;
	s8 =	ssub.s32 $0x2, s7  }
0x8: {  	s11 =	sshll.u32 s4, $0x1;
	p1 =	seq.s32 s7, $0x0;
	s22 =	smul.u32 $0x4F000, s4  }
0x9: {  	p2 =	sne.s32 s4, $0xF;
	s13 =	smul.u32 $0x2780, s4;
	[dreg:$0x3] =	wrdreg s14  }
0xa: {  	p0 =	seq.s32 s4, $0xF;
	s24 =	smul.u32 $0x138800, s7;
	[dreg:$0x5] =	wrdreg s0  }
0xb: {  	s25 =	smul.u32 $0x13C00, s4;
	s10 =	sshrl.u32 s8, $0x1;
	s11 =	sor.u32 s7, s11  }
0xc: {  	p2 =	por !p1, !p2;
	p3 =	por !p1, !p0;
	s12 =	ssub.s32 s8, s10  }
0xd: {  	p1 =	por !p2, !p2;
	p3 =	por !p3, !p3;
	s8 =	sshrl.u32 s22, $0x2  }
0xe: {  	s23 =	sadd.s32 s14, s13;
	s10 =	sadd.s32 $0x128400, s1;
	s13 =	sadd.s32 s3, s13  }
0xf: {  	s0 =	sadd.s32 s25, s24;
	s26 =	sshrl.u32 s24, $0x3;
	s24 =	simm.s32 $0x1400  }
0x10: {  	s25 =	simm.s32 $0x80;
	s8 =	sadd.s32 s8, s1;
	[dreg:$0x4] =	wrdreg s23  }
0x11: {  	[dreg:$0x6] =	wrdreg s13;
	p2 =	por p3, p1;
	s13 =	smul.u32 $0x2800, s11  }
0x12: {  	s0 =	sshrl.u32 s0, $0x3;
	s31 =	sadd.s32 s9, s26;
	p2 =	seq.s32 @!p2 s7, $0x0  }
0x13: {  	s16 =	smax.u32 s12, $0x1;
	s0 =	sadd.s32 s9, s0;
	p2 =	por @!p1 p2, p3  }
0x14: {  	[dreg:$0x7] =	wrdreg s0;
	s0 =	sadd.s32 $0x25080, s31;
	p2 =	por p2, p1  }
0x15: {  	s23 =	simm.s32 $0x3;
	[dreg:$0x8] =	wrdreg s0;
	s0 =	sshll.u32 @!p2 s4, $0x6  }
0x16: {  	s26 =	simm.s32 $0x2800;
	s17 =	sor.u32 @!p2 $0x1C03, s0;
	s0 =	simm.s32 @!p2 $0x0  }
0x17: {  	s22 =	sshrl.u32 @p1 s8, $0x3;
	p3 =	por !p3, p1;
	s0 =	simm.s32 @p2 $0x1  }
0x18: {  	s19 =	sshrl.u32 @!p3 s10, $0x3;
	[smem:$0x7FD] =	sst s0;
	s0 =	sshll.u32 @p1 s4, $0x6  }
0x19: {  	s20 =	sshrl.u32 @!p3 s20, $0x3;
	s18 =	sshrl.u32 @!p2 s8, $0x3;
	s21 =	sor.u32 @p1 $0x1C03, s0  }
.LBB2_1:
0x1a: {  	s7 =	sld [smem:$0x7FD];
	_ =	sdelay $0x2  }
0x1b: {  	s0 =	rddreg [dreg:$0x4];
	p2 =	seq.s32 s7, $0x1  }
0x1c: {  	[spmem:s18], [sflag:s17] =	dma.local @!p2 [hbm:s0], $0x2780  }
0x1d: {  	s0 =	simm.s32 @!p2 $0x3  }
0x1e: {  	_ =	swait.ge @!p2 [sflag:s0], $0x2780  }
0x1f: {  	[sflag:s0] =	ssyncset.done @!p2 $0x0  }
0x20: {  	s7 =	rddreg [dreg:$0x5];
	[sflag:s0] =	ssyncadd.s32 @!p2 $0xFFFFD880;
	s0 =	simm.s32 @!p3 $0x1FC3  }
0x21: {  	[spmem:s19], [sflag:s0] =	dma.local @!p3 [hbm:s7], $0x2080  }
0x22: {  	s7 =	simm.s32 @!p3 $0x3  }
0x23: {  	_ =	swait.ge @!p3 [sflag:s7], $0x2080  }
0x24: {  	[sflag:s7] =	ssyncset.done @!p3 $0x0  }
0x25: {  	s9 =	rddreg [dreg:$0x3];
	[sflag:s7] =	ssyncadd.s32 @!p3 $0xFFFFDF80  }
0x26: {  	[spmem:s20], [sflag:s0] =	dma.local @!p3 [hbm:s9], $0x700  }
0x27: {  	_ =	swait.ge @!p3 [sflag:s7], $0x700  }
0x28: {  	[sflag:s7] =	ssyncset.done @!p3 $0x0  }
0x29: {  	s0 =	rddreg [dreg:$0x6];
	[sflag:s7] =	ssyncadd.s32 @!p3 $0xFFFFF900  }
0x2a: {  	[spmem:s22], [sflag:s21] =	dma.local @p1 [hbm:s0], $0x2780  }
0x2b: {  	s0 =	simm.s32 @p1 $0x3  }
0x2c: {  	p5 =	por p0, p0;
	_ =	swait.ge @p1 [sflag:s0], $0x2780  }
0x2d: {  	p4 =	por @p1 $0x0, $0x0;
	p2 =	por @!p3 $0x1, $0x1;
	[sflag:s0] =	ssyncset.done @p1 $0x0  }
0x2e: {  	p6 =	por $0x1, $0x1;
	p5 =	por @!p3 p2, p2;
	[sflag:s0] =	ssyncadd.s32 @p1 $0xFFFFD880  }
0x2f: {  	p4 =	por @!p1 p5, p5;
	s0 =	simm.s32 $0x0;
	[bflag:$0x0] =	sbarrier.arrive $0xFFFF  }
.LBB2_2:
0x30: {  	s0 =	sadd.s32 s13, s0  }
0x31: {  	s0 =	sshrl.u32 s0, $0x3  }
0x32: {  	s9 =	simm.s32 $0x0;
	s7 =	sadd.s32 s5, s0  }
0x33: {  	[tilespmem:s9], [sflag:$0x3] =	stream.linear.gather [hbm4b:s7+s9], $0x1400, $0x38;
	[tilespmem:$0x1E400] =	vst v63  }
0x34: {  	_ =	swait.ge [sflag:s23], $0x1400  }
0x35: {  	[sflag:s23] =	ssyncset.done $0x0  }
0x36: {  	s0 =	sadd.s32 s6, s0;
	[sflag:s23] =	ssyncadd.s32 $0xFFFFEC00  }
0x37: {  	[tilespmem:s24], [sflag:$0x3] =	stream.linear.gather [hbm4b:s0+s9], $0x1400, $0x38;
	[tilespmem:$0x1E400] =	vst v63  }
0x38: {  	_ =	swait.ge [sflag:s23], $0x1400  }
0x39: {  	[sflag:s23] =	ssyncset.done $0x0  }
0x3a: {  	[sflag:s23] =	ssyncadd.s32 $0xFFFFEC00  }
0x3b: {  	[tilespmem:s26], [sflag:$0x1] =	stream.indirect.gather [hbm4b:s3+s25], $0x80, s9, s25, $0xb8;
	[tilespmem:$0x1E400] =	vst v63  }
0x3c: {  	_ =	swait.ge [sflag:s28], $0x4000  }
0x3d: {  	[sflag:s28] =	ssyncset.done $0x0  }
0x3e: {  	s15 =	simm.s32 $0x1400;
	[sflag:s28] =	ssyncadd.s32 $0xFFFFC000  }
0x3f: {  	[spmem:s1] =	stream.indirect.scatter.add.f32 [tilespmem:s26], [sflag:$0x2], $0x80, s15, s25, $0xb8;
	[tilespmem:$0x1E400] =	vst v63  }
0x40: {  	s7 =	simm.s32 $0x80  }
0x41: {  	[tilespmem:s29], [sflag:$0x1] =	stream.indirect.gather [hbm4b:s3+s25], $0x80, s7, s25, $0xb8;
	[tilespmem:$0x1E400] =	vst v63  }
0x42: {  	_ =	swait.ge [sflag:s30], $0x4000  }
0x43: {  	[sflag:s30] =	ssyncset.done $0x0  }
0x44: {  	[sflag:s30] =	ssyncadd.s32 $0xFFFFC000  }
0x45: {  	_ =	swait.ge [sflag:s28], $0x4000  }
0x46: {  	[sflag:s28] =	ssyncset.done $0x0  }
0x47: {  	s9 =	simm.s32 $0x1480;
	[sflag:s28] =	ssyncadd.s32 $0xFFFFC000  }
0x48: {  	[spmem:s1] =	stream.indirect.scatter.add.f32 [tilespmem:s29], [sflag:$0x2], $0x80, s9, s25, $0xb8;
	[tilespmem:$0x1E400] =	vst v63  }
0x49: {  	s11 =	simm.s32 $0x100  }
0x4a: {  	[tilespmem:s26], [sflag:$0x1] =	stream.indirect.gather [hbm4b:s3+s25], $0x80, s11, s25, $0xb8;
	[tilespmem:$0x1E400] =	vst v63  }
0x4b: {  	_ =	swait.ge [sflag:s28], $0x4000  }
0x4c: {  	[sflag:s28] =	ssyncset.done $0x0  }
0x4d: {  	[sflag:s28] =	ssyncadd.s32 $0xFFFFC000  }
0x4e: {  	_ =	swait.ge [sflag:s30], $0x4000  }
0x4f: {  	[sflag:s30] =	ssyncset.done $0x0  }
0x50: {  	s12 =	simm.s32 $0x1500;
	[sflag:s30] =	ssyncadd.s32 $0xFFFFC000  }
0x51: {  	[spmem:s1] =	stream.indirect.scatter.add.f32 [tilespmem:s26], [sflag:$0x2], $0x80, s12, s25, $0xb8;
	[tilespmem:$0x1E400] =	vst v63  }
0x52: {  	s14 =	simm.s32 $0x180  }
0x53: {  	[tilespmem:s29], [sflag:$0x1] =	stream.indirect.gather [hbm4b:s3+s25], $0x80, s14, s25, $0xb8;
	[tilespmem:$0x1E400] =	vst v63  }
0x54: {  	_ =	swait.ge [sflag:s30], $0x4000  }
0x55: {  	[sflag:s30] =	ssyncset.done $0x0  }
0x56: {  	[sflag:s30] =	ssyncadd.s32 $0xFFFFC000  }
0x57: {  	_ =	swait.ge [sflag:s28], $0x4000  }
0x58: {  	[sflag:s28] =	ssyncset.done $0x0  }
0x59: {  	s15 =	simm.s32 $0x1580;
	[sflag:s28] =	ssyncadd.s32 $0xFFFFC000  }
0x5a: {  	[spmem:s1] =	stream.indirect.scatter.add.f32 [tilespmem:s29], [sflag:$0x2], $0x80, s15, s25, $0xb8;
	[tilespmem:$0x1E400] =	vst v63  }
0x5b: {  	s7 =	simm.s32 $0x200  }
0x5c: {  	[tilespmem:s26], [sflag:$0x1] =	stream.indirect.gather [hbm4b:s3+s25], $0x80, s7, s25, $0xb8;
	[tilespmem:$0x1E400] =	vst v63  }
0x5d: {  	_ =	swait.ge [sflag:s28], $0x4000  }
0x5e: {  	[sflag:s28] =	ssyncset.done $0x0  }
0x5f: {  	[sflag:s28] =	ssyncadd.s32 $0xFFFFC000  }
0x60: {  	_ =	swait.ge [sflag:s30], $0x4000  }
0x61: {  	[sflag:s30] =	ssyncset.done $0x0  }
0x62: {  	s9 =	simm.s32 $0x1600;
	[sflag:s30] =	ssyncadd.s32 $0xFFFFC000  }
0x63: {  	[spmem:s1] =	stream.indirect.scatter.add.f32 [tilespmem:s26], [sflag:$0x2], $0x80, s9, s25, $0xb8;
	[tilespmem:$0x1E400] =	vst v63  }
0x64: {  	s11 =	simm.s32 $0x280  }
0x65: {  	[tilespmem:s29], [sflag:$0x1] =	stream.indirect.gather [hbm4b:s3+s25], $0x80, s11, s25, $0xb8;
	[tilespmem:$0x1E400] =	vst v63  }
0x66: {  	_ =	swait.ge [sflag:s30], $0x4000  }
0x67: {  	[sflag:s30] =	ssyncset.done $0x0  }
0x68: {  	[sflag:s30] =	ssyncadd.s32 $0xFFFFC000  }
0x69: {  	_ =	swait.ge [sflag:s28], $0x4000  }
0x6a: {  	[sflag:s28] =	ssyncset.done $0x0  }
0x6b: {  	s12 =	simm.s32 $0x1680;
	[sflag:s28] =	ssyncadd.s32 $0xFFFFC000  }
0x6c: {  	[spmem:s1] =	stream.indirect.scatter.add.f32 [tilespmem:s29], [sflag:$0x2], $0x80, s12, s25, $0xb8;
	[tilespmem:$0x1E400] =	vst v63  }
0x6d: {  	s14 =	simm.s32 $0x300  }
0x6e: {  	[tilespmem:s26], [sflag:$0x1] =	stream.indirect.gather [hbm4b:s3+s25], $0x80, s14, s25, $0xb8;
	[tilespmem:$0x1E400] =	vst v63  }
0x6f: {  	_ =	swait.ge [sflag:s28], $0x4000  }
0x70: {  	[sflag:s28] =	ssyncset.done $0x0  }
0x71: {  	[sflag:s28] =	ssyncadd.s32 $0xFFFFC000  }
0x72: {  	_ =	swait.ge [sflag:s30], $0x4000  }
0x73: {  	[sflag:s30] =	ssyncset.done $0x0  }
0x74: {  	s15 =	simm.s32 $0x1700;
	[sflag:s30] =	ssyncadd.s32 $0xFFFFC000  }
0x75: {  	[spmem:s1] =	stream.indirect.scatter.add.f32 [tilespmem:s26], [sflag:$0x2], $0x80, s15, s25, $0xb8;
	[tilespmem:$0x1E400] =	vst v63  }
0x76: {  	s7 =	simm.s32 $0x380  }
0x77: {  	[tilespmem:s29], [sflag:$0x1] =	stream.indirect.gather [hbm4b:s3+s25], $0x80, s7, s25, $0xb8;
	[tilespmem:$0x1E400] =	vst v63  }
0x78: {  	_ =	swait.ge [sflag:s30], $0x4000  }
0x79: {  	[sflag:s30] =	ssyncset.done $0x0  }
0x7a: {  	[sflag:s30] =	ssyncadd.s32 $0xFFFFC000  }
0x7b: {  	_ =	swait.ge [sflag:s28], $0x4000  }
0x7c: {  	[sflag:s28] =	ssyncset.done $0x0  }
0x7d: {  	s9 =	simm.s32 $0x1780;
	[sflag:s28] =	ssyncadd.s32 $0xFFFFC000  }
0x7e: {  	[spmem:s1] =	stream.indirect.scatter.add.f32 [tilespmem:s29], [sflag:$0x2], $0x80, s9, s25, $0xb8;
	[tilespmem:$0x1E400] =	vst v63  }
0x7f: {  	s11 =	simm.s32 $0x400  }
0x80: {  	[tilespmem:s26], [sflag:$0x1] =	stream.indirect.gather [hbm4b:s3+s25], $0x80, s11, s25, $0xb8;
	[tilespmem:$0x1E400] =	vst v63  }
0x81: {  	_ =	swait.ge [sflag:s28], $0x4000  }
0x82: {  	[sflag:s28] =	ssyncset.done $0x0  }
0x83: {  	[sflag:s28] =	ssyncadd.s32 $0xFFFFC000  }
0x84: {  	_ =	swait.ge [sflag:s30], $0x4000  }
0x85: {  	[sflag:s30] =	ssyncset.done $0x0  }
0x86: {  	s12 =	simm.s32 $0x1800;
	[sflag:s30] =	ssyncadd.s32 $0xFFFFC000  }
0x87: {  	[spmem:s1] =	stream.indirect.scatter.add.f32 [tilespmem:s26], [sflag:$0x2], $0x80, s12, s25, $0xb8;
	[tilespmem:$0x1E400] =	vst v63  }
0x88: {  	s14 =	simm.s32 $0x480  }
0x89: {  	[tilespmem:s29], [sflag:$0x1] =	stream.indirect.gather [hbm4b:s3+s25], $0x80, s14, s25, $0xb8;
	[tilespmem:$0x1E400] =	vst v63  }
0x8a: {  	_ =	swait.ge [sflag:s30], $0x4000  }
0x8b: {  	[sflag:s30] =	ssyncset.done $0x0  }
0x8c: {  	[sflag:s30] =	ssyncadd.s32 $0xFFFFC000  }
0x8d: {  	_ =	swait.ge [sflag:s28], $0x4000  }
0x8e: {  	p2 =	por $0x0, $0x0;
	[sflag:s28] =	ssyncset.done $0x0  }
0x8f: {  	s0 =	simm.s32 @!p2 $0x80;
	s15 =	simm.s32 $0x1880;
	[sflag:s28] =	ssyncadd.s32 $0xFFFFC000  }
0x90: {  	[spmem:s1] =	stream.indirect.scatter.add.f32 [tilespmem:s29], [sflag:$0x2], $0x80, s15, s25, $0xb8;
	[tilespmem:$0x1E400] =	vst v63  }
0x91: {  	s7 =	simm.s32 @!p2 $0x2800;
	s9 =	simm.s32 @!p2 $0x500;
	s11 =	simm.s32 @!p2 $0x1  }
0x92: {  	[tilespmem:s7], [sflag:$0x1] =	stream.indirect.gather @!p2 [hbm4b:s3+s0], $0x80, s9, s0, $0xb8;
	[tilespmem:$0x1E400] =	vst v63  }
0x93: {  	_ =	swait.ge @!p2 [sflag:s11], $0x4000  }
0x94: {  	[sflag:s11] =	ssyncset.done @!p2 $0x0  }
0x95: {  	p5 =	por p6, p6;
	s31 =	simm.s32 $0x1400;
	[sflag:s11] =	ssyncadd.s32 @!p2 $0xFFFFC000  }
0x96: {  	s0 =	simm.s32 $0x5;
	s7 =	simm.s32 $0xA;
	_ =	swait.ge [sflag:s30], $0x4000  }
.LBB2_3:
0x97: {  	s11 =	sshra.s32 s31, $0x2  }
0x98: {  	[sflag:s30] =	ssyncset.done $0x0;
	s9 =	smov.u32 s7;
	s12 =	sadd.s32 $0x5, s7  }
0x99: {  	p6 =	slt.u32 s7, $0xF;
	s7 =	sadd.s32 $0x1400, s11;
	[sflag:s30] =	ssyncadd.s32 $0xFFFFC000  }
0x9a: {  	[spmem:s1] =	stream.indirect.scatter.add.f32 [tilespmem:s26], [sflag:$0x2], $0x80, s7, s25, $0xb8;
	[tilespmem:$0x1E400] =	vst v63  }
0x9b: {  	s7 =	sadd.s32 $0x80, s11  }
0x9c: {  	[tilespmem:s29], [sflag:$0x1] =	stream.indirect.gather [hbm4b:s3+s25], $0x80, s7, s25, $0xb8;
	[tilespmem:$0x1E400] =	vst v63  }
0x9d: {  	_ =	swait.ge [sflag:s30], $0x4000  }
0x9e: {  	[sflag:s30] =	ssyncset.done $0x0  }
0x9f: {  	[sflag:s30] =	ssyncadd.s32 $0xFFFFC000  }
0xa0: {  	_ =	swait.ge [sflag:s28], $0x4000  }
0xa1: {  	[sflag:s28] =	ssyncset.done $0x0  }
0xa2: {  	s7 =	sadd.s32 $0x1480, s11;
	[sflag:s28] =	ssyncadd.s32 $0xFFFFC000  }
0xa3: {  	[spmem:s1] =	stream.indirect.scatter.add.f32 [tilespmem:s29], [sflag:$0x2], $0x80, s7, s25, $0xb8;
	[tilespmem:$0x1E400] =	vst v63  }
0xa4: {  	s7 =	sadd.s32 $0x100, s11  }
0xa5: {  	[tilespmem:s26], [sflag:$0x1] =	stream.indirect.gather [hbm4b:s3+s25], $0x80, s7, s25, $0xb8;
	[tilespmem:$0x1E400] =	vst v63  }
0xa6: {  	_ =	swait.ge [sflag:s28], $0x4000  }
0xa7: {  	[sflag:s28] =	ssyncset.done $0x0  }
0xa8: {  	[sflag:s28] =	ssyncadd.s32 $0xFFFFC000  }
0xa9: {  	_ =	swait.ge [sflag:s30], $0x4000  }
0xaa: {  	[sflag:s30] =	ssyncset.done $0x0  }
0xab: {  	s7 =	sadd.s32 $0x1500, s11;
	[sflag:s30] =	ssyncadd.s32 $0xFFFFC000  }
0xac: {  	[spmem:s1] =	stream.indirect.scatter.add.f32 [tilespmem:s26], [sflag:$0x2], $0x80, s7, s25, $0xb8;
	[tilespmem:$0x1E400] =	vst v63  }
0xad: {  	s7 =	sadd.s32 $0x180, s11  }
0xae: {  	[tilespmem:s29], [sflag:$0x1] =	stream.indirect.gather [hbm4b:s3+s25], $0x80, s7, s25, $0xb8;
	[tilespmem:$0x1E400] =	vst v63  }
0xaf: {  	_ =	swait.ge [sflag:s30], $0x4000  }
0xb0: {  	[sflag:s30] =	ssyncset.done $0x0  }
0xb1: {  	[sflag:s30] =	ssyncadd.s32 $0xFFFFC000  }
0xb2: {  	_ =	swait.ge [sflag:s28], $0x4000  }
0xb3: {  	[sflag:s28] =	ssyncset.done $0x0  }
0xb4: {  	s7 =	sadd.s32 $0x1580, s11;
	[sflag:s28] =	ssyncadd.s32 $0xFFFFC000  }
0xb5: {  	[spmem:s1] =	stream.indirect.scatter.add.f32 [tilespmem:s29], [sflag:$0x2], $0x80, s7, s25, $0xb8;
	[tilespmem:$0x1E400] =	vst v63  }
0xb6: {  	s7 =	sadd.s32 $0x200, s11  }
0xb7: {  	[tilespmem:s26], [sflag:$0x1] =	stream.indirect.gather [hbm4b:s3+s25], $0x80, s7, s25, $0xb8;
	[tilespmem:$0x1E400] =	vst v63  }
0xb8: {  	_ =	swait.ge [sflag:s28], $0x4000  }
0xb9: {  	[sflag:s28] =	ssyncset.done $0x0  }
0xba: {  	[sflag:s28] =	ssyncadd.s32 $0xFFFFC000  }
0xbb: {  	_ =	swait.ge [sflag:s30], $0x4000  }
0xbc: {  	[sflag:s30] =	ssyncset.done $0x0  }
0xbd: {  	s7 =	sadd.s32 $0x1600, s11;
	[sflag:s30] =	ssyncadd.s32 $0xFFFFC000  }
0xbe: {  	[spmem:s1] =	stream.indirect.scatter.add.f32 [tilespmem:s26], [sflag:$0x2], $0x80, s7, s25, $0xb8;
	[tilespmem:$0x1E400] =	vst v63  }
0xbf: {  	s7 =	sadd.s32 $0x280, s11  }
0xc0: {  	[tilespmem:s29], [sflag:$0x1] =	stream.indirect.gather [hbm4b:s3+s25], $0x80, s7, s25, $0xb8;
	[tilespmem:$0x1E400] =	vst v63  }
0xc1: {  	_ =	swait.ge [sflag:s30], $0x4000  }
0xc2: {  	[sflag:s30] =	ssyncset.done $0x0  }
0xc3: {  	[sflag:s30] =	ssyncadd.s32 $0xFFFFC000  }
0xc4: {  	_ =	swait.ge [sflag:s28], $0x4000  }
0xc5: {  	[sflag:s28] =	ssyncset.done $0x0  }
0xc6: {  	s7 =	sadd.s32 $0x1680, s11;
	[sflag:s28] =	ssyncadd.s32 $0xFFFFC000  }
0xc7: {  	[spmem:s1] =	stream.indirect.scatter.add.f32 [tilespmem:s29], [sflag:$0x2], $0x80, s7, s25, $0xb8;
	[tilespmem:$0x1E400] =	vst v63  }
0xc8: {  	s7 =	sadd.s32 $0x300, s11  }
0xc9: {  	[tilespmem:s26], [sflag:$0x1] =	stream.indirect.gather [hbm4b:s3+s25], $0x80, s7, s25, $0xb8;
	[tilespmem:$0x1E400] =	vst v63  }
0xca: {  	_ =	swait.ge [sflag:s28], $0x4000  }
0xcb: {  	[sflag:s28] =	ssyncset.done $0x0  }
0xcc: {  	[sflag:s28] =	ssyncadd.s32 $0xFFFFC000  }
0xcd: {  	_ =	swait.ge [sflag:s30], $0x4000  }
0xce: {  	[sflag:s30] =	ssyncset.done $0x0  }
0xcf: {  	s7 =	sadd.s32 $0x1700, s11;
	[sflag:s30] =	ssyncadd.s32 $0xFFFFC000  }
0xd0: {  	[spmem:s1] =	stream.indirect.scatter.add.f32 [tilespmem:s26], [sflag:$0x2], $0x80, s7, s25, $0xb8;
	[tilespmem:$0x1E400] =	vst v63  }
0xd1: {  	s7 =	sadd.s32 $0x380, s11  }
0xd2: {  	[tilespmem:s29], [sflag:$0x1] =	stream.indirect.gather [hbm4b:s3+s25], $0x80, s7, s25, $0xb8;
	[tilespmem:$0x1E400] =	vst v63  }
0xd3: {  	_ =	swait.ge [sflag:s30], $0x4000  }
0xd4: {  	[sflag:s30] =	ssyncset.done $0x0  }
0xd5: {  	[sflag:s30] =	ssyncadd.s32 $0xFFFFC000  }
0xd6: {  	_ =	swait.ge [sflag:s28], $0x4000  }
0xd7: {  	[sflag:s28] =	ssyncset.done $0x0  }
0xd8: {  	s7 =	sadd.s32 $0x1780, s11;
	[sflag:s28] =	ssyncadd.s32 $0xFFFFC000  }
0xd9: {  	[spmem:s1] =	stream.indirect.scatter.add.f32 [tilespmem:s29], [sflag:$0x2], $0x80, s7, s25, $0xb8;
	[tilespmem:$0x1E400] =	vst v63  }
0xda: {  	s7 =	sadd.s32 $0x400, s11  }
0xdb: {  	[tilespmem:s26], [sflag:$0x1] =	stream.indirect.gather [hbm4b:s3+s25], $0x80, s7, s25, $0xb8;
	[tilespmem:$0x1E400] =	vst v63  }
0xdc: {  	_ =	swait.ge [sflag:s28], $0x4000  }
0xdd: {  	[sflag:s28] =	ssyncset.done $0x0  }
0xde: {  	[sflag:s28] =	ssyncadd.s32 $0xFFFFC000  }
0xdf: {  	_ =	swait.ge [sflag:s30], $0x4000  }
0xe0: {  	[sflag:s30] =	ssyncset.done $0x0  }
0xe1: {  	s7 =	sadd.s32 $0x1800, s11;
	[sflag:s30] =	ssyncadd.s32 $0xFFFFC000  }
0xe2: {  	[spmem:s1] =	stream.indirect.scatter.add.f32 [tilespmem:s26], [sflag:$0x2], $0x80, s7, s25, $0xb8;
	[tilespmem:$0x1E400] =	vst v63  }
0xe3: {  	s7 =	sadd.s32 $0x480, s11  }
0xe4: {  	[tilespmem:s29], [sflag:$0x1] =	stream.indirect.gather [hbm4b:s3+s25], $0x80, s7, s25, $0xb8;
	[tilespmem:$0x1E400] =	vst v63  }
0xe5: {  	_ =	swait.ge [sflag:s30], $0x4000  }
0xe6: {  	[sflag:s30] =	ssyncset.done $0x0  }
0xe7: {  	[sflag:s30] =	ssyncadd.s32 $0xFFFFC000  }
0xe8: {  	_ =	swait.ge [sflag:s28], $0x4000  }
0xe9: {  	[sflag:s28] =	ssyncset.done $0x0  }
0xea: {  	p2 =	sgt.u32 s0, $0xE;
	s7 =	sadd.s32 $0x1880, s11;
	[sflag:s28] =	ssyncadd.s32 $0xFFFFC000  }
0xeb: {  	[spmem:s1] =	stream.indirect.scatter.add.f32 [tilespmem:s29], [sflag:$0x2], $0x80, s7, s25, $0xb8;
	[tilespmem:$0x1E400] =	vst v63  }
0xec: {  	s0 =	sshra.s32 @!p2 s31, $0x2;
	s11 =	simm.s32 @!p2 $0x2800;
	s7 =	simm.s32 @!p2 $0x80  }
0xed: {  	s15 =	simm.s32 @!p2 $0x1;
	s14 =	sadd.s32 @!p2 $0x500, s0;
	s0 =	smov.u32 s9  }
0xee: {  	[tilespmem:s11], [sflag:$0x1] =	stream.indirect.gather @!p2 [hbm4b:s3+s7], $0x80, s14, s7, $0xb8;
	[tilespmem:$0x1E400] =	vst v63  }
.Ltmp0:
0xef: {  	_ = 	snop;
	(pc) =	sbr.rel @p6 .LBB2_3-.Ltmp0, $4  }
0xf0: {  	_ =	swait.ge @!p2 [sflag:s15], $0x4000  }
0xf1: {  	[sflag:s15] =	ssyncset.done @!p2 $0x0  }
0xf2: {  	[sflag:s15] =	ssyncadd.s32 @!p2 $0xFFFFC000  }
0xf3: {  	s31 =	sadd.s32 $0x1400, s31;
	s7 =	smov.u32 s12;
	_ =	swait.ge [sflag:s30], $0x4000  }
0xf4: {  	s7 =	sshra.s32 s31, $0x2;
	[sflag:s30] =	ssyncset.done $0x0  }
0xf5: {  	s9 =	sadd.s32 $0x1400, s7;
	[sflag:s30] =	ssyncadd.s32 $0xFFFFC000  }
0xf6: {  	[spmem:s1] =	stream.indirect.scatter.add.f32 [tilespmem:s26], [sflag:$0x2], $0x80, s9, s25, $0xb8;
	[tilespmem:$0x1E400] =	vst v63  }
0xf7: {  	s15 =	sadd.s32 $0x80, s7  }
0xf8: {  	[tilespmem:s29], [sflag:$0x1] =	stream.indirect.gather [hbm4b:s3+s25], $0x80, s15, s25, $0xb8;
	[tilespmem:$0x1E400] =	vst v63  }
0xf9: {  	_ =	swait.ge [sflag:s30], $0x4000  }
0xfa: {  	[sflag:s30] =	ssyncset.done $0x0  }
0xfb: {  	[sflag:s30] =	ssyncadd.s32 $0xFFFFC000  }
0xfc: {  	_ =	swait.ge [sflag:s28], $0x4000  }
0xfd: {  	[sflag:s28] =	ssyncset.done $0x0  }
0xfe: {  	s11 =	sadd.s32 $0x1480, s7;
	[sflag:s28] =	ssyncadd.s32 $0xFFFFC000  }
0xff: {  	[spmem:s1] =	stream.indirect.scatter.add.f32 [tilespmem:s29], [sflag:$0x2], $0x80, s11, s25, $0xb8;
	[tilespmem:$0x1E400] =	vst v63  }
0x100: {  	s12 =	sadd.s32 $0x100, s7  }
0x101: {  	[tilespmem:s26], [sflag:$0x1] =	stream.indirect.gather [hbm4b:s3+s25], $0x80, s12, s25, $0xb8;
	[tilespmem:$0x1E400] =	vst v63  }
0x102: {  	_ =	swait.ge [sflag:s28], $0x4000  }
0x103: {  	[sflag:s28] =	ssyncset.done $0x0  }
0x104: {  	[sflag:s28] =	ssyncadd.s32 $0xFFFFC000  }
0x105: {  	_ =	swait.ge [sflag:s30], $0x4000  }
0x106: {  	[sflag:s30] =	ssyncset.done $0x0  }
0x107: {  	s14 =	sadd.s32 $0x1500, s7;
	[sflag:s30] =	ssyncadd.s32 $0xFFFFC000  }
0x108: {  	[spmem:s1] =	stream.indirect.scatter.add.f32 [tilespmem:s26], [sflag:$0x2], $0x80, s14, s25, $0xb8;
	[tilespmem:$0x1E400] =	vst v63  }
0x109: {  	s15 =	sadd.s32 $0x180, s7  }
0x10a: {  	[tilespmem:s29], [sflag:$0x1] =	stream.indirect.gather [hbm4b:s3+s25], $0x80, s15, s25, $0xb8;
	[tilespmem:$0x1E400] =	vst v63  }
0x10b: {  	_ =	swait.ge [sflag:s30], $0x4000  }
0x10c: {  	[sflag:s30] =	ssyncset.done $0x0  }
0x10d: {  	[sflag:s30] =	ssyncadd.s32 $0xFFFFC000  }
0x10e: {  	_ =	swait.ge [sflag:s28], $0x4000  }
0x10f: {  	[sflag:s28] =	ssyncset.done $0x0  }
0x110: {  	s11 =	sadd.s32 $0x1580, s7;
	[sflag:s28] =	ssyncadd.s32 $0xFFFFC000  }
0x111: {  	[spmem:s1] =	stream.indirect.scatter.add.f32 [tilespmem:s29], [sflag:$0x2], $0x80, s11, s25, $0xb8;
	[tilespmem:$0x1E400] =	vst v63  }
0x112: {  	s12 =	sadd.s32 $0x200, s7  }
0x113: {  	[tilespmem:s26], [sflag:$0x1] =	stream.indirect.gather [hbm4b:s3+s25], $0x80, s12, s25, $0xb8;
	[tilespmem:$0x1E400] =	vst v63  }
0x114: {  	_ =	swait.ge [sflag:s28], $0x4000  }
0x115: {  	[sflag:s28] =	ssyncset.done $0x0  }
0x116: {  	[sflag:s28] =	ssyncadd.s32 $0xFFFFC000  }
0x117: {  	_ =	swait.ge [sflag:s30], $0x4000  }
0x118: {  	[sflag:s30] =	ssyncset.done $0x0  }
0x119: {  	s14 =	sadd.s32 $0x1600, s7;
	[sflag:s30] =	ssyncadd.s32 $0xFFFFC000  }
0x11a: {  	[spmem:s1] =	stream.indirect.scatter.add.f32 [tilespmem:s26], [sflag:$0x2], $0x80, s14, s25, $0xb8;
	[tilespmem:$0x1E400] =	vst v63  }
0x11b: {  	s15 =	sadd.s32 $0x280, s7  }
0x11c: {  	[tilespmem:s29], [sflag:$0x1] =	stream.indirect.gather [hbm4b:s3+s25], $0x80, s15, s25, $0xb8;
	[tilespmem:$0x1E400] =	vst v63  }
0x11d: {  	_ =	swait.ge [sflag:s30], $0x4000  }
0x11e: {  	[sflag:s30] =	ssyncset.done $0x0  }
0x11f: {  	[sflag:s30] =	ssyncadd.s32 $0xFFFFC000  }
0x120: {  	_ =	swait.ge [sflag:s28], $0x4000  }
0x121: {  	[sflag:s28] =	ssyncset.done $0x0  }
0x122: {  	s11 =	sadd.s32 $0x1680, s7;
	[sflag:s28] =	ssyncadd.s32 $0xFFFFC000  }
0x123: {  	[spmem:s1] =	stream.indirect.scatter.add.f32 [tilespmem:s29], [sflag:$0x2], $0x80, s11, s25, $0xb8;
	[tilespmem:$0x1E400] =	vst v63  }
0x124: {  	s12 =	sadd.s32 $0x300, s7  }
0x125: {  	[tilespmem:s26], [sflag:$0x1] =	stream.indirect.gather [hbm4b:s3+s25], $0x80, s12, s25, $0xb8;
	[tilespmem:$0x1E400] =	vst v63  }
0x126: {  	_ =	swait.ge [sflag:s28], $0x4000  }
0x127: {  	[sflag:s28] =	ssyncset.done $0x0  }
0x128: {  	[sflag:s28] =	ssyncadd.s32 $0xFFFFC000  }
0x129: {  	_ =	swait.ge [sflag:s30], $0x4000  }
0x12a: {  	[sflag:s30] =	ssyncset.done $0x0  }
0x12b: {  	s14 =	sadd.s32 $0x1700, s7;
	[sflag:s30] =	ssyncadd.s32 $0xFFFFC000  }
0x12c: {  	[spmem:s1] =	stream.indirect.scatter.add.f32 [tilespmem:s26], [sflag:$0x2], $0x80, s14, s25, $0xb8;
	[tilespmem:$0x1E400] =	vst v63  }
0x12d: {  	s15 =	sadd.s32 $0x380, s7  }
0x12e: {  	[tilespmem:s29], [sflag:$0x1] =	stream.indirect.gather [hbm4b:s3+s25], $0x80, s15, s25, $0xb8;
	[tilespmem:$0x1E400] =	vst v63  }
0x12f: {  	_ =	swait.ge [sflag:s30], $0x4000  }
0x130: {  	[sflag:s30] =	ssyncset.done $0x0  }
0x131: {  	[sflag:s30] =	ssyncadd.s32 $0xFFFFC000  }
0x132: {  	_ =	swait.ge [sflag:s28], $0x4000  }
0x133: {  	[sflag:s28] =	ssyncset.done $0x0  }
0x134: {  	s11 =	sadd.s32 $0x1780, s7;
	[sflag:s28] =	ssyncadd.s32 $0xFFFFC000  }
0x135: {  	[spmem:s1] =	stream.indirect.scatter.add.f32 [tilespmem:s29], [sflag:$0x2], $0x80, s11, s25, $0xb8;
	[tilespmem:$0x1E400] =	vst v63  }
0x136: {  	s12 =	sadd.s32 $0x400, s7  }
0x137: {  	[tilespmem:s26], [sflag:$0x1] =	stream.indirect.gather [hbm4b:s3+s25], $0x80, s12, s25, $0xb8;
	[tilespmem:$0x1E400] =	vst v63  }
0x138: {  	_ =	swait.ge [sflag:s28], $0x4000  }
0x139: {  	[sflag:s28] =	ssyncset.done $0x0  }
0x13a: {  	[sflag:s28] =	ssyncadd.s32 $0xFFFFC000  }
0x13b: {  	_ =	swait.ge [sflag:s30], $0x4000  }
0x13c: {  	[sflag:s30] =	ssyncset.done $0x0  }
0x13d: {  	s14 =	sadd.s32 $0x1800, s7;
	[sflag:s30] =	ssyncadd.s32 $0xFFFFC000  }
0x13e: {  	[spmem:s1] =	stream.indirect.scatter.add.f32 [tilespmem:s26], [sflag:$0x2], $0x80, s14, s25, $0xb8;
	[tilespmem:$0x1E400] =	vst v63  }
0x13f: {  	s15 =	sadd.s32 $0x480, s7  }
0x140: {  	[tilespmem:s29], [sflag:$0x1] =	stream.indirect.gather [hbm4b:s3+s25], $0x80, s15, s25, $0xb8;
	[tilespmem:$0x1E400] =	vst v63  }
0x141: {  	_ =	swait.ge [sflag:s30], $0x4000  }
0x142: {  	[sflag:s30] =	ssyncset.done $0x0  }
0x143: {  	[sflag:s30] =	ssyncadd.s32 $0xFFFFC000  }
0x144: {  	p2 =	sgt.u32 s0, $0xE;
	_ =	swait.ge [sflag:s28], $0x4000  }
0x145: {  	s0 =	sshra.s32 @!p2 s31, $0x2;
	[sflag:s28] =	ssyncset.done $0x0  }
0x146: {  	s9 =	simm.s32 @!p2 $0x2800;
	s7 =	sadd.s32 $0x1880, s7;
	[sflag:s28] =	ssyncadd.s32 $0xFFFFC000  }
0x147: {  	[spmem:s1] =	stream.indirect.scatter.add.f32 [tilespmem:s29], [sflag:$0x2], $0x80, s7, s25, $0xb8;
	[tilespmem:$0x1E400] =	vst v63  }
0x148: {  	s0 =	sadd.s32 @!p2 $0x500, s0;
	s11 =	simm.s32 @!p2 $0x1;
	s7 =	simm.s32 @!p2 $0x80  }
0x149: {  	[tilespmem:s9], [sflag:$0x1] =	stream.indirect.gather @!p2 [hbm4b:s3+s7], $0x80, s0, s7, $0xb8;
	[tilespmem:$0x1E400] =	vst v63  }
0x14a: {  	_ =	swait.ge @!p2 [sflag:s11], $0x4000  }
.Ltmp1:
0x14b: {  	[sflag:s11] =	ssyncset.done @!p2 $0x0;
	(pc) =	sbr.rel @p5 .LBB2_2-.Ltmp1, $4  }
0x14c: {  	[sflag:s11] =	ssyncadd.s32 @!p2 $0xFFFFC000  }
0x14d: {  	_ =	swait.ge [sflag:s30], $0x4000  }
0x14e: {  	[sflag:s30] =	ssyncset.done $0x0  }
0x14f: {  	p6 =	por $0x0, $0x0;
	s0 =	simm.s32 $0x1400;
	[sflag:s30] =	ssyncadd.s32 $0xFFFFC000  }
0x150: {  	s0 =	sshll.u32 @!p0 s4, $0x6;
	[bflag:$0x0] =	sbarrier.arrive $0xFFFF  }
0x151: {  	s7 =	sshrl.u32 @!p0 s8, $0x3;
	s0 =	sor.u32 @!p0 $0x1C03, s0;
	s9 =	rddreg [dreg:$0x7]  }
0x152: {  	[hbm:s9], [sflag:s0] =	dma.local @!p0 [spmem:s7], $0x2780  }
0x153: {  	s2 =	sadd.s32 $0x1, s2;
	s0 =	simm.s32 @!p0 $0x3  }
0x154: {  	p2 =	sne.s32 s2, s16;
	_ =	swait.ge @!p0 [sflag:s0], $0x2780  }
0x155: {  	s7 =	sshll.u32 @p4 s4, $0x6;
	[sflag:s0] =	ssyncset.done @!p0 $0x0;
	s9 =	rddreg [dreg:$0x8]  }
0x156: {  	[sflag:s0] =	ssyncadd.s32 @!p0 $0xFFFFD880;
	s0 =	sor.u32 @p4 $0x1C03, s7;
	s7 =	sshrl.u32 @p4 s10, $0x3  }
0x157: {  	[hbm:s9], [sflag:s0] =	dma.local @p4 [spmem:s7], $0x2080  }
.Ltmp2:
0x158: {  	_ = 	snop;
	(pc) =	sbr.rel @p2 .LBB2_1-.Ltmp2, $4  }
0x159: {  	s0 =	simm.s32 @p4 $0x3  }
0x15a: {  	_ =	swait.ge @p4 [sflag:s0], $0x2080  }
0x15b: {  	[sflag:s0] =	ssyncset.done @p4 $0x0  }
0x15c: {  	[sflag:s0] =	ssyncadd.s32 @p4 $0xFFFFDF80  }
0x15d: {  	_ =	sfence.sel $0x180000  }
0x15e: {  	[bflag:$0x0] =	sbarrier.arrive $0xFFFF  }
0x15f: {  	_ =	strace $0x9000004A  }
0x160: {  	[bflag:$0x2] =	sbarrier.arrive $0xFFFF  }
0x161: {  	p0 =	sne.s32 s4, $0x0;
	s0 =	rddreg [dreg:$0x2]  }
0x162: {  	s0 =	sadd.s32 @!p0 $0x100000, s0  }
0x163: {  	[sflag:s0] =	ssyncadd.tile.s32 @!p0 $0x1;
	_ =	shalt  }
.Lfunc_end2:
_tile_overlayer_lowered:
.L_overlay_start_2:
0x164: {  	(tag) =	ssettag $0x2  }
0x165: {  	s0 =	rddreg [dreg:$0x0];
	s2 =	stileid.u32  }
0x166: {  	s1 =	rddreg [dreg:$0x1];
	p0 =	sne.s32 s2, $0x0  }
0x167: {  	s3 =	rddreg [dreg:$0x2];
	[bflag:$0x3] =	sbarrier.arrive $0xFFFF;
	s2 =	simm.s32 @!p0 $0x1C03  }
0x168: {  	[timem:s3], [sflag:s2] =	dma.local @!p0 [hbm:s0], s1  }
0x169: {  	s0 =	simm.s32 @!p0 $0x3  }
0x16a: {  	_ =	swait.ge @!p0 [sflag:s0], s1  }
0x16b: {  	s1 =	ssub.s32 @!p0 $0x0, s1;
	[sflag:s0] =	ssyncset.done @!p0 $0x0  }
0x16c: {  	[sflag:s0] =	ssyncadd.s32 @!p0 s1  }
0x16d: {  	[bflag:$0x3] =	sbarrier.arrive $0xFFFF  }
0x16e: {  	_ =	shalt  }

// kernel: kernel.15.cloned.1.call-start
scs
__scs_entry_jumppad:
0x0: {  	(pc) =	sbr.rel $0x88, $3  }
0x1: {  	(tag) =	ssettag $0x0;
	lr =	simm.s32 $0x1  }
0x2: {  	[smem:$0x3F94] =	sst lr;
	_ =	strace $0xD0000000  }
0x3: {  	_ = 	snop  }
0x4: {  	_ = 	snop  }
0x5: {  	_ = 	snop  }
0x6: {  	_ = 	snop  }
0x7: {  	_ = 	snop  }
__scs_overlays_trampoline_lowered:
0x8: {  	[smem:$0x3FA3] =	sst s0  }
0x9: {  	[smem:$0x3FA4] =	sst s1  }
0xa: {  	[smem:$0x3FA5] =	sst s2  }
0xb: {  	[smem:$0x3FA6] =	sst s3  }
0xc: {  	[smem:$0x3FA7] =	sst s4  }
0xd: {  	[smem:$0x3FA8] =	sst s5  }
0xe: {  	[smem:$0x3FA9] =	sst s6  }
0xf: {  	[smem:$0x3FAA] =	sst s7  }
0x10: {  	[smem:$0x3FAB] =	sst s8  }
0x11: {  	[smem:$0x3FAC] =	sst s9;
	s0 =	simm.s32 @!p0 $0x0  }
0x12: {  	s1 =	sld [smem:$0x3F92];
	s0 =	simm.s32 @p0 $0x1  }
0x13: {  	[smem:$0x3FAD] =	sst s0;
	s0 =	simm.s32 @!p1 $0x0  }
0x14: {  	s2 =	sld [smem:$0x3F91];
	s0 =	simm.s32 @p1 $0x1  }
0x15: {  	[smem:$0x3FAE] =	sst s0;
	s0 =	simm.s32 @!p2 $0x0  }
0x16: {  	s3 =	sld [smem:$0x3FDB];
	s0 =	simm.s32 @p2 $0x1  }
0x17: {  	s4 =	simm.s32 $0x1BF5;
	[smem:$0x3FB0] =	sst s0  }
0x18: {  	s0 =	sld [smem:$0x3F93];
	_ =	swait.ge [sflag:s4], $0x0  }
0x19: {  	s7 =	sld [smem:$0x3F94]  }
0x1a: {  	s8 =	sadd.s32 $0xFFFFE003, lr  }
0x1b: {  	s9 =	sadd.s32 $0xFFFFFEF7, lr;
	s5 =	simm.s32 $0xFFFFFFFF;
	p2 =	slt.u32 s8, $0xFFFFF086  }
0x1c: {  	p1 =	slt.u32 s9, $0xF7A;
	s5 =	simm.s32 @!p2 $0x0  }
0x1d: {  	s5 =	simm.s32 @p1 $0x1;
	p0 =	seq.s32 s7, s2  }
0x1e: {  	s7 =	smul.u32 @!p0 $0xF7A, s2;
	p2 =	seq.s32 @!p0 s5, $0x0  }
0x1f: {  	s9 =	smul.u32 $0xF7A, s1;
	s8 =	simm.s32 @!p0 $0x1BF5;
	p2 =	por !p2, p0  }
0x20: {  	[sflag:s8] =	ssyncset.s32 @!p0 $0xFFFFF086;
	s6 =	sadd.s32 @!p0 s3, s7;
	s7 =	simm.s32 @!p0 $0x108  }
0x21: {  	s3 =	sadd.s32 s3, s9;
	s6 =	sadd.s32 @!p0 $0x88, s6;
	s7 =	simm.s32 @p2 $0x1082  }
0x22: {  	[simem:s7], [sflag:s8] =	dma.local @!p0 [hbm:s6], $0xF7A  }
0x23: {  	s9 =	sor.u32 $0xD0000000, s2;
	s6 =	simm.s32 $0x108;
	_ =	swait.ge @!p0 [sflag:s8], $0x0  }
0x24: {  	s3 =	sadd.s32 $0x88, s3;
	s6 =	simm.s32 @!p1 $0x1082;
	[sflag:s4] =	ssyncset.s32 $0xFFFFF086  }
0x25: {  	[simem:s6], [sflag:s4] =	dma.local [hbm:s3], $0xF7A  }
0x26: {  	[smem:$0x3F94] =	sst s1;
	(tag) =	ssettag s2;
	_ =	strace s9  }
0x27: {  	s1 =	sld [smem:$0x3FA4]  }
0x28: {  	s2 =	sld [smem:$0x3FA5]  }
0x29: {  	s4 =	sld [smem:$0x3FA7]  }
0x2a: {  	p0 =	seq.s32 s5, $0x0;
	s5 =	sld [smem:$0x3FA8]  }
0x2b: {  	s6 =	sld [smem:$0x3FA9]  }
0x2c: {  	s7 =	sld [smem:$0x3FAA]  }
0x2d: {  	s3 =	simm.s32 $0x108;
	s8 =	sld [smem:$0x3FAB]  }
0x2e: {  	s3 =	simm.s32 @!p0 $0x1082;
	s9 =	sld [smem:$0x3FAC]  }
0x2f: {  	lr =	sadd.s32 s0, s3;
	s0 =	sld [smem:$0x3FA3]  }
0x30: {  	s3 =	sld [smem:$0x3FA6]  }
0x31: {  	[smem:$0x3FAF] =	sst s10  }
0x32: {  	s10 =	sld [smem:$0x3FAD];
	_ =	sdelay $0x3  }
0x33: {  	p0 =	seq.s32 s10, $0x1;
	s10 =	sld [smem:$0x3FAF];
	_ =	sdelay $0x3  }
0x34: {  	[smem:$0x3FAF] =	sst s10  }
0x35: {  	s10 =	sld [smem:$0x3FAE];
	_ =	sdelay $0x3  }
0x36: {  	p1 =	seq.s32 s10, $0x1;
	s10 =	sld [smem:$0x3FAF];
	_ =	sdelay $0x3  }
0x37: {  	[smem:$0x3FAF] =	sst s10  }
0x38: {  	s10 =	sld [smem:$0x3FB0]  }
0x39: {  	_ = 	snop;
	(pc) =	sbr.ind lr, $3  }
0x3a: {  	_ = 	snop  }
0x3b: {  	_ = 	snop  }
0x3c: {  	p2 =	seq.s32 s10, $0x1;
	s10 =	sld [smem:$0x3FAF]  }
0x3d: {  	_ =	shalt  }
0x3e: {  	_ =	shalt  }
0x3f: {  	_ =	shalt  }
0x40: {  	_ =	shalt  }
0x41: {  	_ =	shalt  }
0x42: {  	_ =	shalt  }
0x43: {  	_ =	shalt  }
0x44: {  	_ =	shalt  }
0x45: {  	_ =	shalt  }
0x46: {  	_ =	shalt  }
0x47: {  	_ =	shalt  }
0x48: {  	_ =	shalt  }
0x49: {  	_ =	shalt  }
0x4a: {  	_ =	shalt  }
0x4b: {  	_ =	shalt  }
0x4c: {  	_ =	shalt  }
0x4d: {  	_ =	shalt  }
0x4e: {  	_ =	shalt  }
0x4f: {  	_ =	shalt  }
0x50: {  	_ =	shalt  }
0x51: {  	_ =	shalt  }
0x52: {  	_ =	shalt  }
0x53: {  	_ =	shalt  }
0x54: {  	_ =	shalt  }
0x55: {  	_ =	shalt  }
0x56: {  	_ =	shalt  }
0x57: {  	_ =	shalt  }
0x58: {  	_ =	shalt  }
0x59: {  	_ =	shalt  }
0x5a: {  	_ =	shalt  }
0x5b: {  	_ =	shalt  }
0x5c: {  	_ =	shalt  }
0x5d: {  	_ =	shalt  }
0x5e: {  	_ =	shalt  }
0x5f: {  	_ =	shalt  }
0x60: {  	_ =	shalt  }
0x61: {  	_ =	shalt  }
0x62: {  	_ =	shalt  }
0x63: {  	_ =	shalt  }
0x64: {  	_ =	shalt  }
0x65: {  	_ =	shalt  }
0x66: {  	_ =	shalt  }
0x67: {  	_ =	shalt  }
0x68: {  	_ =	shalt  }
0x69: {  	_ =	shalt  }
0x6a: {  	_ =	shalt  }
0x6b: {  	_ =	shalt  }
0x6c: {  	_ =	shalt  }
0x6d: {  	_ =	shalt  }
0x6e: {  	_ =	shalt  }
0x6f: {  	_ =	shalt  }
0x70: {  	_ =	shalt  }
0x71: {  	_ =	shalt  }
0x72: {  	_ =	shalt  }
0x73: {  	_ =	shalt  }
0x74: {  	_ =	shalt  }
0x75: {  	_ =	shalt  }
0x76: {  	_ =	shalt  }
0x77: {  	_ =	shalt  }
0x78: {  	_ =	shalt  }
0x79: {  	_ =	shalt  }
0x7a: {  	_ =	shalt  }
0x7b: {  	_ =	shalt  }
0x7c: {  	_ =	shalt  }
0x7d: {  	_ =	shalt  }
0x7e: {  	_ =	shalt  }
0x7f: {  	_ =	shalt  }
0x80: {  	_ =	shalt  }
0x81: {  	_ =	shalt  }
0x82: {  	_ =	shalt  }
0x83: {  	_ =	shalt  }
0x84: {  	_ =	shalt  }
0x85: {  	_ =	shalt  }
0x86: {  	_ =	shalt  }
0x87: {  	_ =	shalt  }
.Lfunc_end0:
.L_simem_size_0:
called_computation.2_lowered:
.L_overlay_start_0:
0x88: {  	s2 =	sld [smem:$0x3FD9]  }
0x89: {  	s3 =	sld [smem:$0x3FFE];
	_ =	sdelay $0x1  }
0x8a: {  	s1 =	srdreg.scid  }
0x8b: {  	s0 =	sand.u32 $0x1, s1  }
0x8c: {  	s16 =	sshll.u32 s0, $0xA;
	s2 =	sadd.s32 s3, s2  }
0x8d: {  	s2 =	sadd.s32 s2, s16  }
0x8e: {  	[smem:$0x3FBB] =	sst s2  }
0x8f: {  	_ = 	snop  }
0x90: {  	(tm) =	ssettm $0x1  }
0x91: {  	s17 =	sld [smem:$0x3FFB];
	_ =	sdelay $0x3  }
0x92: {  	_ =	strace s17  }
0x93: {  	s2 =	sld [smem:$0x3FFC];
	_ =	sdelay $0x3  }
0x94: {  	_ =	strace s2  }
0x95: {  	s2 =	sld [smem:$0x3FFD];
	_ =	sdelay $0x3  }
0x96: {  	_ =	strace s2  }
0x97: {  	_ =	strace $0x8FFFFFFF  }
0x98: {  	s18 =	sld [smem:$0x3FDB];
	_ =	sdelay $0x1  }
0x99: {  	s19 =	simm.s32 $_scs_section_size  }
0x9a: {  	s4 =	simm.s32 $_size__tile_overlayer_lowered;
	s5 =	simm.s32 $_tile_overlayer_lowered  }
0x9b: {  	s22 =	simm.s32 $0x1BFF;
	s21 =	sshll.u32 s5, $0x1;
	s2 =	sadd.s32 s19, s18  }
0x9c: {  	s6 =	simm.s32 $0x0;
	s20 =	sshll.u32 s4, $0x1;
	s4 =	sadd.s32 s21, s2  }
0x9d: {  	[timem:s6], [sflag:s22] =	dma.local [hbm:s4], s20  }
0x9e: {  	_ =	swait.ge [sflag:s22], s20  }
0x9f: {  	s3 =	ssub.s32 $0x0, s20;
	[sflag:s22] =	ssyncset.done $0x0  }
0xa0: {  	[sflag:s22] =	ssyncadd.s32 s3;
	_ =	sdelay $0x1  }
0xa1: {  	s23 =	simm.s32 $0x1B8B  }
0xa2: {  	_ =	swait.ge [sflag:s23], $0x1  }
0xa3: {  	[sflag:s23] =	ssyncset.done $0x0  }
0xa4: {  	s25 =	simm.s32 $0x1B8E;
	s24 =	sld [smem:$0x3FFE];
	[sflag:s23] =	ssyncadd.s32 $0xFFFFFFFF  }
0xa5: {  	s26 =	simm.s32 $execute0_lowered;
	[smem:$0x3FD2] =	sst s25  }
0xa6: {  	s4 =	sshll.u32 s26, $0x1;
	_ =	strace $0x8000004C;
	[dreg:$0x1] =	wrdreg $0xFFFFFFFF  }
0xa7: {  	s28 =	simm.s32 $_size_execute0_lowered;
	s2 =	sadd.s32 s2, s4;
	[dreg:$0x0] =	wrdreg $0x0  }
0xa8: {  	s4 =	sshll.u32 s28, $0x1;
	[dreg:$0x2] =	wrdreg s2  }
0xa9: {  	[dreg:$0x3] =	wrdreg s4  }
0xaa: {  	[dreg:$0x4] =	wrdreg $0xC0  }
0xab: {  	_ =	task [dreg:s6], $0x5FFFF  }
0xac: {  	[dreg:$0x1] =	wrdreg $0xFFFFFFFF  }
0xad: {  	[dreg:$0x0] =	wrdreg $0x60  }
0xae: {  	[dreg:$0x2] =	wrdreg s24  }
0xaf: {  	[dreg:$0x3] =	wrdreg $0xA8000  }
0xb0: {  	[dreg:$0x4] =	wrdreg $0x9  }
0xb1: {  	_ =	task.clear_ibuf [dreg:s6], $0x5FFFF;
	_ =	strace $0x9000004C  }
0xb2: {  	s29 =	simm.s32 $0x9;
	_ =	strace $0x8000004E  }
0xb3: {  	_ =	swait.ge [sflag:s29], $0x1  }
0xb4: {  	[sflag:s29] =	ssyncadd.s32 $0xFFFFFFFF  }
0xb5: {  	_ =	strace $0x9000004E  }
0xb6: {  	_ =	sfence  }
0xb7: {  	s30 =	sld [smem:$0x0];
	_ =	sdelay $0x2  }
0xb8: {  	s31 =	sshll.u32 s1, $0xD;
	s1 =	sshrl.u32 s1, $0x2  }
0xb9: {  	s3 =	sand.u32 $0x4000, s31;
	s1 =	sadd.s32 s1, s30  }
0xba: {  	s0 =	sor.u32 s3, s0;
	s1 =	sshll.u32 s1, $0x11  }
0xbb: {  	s0 =	sor.u32 s1, s0  }
0xbc: {  	s0 =	sadd.s32 $0x8F2B, s0  }
0xbd: {  	[sflag:s0] =	ssyncadd.remote.s32 $0x1  }
0xbe: {  	_ =	sfence.sel $0xFFFF  }
0xbf: {  	[dreg:$0x0] =	wrdreg $0xFFFFFFFF;
	(pc) =	sbr.abs _section_cstart, $3  }
0xc0: {  	[dreg:$0x1] =	wrdreg $0xFFFFFFFF  }
0xc1: {  	_ =	task.clear_ibuf [dreg:s6], $0x2FFFF;
	_ =	strace $0x9FFFFFFF  }
0xc2: {  	(tm) =	ssettm $0x7FFFFFFF  }
0xc3: {  	_ =	shalt  }
tec
execute0_lowered:
.L_overlay_start_1:
0x0: {  	(tag) =	ssettag $0x1  }
0x1: {  	s0 =	rddreg [dreg:$0x0]  }
0x2: {  	s1 =	rddreg [dreg:$0x1];
	s2 =	simm.s32 $0x0;
	s4 =	srdreg.scid  }
0x3: {  	s28 =	simm.s32 $0x1;
	s29 =	simm.s32 $0x6800;
	s30 =	simm.s32 $0x2  }
0x4: {  	[smem:$0x7FF] =	sst s2;
	s3 =	sadd.s32 $0x17E00, s0;
	s5 =	sadd.s32 $0x3E00, s0  }
0x5: {  	s6 =	sadd.s32 $0xDE00, s0;
	s7 =	sand.u32 $0x1, s4;
	s14 =	sadd.s32 $0x3F000, s0  }
0x6: {  	s4 =	stileid.u32;
	s9 =	sadd.s32 $0x66800, s0;
	s0 =	sadd.s32 $0x3CE80, s0  }
0x7: {  	s20 =	sadd.s32 $0x138800, s1;
	_ =	strace $0x8000004D;
	s8 =	ssub.s32 $0x2, s7  }
0x8: {  	s11 =	sshll.u32 s4, $0x1;
	p1 =	seq.s32 s7, $0x0;
	s22 =	smul.u32 $0x4F000, s4  }
0x9: {  	p2 =	sne.s32 s4, $0xF;
	s13 =	smul.u32 $0x2780, s4;
	[dreg:$0x3] =	wrdreg s14  }
0xa: {  	p0 =	seq.s32 s4, $0xF;
	s24 =	smul.u32 $0x138800, s7;
	[dreg:$0x5] =	wrdreg s0  }
0xb: {  	s25 =	smul.u32 $0x13C00, s4;
	s10 =	sshrl.u32 s8, $0x1;
	s11 =	sor.u32 s7, s11  }
0xc: {  	p2 =	por !p1, !p2;
	p3 =	por !p1, !p0;
	s12 =	ssub.s32 s8, s10  }
0xd: {  	p1 =	por !p2, !p2;
	p3 =	por !p3, !p3;
	s8 =	sshrl.u32 s22, $0x2  }
0xe: {  	s23 =	sadd.s32 s14, s13;
	s10 =	sadd.s32 $0x128400, s1;
	s13 =	sadd.s32 s3, s13  }
0xf: {  	s0 =	sadd.s32 s25, s24;
	s26 =	sshrl.u32 s24, $0x3;
	s24 =	simm.s32 $0x1400  }
0x10: {  	s25 =	simm.s32 $0x80;
	s8 =	sadd.s32 s8, s1;
	[dreg:$0x4] =	wrdreg s23  }
0x11: {  	[dreg:$0x6] =	wrdreg s13;
	p2 =	por p3, p1;
	s13 =	smul.u32 $0x2800, s11  }
0x12: {  	s0 =	sshrl.u32 s0, $0x3;
	s31 =	sadd.s32 s9, s26;
	p2 =	seq.s32 @!p2 s7, $0x0  }
0x13: {  	s16 =	smax.u32 s12, $0x1;
	s0 =	sadd.s32 s9, s0;
	p2 =	por @!p1 p2, p3  }
0x14: {  	[dreg:$0x7] =	wrdreg s0;
	s0 =	sadd.s32 $0x25080, s31;
	p2 =	por p2, p1  }
0x15: {  	s23 =	simm.s32 $0x3;
	[dreg:$0x8] =	wrdreg s0;
	s0 =	sshll.u32 @!p2 s4, $0x6  }
0x16: {  	s26 =	simm.s32 $0x2800;
	s17 =	sor.u32 @!p2 $0x1C03, s0;
	s0 =	simm.s32 @!p2 $0x0  }
0x17: {  	s22 =	sshrl.u32 @p1 s8, $0x3;
	p3 =	por !p3, p1;
	s0 =	simm.s32 @p2 $0x1  }
0x18: {  	s19 =	sshrl.u32 @!p3 s10, $0x3;
	[smem:$0x7FD] =	sst s0;
	s0 =	sshll.u32 @p1 s4, $0x6  }
0x19: {  	s20 =	sshrl.u32 @!p3 s20, $0x3;
	s18 =	sshrl.u32 @!p2 s8, $0x3;
	s21 =	sor.u32 @p1 $0x1C03, s0  }
.LBB2_1:
0x1a: {  	s7 =	sld [smem:$0x7FD];
	_ =	sdelay $0x2  }
0x1b: {  	s0 =	rddreg [dreg:$0x4];
	p2 =	seq.s32 s7, $0x1  }
0x1c: {  	[spmem:s18], [sflag:s17] =	dma.local @!p2 [hbm:s0], $0x2780  }
0x1d: {  	s0 =	simm.s32 @!p2 $0x3  }
0x1e: {  	_ =	swait.ge @!p2 [sflag:s0], $0x2780  }
0x1f: {  	[sflag:s0] =	ssyncset.done @!p2 $0x0  }
0x20: {  	s7 =	rddreg [dreg:$0x5];
	[sflag:s0] =	ssyncadd.s32 @!p2 $0xFFFFD880;
	s0 =	simm.s32 @!p3 $0x1FC3  }
0x21: {  	[spmem:s19], [sflag:s0] =	dma.local @!p3 [hbm:s7], $0x2080  }
0x22: {  	s7 =	simm.s32 @!p3 $0x3  }
0x23: {  	_ =	swait.ge @!p3 [sflag:s7], $0x2080  }
0x24: {  	[sflag:s7] =	ssyncset.done @!p3 $0x0  }
0x25: {  	s9 =	rddreg [dreg:$0x3];
	[sflag:s7] =	ssyncadd.s32 @!p3 $0xFFFFDF80  }
0x26: {  	[spmem:s20], [sflag:s0] =	dma.local @!p3 [hbm:s9], $0x700  }
0x27: {  	_ =	swait.ge @!p3 [sflag:s7], $0x700  }
0x28: {  	[sflag:s7] =	ssyncset.done @!p3 $0x0  }
0x29: {  	s0 =	rddreg [dreg:$0x6];
	[sflag:s7] =	ssyncadd.s32 @!p3 $0xFFFFF900  }
0x2a: {  	[spmem:s22], [sflag:s21] =	dma.local @p1 [hbm:s0], $0x2780  }
0x2b: {  	s0 =	simm.s32 @p1 $0x3  }
0x2c: {  	p5 =	por p0, p0;
	_ =	swait.ge @p1 [sflag:s0], $0x2780  }
0x2d: {  	p4 =	por @p1 $0x0, $0x0;
	p2 =	por @!p3 $0x1, $0x1;
	[sflag:s0] =	ssyncset.done @p1 $0x0  }
0x2e: {  	p6 =	por $0x1, $0x1;
	p5 =	por @!p3 p2, p2;
	[sflag:s0] =	ssyncadd.s32 @p1 $0xFFFFD880  }
0x2f: {  	p4 =	por @!p1 p5, p5;
	s0 =	simm.s32 $0x0;
	[bflag:$0x0] =	sbarrier.arrive $0xFFFF  }
.LBB2_2:
0x30: {  	s0 =	sadd.s32 s13, s0  }
0x31: {  	s0 =	sshrl.u32 s0, $0x3  }
0x32: {  	s9 =	simm.s32 $0x0;
	s7 =	sadd.s32 s5, s0  }
0x33: {  	[tilespmem:s9], [sflag:$0x3] =	stream.linear.gather [hbm4b:s7+s9], $0x1400, $0x38;
	[tilespmem:$0x1E400] =	vst v63  }
0x34: {  	_ =	swait.ge [sflag:s23], $0x1400  }
0x35: {  	[sflag:s23] =	ssyncset.done $0x0  }
0x36: {  	s0 =	sadd.s32 s6, s0;
	[sflag:s23] =	ssyncadd.s32 $0xFFFFEC00  }
0x37: {  	[tilespmem:s24], [sflag:$0x3] =	stream.linear.gather [hbm4b:s0+s9], $0x1400, $0x38;
	[tilespmem:$0x1E400] =	vst v63  }
0x38: {  	_ =	swait.ge [sflag:s23], $0x1400  }
0x39: {  	[sflag:s23] =	ssyncset.done $0x0  }
0x3a: {  	[sflag:s23] =	ssyncadd.s32 $0xFFFFEC00  }
0x3b: {  	[tilespmem:s26], [sflag:$0x1] =	stream.indirect.gather [hbm4b:s3+s25], $0x80, s9, s25, $0xb8;
	[tilespmem:$0x1E400] =	vst v63  }
0x3c: {  	_ =	swait.ge [sflag:s28], $0x4000  }
0x3d: {  	[sflag:s28] =	ssyncset.done $0x0  }
0x3e: {  	s15 =	simm.s32 $0x1400;
	[sflag:s28] =	ssyncadd.s32 $0xFFFFC000  }
0x3f: {  	[spmem:s1] =	stream.indirect.scatter.add.f32 [tilespmem:s26], [sflag:$0x2], $0x80, s15, s25, $0xb8;
	[tilespmem:$0x1E400] =	vst v63  }
0x40: {  	s7 =	simm.s32 $0x80  }
0x41: {  	[tilespmem:s29], [sflag:$0x1] =	stream.indirect.gather [hbm4b:s3+s25], $0x80, s7, s25, $0xb8;
	[tilespmem:$0x1E400] =	vst v63  }
0x42: {  	_ =	swait.ge [sflag:s30], $0x4000  }
0x43: {  	[sflag:s30] =	ssyncset.done $0x0  }
0x44: {  	[sflag:s30] =	ssyncadd.s32 $0xFFFFC000  }
0x45: {  	_ =	swait.ge [sflag:s28], $0x4000  }
0x46: {  	[sflag:s28] =	ssyncset.done $0x0  }
0x47: {  	s9 =	simm.s32 $0x1480;
	[sflag:s28] =	ssyncadd.s32 $0xFFFFC000  }
0x48: {  	[spmem:s1] =	stream.indirect.scatter.add.f32 [tilespmem:s29], [sflag:$0x2], $0x80, s9, s25, $0xb8;
	[tilespmem:$0x1E400] =	vst v63  }
0x49: {  	s11 =	simm.s32 $0x100  }
0x4a: {  	[tilespmem:s26], [sflag:$0x1] =	stream.indirect.gather [hbm4b:s3+s25], $0x80, s11, s25, $0xb8;
	[tilespmem:$0x1E400] =	vst v63  }
0x4b: {  	_ =	swait.ge [sflag:s28], $0x4000  }
0x4c: {  	[sflag:s28] =	ssyncset.done $0x0  }
0x4d: {  	[sflag:s28] =	ssyncadd.s32 $0xFFFFC000  }
0x4e: {  	_ =	swait.ge [sflag:s30], $0x4000  }
0x4f: {  	[sflag:s30] =	ssyncset.done $0x0  }
0x50: {  	s12 =	simm.s32 $0x1500;
	[sflag:s30] =	ssyncadd.s32 $0xFFFFC000  }
0x51: {  	[spmem:s1] =	stream.indirect.scatter.add.f32 [tilespmem:s26], [sflag:$0x2], $0x80, s12, s25, $0xb8;
	[tilespmem:$0x1E400] =	vst v63  }
0x52: {  	s14 =	simm.s32 $0x180  }
0x53: {  	[tilespmem:s29], [sflag:$0x1] =	stream.indirect.gather [hbm4b:s3+s25], $0x80, s14, s25, $0xb8;
	[tilespmem:$0x1E400] =	vst v63  }
0x54: {  	_ =	swait.ge [sflag:s30], $0x4000  }
0x55: {  	[sflag:s30] =	ssyncset.done $0x0  }
0x56: {  	[sflag:s30] =	ssyncadd.s32 $0xFFFFC000  }
0x57: {  	_ =	swait.ge [sflag:s28], $0x4000  }
0x58: {  	[sflag:s28] =	ssyncset.done $0x0  }
0x59: {  	s15 =	simm.s32 $0x1580;
	[sflag:s28] =	ssyncadd.s32 $0xFFFFC000  }
0x5a: {  	[spmem:s1] =	stream.indirect.scatter.add.f32 [tilespmem:s29], [sflag:$0x2], $0x80, s15, s25, $0xb8;
	[tilespmem:$0x1E400] =	vst v63  }
0x5b: {  	s7 =	simm.s32 $0x200  }
0x5c: {  	[tilespmem:s26], [sflag:$0x1] =	stream.indirect.gather [hbm4b:s3+s25], $0x80, s7, s25, $0xb8;
	[tilespmem:$0x1E400] =	vst v63  }
0x5d: {  	_ =	swait.ge [sflag:s28], $0x4000  }
0x5e: {  	[sflag:s28] =	ssyncset.done $0x0  }
0x5f: {  	[sflag:s28] =	ssyncadd.s32 $0xFFFFC000  }
0x60: {  	_ =	swait.ge [sflag:s30], $0x4000  }
0x61: {  	[sflag:s30] =	ssyncset.done $0x0  }
0x62: {  	s9 =	simm.s32 $0x1600;
	[sflag:s30] =	ssyncadd.s32 $0xFFFFC000  }
0x63: {  	[spmem:s1] =	stream.indirect.scatter.add.f32 [tilespmem:s26], [sflag:$0x2], $0x80, s9, s25, $0xb8;
	[tilespmem:$0x1E400] =	vst v63  }
0x64: {  	s11 =	simm.s32 $0x280  }
0x65: {  	[tilespmem:s29], [sflag:$0x1] =	stream.indirect.gather [hbm4b:s3+s25], $0x80, s11, s25, $0xb8;
	[tilespmem:$0x1E400] =	vst v63  }
0x66: {  	_ =	swait.ge [sflag:s30], $0x4000  }
0x67: {  	[sflag:s30] =	ssyncset.done $0x0  }
0x68: {  	[sflag:s30] =	ssyncadd.s32 $0xFFFFC000  }
0x69: {  	_ =	swait.ge [sflag:s28], $0x4000  }
0x6a: {  	[sflag:s28] =	ssyncset.done $0x0  }
0x6b: {  	s12 =	simm.s32 $0x1680;
	[sflag:s28] =	ssyncadd.s32 $0xFFFFC000  }
0x6c: {  	[spmem:s1] =	stream.indirect.scatter.add.f32 [tilespmem:s29], [sflag:$0x2], $0x80, s12, s25, $0xb8;
	[tilespmem:$0x1E400] =	vst v63  }
0x6d: {  	s14 =	simm.s32 $0x300  }
0x6e: {  	[tilespmem:s26], [sflag:$0x1] =	stream.indirect.gather [hbm4b:s3+s25], $0x80, s14, s25, $0xb8;
	[tilespmem:$0x1E400] =	vst v63  }
0x6f: {  	_ =	swait.ge [sflag:s28], $0x4000  }
0x70: {  	[sflag:s28] =	ssyncset.done $0x0  }
0x71: {  	[sflag:s28] =	ssyncadd.s32 $0xFFFFC000  }
0x72: {  	_ =	swait.ge [sflag:s30], $0x4000  }
0x73: {  	[sflag:s30] =	ssyncset.done $0x0  }
0x74: {  	s15 =	simm.s32 $0x1700;
	[sflag:s30] =	ssyncadd.s32 $0xFFFFC000  }
0x75: {  	[spmem:s1] =	stream.indirect.scatter.add.f32 [tilespmem:s26], [sflag:$0x2], $0x80, s15, s25, $0xb8;
	[tilespmem:$0x1E400] =	vst v63  }
0x76: {  	s7 =	simm.s32 $0x380  }
0x77: {  	[tilespmem:s29], [sflag:$0x1] =	stream.indirect.gather [hbm4b:s3+s25], $0x80, s7, s25, $0xb8;
	[tilespmem:$0x1E400] =	vst v63  }
0x78: {  	_ =	swait.ge [sflag:s30], $0x4000  }
0x79: {  	[sflag:s30] =	ssyncset.done $0x0  }
0x7a: {  	[sflag:s30] =	ssyncadd.s32 $0xFFFFC000  }
0x7b: {  	_ =	swait.ge [sflag:s28], $0x4000  }
0x7c: {  	[sflag:s28] =	ssyncset.done $0x0  }
0x7d: {  	s9 =	simm.s32 $0x1780;
	[sflag:s28] =	ssyncadd.s32 $0xFFFFC000  }
0x7e: {  	[spmem:s1] =	stream.indirect.scatter.add.f32 [tilespmem:s29], [sflag:$0x2], $0x80, s9, s25, $0xb8;
	[tilespmem:$0x1E400] =	vst v63  }
0x7f: {  	s11 =	simm.s32 $0x400  }
0x80: {  	[tilespmem:s26], [sflag:$0x1] =	stream.indirect.gather [hbm4b:s3+s25], $0x80, s11, s25, $0xb8;
	[tilespmem:$0x1E400] =	vst v63  }
0x81: {  	_ =	swait.ge [sflag:s28], $0x4000  }
0x82: {  	[sflag:s28] =	ssyncset.done $0x0  }
0x83: {  	[sflag:s28] =	ssyncadd.s32 $0xFFFFC000  }
0x84: {  	_ =	swait.ge [sflag:s30], $0x4000  }
0x85: {  	[sflag:s30] =	ssyncset.done $0x0  }
0x86: {  	s12 =	simm.s32 $0x1800;
	[sflag:s30] =	ssyncadd.s32 $0xFFFFC000  }
0x87: {  	[spmem:s1] =	stream.indirect.scatter.add.f32 [tilespmem:s26], [sflag:$0x2], $0x80, s12, s25, $0xb8;
	[tilespmem:$0x1E400] =	vst v63  }
0x88: {  	s14 =	simm.s32 $0x480  }
0x89: {  	[tilespmem:s29], [sflag:$0x1] =	stream.indirect.gather [hbm4b:s3+s25], $0x80, s14, s25, $0xb8;
	[tilespmem:$0x1E400] =	vst v63  }
0x8a: {  	_ =	swait.ge [sflag:s30], $0x4000  }
0x8b: {  	[sflag:s30] =	ssyncset.done $0x0  }
0x8c: {  	[sflag:s30] =	ssyncadd.s32 $0xFFFFC000  }
0x8d: {  	_ =	swait.ge [sflag:s28], $0x4000  }
0x8e: {  	p2 =	por $0x0, $0x0;
	[sflag:s28] =	ssyncset.done $0x0  }
0x8f: {  	s0 =	simm.s32 @!p2 $0x80;
	s15 =	simm.s32 $0x1880;
	[sflag:s28] =	ssyncadd.s32 $0xFFFFC000  }
0x90: {  	[spmem:s1] =	stream.indirect.scatter.add.f32 [tilespmem:s29], [sflag:$0x2], $0x80, s15, s25, $0xb8;
	[tilespmem:$0x1E400] =	vst v63  }
0x91: {  	s7 =	simm.s32 @!p2 $0x2800;
	s9 =	simm.s32 @!p2 $0x500;
	s11 =	simm.s32 @!p2 $0x1  }
0x92: {  	[tilespmem:s7], [sflag:$0x1] =	stream.indirect.gather @!p2 [hbm4b:s3+s0], $0x80, s9, s0, $0xb8;
	[tilespmem:$0x1E400] =	vst v63  }
0x93: {  	_ =	swait.ge @!p2 [sflag:s11], $0x4000  }
0x94: {  	[sflag:s11] =	ssyncset.done @!p2 $0x0  }
0x95: {  	p5 =	por p6, p6;
	s31 =	simm.s32 $0x1400;
	[sflag:s11] =	ssyncadd.s32 @!p2 $0xFFFFC000  }
0x96: {  	s0 =	simm.s32 $0x5;
	s7 =	simm.s32 $0xA;
	_ =	swait.ge [sflag:s30], $0x4000  }
.LBB2_3:
0x97: {  	s11 =	sshra.s32 s31, $0x2  }
0x98: {  	[sflag:s30] =	ssyncset.done $0x0;
	s9 =	smov.u32 s7;
	s12 =	sadd.s32 $0x5, s7  }
0x99: {  	p6 =	slt.u32 s7, $0xF;
	s7 =	sadd.s32 $0x1400, s11;
	[sflag:s30] =	ssyncadd.s32 $0xFFFFC000  }
0x9a: {  	[spmem:s1] =	stream.indirect.scatter.add.f32 [tilespmem:s26], [sflag:$0x2], $0x80, s7, s25, $0xb8;
	[tilespmem:$0x1E400] =	vst v63  }
0x9b: {  	s7 =	sadd.s32 $0x80, s11  }
0x9c: {  	[tilespmem:s29], [sflag:$0x1] =	stream.indirect.gather [hbm4b:s3+s25], $0x80, s7, s25, $0xb8;
	[tilespmem:$0x1E400] =	vst v63  }
0x9d: {  	_ =	swait.ge [sflag:s30], $0x4000  }
0x9e: {  	[sflag:s30] =	ssyncset.done $0x0  }
0x9f: {  	[sflag:s30] =	ssyncadd.s32 $0xFFFFC000  }
0xa0: {  	_ =	swait.ge [sflag:s28], $0x4000  }
0xa1: {  	[sflag:s28] =	ssyncset.done $0x0  }
0xa2: {  	s7 =	sadd.s32 $0x1480, s11;
	[sflag:s28] =	ssyncadd.s32 $0xFFFFC000  }
0xa3: {  	[spmem:s1] =	stream.indirect.scatter.add.f32 [tilespmem:s29], [sflag:$0x2], $0x80, s7, s25, $0xb8;
	[tilespmem:$0x1E400] =	vst v63  }
0xa4: {  	s7 =	sadd.s32 $0x100, s11  }
0xa5: {  	[tilespmem:s26], [sflag:$0x1] =	stream.indirect.gather [hbm4b:s3+s25], $0x80, s7, s25, $0xb8;
	[tilespmem:$0x1E400] =	vst v63  }
0xa6: {  	_ =	swait.ge [sflag:s28], $0x4000  }
0xa7: {  	[sflag:s28] =	ssyncset.done $0x0  }
0xa8: {  	[sflag:s28] =	ssyncadd.s32 $0xFFFFC000  }
0xa9: {  	_ =	swait.ge [sflag:s30], $0x4000  }
0xaa: {  	[sflag:s30] =	ssyncset.done $0x0  }
0xab: {  	s7 =	sadd.s32 $0x1500, s11;
	[sflag:s30] =	ssyncadd.s32 $0xFFFFC000  }
0xac: {  	[spmem:s1] =	stream.indirect.scatter.add.f32 [tilespmem:s26], [sflag:$0x2], $0x80, s7, s25, $0xb8;
	[tilespmem:$0x1E400] =	vst v63  }
0xad: {  	s7 =	sadd.s32 $0x180, s11  }
0xae: {  	[tilespmem:s29], [sflag:$0x1] =	stream.indirect.gather [hbm4b:s3+s25], $0x80, s7, s25, $0xb8;
	[tilespmem:$0x1E400] =	vst v63  }
0xaf: {  	_ =	swait.ge [sflag:s30], $0x4000  }
0xb0: {  	[sflag:s30] =	ssyncset.done $0x0  }
0xb1: {  	[sflag:s30] =	ssyncadd.s32 $0xFFFFC000  }
0xb2: {  	_ =	swait.ge [sflag:s28], $0x4000  }
0xb3: {  	[sflag:s28] =	ssyncset.done $0x0  }
0xb4: {  	s7 =	sadd.s32 $0x1580, s11;
	[sflag:s28] =	ssyncadd.s32 $0xFFFFC000  }
0xb5: {  	[spmem:s1] =	stream.indirect.scatter.add.f32 [tilespmem:s29], [sflag:$0x2], $0x80, s7, s25, $0xb8;
	[tilespmem:$0x1E400] =	vst v63  }
0xb6: {  	s7 =	sadd.s32 $0x200, s11  }
0xb7: {  	[tilespmem:s26], [sflag:$0x1] =	stream.indirect.gather [hbm4b:s3+s25], $0x80, s7, s25, $0xb8;
	[tilespmem:$0x1E400] =	vst v63  }
0xb8: {  	_ =	swait.ge [sflag:s28], $0x4000  }
0xb9: {  	[sflag:s28] =	ssyncset.done $0x0  }
0xba: {  	[sflag:s28] =	ssyncadd.s32 $0xFFFFC000  }
0xbb: {  	_ =	swait.ge [sflag:s30], $0x4000  }
0xbc: {  	[sflag:s30] =	ssyncset.done $0x0  }
0xbd: {  	s7 =	sadd.s32 $0x1600, s11;
	[sflag:s30] =	ssyncadd.s32 $0xFFFFC000  }
0xbe: {  	[spmem:s1] =	stream.indirect.scatter.add.f32 [tilespmem:s26], [sflag:$0x2], $0x80, s7, s25, $0xb8;
	[tilespmem:$0x1E400] =	vst v63  }
0xbf: {  	s7 =	sadd.s32 $0x280, s11  }
0xc0: {  	[tilespmem:s29], [sflag:$0x1] =	stream.indirect.gather [hbm4b:s3+s25], $0x80, s7, s25, $0xb8;
	[tilespmem:$0x1E400] =	vst v63  }
0xc1: {  	_ =	swait.ge [sflag:s30], $0x4000  }
0xc2: {  	[sflag:s30] =	ssyncset.done $0x0  }
0xc3: {  	[sflag:s30] =	ssyncadd.s32 $0xFFFFC000  }
0xc4: {  	_ =	swait.ge [sflag:s28], $0x4000  }
0xc5: {  	[sflag:s28] =	ssyncset.done $0x0  }
0xc6: {  	s7 =	sadd.s32 $0x1680, s11;
	[sflag:s28] =	ssyncadd.s32 $0xFFFFC000  }
0xc7: {  	[spmem:s1] =	stream.indirect.scatter.add.f32 [tilespmem:s29], [sflag:$0x2], $0x80, s7, s25, $0xb8;
	[tilespmem:$0x1E400] =	vst v63  }
0xc8: {  	s7 =	sadd.s32 $0x300, s11  }
0xc9: {  	[tilespmem:s26], [sflag:$0x1] =	stream.indirect.gather [hbm4b:s3+s25], $0x80, s7, s25, $0xb8;
	[tilespmem:$0x1E400] =	vst v63  }
0xca: {  	_ =	swait.ge [sflag:s28], $0x4000  }
0xcb: {  	[sflag:s28] =	ssyncset.done $0x0  }
0xcc: {  	[sflag:s28] =	ssyncadd.s32 $0xFFFFC000  }
0xcd: {  	_ =	swait.ge [sflag:s30], $0x4000  }
0xce: {  	[sflag:s30] =	ssyncset.done $0x0  }
0xcf: {  	s7 =	sadd.s32 $0x1700, s11;
	[sflag:s30] =	ssyncadd.s32 $0xFFFFC000  }
0xd0: {  	[spmem:s1] =	stream.indirect.scatter.add.f32 [tilespmem:s26], [sflag:$0x2], $0x80, s7, s25, $0xb8;
	[tilespmem:$0x1E400] =	vst v63  }
0xd1: {  	s7 =	sadd.s32 $0x380, s11  }
0xd2: {  	[tilespmem:s29], [sflag:$0x1] =	stream.indirect.gather [hbm4b:s3+s25], $0x80, s7, s25, $0xb8;
	[tilespmem:$0x1E400] =	vst v63  }
0xd3: {  	_ =	swait.ge [sflag:s30], $0x4000  }
0xd4: {  	[sflag:s30] =	ssyncset.done $0x0  }
0xd5: {  	[sflag:s30] =	ssyncadd.s32 $0xFFFFC000  }
0xd6: {  	_ =	swait.ge [sflag:s28], $0x4000  }
0xd7: {  	[sflag:s28] =	ssyncset.done $0x0  }
0xd8: {  	s7 =	sadd.s32 $0x1780, s11;
	[sflag:s28] =	ssyncadd.s32 $0xFFFFC000  }
0xd9: {  	[spmem:s1] =	stream.indirect.scatter.add.f32 [tilespmem:s29], [sflag:$0x2], $0x80, s7, s25, $0xb8;
	[tilespmem:$0x1E400] =	vst v63  }
0xda: {  	s7 =	sadd.s32 $0x400, s11  }
0xdb: {  	[tilespmem:s26], [sflag:$0x1] =	stream.indirect.gather [hbm4b:s3+s25], $0x80, s7, s25, $0xb8;
	[tilespmem:$0x1E400] =	vst v63  }
0xdc: {  	_ =	swait.ge [sflag:s28], $0x4000  }
0xdd: {  	[sflag:s28] =	ssyncset.done $0x0  }
0xde: {  	[sflag:s28] =	ssyncadd.s32 $0xFFFFC000  }
0xdf: {  	_ =	swait.ge [sflag:s30], $0x4000  }
0xe0: {  	[sflag:s30] =	ssyncset.done $0x0  }
0xe1: {  	s7 =	sadd.s32 $0x1800, s11;
	[sflag:s30] =	ssyncadd.s32 $0xFFFFC000  }
0xe2: {  	[spmem:s1] =	stream.indirect.scatter.add.f32 [tilespmem:s26], [sflag:$0x2], $0x80, s7, s25, $0xb8;
	[tilespmem:$0x1E400] =	vst v63  }
0xe3: {  	s7 =	sadd.s32 $0x480, s11  }
0xe4: {  	[tilespmem:s29], [sflag:$0x1] =	stream.indirect.gather [hbm4b:s3+s25], $0x80, s7, s25, $0xb8;
	[tilespmem:$0x1E400] =	vst v63  }
0xe5: {  	_ =	swait.ge [sflag:s30], $0x4000  }
0xe6: {  	[sflag:s30] =	ssyncset.done $0x0  }
0xe7: {  	[sflag:s30] =	ssyncadd.s32 $0xFFFFC000  }
0xe8: {  	_ =	swait.ge [sflag:s28], $0x4000  }
0xe9: {  	[sflag:s28] =	ssyncset.done $0x0  }
0xea: {  	p2 =	sgt.u32 s0, $0xE;
	s7 =	sadd.s32 $0x1880, s11;
	[sflag:s28] =	ssyncadd.s32 $0xFFFFC000  }
0xeb: {  	[spmem:s1] =	stream.indirect.scatter.add.f32 [tilespmem:s29], [sflag:$0x2], $0x80, s7, s25, $0xb8;
	[tilespmem:$0x1E400] =	vst v63  }
0xec: {  	s0 =	sshra.s32 @!p2 s31, $0x2;
	s11 =	simm.s32 @!p2 $0x2800;
	s7 =	simm.s32 @!p2 $0x80  }
0xed: {  	s15 =	simm.s32 @!p2 $0x1;
	s14 =	sadd.s32 @!p2 $0x500, s0;
	s0 =	smov.u32 s9  }
0xee: {  	[tilespmem:s11], [sflag:$0x1] =	stream.indirect.gather @!p2 [hbm4b:s3+s7], $0x80, s14, s7, $0xb8;
	[tilespmem:$0x1E400] =	vst v63  }
.Ltmp0:
0xef: {  	_ = 	snop;
	(pc) =	sbr.rel @p6 .LBB2_3-.Ltmp0, $4  }
0xf0: {  	_ =	swait.ge @!p2 [sflag:s15], $0x4000  }
0xf1: {  	[sflag:s15] =	ssyncset.done @!p2 $0x0  }
0xf2: {  	[sflag:s15] =	ssyncadd.s32 @!p2 $0xFFFFC000  }
0xf3: {  	s31 =	sadd.s32 $0x1400, s31;
	s7 =	smov.u32 s12;
	_ =	swait.ge [sflag:s30], $0x4000  }
0xf4: {  	s7 =	sshra.s32 s31, $0x2;
	[sflag:s30] =	ssyncset.done $0x0  }
0xf5: {  	s9 =	sadd.s32 $0x1400, s7;
	[sflag:s30] =	ssyncadd.s32 $0xFFFFC000  }
0xf6: {  	[spmem:s1] =	stream.indirect.scatter.add.f32 [tilespmem:s26], [sflag:$0x2], $0x80, s9, s25, $0xb8;
	[tilespmem:$0x1E400] =	vst v63  }
0xf7: {  	s15 =	sadd.s32 $0x80, s7  }
0xf8: {  	[tilespmem:s29], [sflag:$0x1] =	stream.indirect.gather [hbm4b:s3+s25], $0x80, s15, s25, $0xb8;
	[tilespmem:$0x1E400] =	vst v63  }
0xf9: {  	_ =	swait.ge [sflag:s30], $0x4000  }
0xfa: {  	[sflag:s30] =	ssyncset.done $0x0  }
0xfb: {  	[sflag:s30] =	ssyncadd.s32 $0xFFFFC000  }
0xfc: {  	_ =	swait.ge [sflag:s28], $0x4000  }
0xfd: {  	[sflag:s28] =	ssyncset.done $0x0  }
0xfe: {  	s11 =	sadd.s32 $0x1480, s7;
	[sflag:s28] =	ssyncadd.s32 $0xFFFFC000  }
0xff: {  	[spmem:s1] =	stream.indirect.scatter.add.f32 [tilespmem:s29], [sflag:$0x2], $0x80, s11, s25, $0xb8;
	[tilespmem:$0x1E400] =	vst v63  }
0x100: {  	s12 =	sadd.s32 $0x100, s7  }
0x101: {  	[tilespmem:s26], [sflag:$0x1] =	stream.indirect.gather [hbm4b:s3+s25], $0x80, s12, s25, $0xb8;
	[tilespmem:$0x1E400] =	vst v63  }
0x102: {  	_ =	swait.ge [sflag:s28], $0x4000  }
0x103: {  	[sflag:s28] =	ssyncset.done $0x0  }
0x104: {  	[sflag:s28] =	ssyncadd.s32 $0xFFFFC000  }
0x105: {  	_ =	swait.ge [sflag:s30], $0x4000  }
0x106: {  	[sflag:s30] =	ssyncset.done $0x0  }
0x107: {  	s14 =	sadd.s32 $0x1500, s7;
	[sflag:s30] =	ssyncadd.s32 $0xFFFFC000  }
0x108: {  	[spmem:s1] =	stream.indirect.scatter.add.f32 [tilespmem:s26], [sflag:$0x2], $0x80, s14, s25, $0xb8;
	[tilespmem:$0x1E400] =	vst v63  }
0x109: {  	s15 =	sadd.s32 $0x180, s7  }
0x10a: {  	[tilespmem:s29], [sflag:$0x1] =	stream.indirect.gather [hbm4b:s3+s25], $0x80, s15, s25, $0xb8;
	[tilespmem:$0x1E400] =	vst v63  }
0x10b: {  	_ =	swait.ge [sflag:s30], $0x4000  }
0x10c: {  	[sflag:s30] =	ssyncset.done $0x0  }
0x10d: {  	[sflag:s30] =	ssyncadd.s32 $0xFFFFC000  }
0x10e: {  	_ =	swait.ge [sflag:s28], $0x4000  }
0x10f: {  	[sflag:s28] =	ssyncset.done $0x0  }
0x110: {  	s11 =	sadd.s32 $0x1580, s7;
	[sflag:s28] =	ssyncadd.s32 $0xFFFFC000  }
0x111: {  	[spmem:s1] =	stream.indirect.scatter.add.f32 [tilespmem:s29], [sflag:$0x2], $0x80, s11, s25, $0xb8;
	[tilespmem:$0x1E400] =	vst v63  }
0x112: {  	s12 =	sadd.s32 $0x200, s7  }
0x113: {  	[tilespmem:s26], [sflag:$0x1] =	stream.indirect.gather [hbm4b:s3+s25], $0x80, s12, s25, $0xb8;
	[tilespmem:$0x1E400] =	vst v63  }
0x114: {  	_ =	swait.ge [sflag:s28], $0x4000  }
0x115: {  	[sflag:s28] =	ssyncset.done $0x0  }
0x116: {  	[sflag:s28] =	ssyncadd.s32 $0xFFFFC000  }
0x117: {  	_ =	swait.ge [sflag:s30], $0x4000  }
0x118: {  	[sflag:s30] =	ssyncset.done $0x0  }
0x119: {  	s14 =	sadd.s32 $0x1600, s7;
	[sflag:s30] =	ssyncadd.s32 $0xFFFFC000  }
0x11a: {  	[spmem:s1] =	stream.indirect.scatter.add.f32 [tilespmem:s26], [sflag:$0x2], $0x80, s14, s25, $0xb8;
	[tilespmem:$0x1E400] =	vst v63  }
0x11b: {  	s15 =	sadd.s32 $0x280, s7  }
0x11c: {  	[tilespmem:s29], [sflag:$0x1] =	stream.indirect.gather [hbm4b:s3+s25], $0x80, s15, s25, $0xb8;
	[tilespmem:$0x1E400] =	vst v63  }
0x11d: {  	_ =	swait.ge [sflag:s30], $0x4000  }
0x11e: {  	[sflag:s30] =	ssyncset.done $0x0  }
0x11f: {  	[sflag:s30] =	ssyncadd.s32 $0xFFFFC000  }
0x120: {  	_ =	swait.ge [sflag:s28], $0x4000  }
0x121: {  	[sflag:s28] =	ssyncset.done $0x0  }
0x122: {  	s11 =	sadd.s32 $0x1680, s7;
	[sflag:s28] =	ssyncadd.s32 $0xFFFFC000  }
0x123: {  	[spmem:s1] =	stream.indirect.scatter.add.f32 [tilespmem:s29], [sflag:$0x2], $0x80, s11, s25, $0xb8;
	[tilespmem:$0x1E400] =	vst v63  }
0x124: {  	s12 =	sadd.s32 $0x300, s7  }
0x125: {  	[tilespmem:s26], [sflag:$0x1] =	stream.indirect.gather [hbm4b:s3+s25], $0x80, s12, s25, $0xb8;
	[tilespmem:$0x1E400] =	vst v63  }
0x126: {  	_ =	swait.ge [sflag:s28], $0x4000  }
0x127: {  	[sflag:s28] =	ssyncset.done $0x0  }
0x128: {  	[sflag:s28] =	ssyncadd.s32 $0xFFFFC000  }
0x129: {  	_ =	swait.ge [sflag:s30], $0x4000  }
0x12a: {  	[sflag:s30] =	ssyncset.done $0x0  }
0x12b: {  	s14 =	sadd.s32 $0x1700, s7;
	[sflag:s30] =	ssyncadd.s32 $0xFFFFC000  }
0x12c: {  	[spmem:s1] =	stream.indirect.scatter.add.f32 [tilespmem:s26], [sflag:$0x2], $0x80, s14, s25, $0xb8;
	[tilespmem:$0x1E400] =	vst v63  }
0x12d: {  	s15 =	sadd.s32 $0x380, s7  }
0x12e: {  	[tilespmem:s29], [sflag:$0x1] =	stream.indirect.gather [hbm4b:s3+s25], $0x80, s15, s25, $0xb8;
	[tilespmem:$0x1E400] =	vst v63  }
0x12f: {  	_ =	swait.ge [sflag:s30], $0x4000  }
0x130: {  	[sflag:s30] =	ssyncset.done $0x0  }
0x131: {  	[sflag:s30] =	ssyncadd.s32 $0xFFFFC000  }
0x132: {  	_ =	swait.ge [sflag:s28], $0x4000  }
0x133: {  	[sflag:s28] =	ssyncset.done $0x0  }
0x134: {  	s11 =	sadd.s32 $0x1780, s7;
	[sflag:s28] =	ssyncadd.s32 $0xFFFFC000  }
0x135: {  	[spmem:s1] =	stream.indirect.scatter.add.f32 [tilespmem:s29], [sflag:$0x2], $0x80, s11, s25, $0xb8;
	[tilespmem:$0x1E400] =	vst v63  }
0x136: {  	s12 =	sadd.s32 $0x400, s7  }
0x137: {  	[tilespmem:s26], [sflag:$0x1] =	stream.indirect.gather [hbm4b:s3+s25], $0x80, s12, s25, $0xb8;
	[tilespmem:$0x1E400] =	vst v63  }
0x138: {  	_ =	swait.ge [sflag:s28], $0x4000  }
0x139: {  	[sflag:s28] =	ssyncset.done $0x0  }
0x13a: {  	[sflag:s28] =	ssyncadd.s32 $0xFFFFC000  }
0x13b: {  	_ =	swait.ge [sflag:s30], $0x4000  }
0x13c: {  	[sflag:s30] =	ssyncset.done $0x0  }
0x13d: {  	s14 =	sadd.s32 $0x1800, s7;
	[sflag:s30] =	ssyncadd.s32 $0xFFFFC000  }
0x13e: {  	[spmem:s1] =	stream.indirect.scatter.add.f32 [tilespmem:s26], [sflag:$0x2], $0x80, s14, s25, $0xb8;
	[tilespmem:$0x1E400] =	vst v63  }
0x13f: {  	s15 =	sadd.s32 $0x480, s7  }
0x140: {  	[tilespmem:s29], [sflag:$0x1] =	stream.indirect.gather [hbm4b:s3+s25], $0x80, s15, s25, $0xb8;
	[tilespmem:$0x1E400] =	vst v63  }
0x141: {  	_ =	swait.ge [sflag:s30], $0x4000  }
0x142: {  	[sflag:s30] =	ssyncset.done $0x0  }
0x143: {  	[sflag:s30] =	ssyncadd.s32 $0xFFFFC000  }
0x144: {  	p2 =	sgt.u32 s0, $0xE;
	_ =	swait.ge [sflag:s28], $0x4000  }
0x145: {  	s0 =	sshra.s32 @!p2 s31, $0x2;
	[sflag:s28] =	ssyncset.done $0x0  }
0x146: {  	s9 =	simm.s32 @!p2 $0x2800;
	s7 =	sadd.s32 $0x1880, s7;
	[sflag:s28] =	ssyncadd.s32 $0xFFFFC000  }
0x147: {  	[spmem:s1] =	stream.indirect.scatter.add.f32 [tilespmem:s29], [sflag:$0x2], $0x80, s7, s25, $0xb8;
	[tilespmem:$0x1E400] =	vst v63  }
0x148: {  	s0 =	sadd.s32 @!p2 $0x500, s0;
	s11 =	simm.s32 @!p2 $0x1;
	s7 =	simm.s32 @!p2 $0x80  }
0x149: {  	[tilespmem:s9], [sflag:$0x1] =	stream.indirect.gather @!p2 [hbm4b:s3+s7], $0x80, s0, s7, $0xb8;
	[tilespmem:$0x1E400] =	vst v63  }
0x14a: {  	_ =	swait.ge @!p2 [sflag:s11], $0x4000  }
.Ltmp1:
0x14b: {  	[sflag:s11] =	ssyncset.done @!p2 $0x0;
	(pc) =	sbr.rel @p5 .LBB2_2-.Ltmp1, $4  }
0x14c: {  	[sflag:s11] =	ssyncadd.s32 @!p2 $0xFFFFC000  }
0x14d: {  	_ =	swait.ge [sflag:s30], $0x4000  }
0x14e: {  	[sflag:s30] =	ssyncset.done $0x0  }
0x14f: {  	p6 =	por $0x0, $0x0;
	s0 =	simm.s32 $0x1400;
	[sflag:s30] =	ssyncadd.s32 $0xFFFFC000  }
0x150: {  	s0 =	sshll.u32 @!p0 s4, $0x6;
	[bflag:$0x0] =	sbarrier.arrive $0xFFFF  }
0x151: {  	s7 =	sshrl.u32 @!p0 s8, $0x3;
	s0 =	sor.u32 @!p0 $0x1C03, s0;
	s9 =	rddreg [dreg:$0x7]  }
0x152: {  	[hbm:s9], [sflag:s0] =	dma.local @!p0 [spmem:s7], $0x2780  }
0x153: {  	s2 =	sadd.s32 $0x1, s2;
	s0 =	simm.s32 @!p0 $0x3  }
0x154: {  	p2 =	sne.s32 s2, s16;
	_ =	swait.ge @!p0 [sflag:s0], $0x2780  }
0x155: {  	s7 =	sshll.u32 @p4 s4, $0x6;
	[sflag:s0] =	ssyncset.done @!p0 $0x0;
	s9 =	rddreg [dreg:$0x8]  }
0x156: {  	[sflag:s0] =	ssyncadd.s32 @!p0 $0xFFFFD880;
	s0 =	sor.u32 @p4 $0x1C03, s7;
	s7 =	sshrl.u32 @p4 s10, $0x3  }
0x157: {  	[hbm:s9], [sflag:s0] =	dma.local @p4 [spmem:s7], $0x2080  }
.Ltmp2:
0x158: {  	_ = 	snop;
	(pc) =	sbr.rel @p2 .LBB2_1-.Ltmp2, $4  }
0x159: {  	s0 =	simm.s32 @p4 $0x3  }
0x15a: {  	_ =	swait.ge @p4 [sflag:s0], $0x2080  }
0x15b: {  	[sflag:s0] =	ssyncset.done @p4 $0x0  }
0x15c: {  	[sflag:s0] =	ssyncadd.s32 @p4 $0xFFFFDF80  }
0x15d: {  	_ =	sfence.sel $0x180000  }
0x15e: {  	[bflag:$0x0] =	sbarrier.arrive $0xFFFF  }
0x15f: {  	_ =	strace $0x9000004D  }
0x160: {  	[bflag:$0x2] =	sbarrier.arrive $0xFFFF  }
0x161: {  	p0 =	sne.s32 s4, $0x0;
	s0 =	rddreg [dreg:$0x2]  }
0x162: {  	s0 =	sadd.s32 @!p0 $0x100000, s0  }
0x163: {  	[sflag:s0] =	ssyncadd.tile.s32 @!p0 $0x1;
	_ =	shalt  }
.Lfunc_end2:
_tile_overlayer_lowered:
.L_overlay_start_2:
0x164: {  	(tag) =	ssettag $0x2  }
0x165: {  	s0 =	rddreg [dreg:$0x0];
	s2 =	stileid.u32  }
0x166: {  	s1 =	rddreg [dreg:$0x1];
	p0 =	sne.s32 s2, $0x0  }
0x167: {  	s3 =	rddreg [dreg:$0x2];
	[bflag:$0x3] =	sbarrier.arrive $0xFFFF;
	s2 =	simm.s32 @!p0 $0x1C03  }
0x168: {  	[timem:s3], [sflag:s2] =	dma.local @!p0 [hbm:s0], s1  }
0x169: {  	s0 =	simm.s32 @!p0 $0x3  }
0x16a: {  	_ =	swait.ge @!p0 [sflag:s0], s1  }
0x16b: {  	s1 =	ssub.s32 @!p0 $0x0, s1;
	[sflag:s0] =	ssyncset.done @!p0 $0x0  }
0x16c: {  	[sflag:s0] =	ssyncadd.s32 @!p0 s1  }
0x16d: {  	[bflag:$0x3] =	sbarrier.arrive $0xFFFF  }
0x16e: {  	_ =	shalt  }

// kernel: kernel.9.cloned.1.call-start
scs
__scs_entry_jumppad:
0x0: {  	(pc) =	sbr.rel $0x88, $3  }
0x1: {  	(tag) =	ssettag $0x0;
	lr =	simm.s32 $0x1  }
0x2: {  	[smem:$0x3F94] =	sst lr;
	_ =	strace $0xD0000000  }
0x3: {  	_ = 	snop  }
0x4: {  	_ = 	snop  }
0x5: {  	_ = 	snop  }
0x6: {  	_ = 	snop  }
0x7: {  	_ = 	snop  }
__scs_overlays_trampoline_lowered:
0x8: {  	[smem:$0x3FA3] =	sst s0  }
0x9: {  	[smem:$0x3FA4] =	sst s1  }
0xa: {  	[smem:$0x3FA5] =	sst s2  }
0xb: {  	[smem:$0x3FA6] =	sst s3  }
0xc: {  	[smem:$0x3FA7] =	sst s4  }
0xd: {  	[smem:$0x3FA8] =	sst s5  }
0xe: {  	[smem:$0x3FA9] =	sst s6  }
0xf: {  	[smem:$0x3FAA] =	sst s7  }
0x10: {  	[smem:$0x3FAB] =	sst s8  }
0x11: {  	[smem:$0x3FAC] =	sst s9;
	s0 =	simm.s32 @!p0 $0x0  }
0x12: {  	s1 =	sld [smem:$0x3F92];
	s0 =	simm.s32 @p0 $0x1  }
0x13: {  	[smem:$0x3FAD] =	sst s0;
	s0 =	simm.s32 @!p1 $0x0  }
0x14: {  	s2 =	sld [smem:$0x3F91];
	s0 =	simm.s32 @p1 $0x1  }
0x15: {  	[smem:$0x3FAE] =	sst s0;
	s0 =	simm.s32 @!p2 $0x0  }
0x16: {  	s3 =	sld [smem:$0x3FDB];
	s0 =	simm.s32 @p2 $0x1  }
0x17: {  	s4 =	simm.s32 $0x1BF5;
	[smem:$0x3FB0] =	sst s0  }
0x18: {  	s0 =	sld [smem:$0x3F93];
	_ =	swait.ge [sflag:s4], $0x0  }
0x19: {  	s7 =	sld [smem:$0x3F94]  }
0x1a: {  	s8 =	sadd.s32 $0xFFFFE003, lr  }
0x1b: {  	s9 =	sadd.s32 $0xFFFFFEF7, lr;
	s5 =	simm.s32 $0xFFFFFFFF;
	p2 =	slt.u32 s8, $0xFFFFF086  }
0x1c: {  	p1 =	slt.u32 s9, $0xF7A;
	s5 =	simm.s32 @!p2 $0x0  }
0x1d: {  	s5 =	simm.s32 @p1 $0x1;
	p0 =	seq.s32 s7, s2  }
0x1e: {  	s7 =	smul.u32 @!p0 $0xF7A, s2;
	p2 =	seq.s32 @!p0 s5, $0x0  }
0x1f: {  	s9 =	smul.u32 $0xF7A, s1;
	s8 =	simm.s32 @!p0 $0x1BF5;
	p2 =	por !p2, p0  }
0x20: {  	[sflag:s8] =	ssyncset.s32 @!p0 $0xFFFFF086;
	s6 =	sadd.s32 @!p0 s3, s7;
	s7 =	simm.s32 @!p0 $0x108  }
0x21: {  	s3 =	sadd.s32 s3, s9;
	s6 =	sadd.s32 @!p0 $0x88, s6;
	s7 =	simm.s32 @p2 $0x1082  }
0x22: {  	[simem:s7], [sflag:s8] =	dma.local @!p0 [hbm:s6], $0xF7A  }
0x23: {  	s9 =	sor.u32 $0xD0000000, s2;
	s6 =	simm.s32 $0x108;
	_ =	swait.ge @!p0 [sflag:s8], $0x0  }
0x24: {  	s3 =	sadd.s32 $0x88, s3;
	s6 =	simm.s32 @!p1 $0x1082;
	[sflag:s4] =	ssyncset.s32 $0xFFFFF086  }
0x25: {  	[simem:s6], [sflag:s4] =	dma.local [hbm:s3], $0xF7A  }
0x26: {  	[smem:$0x3F94] =	sst s1;
	(tag) =	ssettag s2;
	_ =	strace s9  }
0x27: {  	s1 =	sld [smem:$0x3FA4]  }
0x28: {  	s2 =	sld [smem:$0x3FA5]  }
0x29: {  	s4 =	sld [smem:$0x3FA7]  }
0x2a: {  	p0 =	seq.s32 s5, $0x0;
	s5 =	sld [smem:$0x3FA8]  }
0x2b: {  	s6 =	sld [smem:$0x3FA9]  }
0x2c: {  	s7 =	sld [smem:$0x3FAA]  }
0x2d: {  	s3 =	simm.s32 $0x108;
	s8 =	sld [smem:$0x3FAB]  }
0x2e: {  	s3 =	simm.s32 @!p0 $0x1082;
	s9 =	sld [smem:$0x3FAC]  }
0x2f: {  	lr =	sadd.s32 s0, s3;
	s0 =	sld [smem:$0x3FA3]  }
0x30: {  	s3 =	sld [smem:$0x3FA6]  }
0x31: {  	[smem:$0x3FAF] =	sst s10  }
0x32: {  	s10 =	sld [smem:$0x3FAD];
	_ =	sdelay $0x3  }
0x33: {  	p0 =	seq.s32 s10, $0x1;
	s10 =	sld [smem:$0x3FAF];
	_ =	sdelay $0x3  }
0x34: {  	[smem:$0x3FAF] =	sst s10  }
0x35: {  	s10 =	sld [smem:$0x3FAE];
	_ =	sdelay $0x3  }
0x36: {  	p1 =	seq.s32 s10, $0x1;
	s10 =	sld [smem:$0x3FAF];
	_ =	sdelay $0x3  }
0x37: {  	[smem:$0x3FAF] =	sst s10  }
0x38: {  	s10 =	sld [smem:$0x3FB0]  }
0x39: {  	_ = 	snop;
	(pc) =	sbr.ind lr, $3  }
0x3a: {  	_ = 	snop  }
0x3b: {  	_ = 	snop  }
0x3c: {  	p2 =	seq.s32 s10, $0x1;
	s10 =	sld [smem:$0x3FAF]  }
0x3d: {  	_ =	shalt  }
0x3e: {  	_ =	shalt  }
0x3f: {  	_ =	shalt  }
0x40: {  	_ =	shalt  }
0x41: {  	_ =	shalt  }
0x42: {  	_ =	shalt  }
0x43: {  	_ =	shalt  }
0x44: {  	_ =	shalt  }
0x45: {  	_ =	shalt  }
0x46: {  	_ =	shalt  }
0x47: {  	_ =	shalt  }
0x48: {  	_ =	shalt  }
0x49: {  	_ =	shalt  }
0x4a: {  	_ =	shalt  }
0x4b: {  	_ =	shalt  }
0x4c: {  	_ =	shalt  }
0x4d: {  	_ =	shalt  }
0x4e: {  	_ =	shalt  }
0x4f: {  	_ =	shalt  }
0x50: {  	_ =	shalt  }
0x51: {  	_ =	shalt  }
0x52: {  	_ =	shalt  }
0x53: {  	_ =	shalt  }
0x54: {  	_ =	shalt  }
0x55: {  	_ =	shalt  }
0x56: {  	_ =	shalt  }
0x57: {  	_ =	shalt  }
0x58: {  	_ =	shalt  }
0x59: {  	_ =	shalt  }
0x5a: {  	_ =	shalt  }
0x5b: {  	_ =	shalt  }
0x5c: {  	_ =	shalt  }
0x5d: {  	_ =	shalt  }
0x5e: {  	_ =	shalt  }
0x5f: {  	_ =	shalt  }
0x60: {  	_ =	shalt  }
0x61: {  	_ =	shalt  }
0x62: {  	_ =	shalt  }
0x63: {  	_ =	shalt  }
0x64: {  	_ =	shalt  }
0x65: {  	_ =	shalt  }
0x66: {  	_ =	shalt  }
0x67: {  	_ =	shalt  }
0x68: {  	_ =	shalt  }
0x69: {  	_ =	shalt  }
0x6a: {  	_ =	shalt  }
0x6b: {  	_ =	shalt  }
0x6c: {  	_ =	shalt  }
0x6d: {  	_ =	shalt  }
0x6e: {  	_ =	shalt  }
0x6f: {  	_ =	shalt  }
0x70: {  	_ =	shalt  }
0x71: {  	_ =	shalt  }
0x72: {  	_ =	shalt  }
0x73: {  	_ =	shalt  }
0x74: {  	_ =	shalt  }
0x75: {  	_ =	shalt  }
0x76: {  	_ =	shalt  }
0x77: {  	_ =	shalt  }
0x78: {  	_ =	shalt  }
0x79: {  	_ =	shalt  }
0x7a: {  	_ =	shalt  }
0x7b: {  	_ =	shalt  }
0x7c: {  	_ =	shalt  }
0x7d: {  	_ =	shalt  }
0x7e: {  	_ =	shalt  }
0x7f: {  	_ =	shalt  }
0x80: {  	_ =	shalt  }
0x81: {  	_ =	shalt  }
0x82: {  	_ =	shalt  }
0x83: {  	_ =	shalt  }
0x84: {  	_ =	shalt  }
0x85: {  	_ =	shalt  }
0x86: {  	_ =	shalt  }
0x87: {  	_ =	shalt  }
.Lfunc_end0:
.L_simem_size_0:
called_computation_lowered:
.L_overlay_start_0:
0x88: {  	s2 =	sld [smem:$0x3FD9]  }
0x89: {  	s3 =	sld [smem:$0x3FFE];
	_ =	sdelay $0x1  }
0x8a: {  	s1 =	srdreg.scid  }
0x8b: {  	s0 =	sand.u32 $0x1, s1  }
0x8c: {  	s16 =	sshll.u32 s0, $0xA;
	s2 =	sadd.s32 s3, s2  }
0x8d: {  	s2 =	sadd.s32 s2, s16  }
0x8e: {  	[smem:$0x3FBB] =	sst s2  }
0x8f: {  	_ = 	snop  }
0x90: {  	(tm) =	ssettm $0x1  }
0x91: {  	s17 =	sld [smem:$0x3FFB];
	_ =	sdelay $0x3  }
0x92: {  	_ =	strace s17  }
0x93: {  	s2 =	sld [smem:$0x3FFC];
	_ =	sdelay $0x3  }
0x94: {  	_ =	strace s2  }
0x95: {  	s2 =	sld [smem:$0x3FFD];
	_ =	sdelay $0x3  }
0x96: {  	_ =	strace s2  }
0x97: {  	_ =	strace $0x8FFFFFFF  }
0x98: {  	s18 =	sld [smem:$0x3FDB];
	_ =	sdelay $0x1  }
0x99: {  	s19 =	simm.s32 $_scs_section_size  }
0x9a: {  	s4 =	simm.s32 $_size__tile_overlayer_lowered;
	s5 =	simm.s32 $_tile_overlayer_lowered  }
0x9b: {  	s22 =	simm.s32 $0x1BFF;
	s21 =	sshll.u32 s5, $0x1;
	s2 =	sadd.s32 s19, s18  }
0x9c: {  	s6 =	simm.s32 $0x0;
	s20 =	sshll.u32 s4, $0x1;
	s4 =	sadd.s32 s21, s2  }
0x9d: {  	[timem:s6], [sflag:s22] =	dma.local [hbm:s4], s20  }
0x9e: {  	_ =	swait.ge [sflag:s22], s20  }
0x9f: {  	s3 =	ssub.s32 $0x0, s20;
	[sflag:s22] =	ssyncset.done $0x0  }
0xa0: {  	[sflag:s22] =	ssyncadd.s32 s3;
	_ =	sdelay $0x1  }
0xa1: {  	s23 =	simm.s32 $0x1B8B  }
0xa2: {  	_ =	swait.ge [sflag:s23], $0x1  }
0xa3: {  	[sflag:s23] =	ssyncset.done $0x0  }
0xa4: {  	s25 =	simm.s32 $0x1B8E;
	s24 =	sld [smem:$0x3FFE];
	[sflag:s23] =	ssyncadd.s32 $0xFFFFFFFF  }
0xa5: {  	s26 =	simm.s32 $execute0_lowered;
	[smem:$0x3FD2] =	sst s25  }
0xa6: {  	s4 =	sshll.u32 s26, $0x1;
	_ =	strace $0x80000046;
	[dreg:$0x1] =	wrdreg $0xFFFFFFFF  }
0xa7: {  	s28 =	simm.s32 $_size_execute0_lowered;
	s2 =	sadd.s32 s2, s4;
	[dreg:$0x0] =	wrdreg $0x0  }
0xa8: {  	s4 =	sshll.u32 s28, $0x1;
	[dreg:$0x2] =	wrdreg s2  }
0xa9: {  	[dreg:$0x3] =	wrdreg s4  }
0xaa: {  	[dreg:$0x4] =	wrdreg $0xC0  }
0xab: {  	_ =	task [dreg:s6], $0x5FFFF  }
0xac: {  	[dreg:$0x1] =	wrdreg $0xFFFFFFFF  }
0xad: {  	[dreg:$0x0] =	wrdreg $0x60  }
0xae: {  	[dreg:$0x2] =	wrdreg s24  }
0xaf: {  	[dreg:$0x3] =	wrdreg $0xA8000  }
0xb0: {  	[dreg:$0x4] =	wrdreg $0x9  }
0xb1: {  	_ =	task.clear_ibuf [dreg:s6], $0x5FFFF;
	_ =	strace $0x90000046  }
0xb2: {  	s29 =	simm.s32 $0x9;
	_ =	strace $0x80000048  }
0xb3: {  	_ =	swait.ge [sflag:s29], $0x1  }
0xb4: {  	[sflag:s29] =	ssyncadd.s32 $0xFFFFFFFF  }
0xb5: {  	_ =	strace $0x90000048  }
0xb6: {  	_ =	sfence  }
0xb7: {  	s30 =	sld [smem:$0x0];
	_ =	sdelay $0x2  }
0xb8: {  	s31 =	sshll.u32 s1, $0xD;
	s1 =	sshrl.u32 s1, $0x2  }
0xb9: {  	s3 =	sand.u32 $0x4000, s31;
	s1 =	sadd.s32 s1, s30  }
0xba: {  	s0 =	sor.u32 s3, s0;
	s1 =	sshll.u32 s1, $0x11  }
0xbb: {  	s0 =	sor.u32 s1, s0  }
0xbc: {  	s0 =	sadd.s32 $0x8F2B, s0  }
0xbd: {  	[sflag:s0] =	ssyncadd.remote.s32 $0x1  }
0xbe: {  	_ =	sfence.sel $0xFFFF  }
0xbf: {  	[dreg:$0x0] =	wrdreg $0xFFFFFFFF;
	(pc) =	sbr.abs _section_cstart, $3  }
0xc0: {  	[dreg:$0x1] =	wrdreg $0xFFFFFFFF  }
0xc1: {  	_ =	task.clear_ibuf [dreg:s6], $0x2FFFF;
	_ =	strace $0x9FFFFFFF  }
0xc2: {  	(tm) =	ssettm $0x7FFFFFFF  }
0xc3: {  	_ =	shalt  }
tec
execute0_lowered:
.L_overlay_start_1:
0x0: {  	(tag) =	ssettag $0x1  }
0x1: {  	s0 =	rddreg [dreg:$0x0]  }
0x2: {  	s1 =	rddreg [dreg:$0x1];
	s2 =	simm.s32 $0x0;
	s4 =	srdreg.scid  }
0x3: {  	s28 =	simm.s32 $0x1;
	s29 =	simm.s32 $0x6800;
	s30 =	simm.s32 $0x2  }
0x4: {  	[smem:$0x7FF] =	sst s2;
	s3 =	sadd.s32 $0x17E00, s0;
	s5 =	sadd.s32 $0x3E00, s0  }
0x5: {  	s6 =	sadd.s32 $0xDE00, s0;
	s7 =	sand.u32 $0x1, s4;
	s14 =	sadd.s32 $0x3F000, s0  }
0x6: {  	s4 =	stileid.u32;
	s9 =	sadd.s32 $0x66800, s0;
	s0 =	sadd.s32 $0x3CE80, s0  }
0x7: {  	s20 =	sadd.s32 $0x138800, s1;
	_ =	strace $0x80000047;
	s8 =	ssub.s32 $0x2, s7  }
0x8: {  	s11 =	sshll.u32 s4, $0x1;
	p1 =	seq.s32 s7, $0x0;
	s22 =	smul.u32 $0x4F000, s4  }
0x9: {  	p2 =	sne.s32 s4, $0xF;
	s13 =	smul.u32 $0x2780, s4;
	[dreg:$0x3] =	wrdreg s14  }
0xa: {  	p0 =	seq.s32 s4, $0xF;
	s24 =	smul.u32 $0x138800, s7;
	[dreg:$0x5] =	wrdreg s0  }
0xb: {  	s25 =	smul.u32 $0x13C00, s4;
	s10 =	sshrl.u32 s8, $0x1;
	s11 =	sor.u32 s7, s11  }
0xc: {  	p2 =	por !p1, !p2;
	p3 =	por !p1, !p0;
	s12 =	ssub.s32 s8, s10  }
0xd: {  	p1 =	por !p2, !p2;
	p3 =	por !p3, !p3;
	s8 =	sshrl.u32 s22, $0x2  }
0xe: {  	s23 =	sadd.s32 s14, s13;
	s10 =	sadd.s32 $0x128400, s1;
	s13 =	sadd.s32 s3, s13  }
0xf: {  	s0 =	sadd.s32 s25, s24;
	s26 =	sshrl.u32 s24, $0x3;
	s24 =	simm.s32 $0x1400  }
0x10: {  	s25 =	simm.s32 $0x80;
	s8 =	sadd.s32 s8, s1;
	[dreg:$0x4] =	wrdreg s23  }
0x11: {  	[dreg:$0x6] =	wrdreg s13;
	p2 =	por p3, p1;
	s13 =	smul.u32 $0x2800, s11  }
0x12: {  	s0 =	sshrl.u32 s0, $0x3;
	s31 =	sadd.s32 s9, s26;
	p2 =	seq.s32 @!p2 s7, $0x0  }
0x13: {  	s16 =	smax.u32 s12, $0x1;
	s0 =	sadd.s32 s9, s0;
	p2 =	por @!p1 p2, p3  }
0x14: {  	[dreg:$0x7] =	wrdreg s0;
	s0 =	sadd.s32 $0x25080, s31;
	p2 =	por p2, p1  }
0x15: {  	s23 =	simm.s32 $0x3;
	[dreg:$0x8] =	wrdreg s0;
	s0 =	sshll.u32 @!p2 s4, $0x6  }
0x16: {  	s26 =	simm.s32 $0x2800;
	s17 =	sor.u32 @!p2 $0x1C03, s0;
	s0 =	simm.s32 @!p2 $0x0  }
0x17: {  	s22 =	sshrl.u32 @p1 s8, $0x3;
	p3 =	por !p3, p1;
	s0 =	simm.s32 @p2 $0x1  }
0x18: {  	s19 =	sshrl.u32 @!p3 s10, $0x3;
	[smem:$0x7FD] =	sst s0;
	s0 =	sshll.u32 @p1 s4, $0x6  }
0x19: {  	s20 =	sshrl.u32 @!p3 s20, $0x3;
	s18 =	sshrl.u32 @!p2 s8, $0x3;
	s21 =	sor.u32 @p1 $0x1C03, s0  }
.LBB2_1:
0x1a: {  	s7 =	sld [smem:$0x7FD];
	_ =	sdelay $0x2  }
0x1b: {  	s0 =	rddreg [dreg:$0x4];
	p2 =	seq.s32 s7, $0x1  }
0x1c: {  	[spmem:s18], [sflag:s17] =	dma.local @!p2 [hbm:s0], $0x2780  }
0x1d: {  	s0 =	simm.s32 @!p2 $0x3  }
0x1e: {  	_ =	swait.ge @!p2 [sflag:s0], $0x2780  }
0x1f: {  	[sflag:s0] =	ssyncset.done @!p2 $0x0  }
0x20: {  	s7 =	rddreg [dreg:$0x5];
	[sflag:s0] =	ssyncadd.s32 @!p2 $0xFFFFD880;
	s0 =	simm.s32 @!p3 $0x1FC3  }
0x21: {  	[spmem:s19], [sflag:s0] =	dma.local @!p3 [hbm:s7], $0x2080  }
0x22: {  	s7 =	simm.s32 @!p3 $0x3  }
0x23: {  	_ =	swait.ge @!p3 [sflag:s7], $0x2080  }
0x24: {  	[sflag:s7] =	ssyncset.done @!p3 $0x0  }
0x25: {  	s9 =	rddreg [dreg:$0x3];
	[sflag:s7] =	ssyncadd.s32 @!p3 $0xFFFFDF80  }
0x26: {  	[spmem:s20], [sflag:s0] =	dma.local @!p3 [hbm:s9], $0x700  }
0x27: {  	_ =	swait.ge @!p3 [sflag:s7], $0x700  }
0x28: {  	[sflag:s7] =	ssyncset.done @!p3 $0x0  }
0x29: {  	s0 =	rddreg [dreg:$0x6];
	[sflag:s7] =	ssyncadd.s32 @!p3 $0xFFFFF900  }
0x2a: {  	[spmem:s22], [sflag:s21] =	dma.local @p1 [hbm:s0], $0x2780  }
0x2b: {  	s0 =	simm.s32 @p1 $0x3  }
0x2c: {  	p5 =	por p0, p0;
	_ =	swait.ge @p1 [sflag:s0], $0x2780  }
0x2d: {  	p4 =	por @p1 $0x0, $0x0;
	p2 =	por @!p3 $0x1, $0x1;
	[sflag:s0] =	ssyncset.done @p1 $0x0  }
0x2e: {  	p6 =	por $0x1, $0x1;
	p5 =	por @!p3 p2, p2;
	[sflag:s0] =	ssyncadd.s32 @p1 $0xFFFFD880  }
0x2f: {  	p4 =	por @!p1 p5, p5;
	s0 =	simm.s32 $0x0;
	[bflag:$0x0] =	sbarrier.arrive $0xFFFF  }
.LBB2_2:
0x30: {  	s0 =	sadd.s32 s13, s0  }
0x31: {  	s0 =	sshrl.u32 s0, $0x3  }
0x32: {  	s9 =	simm.s32 $0x0;
	s7 =	sadd.s32 s5, s0  }
0x33: {  	[tilespmem:s9], [sflag:$0x3] =	stream.linear.gather [hbm4b:s7+s9], $0x1400, $0x38;
	[tilespmem:$0x1E400] =	vst v63  }
0x34: {  	_ =	swait.ge [sflag:s23], $0x1400  }
0x35: {  	[sflag:s23] =	ssyncset.done $0x0  }
0x36: {  	s0 =	sadd.s32 s6, s0;
	[sflag:s23] =	ssyncadd.s32 $0xFFFFEC00  }
0x37: {  	[tilespmem:s24], [sflag:$0x3] =	stream.linear.gather [hbm4b:s0+s9], $0x1400, $0x38;
	[tilespmem:$0x1E400] =	vst v63  }
0x38: {  	_ =	swait.ge [sflag:s23], $0x1400  }
0x39: {  	[sflag:s23] =	ssyncset.done $0x0  }
0x3a: {  	[sflag:s23] =	ssyncadd.s32 $0xFFFFEC00  }
0x3b: {  	[tilespmem:s26], [sflag:$0x1] =	stream.indirect.gather [hbm4b:s3+s25], $0x80, s9, s25, $0xb8;
	[tilespmem:$0x1E400] =	vst v63  }
0x3c: {  	_ =	swait.ge [sflag:s28], $0x4000  }
0x3d: {  	[sflag:s28] =	ssyncset.done $0x0  }
0x3e: {  	s15 =	simm.s32 $0x1400;
	[sflag:s28] =	ssyncadd.s32 $0xFFFFC000  }
0x3f: {  	[spmem:s1] =	stream.indirect.scatter.add.f32 [tilespmem:s26], [sflag:$0x2], $0x80, s15, s25, $0xb8;
	[tilespmem:$0x1E400] =	vst v63  }
0x40: {  	s7 =	simm.s32 $0x80  }
0x41: {  	[tilespmem:s29], [sflag:$0x1] =	stream.indirect.gather [hbm4b:s3+s25], $0x80, s7, s25, $0xb8;
	[tilespmem:$0x1E400] =	vst v63  }
0x42: {  	_ =	swait.ge [sflag:s30], $0x4000  }
0x43: {  	[sflag:s30] =	ssyncset.done $0x0  }
0x44: {  	[sflag:s30] =	ssyncadd.s32 $0xFFFFC000  }
0x45: {  	_ =	swait.ge [sflag:s28], $0x4000  }
0x46: {  	[sflag:s28] =	ssyncset.done $0x0  }
0x47: {  	s9 =	simm.s32 $0x1480;
	[sflag:s28] =	ssyncadd.s32 $0xFFFFC000  }
0x48: {  	[spmem:s1] =	stream.indirect.scatter.add.f32 [tilespmem:s29], [sflag:$0x2], $0x80, s9, s25, $0xb8;
	[tilespmem:$0x1E400] =	vst v63  }
0x49: {  	s11 =	simm.s32 $0x100  }
0x4a: {  	[tilespmem:s26], [sflag:$0x1] =	stream.indirect.gather [hbm4b:s3+s25], $0x80, s11, s25, $0xb8;
	[tilespmem:$0x1E400] =	vst v63  }
0x4b: {  	_ =	swait.ge [sflag:s28], $0x4000  }
0x4c: {  	[sflag:s28] =	ssyncset.done $0x0  }
0x4d: {  	[sflag:s28] =	ssyncadd.s32 $0xFFFFC000  }
0x4e: {  	_ =	swait.ge [sflag:s30], $0x4000  }
0x4f: {  	[sflag:s30] =	ssyncset.done $0x0  }
0x50: {  	s12 =	simm.s32 $0x1500;
	[sflag:s30] =	ssyncadd.s32 $0xFFFFC000  }
0x51: {  	[spmem:s1] =	stream.indirect.scatter.add.f32 [tilespmem:s26], [sflag:$0x2], $0x80, s12, s25, $0xb8;
	[tilespmem:$0x1E400] =	vst v63  }
0x52: {  	s14 =	simm.s32 $0x180  }
0x53: {  	[tilespmem:s29], [sflag:$0x1] =	stream.indirect.gather [hbm4b:s3+s25], $0x80, s14, s25, $0xb8;
	[tilespmem:$0x1E400] =	vst v63  }
0x54: {  	_ =	swait.ge [sflag:s30], $0x4000  }
0x55: {  	[sflag:s30] =	ssyncset.done $0x0  }
0x56: {  	[sflag:s30] =	ssyncadd.s32 $0xFFFFC000  }
0x57: {  	_ =	swait.ge [sflag:s28], $0x4000  }
0x58: {  	[sflag:s28] =	ssyncset.done $0x0  }
0x59: {  	s15 =	simm.s32 $0x1580;
	[sflag:s28] =	ssyncadd.s32 $0xFFFFC000  }
0x5a: {  	[spmem:s1] =	stream.indirect.scatter.add.f32 [tilespmem:s29], [sflag:$0x2], $0x80, s15, s25, $0xb8;
	[tilespmem:$0x1E400] =	vst v63  }
0x5b: {  	s7 =	simm.s32 $0x200  }
0x5c: {  	[tilespmem:s26], [sflag:$0x1] =	stream.indirect.gather [hbm4b:s3+s25], $0x80, s7, s25, $0xb8;
	[tilespmem:$0x1E400] =	vst v63  }
0x5d: {  	_ =	swait.ge [sflag:s28], $0x4000  }
0x5e: {  	[sflag:s28] =	ssyncset.done $0x0  }
0x5f: {  	[sflag:s28] =	ssyncadd.s32 $0xFFFFC000  }
0x60: {  	_ =	swait.ge [sflag:s30], $0x4000  }
0x61: {  	[sflag:s30] =	ssyncset.done $0x0  }
0x62: {  	s9 =	simm.s32 $0x1600;
	[sflag:s30] =	ssyncadd.s32 $0xFFFFC000  }
0x63: {  	[spmem:s1] =	stream.indirect.scatter.add.f32 [tilespmem:s26], [sflag:$0x2], $0x80, s9, s25, $0xb8;
	[tilespmem:$0x1E400] =	vst v63  }
0x64: {  	s11 =	simm.s32 $0x280  }
0x65: {  	[tilespmem:s29], [sflag:$0x1] =	stream.indirect.gather [hbm4b:s3+s25], $0x80, s11, s25, $0xb8;
	[tilespmem:$0x1E400] =	vst v63  }
0x66: {  	_ =	swait.ge [sflag:s30], $0x4000  }
0x67: {  	[sflag:s30] =	ssyncset.done $0x0  }
0x68: {  	[sflag:s30] =	ssyncadd.s32 $0xFFFFC000  }
0x69: {  	_ =	swait.ge [sflag:s28], $0x4000  }
0x6a: {  	[sflag:s28] =	ssyncset.done $0x0  }
0x6b: {  	s12 =	simm.s32 $0x1680;
	[sflag:s28] =	ssyncadd.s32 $0xFFFFC000  }
0x6c: {  	[spmem:s1] =	stream.indirect.scatter.add.f32 [tilespmem:s29], [sflag:$0x2], $0x80, s12, s25, $0xb8;
	[tilespmem:$0x1E400] =	vst v63  }
0x6d: {  	s14 =	simm.s32 $0x300  }
0x6e: {  	[tilespmem:s26], [sflag:$0x1] =	stream.indirect.gather [hbm4b:s3+s25], $0x80, s14, s25, $0xb8;
	[tilespmem:$0x1E400] =	vst v63  }
0x6f: {  	_ =	swait.ge [sflag:s28], $0x4000  }
0x70: {  	[sflag:s28] =	ssyncset.done $0x0  }
0x71: {  	[sflag:s28] =	ssyncadd.s32 $0xFFFFC000  }
0x72: {  	_ =	swait.ge [sflag:s30], $0x4000  }
0x73: {  	[sflag:s30] =	ssyncset.done $0x0  }
0x74: {  	s15 =	simm.s32 $0x1700;
	[sflag:s30] =	ssyncadd.s32 $0xFFFFC000  }
0x75: {  	[spmem:s1] =	stream.indirect.scatter.add.f32 [tilespmem:s26], [sflag:$0x2], $0x80, s15, s25, $0xb8;
	[tilespmem:$0x1E400] =	vst v63  }
0x76: {  	s7 =	simm.s32 $0x380  }
0x77: {  	[tilespmem:s29], [sflag:$0x1] =	stream.indirect.gather [hbm4b:s3+s25], $0x80, s7, s25, $0xb8;
	[tilespmem:$0x1E400] =	vst v63  }
0x78: {  	_ =	swait.ge [sflag:s30], $0x4000  }
0x79: {  	[sflag:s30] =	ssyncset.done $0x0  }
0x7a: {  	[sflag:s30] =	ssyncadd.s32 $0xFFFFC000  }
0x7b: {  	_ =	swait.ge [sflag:s28], $0x4000  }
0x7c: {  	[sflag:s28] =	ssyncset.done $0x0  }
0x7d: {  	s9 =	simm.s32 $0x1780;
	[sflag:s28] =	ssyncadd.s32 $0xFFFFC000  }
0x7e: {  	[spmem:s1] =	stream.indirect.scatter.add.f32 [tilespmem:s29], [sflag:$0x2], $0x80, s9, s25, $0xb8;
	[tilespmem:$0x1E400] =	vst v63  }
0x7f: {  	s11 =	simm.s32 $0x400  }
0x80: {  	[tilespmem:s26], [sflag:$0x1] =	stream.indirect.gather [hbm4b:s3+s25], $0x80, s11, s25, $0xb8;
	[tilespmem:$0x1E400] =	vst v63  }
0x81: {  	_ =	swait.ge [sflag:s28], $0x4000  }
0x82: {  	[sflag:s28] =	ssyncset.done $0x0  }
0x83: {  	[sflag:s28] =	ssyncadd.s32 $0xFFFFC000  }
0x84: {  	_ =	swait.ge [sflag:s30], $0x4000  }
0x85: {  	[sflag:s30] =	ssyncset.done $0x0  }
0x86: {  	s12 =	simm.s32 $0x1800;
	[sflag:s30] =	ssyncadd.s32 $0xFFFFC000  }
0x87: {  	[spmem:s1] =	stream.indirect.scatter.add.f32 [tilespmem:s26], [sflag:$0x2], $0x80, s12, s25, $0xb8;
	[tilespmem:$0x1E400] =	vst v63  }
0x88: {  	s14 =	simm.s32 $0x480  }
0x89: {  	[tilespmem:s29], [sflag:$0x1] =	stream.indirect.gather [hbm4b:s3+s25], $0x80, s14, s25, $0xb8;
	[tilespmem:$0x1E400] =	vst v63  }
0x8a: {  	_ =	swait.ge [sflag:s30], $0x4000  }
0x8b: {  	[sflag:s30] =	ssyncset.done $0x0  }
0x8c: {  	[sflag:s30] =	ssyncadd.s32 $0xFFFFC000  }
0x8d: {  	_ =	swait.ge [sflag:s28], $0x4000  }
0x8e: {  	p2 =	por $0x0, $0x0;
	[sflag:s28] =	ssyncset.done $0x0  }
0x8f: {  	s0 =	simm.s32 @!p2 $0x80;
	s15 =	simm.s32 $0x1880;
	[sflag:s28] =	ssyncadd.s32 $0xFFFFC000  }
0x90: {  	[spmem:s1] =	stream.indirect.scatter.add.f32 [tilespmem:s29], [sflag:$0x2], $0x80, s15, s25, $0xb8;
	[tilespmem:$0x1E400] =	vst v63  }
0x91: {  	s7 =	simm.s32 @!p2 $0x2800;
	s9 =	simm.s32 @!p2 $0x500;
	s11 =	simm.s32 @!p2 $0x1  }
0x92: {  	[tilespmem:s7], [sflag:$0x1] =	stream.indirect.gather @!p2 [hbm4b:s3+s0], $0x80, s9, s0, $0xb8;
	[tilespmem:$0x1E400] =	vst v63  }
0x93: {  	_ =	swait.ge @!p2 [sflag:s11], $0x4000  }
0x94: {  	[sflag:s11] =	ssyncset.done @!p2 $0x0  }
0x95: {  	p5 =	por p6, p6;
	s31 =	simm.s32 $0x1400;
	[sflag:s11] =	ssyncadd.s32 @!p2 $0xFFFFC000  }
0x96: {  	s0 =	simm.s32 $0x5;
	s7 =	simm.s32 $0xA;
	_ =	swait.ge [sflag:s30], $0x4000  }
.LBB2_3:
0x97: {  	s11 =	sshra.s32 s31, $0x2  }
0x98: {  	[sflag:s30] =	ssyncset.done $0x0;
	s9 =	smov.u32 s7;
	s12 =	sadd.s32 $0x5, s7  }
0x99: {  	p6 =	slt.u32 s7, $0xF;
	s7 =	sadd.s32 $0x1400, s11;
	[sflag:s30] =	ssyncadd.s32 $0xFFFFC000  }
0x9a: {  	[spmem:s1] =	stream.indirect.scatter.add.f32 [tilespmem:s26], [sflag:$0x2], $0x80, s7, s25, $0xb8;
	[tilespmem:$0x1E400] =	vst v63  }
0x9b: {  	s7 =	sadd.s32 $0x80, s11  }
0x9c: {  	[tilespmem:s29], [sflag:$0x1] =	stream.indirect.gather [hbm4b:s3+s25], $0x80, s7, s25, $0xb8;
	[tilespmem:$0x1E400] =	vst v63  }
0x9d: {  	_ =	swait.ge [sflag:s30], $0x4000  }
0x9e: {  	[sflag:s30] =	ssyncset.done $0x0  }
0x9f: {  	[sflag:s30] =	ssyncadd.s32 $0xFFFFC000  }
0xa0: {  	_ =	swait.ge [sflag:s28], $0x4000  }
0xa1: {  	[sflag:s28] =	ssyncset.done $0x0  }
0xa2: {  	s7 =	sadd.s32 $0x1480, s11;
	[sflag:s28] =	ssyncadd.s32 $0xFFFFC000  }
0xa3: {  	[spmem:s1] =	stream.indirect.scatter.add.f32 [tilespmem:s29], [sflag:$0x2], $0x80, s7, s25, $0xb8;
	[tilespmem:$0x1E400] =	vst v63  }
0xa4: {  	s7 =	sadd.s32 $0x100, s11  }
0xa5: {  	[tilespmem:s26], [sflag:$0x1] =	stream.indirect.gather [hbm4b:s3+s25], $0x80, s7, s25, $0xb8;
	[tilespmem:$0x1E400] =	vst v63  }
0xa6: {  	_ =	swait.ge [sflag:s28], $0x4000  }
0xa7: {  	[sflag:s28] =	ssyncset.done $0x0  }
0xa8: {  	[sflag:s28] =	ssyncadd.s32 $0xFFFFC000  }
0xa9: {  	_ =	swait.ge [sflag:s30], $0x4000  }
0xaa: {  	[sflag:s30] =	ssyncset.done $0x0  }
0xab: {  	s7 =	sadd.s32 $0x1500, s11;
	[sflag:s30] =	ssyncadd.s32 $0xFFFFC000  }
0xac: {  	[spmem:s1] =	stream.indirect.scatter.add.f32 [tilespmem:s26], [sflag:$0x2], $0x80, s7, s25, $0xb8;
	[tilespmem:$0x1E400] =	vst v63  }
0xad: {  	s7 =	sadd.s32 $0x180, s11  }
0xae: {  	[tilespmem:s29], [sflag:$0x1] =	stream.indirect.gather [hbm4b:s3+s25], $0x80, s7, s25, $0xb8;
	[tilespmem:$0x1E400] =	vst v63  }
0xaf: {  	_ =	swait.ge [sflag:s30], $0x4000  }
0xb0: {  	[sflag:s30] =	ssyncset.done $0x0  }
0xb1: {  	[sflag:s30] =	ssyncadd.s32 $0xFFFFC000  }
0xb2: {  	_ =	swait.ge [sflag:s28], $0x4000  }
0xb3: {  	[sflag:s28] =	ssyncset.done $0x0  }
0xb4: {  	s7 =	sadd.s32 $0x1580, s11;
	[sflag:s28] =	ssyncadd.s32 $0xFFFFC000  }
0xb5: {  	[spmem:s1] =	stream.indirect.scatter.add.f32 [tilespmem:s29], [sflag:$0x2], $0x80, s7, s25, $0xb8;
	[tilespmem:$0x1E400] =	vst v63  }
0xb6: {  	s7 =	sadd.s32 $0x200, s11  }
0xb7: {  	[tilespmem:s26], [sflag:$0x1] =	stream.indirect.gather [hbm4b:s3+s25], $0x80, s7, s25, $0xb8;
	[tilespmem:$0x1E400] =	vst v63  }
0xb8: {  	_ =	swait.ge [sflag:s28], $0x4000  }
0xb9: {  	[sflag:s28] =	ssyncset.done $0x0  }
0xba: {  	[sflag:s28] =	ssyncadd.s32 $0xFFFFC000  }
0xbb: {  	_ =	swait.ge [sflag:s30], $0x4000  }
0xbc: {  	[sflag:s30] =	ssyncset.done $0x0  }
0xbd: {  	s7 =	sadd.s32 $0x1600, s11;
	[sflag:s30] =	ssyncadd.s32 $0xFFFFC000  }
0xbe: {  	[spmem:s1] =	stream.indirect.scatter.add.f32 [tilespmem:s26], [sflag:$0x2], $0x80, s7, s25, $0xb8;
	[tilespmem:$0x1E400] =	vst v63  }
0xbf: {  	s7 =	sadd.s32 $0x280, s11  }
0xc0: {  	[tilespmem:s29], [sflag:$0x1] =	stream.indirect.gather [hbm4b:s3+s25], $0x80, s7, s25, $0xb8;
	[tilespmem:$0x1E400] =	vst v63  }
0xc1: {  	_ =	swait.ge [sflag:s30], $0x4000  }
0xc2: {  	[sflag:s30] =	ssyncset.done $0x0  }
0xc3: {  	[sflag:s30] =	ssyncadd.s32 $0xFFFFC000  }
0xc4: {  	_ =	swait.ge [sflag:s28], $0x4000  }
0xc5: {  	[sflag:s28] =	ssyncset.done $0x0  }
0xc6: {  	s7 =	sadd.s32 $0x1680, s11;
	[sflag:s28] =	ssyncadd.s32 $0xFFFFC000  }
0xc7: {  	[spmem:s1] =	stream.indirect.scatter.add.f32 [tilespmem:s29], [sflag:$0x2], $0x80, s7, s25, $0xb8;
	[tilespmem:$0x1E400] =	vst v63  }
0xc8: {  	s7 =	sadd.s32 $0x300, s11  }
0xc9: {  	[tilespmem:s26], [sflag:$0x1] =	stream.indirect.gather [hbm4b:s3+s25], $0x80, s7, s25, $0xb8;
	[tilespmem:$0x1E400] =	vst v63  }
0xca: {  	_ =	swait.ge [sflag:s28], $0x4000  }
0xcb: {  	[sflag:s28] =	ssyncset.done $0x0  }
0xcc: {  	[sflag:s28] =	ssyncadd.s32 $0xFFFFC000  }
0xcd: {  	_ =	swait.ge [sflag:s30], $0x4000  }
0xce: {  	[sflag:s30] =	ssyncset.done $0x0  }
0xcf: {  	s7 =	sadd.s32 $0x1700, s11;
	[sflag:s30] =	ssyncadd.s32 $0xFFFFC000  }
0xd0: {  	[spmem:s1] =	stream.indirect.scatter.add.f32 [tilespmem:s26], [sflag:$0x2], $0x80, s7, s25, $0xb8;
	[tilespmem:$0x1E400] =	vst v63  }
0xd1: {  	s7 =	sadd.s32 $0x380, s11  }
0xd2: {  	[tilespmem:s29], [sflag:$0x1] =	stream.indirect.gather [hbm4b:s3+s25], $0x80, s7, s25, $0xb8;
	[tilespmem:$0x1E400] =	vst v63  }
0xd3: {  	_ =	swait.ge [sflag:s30], $0x4000  }
0xd4: {  	[sflag:s30] =	ssyncset.done $0x0  }
0xd5: {  	[sflag:s30] =	ssyncadd.s32 $0xFFFFC000  }
0xd6: {  	_ =	swait.ge [sflag:s28], $0x4000  }
0xd7: {  	[sflag:s28] =	ssyncset.done $0x0  }
0xd8: {  	s7 =	sadd.s32 $0x1780, s11;
	[sflag:s28] =	ssyncadd.s32 $0xFFFFC000  }
0xd9: {  	[spmem:s1] =	stream.indirect.scatter.add.f32 [tilespmem:s29], [sflag:$0x2], $0x80, s7, s25, $0xb8;
	[tilespmem:$0x1E400] =	vst v63  }
0xda: {  	s7 =	sadd.s32 $0x400, s11  }
0xdb: {  	[tilespmem:s26], [sflag:$0x1] =	stream.indirect.gather [hbm4b:s3+s25], $0x80, s7, s25, $0xb8;
	[tilespmem:$0x1E400] =	vst v63  }
0xdc: {  	_ =	swait.ge [sflag:s28], $0x4000  }
0xdd: {  	[sflag:s28] =	ssyncset.done $0x0  }
0xde: {  	[sflag:s28] =	ssyncadd.s32 $0xFFFFC000  }
0xdf: {  	_ =	swait.ge [sflag:s30], $0x4000  }
0xe0: {  	[sflag:s30] =	ssyncset.done $0x0  }
0xe1: {  	s7 =	sadd.s32 $0x1800, s11;
	[sflag:s30] =	ssyncadd.s32 $0xFFFFC000  }
0xe2: {  	[spmem:s1] =	stream.indirect.scatter.add.f32 [tilespmem:s26], [sflag:$0x2], $0x80, s7, s25, $0xb8;
	[tilespmem:$0x1E400] =	vst v63  }
0xe3: {  	s7 =	sadd.s32 $0x480, s11  }
0xe4: {  	[tilespmem:s29], [sflag:$0x1] =	stream.indirect.gather [hbm4b:s3+s25], $0x80, s7, s25, $0xb8;
	[tilespmem:$0x1E400] =	vst v63  }
0xe5: {  	_ =	swait.ge [sflag:s30], $0x4000  }
0xe6: {  	[sflag:s30] =	ssyncset.done $0x0  }
0xe7: {  	[sflag:s30] =	ssyncadd.s32 $0xFFFFC000  }
0xe8: {  	_ =	swait.ge [sflag:s28], $0x4000  }
0xe9: {  	[sflag:s28] =	ssyncset.done $0x0  }
0xea: {  	p2 =	sgt.u32 s0, $0xE;
	s7 =	sadd.s32 $0x1880, s11;
	[sflag:s28] =	ssyncadd.s32 $0xFFFFC000  }
0xeb: {  	[spmem:s1] =	stream.indirect.scatter.add.f32 [tilespmem:s29], [sflag:$0x2], $0x80, s7, s25, $0xb8;
	[tilespmem:$0x1E400] =	vst v63  }
0xec: {  	s0 =	sshra.s32 @!p2 s31, $0x2;
	s11 =	simm.s32 @!p2 $0x2800;
	s7 =	simm.s32 @!p2 $0x80  }
0xed: {  	s15 =	simm.s32 @!p2 $0x1;
	s14 =	sadd.s32 @!p2 $0x500, s0;
	s0 =	smov.u32 s9  }
0xee: {  	[tilespmem:s11], [sflag:$0x1] =	stream.indirect.gather @!p2 [hbm4b:s3+s7], $0x80, s14, s7, $0xb8;
	[tilespmem:$0x1E400] =	vst v63  }
.Ltmp0:
0xef: {  	_ = 	snop;
	(pc) =	sbr.rel @p6 .LBB2_3-.Ltmp0, $4  }
0xf0: {  	_ =	swait.ge @!p2 [sflag:s15], $0x4000  }
0xf1: {  	[sflag:s15] =	ssyncset.done @!p2 $0x0  }
0xf2: {  	[sflag:s15] =	ssyncadd.s32 @!p2 $0xFFFFC000  }
0xf3: {  	s31 =	sadd.s32 $0x1400, s31;
	s7 =	smov.u32 s12;
	_ =	swait.ge [sflag:s30], $0x4000  }
0xf4: {  	s7 =	sshra.s32 s31, $0x2;
	[sflag:s30] =	ssyncset.done $0x0  }
0xf5: {  	s9 =	sadd.s32 $0x1400, s7;
	[sflag:s30] =	ssyncadd.s32 $0xFFFFC000  }
0xf6: {  	[spmem:s1] =	stream.indirect.scatter.add.f32 [tilespmem:s26], [sflag:$0x2], $0x80, s9, s25, $0xb8;
	[tilespmem:$0x1E400] =	vst v63  }
0xf7: {  	s15 =	sadd.s32 $0x80, s7  }
0xf8: {  	[tilespmem:s29], [sflag:$0x1] =	stream.indirect.gather [hbm4b:s3+s25], $0x80, s15, s25, $0xb8;
	[tilespmem:$0x1E400] =	vst v63  }
0xf9: {  	_ =	swait.ge [sflag:s30], $0x4000  }
0xfa: {  	[sflag:s30] =	ssyncset.done $0x0  }
0xfb: {  	[sflag:s30] =	ssyncadd.s32 $0xFFFFC000  }
0xfc: {  	_ =	swait.ge [sflag:s28], $0x4000  }
0xfd: {  	[sflag:s28] =	ssyncset.done $0x0  }
0xfe: {  	s11 =	sadd.s32 $0x1480, s7;
	[sflag:s28] =	ssyncadd.s32 $0xFFFFC000  }
0xff: {  	[spmem:s1] =	stream.indirect.scatter.add.f32 [tilespmem:s29], [sflag:$0x2], $0x80, s11, s25, $0xb8;
	[tilespmem:$0x1E400] =	vst v63  }
0x100: {  	s12 =	sadd.s32 $0x100, s7  }
0x101: {  	[tilespmem:s26], [sflag:$0x1] =	stream.indirect.gather [hbm4b:s3+s25], $0x80, s12, s25, $0xb8;
	[tilespmem:$0x1E400] =	vst v63  }
0x102: {  	_ =	swait.ge [sflag:s28], $0x4000  }
0x103: {  	[sflag:s28] =	ssyncset.done $0x0  }
0x104: {  	[sflag:s28] =	ssyncadd.s32 $0xFFFFC000  }
0x105: {  	_ =	swait.ge [sflag:s30], $0x4000  }
0x106: {  	[sflag:s30] =	ssyncset.done $0x0  }
0x107: {  	s14 =	sadd.s32 $0x1500, s7;
	[sflag:s30] =	ssyncadd.s32 $0xFFFFC000  }
0x108: {  	[spmem:s1] =	stream.indirect.scatter.add.f32 [tilespmem:s26], [sflag:$0x2], $0x80, s14, s25, $0xb8;
	[tilespmem:$0x1E400] =	vst v63  }
0x109: {  	s15 =	sadd.s32 $0x180, s7  }
0x10a: {  	[tilespmem:s29], [sflag:$0x1] =	stream.indirect.gather [hbm4b:s3+s25], $0x80, s15, s25, $0xb8;
	[tilespmem:$0x1E400] =	vst v63  }
0x10b: {  	_ =	swait.ge [sflag:s30], $0x4000  }
0x10c: {  	[sflag:s30] =	ssyncset.done $0x0  }
0x10d: {  	[sflag:s30] =	ssyncadd.s32 $0xFFFFC000  }
0x10e: {  	_ =	swait.ge [sflag:s28], $0x4000  }
0x10f: {  	[sflag:s28] =	ssyncset.done $0x0  }
0x110: {  	s11 =	sadd.s32 $0x1580, s7;
	[sflag:s28] =	ssyncadd.s32 $0xFFFFC000  }
0x111: {  	[spmem:s1] =	stream.indirect.scatter.add.f32 [tilespmem:s29], [sflag:$0x2], $0x80, s11, s25, $0xb8;
	[tilespmem:$0x1E400] =	vst v63  }
0x112: {  	s12 =	sadd.s32 $0x200, s7  }
0x113: {  	[tilespmem:s26], [sflag:$0x1] =	stream.indirect.gather [hbm4b:s3+s25], $0x80, s12, s25, $0xb8;
	[tilespmem:$0x1E400] =	vst v63  }
0x114: {  	_ =	swait.ge [sflag:s28], $0x4000  }
0x115: {  	[sflag:s28] =	ssyncset.done $0x0  }
0x116: {  	[sflag:s28] =	ssyncadd.s32 $0xFFFFC000  }
0x117: {  	_ =	swait.ge [sflag:s30], $0x4000  }
0x118: {  	[sflag:s30] =	ssyncset.done $0x0  }
0x119: {  	s14 =	sadd.s32 $0x1600, s7;
	[sflag:s30] =	ssyncadd.s32 $0xFFFFC000  }
0x11a: {  	[spmem:s1] =	stream.indirect.scatter.add.f32 [tilespmem:s26], [sflag:$0x2], $0x80, s14, s25, $0xb8;
	[tilespmem:$0x1E400] =	vst v63  }
0x11b: {  	s15 =	sadd.s32 $0x280, s7  }
0x11c: {  	[tilespmem:s29], [sflag:$0x1] =	stream.indirect.gather [hbm4b:s3+s25], $0x80, s15, s25, $0xb8;
	[tilespmem:$0x1E400] =	vst v63  }
0x11d: {  	_ =	swait.ge [sflag:s30], $0x4000  }
0x11e: {  	[sflag:s30] =	ssyncset.done $0x0  }
0x11f: {  	[sflag:s30] =	ssyncadd.s32 $0xFFFFC000  }
0x120: {  	_ =	swait.ge [sflag:s28], $0x4000  }
0x121: {  	[sflag:s28] =	ssyncset.done $0x0  }
0x122: {  	s11 =	sadd.s32 $0x1680, s7;
	[sflag:s28] =	ssyncadd.s32 $0xFFFFC000  }
0x123: {  	[spmem:s1] =	stream.indirect.scatter.add.f32 [tilespmem:s29], [sflag:$0x2], $0x80, s11, s25, $0xb8;
	[tilespmem:$0x1E400] =	vst v63  }
0x124: {  	s12 =	sadd.s32 $0x300, s7  }
0x125: {  	[tilespmem:s26], [sflag:$0x1] =	stream.indirect.gather [hbm4b:s3+s25], $0x80, s12, s25, $0xb8;
	[tilespmem:$0x1E400] =	vst v63  }
0x126: {  	_ =	swait.ge [sflag:s28], $0x4000  }
0x127: {  	[sflag:s28] =	ssyncset.done $0x0  }
0x128: {  	[sflag:s28] =	ssyncadd.s32 $0xFFFFC000  }
0x129: {  	_ =	swait.ge [sflag:s30], $0x4000  }
0x12a: {  	[sflag:s30] =	ssyncset.done $0x0  }
0x12b: {  	s14 =	sadd.s32 $0x1700, s7;
	[sflag:s30] =	ssyncadd.s32 $0xFFFFC000  }
0x12c: {  	[spmem:s1] =	stream.indirect.scatter.add.f32 [tilespmem:s26], [sflag:$0x2], $0x80, s14, s25, $0xb8;
	[tilespmem:$0x1E400] =	vst v63  }
0x12d: {  	s15 =	sadd.s32 $0x380, s7  }
0x12e: {  	[tilespmem:s29], [sflag:$0x1] =	stream.indirect.gather [hbm4b:s3+s25], $0x80, s15, s25, $0xb8;
	[tilespmem:$0x1E400] =	vst v63  }
0x12f: {  	_ =	swait.ge [sflag:s30], $0x4000  }
0x130: {  	[sflag:s30] =	ssyncset.done $0x0  }
0x131: {  	[sflag:s30] =	ssyncadd.s32 $0xFFFFC000  }
0x132: {  	_ =	swait.ge [sflag:s28], $0x4000  }
0x133: {  	[sflag:s28] =	ssyncset.done $0x0  }
0x134: {  	s11 =	sadd.s32 $0x1780, s7;
	[sflag:s28] =	ssyncadd.s32 $0xFFFFC000  }
0x135: {  	[spmem:s1] =	stream.indirect.scatter.add.f32 [tilespmem:s29], [sflag:$0x2], $0x80, s11, s25, $0xb8;
	[tilespmem:$0x1E400] =	vst v63  }
0x136: {  	s12 =	sadd.s32 $0x400, s7  }
0x137: {  	[tilespmem:s26], [sflag:$0x1] =	stream.indirect.gather [hbm4b:s3+s25], $0x80, s12, s25, $0xb8;
	[tilespmem:$0x1E400] =	vst v63  }
0x138: {  	_ =	swait.ge [sflag:s28], $0x4000  }
0x139: {  	[sflag:s28] =	ssyncset.done $0x0  }
0x13a: {  	[sflag:s28] =	ssyncadd.s32 $0xFFFFC000  }
0x13b: {  	_ =	swait.ge [sflag:s30], $0x4000  }
0x13c: {  	[sflag:s30] =	ssyncset.done $0x0  }
0x13d: {  	s14 =	sadd.s32 $0x1800, s7;
	[sflag:s30] =	ssyncadd.s32 $0xFFFFC000  }
0x13e: {  	[spmem:s1] =	stream.indirect.scatter.add.f32 [tilespmem:s26], [sflag:$0x2], $0x80, s14, s25, $0xb8;
	[tilespmem:$0x1E400] =	vst v63  }
0x13f: {  	s15 =	sadd.s32 $0x480, s7  }
0x140: {  	[tilespmem:s29], [sflag:$0x1] =	stream.indirect.gather [hbm4b:s3+s25], $0x80, s15, s25, $0xb8;
	[tilespmem:$0x1E400] =	vst v63  }
0x141: {  	_ =	swait.ge [sflag:s30], $0x4000  }
0x142: {  	[sflag:s30] =	ssyncset.done $0x0  }
0x143: {  	[sflag:s30] =	ssyncadd.s32 $0xFFFFC000  }
0x144: {  	p2 =	sgt.u32 s0, $0xE;
	_ =	swait.ge [sflag:s28], $0x4000  }
0x145: {  	s0 =	sshra.s32 @!p2 s31, $0x2;
	[sflag:s28] =	ssyncset.done $0x0  }
0x146: {  	s9 =	simm.s32 @!p2 $0x2800;
	s7 =	sadd.s32 $0x1880, s7;
	[sflag:s28] =	ssyncadd.s32 $0xFFFFC000  }
0x147: {  	[spmem:s1] =	stream.indirect.scatter.add.f32 [tilespmem:s29], [sflag:$0x2], $0x80, s7, s25, $0xb8;
	[tilespmem:$0x1E400] =	vst v63  }
0x148: {  	s0 =	sadd.s32 @!p2 $0x500, s0;
	s11 =	simm.s32 @!p2 $0x1;
	s7 =	simm.s32 @!p2 $0x80  }
0x149: {  	[tilespmem:s9], [sflag:$0x1] =	stream.indirect.gather @!p2 [hbm4b:s3+s7], $0x80, s0, s7, $0xb8;
	[tilespmem:$0x1E400] =	vst v63  }
0x14a: {  	_ =	swait.ge @!p2 [sflag:s11], $0x4000  }
.Ltmp1:
0x14b: {  	[sflag:s11] =	ssyncset.done @!p2 $0x0;
	(pc) =	sbr.rel @p5 .LBB2_2-.Ltmp1, $4  }
0x14c: {  	[sflag:s11] =	ssyncadd.s32 @!p2 $0xFFFFC000  }
0x14d: {  	_ =	swait.ge [sflag:s30], $0x4000  }
0x14e: {  	[sflag:s30] =	ssyncset.done $0x0  }
0x14f: {  	p6 =	por $0x0, $0x0;
	s0 =	simm.s32 $0x1400;
	[sflag:s30] =	ssyncadd.s32 $0xFFFFC000  }
0x150: {  	s0 =	sshll.u32 @!p0 s4, $0x6;
	[bflag:$0x0] =	sbarrier.arrive $0xFFFF  }
0x151: {  	s7 =	sshrl.u32 @!p0 s8, $0x3;
	s0 =	sor.u32 @!p0 $0x1C03, s0;
	s9 =	rddreg [dreg:$0x7]  }
0x152: {  	[hbm:s9], [sflag:s0] =	dma.local @!p0 [spmem:s7], $0x2780  }
0x153: {  	s2 =	sadd.s32 $0x1, s2;
	s0 =	simm.s32 @!p0 $0x3  }
0x154: {  	p2 =	sne.s32 s2, s16;
	_ =	swait.ge @!p0 [sflag:s0], $0x2780  }
0x155: {  	s7 =	sshll.u32 @p4 s4, $0x6;
	[sflag:s0] =	ssyncset.done @!p0 $0x0;
	s9 =	rddreg [dreg:$0x8]  }
0x156: {  	[sflag:s0] =	ssyncadd.s32 @!p0 $0xFFFFD880;
	s0 =	sor.u32 @p4 $0x1C03, s7;
	s7 =	sshrl.u32 @p4 s10, $0x3  }
0x157: {  	[hbm:s9], [sflag:s0] =	dma.local @p4 [spmem:s7], $0x2080  }
.Ltmp2:
0x158: {  	_ = 	snop;
	(pc) =	sbr.rel @p2 .LBB2_1-.Ltmp2, $4  }
0x159: {  	s0 =	simm.s32 @p4 $0x3  }
0x15a: {  	_ =	swait.ge @p4 [sflag:s0], $0x2080  }
0x15b: {  	[sflag:s0] =	ssyncset.done @p4 $0x0  }
0x15c: {  	[sflag:s0] =	ssyncadd.s32 @p4 $0xFFFFDF80  }
0x15d: {  	_ =	sfence.sel $0x180000  }
0x15e: {  	[bflag:$0x0] =	sbarrier.arrive $0xFFFF  }
0x15f: {  	_ =	strace $0x90000047  }
0x160: {  	[bflag:$0x2] =	sbarrier.arrive $0xFFFF  }
0x161: {  	p0 =	sne.s32 s4, $0x0;
	s0 =	rddreg [dreg:$0x2]  }
0x162: {  	s0 =	sadd.s32 @!p0 $0x100000, s0  }
0x163: {  	[sflag:s0] =	ssyncadd.tile.s32 @!p0 $0x1;
	_ =	shalt  }
.Lfunc_end2:
_tile_overlayer_lowered:
.L_overlay_start_2:
0x164: {  	(tag) =	ssettag $0x2  }
0x165: {  	s0 =	rddreg [dreg:$0x0];
	s2 =	stileid.u32  }
0x166: {  	s1 =	rddreg [dreg:$0x1];
	p0 =	sne.s32 s2, $0x0  }
0x167: {  	s3 =	rddreg [dreg:$0x2];
	[bflag:$0x3] =	sbarrier.arrive $0xFFFF;
	s2 =	simm.s32 @!p0 $0x1C03  }
0x168: {  	[timem:s3], [sflag:s2] =	dma.local @!p0 [hbm:s0], s1  }
0x169: {  	s0 =	simm.s32 @!p0 $0x3  }
0x16a: {  	_ =	swait.ge @!p0 [sflag:s0], s1  }
0x16b: {  	s1 =	ssub.s32 @!p0 $0x0, s1;
	[sflag:s0] =	ssyncset.done @!p0 $0x0  }
0x16c: {  	[sflag:s0] =	ssyncadd.s32 @!p0 s1  }
0x16d: {  	[bflag:$0x3] =	sbarrier.arrive $0xFFFF  }
0x16e: {  	_ =	shalt  }

</sc_bundles>
